<compile_context>
chip_gen: v7x
topology: tpu7x:2x2x1
jax: 0.10.2.dev20260603
libtpu: 0.0.44.dev20260713+nightly
codegen_flags: <defaults>
</compile_context>

<pallas_src>
import functools

import jax
import jax.numpy as jnp
from jax import lax
from jax.experimental import pallas as pl
from jax.experimental.pallas import tpu as pltpu
from jax.experimental.pallas import tpu_sc as plsc

N = 10000
T = 12
D_IN = 128
H = 128
GATES = 4 * H

NC = 2
NS = 16
NW = NC * NS
L = 16

EDGE_BLK = 128
K = 16
E_IN = 320000
STAGES = -(-E_IN // (NW * K * EDGE_BLK))
E_PAD = NW * STAGES * K * EDGE_BLK
NBUF = 2
LAG = 1

N_ACC = 10240
DEG_W = 128

BN = 1000


def _vec_mesh():
    return plsc.VectorSubcoreMesh(core_axis_name="c", subcore_axis_name="s")



def _sc_degree(dst2d):
    @functools.partial(
        pl.kernel,
        out_type=jax.ShapeDtypeStruct((NC, N_ACC, DEG_W), jnp.float32),
        mesh=_vec_mesh(),
        scratch_types=[
            pltpu.VMEM((K, EDGE_BLK), jnp.int32),
            pltpu.VMEM((EDGE_BLK, DEG_W), jnp.float32),
            pltpu.VMEM_SHARED((N_ACC, DEG_W), jnp.float32),
        ],
    )
    def k(dst_hbm, out_hbm, dst_v, val_v, acc):
        c = lax.axis_index("c")
        s = lax.axis_index("s")
        w = c * NS + s
        zero = jnp.zeros((L,), dtype=jnp.float32)
        one = jnp.full((L,), 1.0, dtype=jnp.float32)

        @pl.loop(0, EDGE_BLK)
        def _(i):
            @pl.loop(0, DEG_W, step=L)
            def _(j):
                val_v[i, pl.ds(j, L)] = zero

        rows_pt = N_ACC // NS

        @pl.loop(0, rows_pt, step=EDGE_BLK)
        def _(r):
            pltpu.sync_copy(val_v, acc.at[pl.ds(s * rows_pt + r, EDGE_BLK)])

        @pl.loop(0, EDGE_BLK)
        def _(i):
            @pl.loop(0, DEG_W, step=L)
            def _(j):
                val_v[i, pl.ds(j, L)] = one

        plsc.subcore_barrier()

        @pl.loop(0, STAGES)
        def _(st):
            r0 = (w * STAGES + st) * K
            pltpu.sync_copy(dst_hbm.at[pl.ds(r0, K)], dst_v)
            for j in range(K):
                pltpu.sync_copy(val_v, acc.at[dst_v.at[j]], add=True)

        plsc.subcore_barrier()

        @pl.loop(0, rows_pt, step=EDGE_BLK)
        def _(r):
            b = s * rows_pt + r
            pltpu.sync_copy(acc.at[pl.ds(b, EDGE_BLK)],
                            out_hbm.at[c].at[pl.ds(b, EDGE_BLK)])

    return k(dst2d)


def _sc_scatter(z, src2d, dst2d):
    @functools.partial(
        pl.kernel,
        out_type=jax.ShapeDtypeStruct((NC, N_ACC, H), jnp.float32),
        mesh=_vec_mesh(),
        scratch_types=[
            pltpu.VMEM((K, EDGE_BLK), jnp.int32),
            pltpu.VMEM((K, EDGE_BLK), jnp.int32),
            [pltpu.VMEM((EDGE_BLK, H), jnp.float32)] * NBUF,
            pltpu.VMEM_SHARED((N_ACC, H), jnp.float32),
            [pltpu.SemaphoreType.DMA] * NBUF,
            [pltpu.SemaphoreType.DMA] * NBUF,
        ],
    )
    def k(z_hbm, src_hbm, dst_hbm, out_hbm, src_v, dst_v, rows, acc,
          gsem, ssem):
        c = lax.axis_index("c")
        s = lax.axis_index("s")
        w = c * NS + s
        zero = jnp.zeros((L,), dtype=jnp.float32)

        @pl.loop(0, EDGE_BLK)
        def _(i):
            @pl.loop(0, H, step=L)
            def _(j):
                rows[0][i, pl.ds(j, L)] = zero

        rows_pt = N_ACC // NS

        @pl.loop(0, rows_pt, step=EDGE_BLK)
        def _(r):
            pltpu.sync_copy(rows[0], acc.at[pl.ds(s * rows_pt + r, EDGE_BLK)])

        plsc.subcore_barrier()

        @pl.loop(0, STAGES)
        def _(st):
            r0 = (w * STAGES + st) * K
            pltpu.sync_copy(src_hbm.at[pl.ds(r0, K)], src_v)
            pltpu.sync_copy(dst_hbm.at[pl.ds(r0, K)], dst_v)
            gd = [None] * NBUF
            for g in range(K):
                b = g % NBUF
                gd[b] = pltpu.async_copy(z_hbm.at[src_v.at[g]], rows[b],
                                         gsem[b])
                if g >= LAG:
                    gl = g - LAG
                    bl = gl % NBUF
                    gd[bl].wait()
                    pltpu.sync_copy(rows[bl], acc.at[dst_v.at[gl]], add=True)
            for gl in range(K - LAG, K):
                bl = gl % NBUF
                gd[bl].wait()
                pltpu.sync_copy(rows[bl], acc.at[dst_v.at[gl]], add=True)

        plsc.subcore_barrier()

        @pl.loop(0, rows_pt, step=EDGE_BLK)
        def _(r):
            b = s * rows_pt + r
            pltpu.sync_copy(acc.at[pl.ds(b, EDGE_BLK)],
                            out_hbm.at[c].at[pl.ds(b, EDGE_BLK)])

    return k(z, src2d, dst2d)



def _eprep_body(ei_ref, src_ref, dst_ref):
    srcf = ei_ref[0].reshape(E_IN // EDGE_BLK, EDGE_BLK)
    dstf = ei_ref[1].reshape(E_IN // EDGE_BLK, EDGE_BLK)
    prows = (E_PAD - E_IN) // EDGE_BLK
    padi = (lax.broadcasted_iota(jnp.int32, (prows, EDGE_BLK), 0) * EDGE_BLK
            + lax.broadcasted_iota(jnp.int32, (prows, EDGE_BLK), 1))
    src_ref[...] = jnp.concatenate([srcf, padi % N], axis=0)
    dst_ref[...] = jnp.concatenate([dstf, N + padi % (N_ACC - N)], axis=0)


def _eprep(edge_index):
    rows = E_PAD // EDGE_BLK
    return pl.pallas_call(
        _eprep_body,
        in_specs=[pl.BlockSpec((2, E_IN), lambda: (0, 0))],
        out_specs=[pl.BlockSpec((rows, EDGE_BLK), lambda: (0, 0)),
                   pl.BlockSpec((rows, EDGE_BLK), lambda: (0, 0))],
        out_shape=[jax.ShapeDtypeStruct((rows, EDGE_BLK), jnp.int32),
                   jax.ShapeDtypeStruct((rows, EDGE_BLK), jnp.int32)],
    )(edge_index)


def _lstm_body(x_ref, wih_ref, whh_ref, bih_ref, bhh_ref, h_ref):
    b = bih_ref[...] + bhh_ref[...]
    h = jnp.zeros((BN, H), dtype=jnp.float32)
    c = jnp.zeros((BN, H), dtype=jnp.float32)
    for t in range(T):
        xt = x_ref[:, t, :]
        g = (jnp.dot(xt, wih_ref[...], preferred_element_type=jnp.float32)
             + jnp.dot(h, whh_ref[...], preferred_element_type=jnp.float32)
             + b)
        i = jax.nn.sigmoid(g[:, 0:H])
        f = jax.nn.sigmoid(g[:, H:2 * H])
        gg = jnp.tanh(g[:, 2 * H:3 * H])
        o = jax.nn.sigmoid(g[:, 3 * H:4 * H])
        c = f * c + i * gg
        h = o * jnp.tanh(c)
    h_ref[...] = h


def _lstm(xr, wihT, whhT, bih, bhh):
    return pl.pallas_call(
        _lstm_body,
        grid=(N // BN,),
        in_specs=[
            pl.BlockSpec((BN, T, D_IN), lambda i: (i, 0, 0)),
            pl.BlockSpec((D_IN, GATES), lambda i: (0, 0)),
            pl.BlockSpec((H, GATES), lambda i: (0, 0)),
            pl.BlockSpec((1, GATES), lambda i: (0, 0)),
            pl.BlockSpec((1, GATES), lambda i: (0, 0)),
        ],
        out_specs=pl.BlockSpec((BN, H), lambda i: (i, 0)),
        out_shape=jax.ShapeDtypeStruct((N, H), jnp.float32),
    )(xr, wihT, whhT, bih, bhh)


def _dinv(degp_ref):
    deg = degp_ref[0, :, 0:1] + degp_ref[1, :, 0:1] + 1.0
    return lax.rsqrt(deg)


def _prep_body(h_ref, w_ref, degp_ref, z_ref):
    dinv = _dinv(degp_ref)
    y = jnp.dot(h_ref[...], w_ref[...], preferred_element_type=jnp.float32)
    z_ref[...] = y * dinv


def _prep(h, W1, degp):
    return pl.pallas_call(
        _prep_body,
        grid=(N // BN,),
        in_specs=[
            pl.BlockSpec((BN, H), lambda i: (i, 0)),
            pl.BlockSpec((H, H), lambda i: (0, 0)),
            pl.BlockSpec((NC, BN, DEG_W), lambda i: (0, i, 0)),
        ],
        out_specs=pl.BlockSpec((BN, H), lambda i: (i, 0)),
        out_shape=jax.ShapeDtypeStruct((N, H), jnp.float32),
    )(h, W1, degp)


def _mid_body(s_ref, z_ref, degp_ref, b_ref, w_ref, out_ref):
    dinv = _dinv(degp_ref)
    t = s_ref[0] + s_ref[1] + z_ref[...]
    h1 = jnp.maximum(t * dinv + b_ref[...], 0.0)
    out_ref[...] = jnp.dot(
        h1, w_ref[...], preferred_element_type=jnp.float32) * dinv


def _mid(s1, z1, degp, b1, W2):
    return pl.pallas_call(
        _mid_body,
        grid=(N // BN,),
        in_specs=[
            pl.BlockSpec((NC, BN, H), lambda i: (0, i, 0)),
            pl.BlockSpec((BN, H), lambda i: (i, 0)),
            pl.BlockSpec((NC, BN, DEG_W), lambda i: (0, i, 0)),
            pl.BlockSpec((1, H), lambda i: (0, 0)),
            pl.BlockSpec((H, H), lambda i: (0, 0)),
        ],
        out_specs=pl.BlockSpec((BN, H), lambda i: (i, 0)),
        out_shape=jax.ShapeDtypeStruct((N, H), jnp.float32),
    )(s1, z1, degp, b1, W2)


def _fin_body(s_ref, z_ref, degp_ref, b_ref, out_ref):
    dinv = _dinv(degp_ref)
    t = s_ref[0] + s_ref[1] + z_ref[...]
    out_ref[...] = t * dinv + b_ref[...]


def _fin(s2, z2, degp, b2):
    return pl.pallas_call(
        _fin_body,
        grid=(N // BN,),
        in_specs=[
            pl.BlockSpec((NC, BN, H), lambda i: (0, i, 0)),
            pl.BlockSpec((BN, H), lambda i: (i, 0)),
            pl.BlockSpec((NC, BN, DEG_W), lambda i: (0, i, 0)),
            pl.BlockSpec((1, H), lambda i: (0, 0)),
        ],
        out_specs=pl.BlockSpec((BN, H), lambda i: (i, 0)),
        out_shape=jax.ShapeDtypeStruct((N, H), jnp.float32),
    )(s2, z2, degp, b2)



def kernel(x, edge_index, w_ih, w_hh, b_ih, b_hh, W1, b1, W2, b2):
    wihT = w_ih.T
    whhT = w_hh.T
    bih = b_ih.reshape(1, GATES)
    bhh = b_hh.reshape(1, GATES)
    b1r = b1.reshape(1, H)
    b2r = b2.reshape(1, H)

    src2d, dst2d = _eprep(edge_index)

    degp = _sc_degree(dst2d)
    h = _lstm(x, wihT, whhT, bih, bhh)

    z1 = _prep(h, W1, degp)
    s1 = _sc_scatter(z1, src2d, dst2d)
    z2 = _mid(s1, z1, degp, b1r, W2)
    s2 = _sc_scatter(z2, src2d, dst2d)
    out = _fin(s2, z2, degp, b2r)
    return out

# --- scband reference (transcript-rebuilt; emitter-appended) ---
"""Pipeline reference for scband-traffic-prediction-gnn-5171140625026 (READ-ONLY COPY).

The authoritative reference and input builder live on the scoring server;
editing this copy changes nothing except your own understanding.
"""

import jax, jax.numpy as jnp
import numpy as np

N = 10000
T = 12
D_IN = 128
H = 128
D_OUT = 128
E = 320000


def setup_inputs(seed: int = 0):
    key = jax.random.key(seed)
    ks = jax.random.split(key, 12)
    s = 1.0 / np.sqrt(H)
    inp = {}
    inp['x'] = jax.random.normal(ks[0], (N, T, D_IN), dtype=jnp.float32)
    inp['edge_index'] = jax.random.randint(ks[1], (2, E), 0, N, dtype=jnp.int32)
    # LSTM params (PyTorch layout: gates ordered i, f, g, o)
    inp['w_ih'] = jax.random.uniform(ks[2], (4 * H, D_IN), minval=-s, maxval=s, dtype=jnp.float32)
    inp['w_hh'] = jax.random.uniform(ks[3], (4 * H, H), minval=-s, maxval=s, dtype=jnp.float32)
    inp['b_ih'] = jax.random.uniform(ks[4], (4 * H,), minval=-s, maxval=s, dtype=jnp.float32)
    inp['b_hh'] = jax.random.uniform(ks[5], (4 * H,), minval=-s, maxval=s, dtype=jnp.float32)
    # GCNConv params (glorot init)
    g1 = np.sqrt(6.0 / (H + H))
    inp['W1'] = jax.random.uniform(ks[6], (H, H), minval=-g1, maxval=g1, dtype=jnp.float32)
    inp['b1'] = jnp.zeros((H,), dtype=jnp.float32)
    g2 = np.sqrt(6.0 / (H + D_OUT))
    inp['W2'] = jax.random.uniform(ks[7], (H, D_OUT), minval=-g2, maxval=g2, dtype=jnp.float32)
    inp['b2'] = jnp.zeros((D_OUT,), dtype=jnp.float32)
    return inp


def _lstm_last(x, w_ih, w_hh, b_ih, b_hh):
    n = x.shape[0]
    h0 = jnp.zeros((n, H), dtype=x.dtype)
    c0 = jnp.zeros((n, H), dtype=x.dtype)

    def step(carry, xt):
        h, c = carry
        gates = xt @ w_ih.T + h @ w_hh.T + b_ih + b_hh
        i, f, g, o = jnp.split(gates, 4, axis=-1)
        i = jax.nn.sigmoid(i)
        f = jax.nn.sigmoid(f)
        g = jnp.tanh(g)
        o = jax.nn.sigmoid(o)
        c = f * c + i * g
        h = o * jnp.tanh(c)
        return (h, c), None

    (h, c), _ = jax.lax.scan(step, (h0, c0), jnp.transpose(x, (1, 0, 2)))
    return h  # last hidden state == last output, matches x[:, -1, :]


def _gcn_conv(x, edge_index, W, b):
    n = x.shape[0]
    x = x @ W
    loop = jnp.arange(n, dtype=edge_index.dtype)
    src = jnp.concatenate([edge_index[0], loop])
    dst = jnp.concatenate([edge_index[1], loop])
    deg = jnp.zeros((n,), dtype=x.dtype).at[dst].add(1.0)
    deg_inv_sqrt = jnp.where(deg > 0, deg ** -0.5, 0.0)
    norm = deg_inv_sqrt[src] * deg_inv_sqrt[dst]
    msg = x[src] * norm[:, None]
    out = jnp.zeros_like(x).at[dst].add(msg)
    return out + b


def reference(x, edge_index, w_ih, w_hh, b_ih, b_hh, W1, b1, W2, b2):
    h = _lstm_last(x, w_ih, w_hh, b_ih, b_hh)
    h = jax.nn.relu(_gcn_conv(h, edge_index, W1, b1))
    out = _gcn_conv(h, edge_index, W2, b2)
    return out

if __name__ == "__main__":
    import jax
    _d = setup_inputs()
    print(jax.jit(kernel)(*tuple(_d.values())))

</pallas_src>

<mosaic_0001>
#map = affine_map<(d0, d1) -> (0, 0)>
#map1 = affine_map<(d0, d1) -> (0, 0, 0)>
module attributes {stable_mosaic.version = 14 : i64} {
  func.func @k(%arg0: i32, %arg1: i32, %arg2: memref<2560x128xi32, #tpu.memory_space<hbm>>, %arg3: memref<2x10240x128xf32, #tpu.memory_space<hbm>>, %arg4: memref<16x128xi32, #tpu.memory_space<vmem>>, %arg5: memref<128x128xf32, #tpu.memory_space<vmem>>, %arg6: memref<10240x128xf32, #tpu.memory_space<vmem_shared>>) attributes {dimension_semantics = [#tpu.dimension_semantics<core_parallel>, #tpu.dimension_semantics<subcore_parallel>], iteration_bounds = array<i64: 2, 16>, scalar_prefetch = 0 : i64, scratch_operands = 3 : i64, tpu.core_type = #tpu.core_type<sc_vector_subcore>, window_params = [{transform_indices = #map}, {transform_indices = #map1}]} {
    %mul3A = arith.constant 16 : i32
    %mul3A_0 = arith.muli %arg0, %mul3A : i32
    %add3A = arith.addi %mul3A_0, %arg1 : i32
    %broadcast_in_dim3A = arith.constant 0.000000e+00 : f32
    %broadcast_in_dim3A_1 = vector.broadcast %broadcast_in_dim3A : f32 to vector<16xf32>
    %broadcast_in_dim3A_2 = arith.constant 1.000000e+00 : f32
    %broadcast_in_dim3A_3 = vector.broadcast %broadcast_in_dim3A_2 : f32 to vector<16xf32>
    %scan3A = arith.constant 0 : i32
    %scan3A_4 = arith.constant 128 : i32
    %scan3A_5 = arith.addi %scan3A, %scan3A_4 : i32
    %scan3A_6 = arith.constant 1 : i32
    scf.for %scan3A_29 = %scan3A to %scan3A_5 step %scan3A_6  : i32 {
      %mul3A_30 = arith.constant 1 : i32
      %mul3A_31 = arith.muli %scan3A_29, %mul3A_30 : i32
      %add3A_32 = arith.constant 0 : i32
      %add3A_33 = arith.addi %add3A_32, %mul3A_31 : i32
      %scan3A_34 = arith.constant 0 : i32
      %scan3A_35 = arith.constant 8 : i32
      %scan3A_36 = arith.addi %scan3A_34, %scan3A_35 : i32
      %scan3A_37 = arith.constant 1 : i32
      scf.for %scan3A_39 = %scan3A_34 to %scan3A_36 step %scan3A_37  : i32 {
        %mul3A_40 = arith.constant 16 : i32
        %mul3A_41 = arith.muli %scan3A_39, %mul3A_40 : i32
        %add3A_42 = arith.constant 0 : i32
        %add3A_43 = arith.addi %add3A_42, %mul3A_41 : i32
        %swap3A = arith.index_cast %add3A_33 : i32 to index
        %swap3A_44 = arith.index_cast %add3A_43 : i32 to index
        %swap3A_45 = tpu.vector_load %arg5[%swap3A, %swap3A_44] {strides = array<i32>} : memref<128x128xf32, #tpu.memory_space<vmem>>, vector<1x16xf32>,
        %swap3A_46 = vector.shape_cast %swap3A_45 : vector<1x16xf32> to vector<16xf32>
        %swap3A_47 = vector.shape_cast %broadcast_in_dim3A_1 : vector<16xf32> to vector<1x16xf32>
        tpu.vector_store %arg5[%swap3A, %swap3A_44], %swap3A_47 {strides = array<i32>} : memref<128x128xf32, #tpu.memory_space<vmem>>, vector<1x16xf32>,
      }
      %scan3A_38 = arith.constant 8 : i32
    }
    %scan3A_7 = arith.constant 128 : i32
    %scan3A_8 = arith.constant 0 : i32
    %scan3A_9 = arith.constant 5 : i32
    %scan3A_10 = arith.addi %scan3A_8, %scan3A_9 : i32
    %scan3A_11 = arith.constant 1 : i32
    scf.for %scan3A_29 = %scan3A_8 to %scan3A_10 step %scan3A_11  : i32 {
      %mul3A_30 = arith.constant 128 : i32
      %mul3A_31 = arith.muli %scan3A_29, %mul3A_30 : i32
      %add3A_32 = arith.constant 0 : i32
      %add3A_33 = arith.addi %add3A_32, %mul3A_31 : i32
      %mul3A_34 = arith.constant 640 : i32
      %mul3A_35 = arith.muli %arg1, %mul3A_34 : i32
      %add3A_36 = arith.addi %mul3A_35, %add3A_33 : i32
      "tpu.region"() ({
        %run_scoped3A = tpu.sem_alloc : memref<!tpu.dma_semaphore, #tpu.memory_space<semaphore_mem>>
        %dma_start3A = arith.constant 0 : i32
        %dma_start3A_37 = tpu.memref_slice %arg6[%add3A_36, %dma_start3A] : memref<10240x128xf32, #tpu.memory_space<vmem_shared>> -> memref<128x128xf32, #tpu.memory_space<vmem_shared>>
        %dma_start3A_38 = arith.constant 0 : i32
        %dma_start3A_39 = tpu.memref_slice %arg6[%add3A_36, %dma_start3A_38] : memref<10240x128xf32, #tpu.memory_space<vmem_shared>> -> memref<128x128xf32, #tpu.memory_space<vmem_shared>>
        tpu.enqueue_dma source(%arg5 : memref<128x128xf32, #tpu.memory_space<vmem>>) target(%dma_start3A_39 : memref<128x128xf32, #tpu.memory_space<vmem_shared>>) target_semaphore(%run_scoped3A : memref<!tpu.dma_semaphore, #tpu.memory_space<semaphore_mem>>)
        %dma_wait3A = arith.constant 0 : i32
        %dma_wait3A_40 = tpu.memref_slice %arg6[%add3A_36, %dma_wait3A] : memref<10240x128xf32, #tpu.memory_space<vmem_shared>> -> memref<128x128xf32, #tpu.memory_space<vmem_shared>>
        %dma_wait3A_41 = arith.constant 0 : i32
        %dma_wait3A_42 = tpu.memref_slice %arg6[%add3A_36, %dma_wait3A_41] : memref<10240x128xf32, #tpu.memory_space<vmem_shared>> -> memref<128x128xf32, #tpu.memory_space<vmem_shared>>
        tpu.wait_dma2 semaphore(%run_scoped3A : memref<!tpu.dma_semaphore, #tpu.memory_space<semaphore_mem>>) src(%arg5 : memref<128x128xf32, #tpu.memory_space<vmem>>) dst(%dma_wait3A_42 : memref<128x128xf32, #tpu.memory_space<vmem_shared>>)
        tpu.yield
      }) : () -> ()
    }
    %scan3A_12 = arith.constant 5 : i32
    %scan3A_13 = arith.constant 0 : i32
    %scan3A_14 = arith.constant 128 : i32
    %scan3A_15 = arith.addi %scan3A_13, %scan3A_14 : i32
    %scan3A_16 = arith.constant 1 : i32
    scf.for %scan3A_29 = %scan3A_13 to %scan3A_15 step %scan3A_16  : i32 {
      %mul3A_30 = arith.constant 1 : i32
      %mul3A_31 = arith.muli %scan3A_29, %mul3A_30 : i32
      %add3A_32 = arith.constant 0 : i32
      %add3A_33 = arith.addi %add3A_32, %mul3A_31 : i32
      %scan3A_34 = arith.constant 0 : i32
      %scan3A_35 = arith.constant 8 : i32
      %scan3A_36 = arith.addi %scan3A_34, %scan3A_35 : i32
      %scan3A_37 = arith.constant 1 : i32
      scf.for %scan3A_39 = %scan3A_34 to %scan3A_36 step %scan3A_37  : i32 {
        %mul3A_40 = arith.constant 16 : i32
        %mul3A_41 = arith.muli %scan3A_39, %mul3A_40 : i32
        %add3A_42 = arith.constant 0 : i32
        %add3A_43 = arith.addi %add3A_42, %mul3A_41 : i32
        %swap3A = arith.index_cast %add3A_33 : i32 to index
        %swap3A_44 = arith.index_cast %add3A_43 : i32 to index
        %swap3A_45 = tpu.vector_load %arg5[%swap3A, %swap3A_44] {strides = array<i32>} : memref<128x128xf32, #tpu.memory_space<vmem>>, vector<1x16xf32>,
        %swap3A_46 = vector.shape_cast %swap3A_45 : vector<1x16xf32> to vector<16xf32>
        %swap3A_47 = vector.shape_cast %broadcast_in_dim3A_3 : vector<16xf32> to vector<1x16xf32>
        tpu.vector_store %arg5[%swap3A, %swap3A_44], %swap3A_47 {strides = array<i32>} : memref<128x128xf32, #tpu.memory_space<vmem>>, vector<1x16xf32>,
      }
      %scan3A_38 = arith.constant 8 : i32
    }
    %scan3A_17 = arith.constant 128 : i32
    %barrier3A = arith.constant 0 : index
    tpu.barrier barrier_id(%barrier3A)
    %scan3A_18 = arith.constant 0 : i32
    %scan3A_19 = arith.constant 5 : i32
    %scan3A_20 = arith.addi %scan3A_18, %scan3A_19 : i32
    %scan3A_21 = arith.constant 1 : i32
    scf.for %scan3A_29 = %scan3A_18 to %scan3A_20 step %scan3A_21  : i32 {
      %mul3A_30 = arith.constant 1 : i32
      %mul3A_31 = arith.muli %scan3A_29, %mul3A_30 : i32
      %add3A_32 = arith.constant 0 : i32
      %add3A_33 = arith.addi %add3A_32, %mul3A_31 : i32
      %mul3A_34 = arith.constant 5 : i32
      %mul3A_35 = arith.muli %add3A, %mul3A_34 : i32
      %add3A_36 = arith.addi %mul3A_35, %add3A_33 : i32
      %mul3A_37 = arith.constant 16 : i32
      %mul3A_38 = arith.muli %add3A_36, %mul3A_37 : i32
      "tpu.region"() ({
        %run_scoped3A_54 = tpu.sem_alloc : memref<!tpu.dma_semaphore, #tpu.memory_space<semaphore_mem>>
        %dma_start3A = arith.constant 0 : i32
        %dma_start3A_55 = tpu.memref_slice %arg2[%mul3A_38, %dma_start3A] : memref<2560x128xi32, #tpu.memory_space<hbm>> -> memref<16x128xi32, #tpu.memory_space<hbm>>
        %dma_start3A_56 = arith.constant 0 : i32
        %dma_start3A_57 = tpu.memref_slice %arg2[%mul3A_38, %dma_start3A_56] : memref<2560x128xi32, #tpu.memory_space<hbm>> -> memref<16x128xi32, #tpu.memory_space<hbm>>
        tpu.enqueue_dma source(%dma_start3A_57 : memref<16x128xi32, #tpu.memory_space<hbm>>) target(%arg4 : memref<16x128xi32, #tpu.memory_space<vmem>>) target_semaphore(%run_scoped3A_54 : memref<!tpu.dma_semaphore, #tpu.memory_space<semaphore_mem>>)
        %dma_wait3A = arith.constant 0 : i32
        %dma_wait3A_58 = tpu.memref_slice %arg2[%mul3A_38, %dma_wait3A] : memref<2560x128xi32, #tpu.memory_space<hbm>> -> memref<16x128xi32, #tpu.memory_space<hbm>>
        %dma_wait3A_59 = arith.constant 0 : i32
        %dma_wait3A_60 = tpu.memref_slice %arg2[%mul3A_38, %dma_wait3A_59] : memref<2560x128xi32, #tpu.memory_space<hbm>> -> memref<16x128xi32, #tpu.memory_space<hbm>>
        tpu.wait_dma2 semaphore(%run_scoped3A_54 : memref<!tpu.dma_semaphore, #tpu.memory_space<semaphore_mem>>) src(%dma_wait3A_60 : memref<16x128xi32, #tpu.memory_space<hbm>>) dst(%arg4 : memref<16x128xi32, #tpu.memory_space<vmem>>)
        tpu.yield
      }) : () -> ()
      %run_scoped3A = arith.constant 0 : i32
      "tpu.region"() ({
        %run_scoped3A_54 = tpu.sem_alloc : memref<!tpu.dma_semaphore, #tpu.memory_space<semaphore_mem>>
        %dma_start3A = arith.constant 0 : i32
        %dma_start3A_55 = tpu.memref_slice %arg4[%run_scoped3A, %dma_start3A] : memref<16x128xi32, #tpu.memory_space<vmem>> -> memref<1x128xi32, #tpu.memory_space<vmem>>
        %dma_start3A_56 = tpu.memref_squeeze %dma_start3A_55 : memref<1x128xi32, #tpu.memory_space<vmem>> -> memref<128xi32, #tpu.memory_space<vmem>>
        %dma_start3A_57 = arith.constant 0 : i32
        %dma_start3A_58 = arith.constant 0 : i32
        %dma_start3A_59 = tpu.memref_slice %arg6[%dma_start3A_57, %dma_start3A_58] : memref<10240x128xf32, #tpu.memory_space<vmem_shared>> -> memref<10240x128xf32, #tpu.memory_space<vmem_shared>>
        tpu.enqueue_indirect_dma source(%arg5 : memref<128x128xf32, #tpu.memory_space<vmem>>) target(%dma_start3A_59 : memref<10240x128xf32, #tpu.memory_space<vmem_shared>>) offsets(%dma_start3A_56 : memref<128xi32, #tpu.memory_space<vmem>>) semaphore(%run_scoped3A_54 : memref<!tpu.dma_semaphore, #tpu.memory_space<semaphore_mem>>) {add = true}
        %dma_wait3A = arith.constant 0 : i32
        %dma_wait3A_60 = tpu.memref_slice %arg4[%run_scoped3A, %dma_wait3A] : memref<16x128xi32, #tpu.memory_space<vmem>> -> memref<1x128xi32, #tpu.memory_space<vmem>>
        %dma_wait3A_61 = tpu.memref_squeeze %dma_wait3A_60 : memref<1x128xi32, #tpu.memory_space<vmem>> -> memref<128xi32, #tpu.memory_space<vmem>>
        %dma_wait3A_62 = arith.constant 0 : i32
        %dma_wait3A_63 = arith.constant 0 : i32
        %dma_wait3A_64 = tpu.memref_slice %arg6[%dma_wait3A_62, %dma_wait3A_63] : memref<10240x128xf32, #tpu.memory_space<vmem_shared>> -> memref<10240x128xf32, #tpu.memory_space<vmem_shared>>
        tpu.wait_indirect_dma semaphore(%run_scoped3A_54 : memref<!tpu.dma_semaphore, #tpu.memory_space<semaphore_mem>>) src(%arg5 : memref<128x128xf32, #tpu.memory_space<vmem>>) dst(%dma_wait3A_64 : memref<10240x128xf32, #tpu.memory_space<vmem_shared>>)
        tpu.yield
      }) : () -> ()
      %run_scoped3A_39 = arith.constant 1 : i32
      "tpu.region"() ({
        %run_scoped3A_54 = tpu.sem_alloc : memref<!tpu.dma_semaphore, #tpu.memory_space<semaphore_mem>>
        %dma_start3A = arith.constant 0 : i32
        %dma_start3A_55 = tpu.memref_slice %arg4[%run_scoped3A_39, %dma_start3A] : memref<16x128xi32, #tpu.memory_space<vmem>> -> memref<1x128xi32, #tpu.memory_space<vmem>>
        %dma_start3A_56 = tpu.memref_squeeze %dma_start3A_55 : memref<1x128xi32, #tpu.memory_space<vmem>> -> memref<128xi32, #tpu.memory_space<vmem>>
        %dma_start3A_57 = arith.constant 0 : i32
        %dma_start3A_58 = arith.constant 0 : i32
        %dma_start3A_59 = tpu.memref_slice %arg6[%dma_start3A_57, %dma_start3A_58] : memref<10240x128xf32, #tpu.memory_space<vmem_shared>> -> memref<10240x128xf32, #tpu.memory_space<vmem_shared>>
        tpu.enqueue_indirect_dma source(%arg5 : memref<128x128xf32, #tpu.memory_space<vmem>>) target(%dma_start3A_59 : memref<10240x128xf32, #tpu.memory_space<vmem_shared>>) offsets(%dma_start3A_56 : memref<128xi32, #tpu.memory_space<vmem>>) semaphore(%run_scoped3A_54 : memref<!tpu.dma_semaphore, #tpu.memory_space<semaphore_mem>>) {add = true}
        %dma_wait3A = arith.constant 0 : i32
        %dma_wait3A_60 = tpu.memref_slice %arg4[%run_scoped3A_39, %dma_wait3A] : memref<16x128xi32, #tpu.memory_space<vmem>> -> memref<1x128xi32, #tpu.memory_space<vmem>>
        %dma_wait3A_61 = tpu.memref_squeeze %dma_wait3A_60 : memref<1x128xi32, #tpu.memory_space<vmem>> -> memref<128xi32, #tpu.memory_space<vmem>>
        %dma_wait3A_62 = arith.constant 0 : i32
        %dma_wait3A_63 = arith.constant 0 : i32
        %dma_wait3A_64 = tpu.memref_slice %arg6[%dma_wait3A_62, %dma_wait3A_63] : memref<10240x128xf32, #tpu.memory_space<vmem_shared>> -> memref<10240x128xf32, #tpu.memory_space<vmem_shared>>
        tpu.wait_indirect_dma semaphore(%run_scoped3A_54 : memref<!tpu.dma_semaphore, #tpu.memory_space<semaphore_mem>>) src(%arg5 : memref<128x128xf32, #tpu.memory_space<vmem>>) dst(%dma_wait3A_64 : memref<10240x128xf32, #tpu.memory_space<vmem_shared>>)
        tpu.yield
      }) : () -> ()
      %run_scoped3A_40 = arith.constant 2 : i32
      "tpu.region"() ({
        %run_scoped3A_54 = tpu.sem_alloc : memref<!tpu.dma_semaphore, #tpu.memory_space<semaphore_mem>>
        %dma_start3A = arith.constant 0 : i32
        %dma_start3A_55 = tpu.memref_slice %arg4[%run_scoped3A_40, %dma_start3A] : memref<16x128xi32, #tpu.memory_space<vmem>> -> memref<1x128xi32, #tpu.memory_space<vmem>>
        %dma_start3A_56 = tpu.memref_squeeze %dma_start3A_55 : memref<1x128xi32, #tpu.memory_space<vmem>> -> memref<128xi32, #tpu.memory_space<vmem>>
        %dma_start3A_57 = arith.constant 0 : i32
        %dma_start3A_58 = arith.constant 0 : i32
        %dma_start3A_59 = tpu.memref_slice %arg6[%dma_start3A_57, %dma_start3A_58] : memref<10240x128xf32, #tpu.memory_space<vmem_shared>> -> memref<10240x128xf32, #tpu.memory_space<vmem_shared>>
        tpu.enqueue_indirect_dma source(%arg5 : memref<128x128xf32, #tpu.memory_space<vmem>>) target(%dma_start3A_59 : memref<10240x128xf32, #tpu.memory_space<vmem_shared>>) offsets(%dma_start3A_56 : memref<128xi32, #tpu.memory_space<vmem>>) semaphore(%run_scoped3A_54 : memref<!tpu.dma_semaphore, #tpu.memory_space<semaphore_mem>>) {add = true}
        %dma_wait3A = arith.constant 0 : i32
        %dma_wait3A_60 = tpu.memref_slice %arg4[%run_scoped3A_40, %dma_wait3A] : memref<16x128xi32, #tpu.memory_space<vmem>> -> memref<1x128xi32, #tpu.memory_space<vmem>>
        %dma_wait3A_61 = tpu.memref_squeeze %dma_wait3A_60 : memref<1x128xi32, #tpu.memory_space<vmem>> -> memref<128xi32, #tpu.memory_space<vmem>>
        %dma_wait3A_62 = arith.constant 0 : i32
        %dma_wait3A_63 = arith.constant 0 : i32
        %dma_wait3A_64 = tpu.memref_slice %arg6[%dma_wait3A_62, %dma_wait3A_63] : memref<10240x128xf32, #tpu.memory_space<vmem_shared>> -> memref<10240x128xf32, #tpu.memory_space<vmem_shared>>
        tpu.wait_indirect_dma semaphore(%run_scoped3A_54 : memref<!tpu.dma_semaphore, #tpu.memory_space<semaphore_mem>>) src(%arg5 : memref<128x128xf32, #tpu.memory_space<vmem>>) dst(%dma_wait3A_64 : memref<10240x128xf32, #tpu.memory_space<vmem_shared>>)
        tpu.yield
      }) : () -> ()
      %run_scoped3A_41 = arith.constant 3 : i32
      "tpu.region"() ({
        %run_scoped3A_54 = tpu.sem_alloc : memref<!tpu.dma_semaphore, #tpu.memory_space<semaphore_mem>>
        %dma_start3A = arith.constant 0 : i32
        %dma_start3A_55 = tpu.memref_slice %arg4[%run_scoped3A_41, %dma_start3A] : memref<16x128xi32, #tpu.memory_space<vmem>> -> memref<1x128xi32, #tpu.memory_space<vmem>>
        %dma_start3A_56 = tpu.memref_squeeze %dma_start3A_55 : memref<1x128xi32, #tpu.memory_space<vmem>> -> memref<128xi32, #tpu.memory_space<vmem>>
        %dma_start3A_57 = arith.constant 0 : i32
        %dma_start3A_58 = arith.constant 0 : i32
        %dma_start3A_59 = tpu.memref_slice %arg6[%dma_start3A_57, %dma_start3A_58] : memref<10240x128xf32, #tpu.memory_space<vmem_shared>> -> memref<10240x128xf32, #tpu.memory_space<vmem_shared>>
        tpu.enqueue_indirect_dma source(%arg5 : memref<128x128xf32, #tpu.memory_space<vmem>>) target(%dma_start3A_59 : memref<10240x128xf32, #tpu.memory_space<vmem_shared>>) offsets(%dma_start3A_56 : memref<128xi32, #tpu.memory_space<vmem>>) semaphore(%run_scoped3A_54 : memref<!tpu.dma_semaphore, #tpu.memory_space<semaphore_mem>>) {add = true}
        %dma_wait3A = arith.constant 0 : i32
        %dma_wait3A_60 = tpu.memref_slice %arg4[%run_scoped3A_41, %dma_wait3A] : memref<16x128xi32, #tpu.memory_space<vmem>> -> memref<1x128xi32, #tpu.memory_space<vmem>>
        %dma_wait3A_61 = tpu.memref_squeeze %dma_wait3A_60 : memref<1x128xi32, #tpu.memory_space<vmem>> -> memref<128xi32, #tpu.memory_space<vmem>>
        %dma_wait3A_62 = arith.constant 0 : i32
        %dma_wait3A_63 = arith.constant 0 : i32
        %dma_wait3A_64 = tpu.memref_slice %arg6[%dma_wait3A_62, %dma_wait3A_63] : memref<10240x128xf32, #tpu.memory_space<vmem_shared>> -> memref<10240x128xf32, #tpu.memory_space<vmem_shared>>
        tpu.wait_indirect_dma semaphore(%run_scoped3A_54 : memref<!tpu.dma_semaphore, #tpu.memory_space<semaphore_mem>>) src(%arg5 : memref<128x128xf32, #tpu.memory_space<vmem>>) dst(%dma_wait3A_64 : memref<10240x128xf32, #tpu.memory_space<vmem_shared>>)
        tpu.yield
      }) : () -> ()
      %run_scoped3A_42 = arith.constant 4 : i32
      "tpu.region"() ({
        %run_scoped3A_54 = tpu.sem_alloc : memref<!tpu.dma_semaphore, #tpu.memory_space<semaphore_mem>>
        %dma_start3A = arith.constant 0 : i32
        %dma_start3A_55 = tpu.memref_slice %arg4[%run_scoped3A_42, %dma_start3A] : memref<16x128xi32, #tpu.memory_space<vmem>> -> memref<1x128xi32, #tpu.memory_space<vmem>>
        %dma_start3A_56 = tpu.memref_squeeze %dma_start3A_55 : memref<1x128xi32, #tpu.memory_space<vmem>> -> memref<128xi32, #tpu.memory_space<vmem>>
        %dma_start3A_57 = arith.constant 0 : i32
        %dma_start3A_58 = arith.constant 0 : i32
        %dma_start3A_59 = tpu.memref_slice %arg6[%dma_start3A_57, %dma_start3A_58] : memref<10240x128xf32, #tpu.memory_space<vmem_shared>> -> memref<10240x128xf32, #tpu.memory_space<vmem_shared>>
        tpu.enqueue_indirect_dma source(%arg5 : memref<128x128xf32, #tpu.memory_space<vmem>>) target(%dma_start3A_59 : memref<10240x128xf32, #tpu.memory_space<vmem_shared>>) offsets(%dma_start3A_56 : memref<128xi32, #tpu.memory_space<vmem>>) semaphore(%run_scoped3A_54 : memref<!tpu.dma_semaphore, #tpu.memory_space<semaphore_mem>>) {add = true}
        %dma_wait3A = arith.constant 0 : i32
        %dma_wait3A_60 = tpu.memref_slice %arg4[%run_scoped3A_42, %dma_wait3A] : memref<16x128xi32, #tpu.memory_space<vmem>> -> memref<1x128xi32, #tpu.memory_space<vmem>>
        %dma_wait3A_61 = tpu.memref_squeeze %dma_wait3A_60 : memref<1x128xi32, #tpu.memory_space<vmem>> -> memref<128xi32, #tpu.memory_space<vmem>>
        %dma_wait3A_62 = arith.constant 0 : i32
        %dma_wait3A_63 = arith.constant 0 : i32
        %dma_wait3A_64 = tpu.memref_slice %arg6[%dma_wait3A_62, %dma_wait3A_63] : memref<10240x128xf32, #tpu.memory_space<vmem_shared>> -> memref<10240x128xf32, #tpu.memory_space<vmem_shared>>
        tpu.wait_indirect_dma semaphore(%run_scoped3A_54 : memref<!tpu.dma_semaphore, #tpu.memory_space<semaphore_mem>>) src(%arg5 : memref<128x128xf32, #tpu.memory_space<vmem>>) dst(%dma_wait3A_64 : memref<10240x128xf32, #tpu.memory_space<vmem_shared>>)
        tpu.yield
      }) : () -> ()
      %run_scoped3A_43 = arith.constant 5 : i32
      "tpu.region"() ({
        %run_scoped3A_54 = tpu.sem_alloc : memref<!tpu.dma_semaphore, #tpu.memory_space<semaphore_mem>>
        %dma_start3A = arith.constant 0 : i32
        %dma_start3A_55 = tpu.memref_slice %arg4[%run_scoped3A_43, %dma_start3A] : memref<16x128xi32, #tpu.memory_space<vmem>> -> memref<1x128xi32, #tpu.memory_space<vmem>>
        %dma_start3A_56 = tpu.memref_squeeze %dma_start3A_55 : memref<1x128xi32, #tpu.memory_space<vmem>> -> memref<128xi32, #tpu.memory_space<vmem>>
        %dma_start3A_57 = arith.constant 0 : i32
        %dma_start3A_58 = arith.constant 0 : i32
        %dma_start3A_59 = tpu.memref_slice %arg6[%dma_start3A_57, %dma_start3A_58] : memref<10240x128xf32, #tpu.memory_space<vmem_shared>> -> memref<10240x128xf32, #tpu.memory_space<vmem_shared>>
        tpu.enqueue_indirect_dma source(%arg5 : memref<128x128xf32, #tpu.memory_space<vmem>>) target(%dma_start3A_59 : memref<10240x128xf32, #tpu.memory_space<vmem_shared>>) offsets(%dma_start3A_56 : memref<128xi32, #tpu.memory_space<vmem>>) semaphore(%run_scoped3A_54 : memref<!tpu.dma_semaphore, #tpu.memory_space<semaphore_mem>>) {add = true}
        %dma_wait3A = arith.constant 0 : i32
        %dma_wait3A_60 = tpu.memref_slice %arg4[%run_scoped3A_43, %dma_wait3A] : memref<16x128xi32, #tpu.memory_space<vmem>> -> memref<1x128xi32, #tpu.memory_space<vmem>>
        %dma_wait3A_61 = tpu.memref_squeeze %dma_wait3A_60 : memref<1x128xi32, #tpu.memory_space<vmem>> -> memref<128xi32, #tpu.memory_space<vmem>>
        %dma_wait3A_62 = arith.constant 0 : i32
        %dma_wait3A_63 = arith.constant 0 : i32
        %dma_wait3A_64 = tpu.memref_slice %arg6[%dma_wait3A_62, %dma_wait3A_63] : memref<10240x128xf32, #tpu.memory_space<vmem_shared>> -> memref<10240x128xf32, #tpu.memory_space<vmem_shared>>
        tpu.wait_indirect_dma semaphore(%run_scoped3A_54 : memref<!tpu.dma_semaphore, #tpu.memory_space<semaphore_mem>>) src(%arg5 : memref<128x128xf32, #tpu.memory_space<vmem>>) dst(%dma_wait3A_64 : memref<10240x128xf32, #tpu.memory_space<vmem_shared>>)
        tpu.yield
      }) : () -> ()
      %run_scoped3A_44 = arith.constant 6 : i32
      "tpu.region"() ({
        %run_scoped3A_54 = tpu.sem_alloc : memref<!tpu.dma_semaphore, #tpu.memory_space<semaphore_mem>>
        %dma_start3A = arith.constant 0 : i32
        %dma_start3A_55 = tpu.memref_slice %arg4[%run_scoped3A_44, %dma_start3A] : memref<16x128xi32, #tpu.memory_space<vmem>> -> memref<1x128xi32, #tpu.memory_space<vmem>>
        %dma_start3A_56 = tpu.memref_squeeze %dma_start3A_55 : memref<1x128xi32, #tpu.memory_space<vmem>> -> memref<128xi32, #tpu.memory_space<vmem>>
        %dma_start3A_57 = arith.constant 0 : i32
        %dma_start3A_58 = arith.constant 0 : i32
        %dma_start3A_59 = tpu.memref_slice %arg6[%dma_start3A_57, %dma_start3A_58] : memref<10240x128xf32, #tpu.memory_space<vmem_shared>> -> memref<10240x128xf32, #tpu.memory_space<vmem_shared>>
        tpu.enqueue_indirect_dma source(%arg5 : memref<128x128xf32, #tpu.memory_space<vmem>>) target(%dma_start3A_59 : memref<10240x128xf32, #tpu.memory_space<vmem_shared>>) offsets(%dma_start3A_56 : memref<128xi32, #tpu.memory_space<vmem>>) semaphore(%run_scoped3A_54 : memref<!tpu.dma_semaphore, #tpu.memory_space<semaphore_mem>>) {add = true}
        %dma_wait3A = arith.constant 0 : i32
        %dma_wait3A_60 = tpu.memref_slice %arg4[%run_scoped3A_44, %dma_wait3A] : memref<16x128xi32, #tpu.memory_space<vmem>> -> memref<1x128xi32, #tpu.memory_space<vmem>>
        %dma_wait3A_61 = tpu.memref_squeeze %dma_wait3A_60 : memref<1x128xi32, #tpu.memory_space<vmem>> -> memref<128xi32, #tpu.memory_space<vmem>>
        %dma_wait3A_62 = arith.constant 0 : i32
        %dma_wait3A_63 = arith.constant 0 : i32
        %dma_wait3A_64 = tpu.memref_slice %arg6[%dma_wait3A_62, %dma_wait3A_63] : memref<10240x128xf32, #tpu.memory_space<vmem_shared>> -> memref<10240x128xf32, #tpu.memory_space<vmem_shared>>
        tpu.wait_indirect_dma semaphore(%run_scoped3A_54 : memref<!tpu.dma_semaphore, #tpu.memory_space<semaphore_mem>>) src(%arg5 : memref<128x128xf32, #tpu.memory_space<vmem>>) dst(%dma_wait3A_64 : memref<10240x128xf32, #tpu.memory_space<vmem_shared>>)
        tpu.yield
      }) : () -> ()
      %run_scoped3A_45 = arith.constant 7 : i32
      "tpu.region"() ({
        %run_scoped3A_54 = tpu.sem_alloc : memref<!tpu.dma_semaphore, #tpu.memory_space<semaphore_mem>>
        %dma_start3A = arith.constant 0 : i32
        %dma_start3A_55 = tpu.memref_slice %arg4[%run_scoped3A_45, %dma_start3A] : memref<16x128xi32, #tpu.memory_space<vmem>> -> memref<1x128xi32, #tpu.memory_space<vmem>>
        %dma_start3A_56 = tpu.memref_squeeze %dma_start3A_55 : memref<1x128xi32, #tpu.memory_space<vmem>> -> memref<128xi32, #tpu.memory_space<vmem>>
        %dma_start3A_57 = arith.constant 0 : i32
        %dma_start3A_58 = arith.constant 0 : i32
        %dma_start3A_59 = tpu.memref_slice %arg6[%dma_start3A_57, %dma_start3A_58] : memref<10240x128xf32, #tpu.memory_space<vmem_shared>> -> memref<10240x128xf32, #tpu.memory_space<vmem_shared>>
        tpu.enqueue_indirect_dma source(%arg5 : memref<128x128xf32, #tpu.memory_space<vmem>>) target(%dma_start3A_59 : memref<10240x128xf32, #tpu.memory_space<vmem_shared>>) offsets(%dma_start3A_56 : memref<128xi32, #tpu.memory_space<vmem>>) semaphore(%run_scoped3A_54 : memref<!tpu.dma_semaphore, #tpu.memory_space<semaphore_mem>>) {add = true}
        %dma_wait3A = arith.constant 0 : i32
        %dma_wait3A_60 = tpu.memref_slice %arg4[%run_scoped3A_45, %dma_wait3A] : memref<16x128xi32, #tpu.memory_space<vmem>> -> memref<1x128xi32, #tpu.memory_space<vmem>>
        %dma_wait3A_61 = tpu.memref_squeeze %dma_wait3A_60 : memref<1x128xi32, #tpu.memory_space<vmem>> -> memref<128xi32, #tpu.memory_space<vmem>>
        %dma_wait3A_62 = arith.constant 0 : i32
        %dma_wait3A_63 = arith.constant 0 : i32
        %dma_wait3A_64 = tpu.memref_slice %arg6[%dma_wait3A_62, %dma_wait3A_63] : memref<10240x128xf32, #tpu.memory_space<vmem_shared>> -> memref<10240x128xf32, #tpu.memory_space<vmem_shared>>
        tpu.wait_indirect_dma semaphore(%run_scoped3A_54 : memref<!tpu.dma_semaphore, #tpu.memory_space<semaphore_mem>>) src(%arg5 : memref<128x128xf32, #tpu.memory_space<vmem>>) dst(%dma_wait3A_64 : memref<10240x128xf32, #tpu.memory_space<vmem_shared>>)
        tpu.yield
      }) : () -> ()
      %run_scoped3A_46 = arith.constant 8 : i32
      "tpu.region"() ({
        %run_scoped3A_54 = tpu.sem_alloc : memref<!tpu.dma_semaphore, #tpu.memory_space<semaphore_mem>>
        %dma_start3A = arith.constant 0 : i32
        %dma_start3A_55 = tpu.memref_slice %arg4[%run_scoped3A_46, %dma_start3A] : memref<16x128xi32, #tpu.memory_space<vmem>> -> memref<1x128xi32, #tpu.memory_space<vmem>>
        %dma_start3A_56 = tpu.memref_squeeze %dma_start3A_55 : memref<1x128xi32, #tpu.memory_space<vmem>> -> memref<128xi32, #tpu.memory_space<vmem>>
        %dma_start3A_57 = arith.constant 0 : i32
        %dma_start3A_58 = arith.constant 0 : i32
        %dma_start3A_59 = tpu.memref_slice %arg6[%dma_start3A_57, %dma_start3A_58] : memref<10240x128xf32, #tpu.memory_space<vmem_shared>> -> memref<10240x128xf32, #tpu.memory_space<vmem_shared>>
        tpu.enqueue_indirect_dma source(%arg5 : memref<128x128xf32, #tpu.memory_space<vmem>>) target(%dma_start3A_59 : memref<10240x128xf32, #tpu.memory_space<vmem_shared>>) offsets(%dma_start3A_56 : memref<128xi32, #tpu.memory_space<vmem>>) semaphore(%run_scoped3A_54 : memref<!tpu.dma_semaphore, #tpu.memory_space<semaphore_mem>>) {add = true}
        %dma_wait3A = arith.constant 0 : i32
        %dma_wait3A_60 = tpu.memref_slice %arg4[%run_scoped3A_46, %dma_wait3A] : memref<16x128xi32, #tpu.memory_space<vmem>> -> memref<1x128xi32, #tpu.memory_space<vmem>>
        %dma_wait3A_61 = tpu.memref_squeeze %dma_wait3A_60 : memref<1x128xi32, #tpu.memory_space<vmem>> -> memref<128xi32, #tpu.memory_space<vmem>>
        %dma_wait3A_62 = arith.constant 0 : i32
        %dma_wait3A_63 = arith.constant 0 : i32
        %dma_wait3A_64 = tpu.memref_slice %arg6[%dma_wait3A_62, %dma_wait3A_63] : memref<10240x128xf32, #tpu.memory_space<vmem_shared>> -> memref<10240x128xf32, #tpu.memory_space<vmem_shared>>
        tpu.wait_indirect_dma semaphore(%run_scoped3A_54 : memref<!tpu.dma_semaphore, #tpu.memory_space<semaphore_mem>>) src(%arg5 : memref<128x128xf32, #tpu.memory_space<vmem>>) dst(%dma_wait3A_64 : memref<10240x128xf32, #tpu.memory_space<vmem_shared>>)
        tpu.yield
      }) : () -> ()
      %run_scoped3A_47 = arith.constant 9 : i32
      "tpu.region"() ({
        %run_scoped3A_54 = tpu.sem_alloc : memref<!tpu.dma_semaphore, #tpu.memory_space<semaphore_mem>>
        %dma_start3A = arith.constant 0 : i32
        %dma_start3A_55 = tpu.memref_slice %arg4[%run_scoped3A_47, %dma_start3A] : memref<16x128xi32, #tpu.memory_space<vmem>> -> memref<1x128xi32, #tpu.memory_space<vmem>>
        %dma_start3A_56 = tpu.memref_squeeze %dma_start3A_55 : memref<1x128xi32, #tpu.memory_space<vmem>> -> memref<128xi32, #tpu.memory_space<vmem>>
        %dma_start3A_57 = arith.constant 0 : i32
        %dma_start3A_58 = arith.constant 0 : i32
        %dma_start3A_59 = tpu.memref_slice %arg6[%dma_start3A_57, %dma_start3A_58] : memref<10240x128xf32, #tpu.memory_space<vmem_shared>> -> memref<10240x128xf32, #tpu.memory_space<vmem_shared>>
        tpu.enqueue_indirect_dma source(%arg5 : memref<128x128xf32, #tpu.memory_space<vmem>>) target(%dma_start3A_59 : memref<10240x128xf32, #tpu.memory_space<vmem_shared>>) offsets(%dma_start3A_56 : memref<128xi32, #tpu.memory_space<vmem>>) semaphore(%run_scoped3A_54 : memref<!tpu.dma_semaphore, #tpu.memory_space<semaphore_mem>>) {add = true}
        %dma_wait3A = arith.constant 0 : i32
        %dma_wait3A_60 = tpu.memref_slice %arg4[%run_scoped3A_47, %dma_wait3A] : memref<16x128xi32, #tpu.memory_space<vmem>> -> memref<1x128xi32, #tpu.memory_space<vmem>>
        %dma_wait3A_61 = tpu.memref_squeeze %dma_wait3A_60 : memref<1x128xi32, #tpu.memory_space<vmem>> -> memref<128xi32, #tpu.memory_space<vmem>>
        %dma_wait3A_62 = arith.constant 0 : i32
        %dma_wait3A_63 = arith.constant 0 : i32
        %dma_wait3A_64 = tpu.memref_slice %arg6[%dma_wait3A_62, %dma_wait3A_63] : memref<10240x128xf32, #tpu.memory_space<vmem_shared>> -> memref<10240x128xf32, #tpu.memory_space<vmem_shared>>
        tpu.wait_indirect_dma semaphore(%run_scoped3A_54 : memref<!tpu.dma_semaphore, #tpu.memory_space<semaphore_mem>>) src(%arg5 : memref<128x128xf32, #tpu.memory_space<vmem>>) dst(%dma_wait3A_64 : memref<10240x128xf32, #tpu.memory_space<vmem_shared>>)
        tpu.yield
      }) : () -> ()
      %run_scoped3A_48 = arith.constant 10 : i32
      "tpu.region"() ({
        %run_scoped3A_54 = tpu.sem_alloc : memref<!tpu.dma_semaphore, #tpu.memory_space<semaphore_mem>>
        %dma_start3A = arith.constant 0 : i32
        %dma_start3A_55 = tpu.memref_slice %arg4[%run_scoped3A_48, %dma_start3A] : memref<16x128xi32, #tpu.memory_space<vmem>> -> memref<1x128xi32, #tpu.memory_space<vmem>>
        %dma_start3A_56 = tpu.memref_squeeze %dma_start3A_55 : memref<1x128xi32, #tpu.memory_space<vmem>> -> memref<128xi32, #tpu.memory_space<vmem>>
        %dma_start3A_57 = arith.constant 0 : i32
        %dma_start3A_58 = arith.constant 0 : i32
        %dma_start3A_59 = tpu.memref_slice %arg6[%dma_start3A_57, %dma_start3A_58] : memref<10240x128xf32, #tpu.memory_space<vmem_shared>> -> memref<10240x128xf32, #tpu.memory_space<vmem_shared>>
        tpu.enqueue_indirect_dma source(%arg5 : memref<128x128xf32, #tpu.memory_space<vmem>>) target(%dma_start3A_59 : memref<10240x128xf32, #tpu.memory_space<vmem_shared>>) offsets(%dma_start3A_56 : memref<128xi32, #tpu.memory_space<vmem>>) semaphore(%run_scoped3A_54 : memref<!tpu.dma_semaphore, #tpu.memory_space<semaphore_mem>>) {add = true}
        %dma_wait3A = arith.constant 0 : i32
        %dma_wait3A_60 = tpu.memref_slice %arg4[%run_scoped3A_48, %dma_wait3A] : memref<16x128xi32, #tpu.memory_space<vmem>> -> memref<1x128xi32, #tpu.memory_space<vmem>>
        %dma_wait3A_61 = tpu.memref_squeeze %dma_wait3A_60 : memref<1x128xi32, #tpu.memory_space<vmem>> -> memref<128xi32, #tpu.memory_space<vmem>>
        %dma_wait3A_62 = arith.constant 0 : i32
        %dma_wait3A_63 = arith.constant 0 : i32
        %dma_wait3A_64 = tpu.memref_slice %arg6[%dma_wait3A_62, %dma_wait3A_63] : memref<10240x128xf32, #tpu.memory_space<vmem_shared>> -> memref<10240x128xf32, #tpu.memory_space<vmem_shared>>
        tpu.wait_indirect_dma semaphore(%run_scoped3A_54 : memref<!tpu.dma_semaphore, #tpu.memory_space<semaphore_mem>>) src(%arg5 : memref<128x128xf32, #tpu.memory_space<vmem>>) dst(%dma_wait3A_64 : memref<10240x128xf32, #tpu.memory_space<vmem_shared>>)
        tpu.yield
      }) : () -> ()
      %run_scoped3A_49 = arith.constant 11 : i32
      "tpu.region"() ({
        %run_scoped3A_54 = tpu.sem_alloc : memref<!tpu.dma_semaphore, #tpu.memory_space<semaphore_mem>>
        %dma_start3A = arith.constant 0 : i32
        %dma_start3A_55 = tpu.memref_slice %arg4[%run_scoped3A_49, %dma_start3A] : memref<16x128xi32, #tpu.memory_space<vmem>> -> memref<1x128xi32, #tpu.memory_space<vmem>>
        %dma_start3A_56 = tpu.memref_squeeze %dma_start3A_55 : memref<1x128xi32, #tpu.memory_space<vmem>> -> memref<128xi32, #tpu.memory_space<vmem>>
        %dma_start3A_57 = arith.constant 0 : i32
        %dma_start3A_58 = arith.constant 0 : i32
        %dma_start3A_59 = tpu.memref_slice %arg6[%dma_start3A_57, %dma_start3A_58] : memref<10240x128xf32, #tpu.memory_space<vmem_shared>> -> memref<10240x128xf32, #tpu.memory_space<vmem_shared>>
        tpu.enqueue_indirect_dma source(%arg5 : memref<128x128xf32, #tpu.memory_space<vmem>>) target(%dma_start3A_59 : memref<10240x128xf32, #tpu.memory_space<vmem_shared>>) offsets(%dma_start3A_56 : memref<128xi32, #tpu.memory_space<vmem>>) semaphore(%run_scoped3A_54 : memref<!tpu.dma_semaphore, #tpu.memory_space<semaphore_mem>>) {add = true}
        %dma_wait3A = arith.constant 0 : i32
        %dma_wait3A_60 = tpu.memref_slice %arg4[%run_scoped3A_49, %dma_wait3A] : memref<16x128xi32, #tpu.memory_space<vmem>> -> memref<1x128xi32, #tpu.memory_space<vmem>>
        %dma_wait3A_61 = tpu.memref_squeeze %dma_wait3A_60 : memref<1x128xi32, #tpu.memory_space<vmem>> -> memref<128xi32, #tpu.memory_space<vmem>>
        %dma_wait3A_62 = arith.constant 0 : i32
        %dma_wait3A_63 = arith.constant 0 : i32
        %dma_wait3A_64 = tpu.memref_slice %arg6[%dma_wait3A_62, %dma_wait3A_63] : memref<10240x128xf32, #tpu.memory_space<vmem_shared>> -> memref<10240x128xf32, #tpu.memory_space<vmem_shared>>
        tpu.wait_indirect_dma semaphore(%run_scoped3A_54 : memref<!tpu.dma_semaphore, #tpu.memory_space<semaphore_mem>>) src(%arg5 : memref<128x128xf32, #tpu.memory_space<vmem>>) dst(%dma_wait3A_64 : memref<10240x128xf32, #tpu.memory_space<vmem_shared>>)
        tpu.yield
      }) : () -> ()
      %run_scoped3A_50 = arith.constant 12 : i32
      "tpu.region"() ({
        %run_scoped3A_54 = tpu.sem_alloc : memref<!tpu.dma_semaphore, #tpu.memory_space<semaphore_mem>>
        %dma_start3A = arith.constant 0 : i32
        %dma_start3A_55 = tpu.memref_slice %arg4[%run_scoped3A_50, %dma_start3A] : memref<16x128xi32, #tpu.memory_space<vmem>> -> memref<1x128xi32, #tpu.memory_space<vmem>>
        %dma_start3A_56 = tpu.memref_squeeze %dma_start3A_55 : memref<1x128xi32, #tpu.memory_space<vmem>> -> memref<128xi32, #tpu.memory_space<vmem>>
        %dma_start3A_57 = arith.constant 0 : i32
        %dma_start3A_58 = arith.constant 0 : i32
        %dma_start3A_59 = tpu.memref_slice %arg6[%dma_start3A_57, %dma_start3A_58] : memref<10240x128xf32, #tpu.memory_space<vmem_shared>> -> memref<10240x128xf32, #tpu.memory_space<vmem_shared>>
        tpu.enqueue_indirect_dma source(%arg5 : memref<128x128xf32, #tpu.memory_space<vmem>>) target(%dma_start3A_59 : memref<10240x128xf32, #tpu.memory_space<vmem_shared>>) offsets(%dma_start3A_56 : memref<128xi32, #tpu.memory_space<vmem>>) semaphore(%run_scoped3A_54 : memref<!tpu.dma_semaphore, #tpu.memory_space<semaphore_mem>>) {add = true}
        %dma_wait3A = arith.constant 0 : i32
        %dma_wait3A_60 = tpu.memref_slice %arg4[%run_scoped3A_50, %dma_wait3A] : memref<16x128xi32, #tpu.memory_space<vmem>> -> memref<1x128xi32, #tpu.memory_space<vmem>>
        %dma_wait3A_61 = tpu.memref_squeeze %dma_wait3A_60 : memref<1x128xi32, #tpu.memory_space<vmem>> -> memref<128xi32, #tpu.memory_space<vmem>>
        %dma_wait3A_62 = arith.constant 0 : i32
        %dma_wait3A_63 = arith.constant 0 : i32
        %dma_wait3A_64 = tpu.memref_slice %arg6[%dma_wait3A_62, %dma_wait3A_63] : memref<10240x128xf32, #tpu.memory_space<vmem_shared>> -> memref<10240x128xf32, #tpu.memory_space<vmem_shared>>
        tpu.wait_indirect_dma semaphore(%run_scoped3A_54 : memref<!tpu.dma_semaphore, #tpu.memory_space<semaphore_mem>>) src(%arg5 : memref<128x128xf32, #tpu.memory_space<vmem>>) dst(%dma_wait3A_64 : memref<10240x128xf32, #tpu.memory_space<vmem_shared>>)
        tpu.yield
      }) : () -> ()
      %run_scoped3A_51 = arith.constant 13 : i32
      "tpu.region"() ({
        %run_scoped3A_54 = tpu.sem_alloc : memref<!tpu.dma_semaphore, #tpu.memory_space<semaphore_mem>>
        %dma_start3A = arith.constant 0 : i32
        %dma_start3A_55 = tpu.memref_slice %arg4[%run_scoped3A_51, %dma_start3A] : memref<16x128xi32, #tpu.memory_space<vmem>> -> memref<1x128xi32, #tpu.memory_space<vmem>>
        %dma_start3A_56 = tpu.memref_squeeze %dma_start3A_55 : memref<1x128xi32, #tpu.memory_space<vmem>> -> memref<128xi32, #tpu.memory_space<vmem>>
        %dma_start3A_57 = arith.constant 0 : i32
        %dma_start3A_58 = arith.constant 0 : i32
        %dma_start3A_59 = tpu.memref_slice %arg6[%dma_start3A_57, %dma_start3A_58] : memref<10240x128xf32, #tpu.memory_space<vmem_shared>> -> memref<10240x128xf32, #tpu.memory_space<vmem_shared>>
        tpu.enqueue_indirect_dma source(%arg5 : memref<128x128xf32, #tpu.memory_space<vmem>>) target(%dma_start3A_59 : memref<10240x128xf32, #tpu.memory_space<vmem_shared>>) offsets(%dma_start3A_56 : memref<128xi32, #tpu.memory_space<vmem>>) semaphore(%run_scoped3A_54 : memref<!tpu.dma_semaphore, #tpu.memory_space<semaphore_mem>>) {add = true}
        %dma_wait3A = arith.constant 0 : i32
        %dma_wait3A_60 = tpu.memref_slice %arg4[%run_scoped3A_51, %dma_wait3A] : memref<16x128xi32, #tpu.memory_space<vmem>> -> memref<1x128xi32, #tpu.memory_space<vmem>>
        %dma_wait3A_61 = tpu.memref_squeeze %dma_wait3A_60 : memref<1x128xi32, #tpu.memory_space<vmem>> -> memref<128xi32, #tpu.memory_space<vmem>>
        %dma_wait3A_62 = arith.constant 0 : i32
        %dma_wait3A_63 = arith.constant 0 : i32
        %dma_wait3A_64 = tpu.memref_slice %arg6[%dma_wait3A_62, %dma_wait3A_63] : memref<10240x128xf32, #tpu.memory_space<vmem_shared>> -> memref<10240x128xf32, #tpu.memory_space<vmem_shared>>
        tpu.wait_indirect_dma semaphore(%run_scoped3A_54 : memref<!tpu.dma_semaphore, #tpu.memory_space<semaphore_mem>>) src(%arg5 : memref<128x128xf32, #tpu.memory_space<vmem>>) dst(%dma_wait3A_64 : memref<10240x128xf32, #tpu.memory_space<vmem_shared>>)
        tpu.yield
      }) : () -> ()
      %run_scoped3A_52 = arith.constant 14 : i32
      "tpu.region"() ({
        %run_scoped3A_54 = tpu.sem_alloc : memref<!tpu.dma_semaphore, #tpu.memory_space<semaphore_mem>>
        %dma_start3A = arith.constant 0 : i32
        %dma_start3A_55 = tpu.memref_slice %arg4[%run_scoped3A_52, %dma_start3A] : memref<16x128xi32, #tpu.memory_space<vmem>> -> memref<1x128xi32, #tpu.memory_space<vmem>>
        %dma_start3A_56 = tpu.memref_squeeze %dma_start3A_55 : memref<1x128xi32, #tpu.memory_space<vmem>> -> memref<128xi32, #tpu.memory_space<vmem>>
        %dma_start3A_57 = arith.constant 0 : i32
        %dma_start3A_58 = arith.constant 0 : i32
        %dma_start3A_59 = tpu.memref_slice %arg6[%dma_start3A_57, %dma_start3A_58] : memref<10240x128xf32, #tpu.memory_space<vmem_shared>> -> memref<10240x128xf32, #tpu.memory_space<vmem_shared>>
        tpu.enqueue_indirect_dma source(%arg5 : memref<128x128xf32, #tpu.memory_space<vmem>>) target(%dma_start3A_59 : memref<10240x128xf32, #tpu.memory_space<vmem_shared>>) offsets(%dma_start3A_56 : memref<128xi32, #tpu.memory_space<vmem>>) semaphore(%run_scoped3A_54 : memref<!tpu.dma_semaphore, #tpu.memory_space<semaphore_mem>>) {add = true}
        %dma_wait3A = arith.constant 0 : i32
        %dma_wait3A_60 = tpu.memref_slice %arg4[%run_scoped3A_52, %dma_wait3A] : memref<16x128xi32, #tpu.memory_space<vmem>> -> memref<1x128xi32, #tpu.memory_space<vmem>>
        %dma_wait3A_61 = tpu.memref_squeeze %dma_wait3A_60 : memref<1x128xi32, #tpu.memory_space<vmem>> -> memref<128xi32, #tpu.memory_space<vmem>>
        %dma_wait3A_62 = arith.constant 0 : i32
        %dma_wait3A_63 = arith.constant 0 : i32
        %dma_wait3A_64 = tpu.memref_slice %arg6[%dma_wait3A_62, %dma_wait3A_63] : memref<10240x128xf32, #tpu.memory_space<vmem_shared>> -> memref<10240x128xf32, #tpu.memory_space<vmem_shared>>
        tpu.wait_indirect_dma semaphore(%run_scoped3A_54 : memref<!tpu.dma_semaphore, #tpu.memory_space<semaphore_mem>>) src(%arg5 : memref<128x128xf32, #tpu.memory_space<vmem>>) dst(%dma_wait3A_64 : memref<10240x128xf32, #tpu.memory_space<vmem_shared>>)
        tpu.yield
      }) : () -> ()
      %run_scoped3A_53 = arith.constant 15 : i32
      "tpu.region"() ({
        %run_scoped3A_54 = tpu.sem_alloc : memref<!tpu.dma_semaphore, #tpu.memory_space<semaphore_mem>>
        %dma_start3A = arith.constant 0 : i32
        %dma_start3A_55 = tpu.memref_slice %arg4[%run_scoped3A_53, %dma_start3A] : memref<16x128xi32, #tpu.memory_space<vmem>> -> memref<1x128xi32, #tpu.memory_space<vmem>>
        %dma_start3A_56 = tpu.memref_squeeze %dma_start3A_55 : memref<1x128xi32, #tpu.memory_space<vmem>> -> memref<128xi32, #tpu.memory_space<vmem>>
        %dma_start3A_57 = arith.constant 0 : i32
        %dma_start3A_58 = arith.constant 0 : i32
        %dma_start3A_59 = tpu.memref_slice %arg6[%dma_start3A_57, %dma_start3A_58] : memref<10240x128xf32, #tpu.memory_space<vmem_shared>> -> memref<10240x128xf32, #tpu.memory_space<vmem_shared>>
        tpu.enqueue_indirect_dma source(%arg5 : memref<128x128xf32, #tpu.memory_space<vmem>>) target(%dma_start3A_59 : memref<10240x128xf32, #tpu.memory_space<vmem_shared>>) offsets(%dma_start3A_56 : memref<128xi32, #tpu.memory_space<vmem>>) semaphore(%run_scoped3A_54 : memref<!tpu.dma_semaphore, #tpu.memory_space<semaphore_mem>>) {add = true}
        %dma_wait3A = arith.constant 0 : i32
        %dma_wait3A_60 = tpu.memref_slice %arg4[%run_scoped3A_53, %dma_wait3A] : memref<16x128xi32, #tpu.memory_space<vmem>> -> memref<1x128xi32, #tpu.memory_space<vmem>>
        %dma_wait3A_61 = tpu.memref_squeeze %dma_wait3A_60 : memref<1x128xi32, #tpu.memory_space<vmem>> -> memref<128xi32, #tpu.memory_space<vmem>>
        %dma_wait3A_62 = arith.constant 0 : i32
        %dma_wait3A_63 = arith.constant 0 : i32
        %dma_wait3A_64 = tpu.memref_slice %arg6[%dma_wait3A_62, %dma_wait3A_63] : memref<10240x128xf32, #tpu.memory_space<vmem_shared>> -> memref<10240x128xf32, #tpu.memory_space<vmem_shared>>
        tpu.wait_indirect_dma semaphore(%run_scoped3A_54 : memref<!tpu.dma_semaphore, #tpu.memory_space<semaphore_mem>>) src(%arg5 : memref<128x128xf32, #tpu.memory_space<vmem>>) dst(%dma_wait3A_64 : memref<10240x128xf32, #tpu.memory_space<vmem_shared>>)
        tpu.yield
      }) : () -> ()
    }
    %scan3A_22 = arith.constant 5 : i32
    %barrier3A_23 = arith.constant 0 : index
    tpu.barrier barrier_id(%barrier3A_23)
    %scan3A_24 = arith.constant 0 : i32
    %scan3A_25 = arith.constant 5 : i32
    %scan3A_26 = arith.addi %scan3A_24, %scan3A_25 : i32
    %scan3A_27 = arith.constant 1 : i32
    scf.for %scan3A_29 = %scan3A_24 to %scan3A_26 step %scan3A_27  : i32 {
      %mul3A_30 = arith.constant 128 : i32
      %mul3A_31 = arith.muli %scan3A_29, %mul3A_30 : i32
      %add3A_32 = arith.constant 0 : i32
      %add3A_33 = arith.addi %add3A_32, %mul3A_31 : i32
      %mul3A_34 = arith.constant 640 : i32
      %mul3A_35 = arith.muli %arg1, %mul3A_34 : i32
      %add3A_36 = arith.addi %mul3A_35, %add3A_33 : i32
      "tpu.region"() ({
        %run_scoped3A = tpu.sem_alloc : memref<!tpu.dma_semaphore, #tpu.memory_space<semaphore_mem>>
        %dma_start3A = arith.constant 0 : i32
        %dma_start3A_37 = arith.constant 0 : i32
        %dma_start3A_38 = tpu.memref_slice %arg3[%arg0, %dma_start3A, %dma_start3A_37] : memref<2x10240x128xf32, #tpu.memory_space<hbm>> -> memref<1x10240x128xf32, #tpu.memory_space<hbm>>
        %dma_start3A_39 = tpu.memref_squeeze %dma_start3A_38 : memref<1x10240x128xf32, #tpu.memory_space<hbm>> -> memref<10240x128xf32, #tpu.memory_space<hbm>>
        %dma_start3A_40 = arith.constant 0 : i32
        %dma_start3A_41 = tpu.memref_slice %dma_start3A_39[%add3A_36, %dma_start3A_40] : memref<10240x128xf32, #tpu.memory_space<hbm>> -> memref<128x128xf32, #tpu.memory_space<hbm>>
        %dma_start3A_42 = arith.constant 0 : i32
        %dma_start3A_43 = tpu.memref_slice %arg6[%add3A_36, %dma_start3A_42] : memref<10240x128xf32, #tpu.memory_space<vmem_shared>> -> memref<128x128xf32, #tpu.memory_space<vmem_shared>>
        tpu.enqueue_dma source(%dma_start3A_43 : memref<128x128xf32, #tpu.memory_space<vmem_shared>>) target(%dma_start3A_41 : memref<128x128xf32, #tpu.memory_space<hbm>>) target_semaphore(%run_scoped3A : memref<!tpu.dma_semaphore, #tpu.memory_space<semaphore_mem>>)
        %dma_wait3A = arith.constant 0 : i32
        %dma_wait3A_44 = arith.constant 0 : i32
        %dma_wait3A_45 = tpu.memref_slice %arg3[%arg0, %dma_wait3A, %dma_wait3A_44] : memref<2x10240x128xf32, #tpu.memory_space<hbm>> -> memref<1x10240x128xf32, #tpu.memory_space<hbm>>
        %dma_wait3A_46 = tpu.memref_squeeze %dma_wait3A_45 : memref<1x10240x128xf32, #tpu.memory_space<hbm>> -> memref<10240x128xf32, #tpu.memory_space<hbm>>
        %dma_wait3A_47 = arith.constant 0 : i32
        %dma_wait3A_48 = tpu.memref_slice %dma_wait3A_46[%add3A_36, %dma_wait3A_47] : memref<10240x128xf32, #tpu.memory_space<hbm>> -> memref<128x128xf32, #tpu.memory_space<hbm>>
        %dma_wait3A_49 = arith.constant 0 : i32
        %dma_wait3A_50 = tpu.memref_slice %arg6[%add3A_36, %dma_wait3A_49] : memref<10240x128xf32, #tpu.memory_space<vmem_shared>> -> memref<128x128xf32, #tpu.memory_space<vmem_shared>>
        tpu.wait_dma2 semaphore(%run_scoped3A : memref<!tpu.dma_semaphore, #tpu.memory_space<semaphore_mem>>) src(%dma_wait3A_50 : memref<128x128xf32, #tpu.memory_space<vmem_shared>>) dst(%dma_wait3A_48 : memref<128x128xf32, #tpu.memory_space<hbm>>)
        tpu.yield
      }) : () -> ()
    }
    %scan3A_28 = arith.constant 5 : i32
    return
  }
}

#map = affine_map<(d0, d1) -> (0, 0)>
#map1 = affine_map<(d0, d1) -> (0, 0, 0)>
module attributes {stable_mosaic.version = 14 : i64} {
  func.func @k(%arg0: i32, %arg1: i32, %arg2: memref<10000x128xf32, #tpu.memory_space<hbm>>, %arg3: memref<2560x128xi32, #tpu.memory_space<hbm>>, %arg4: memref<2560x128xi32, #tpu.memory_space<hbm>>, %arg5: memref<2x10240x128xf32, #tpu.memory_space<hbm>>, %arg6: memref<16x128xi32, #tpu.memory_space<vmem>>, %arg7: memref<16x128xi32, #tpu.memory_space<vmem>>, %arg8: memref<128x128xf32, #tpu.memory_space<vmem>>, %arg9: memref<128x128xf32, #tpu.memory_space<vmem>>, %arg10: memref<10240x128xf32, #tpu.memory_space<vmem_shared>>, %arg11: memref<!tpu.dma_semaphore, #tpu.memory_space<semaphore_mem>>, %arg12: memref<!tpu.dma_semaphore, #tpu.memory_space<semaphore_mem>>, %arg13: memref<!tpu.dma_semaphore, #tpu.memory_space<semaphore_mem>>, %arg14: memref<!tpu.dma_semaphore, #tpu.memory_space<semaphore_mem>>) attributes {dimension_semantics = [#tpu.dimension_semantics<core_parallel>, #tpu.dimension_semantics<subcore_parallel>], iteration_bounds = array<i64: 2, 16>, scalar_prefetch = 0 : i64, scratch_operands = 9 : i64, tpu.core_type = #tpu.core_type<sc_vector_subcore>, window_params = [{transform_indices = #map}, {transform_indices = #map}, {transform_indices = #map}, {transform_indices = #map1}]} {
    %mul3A = arith.constant 16 : i32
    %mul3A_0 = arith.muli %arg0, %mul3A : i32
    %add3A = arith.addi %mul3A_0, %arg1 : i32
    %broadcast_in_dim3A = arith.constant 0.000000e+00 : f32
    %broadcast_in_dim3A_1 = vector.broadcast %broadcast_in_dim3A : f32 to vector<16xf32>
    %scan3A = arith.constant 0 : i32
    %scan3A_2 = arith.constant 128 : i32
    %scan3A_3 = arith.addi %scan3A, %scan3A_2 : i32
    %scan3A_4 = arith.constant 1 : i32
    scf.for %scan3A_22 = %scan3A to %scan3A_3 step %scan3A_4  : i32 {
      %mul3A_23 = arith.constant 1 : i32
      %mul3A_24 = arith.muli %scan3A_22, %mul3A_23 : i32
      %add3A_25 = arith.constant 0 : i32
      %add3A_26 = arith.addi %add3A_25, %mul3A_24 : i32
      %scan3A_27 = arith.constant 0 : i32
      %scan3A_28 = arith.constant 8 : i32
      %scan3A_29 = arith.addi %scan3A_27, %scan3A_28 : i32
      %scan3A_30 = arith.constant 1 : i32
      scf.for %scan3A_32 = %scan3A_27 to %scan3A_29 step %scan3A_30  : i32 {
        %mul3A_33 = arith.constant 16 : i32
        %mul3A_34 = arith.muli %scan3A_32, %mul3A_33 : i32
        %add3A_35 = arith.constant 0 : i32
        %add3A_36 = arith.addi %add3A_35, %mul3A_34 : i32
        %swap3A = arith.index_cast %add3A_26 : i32 to index
        %swap3A_37 = arith.index_cast %add3A_36 : i32 to index
        %swap3A_38 = tpu.vector_load %arg8[%swap3A, %swap3A_37] {strides = array<i32>} : memref<128x128xf32, #tpu.memory_space<vmem>>, vector<1x16xf32>,
        %swap3A_39 = vector.shape_cast %swap3A_38 : vector<1x16xf32> to vector<16xf32>
        %swap3A_40 = vector.shape_cast %broadcast_in_dim3A_1 : vector<16xf32> to vector<1x16xf32>
        tpu.vector_store %arg8[%swap3A, %swap3A_37], %swap3A_40 {strides = array<i32>} : memref<128x128xf32, #tpu.memory_space<vmem>>, vector<1x16xf32>,
      }
      %scan3A_31 = arith.constant 8 : i32
    }
    %scan3A_5 = arith.constant 128 : i32
    %scan3A_6 = arith.constant 0 : i32
    %scan3A_7 = arith.constant 5 : i32
    %scan3A_8 = arith.addi %scan3A_6, %scan3A_7 : i32
    %scan3A_9 = arith.constant 1 : i32
    scf.for %scan3A_22 = %scan3A_6 to %scan3A_8 step %scan3A_9  : i32 {
      %mul3A_23 = arith.constant 128 : i32
      %mul3A_24 = arith.muli %scan3A_22, %mul3A_23 : i32
      %add3A_25 = arith.constant 0 : i32
      %add3A_26 = arith.addi %add3A_25, %mul3A_24 : i32
      %mul3A_27 = arith.constant 640 : i32
      %mul3A_28 = arith.muli %arg1, %mul3A_27 : i32
      %add3A_29 = arith.addi %mul3A_28, %add3A_26 : i32
      "tpu.region"() ({
        %run_scoped3A = tpu.sem_alloc : memref<!tpu.dma_semaphore, #tpu.memory_space<semaphore_mem>>
        %dma_start3A = arith.constant 0 : i32
        %dma_start3A_30 = tpu.memref_slice %arg10[%add3A_29, %dma_start3A] : memref<10240x128xf32, #tpu.memory_space<vmem_shared>> -> memref<128x128xf32, #tpu.memory_space<vmem_shared>>
        %dma_start3A_31 = arith.constant 0 : i32
        %dma_start3A_32 = tpu.memref_slice %arg10[%add3A_29, %dma_start3A_31] : memref<10240x128xf32, #tpu.memory_space<vmem_shared>> -> memref<128x128xf32, #tpu.memory_space<vmem_shared>>
        tpu.enqueue_dma source(%arg8 : memref<128x128xf32, #tpu.memory_space<vmem>>) target(%dma_start3A_32 : memref<128x128xf32, #tpu.memory_space<vmem_shared>>) target_semaphore(%run_scoped3A : memref<!tpu.dma_semaphore, #tpu.memory_space<semaphore_mem>>)
        %dma_wait3A = arith.constant 0 : i32
        %dma_wait3A_33 = tpu.memref_slice %arg10[%add3A_29, %dma_wait3A] : memref<10240x128xf32, #tpu.memory_space<vmem_shared>> -> memref<128x128xf32, #tpu.memory_space<vmem_shared>>
        %dma_wait3A_34 = arith.constant 0 : i32
        %dma_wait3A_35 = tpu.memref_slice %arg10[%add3A_29, %dma_wait3A_34] : memref<10240x128xf32, #tpu.memory_space<vmem_shared>> -> memref<128x128xf32, #tpu.memory_space<vmem_shared>>
        tpu.wait_dma2 semaphore(%run_scoped3A : memref<!tpu.dma_semaphore, #tpu.memory_space<semaphore_mem>>) src(%arg8 : memref<128x128xf32, #tpu.memory_space<vmem>>) dst(%dma_wait3A_35 : memref<128x128xf32, #tpu.memory_space<vmem_shared>>)
        tpu.yield
      }) : () -> ()
    }
    %scan3A_10 = arith.constant 5 : i32
    %barrier3A = arith.constant 0 : index
    tpu.barrier barrier_id(%barrier3A)
    %scan3A_11 = arith.constant 0 : i32
    %scan3A_12 = arith.constant 5 : i32
    %scan3A_13 = arith.addi %scan3A_11, %scan3A_12 : i32
    %scan3A_14 = arith.constant 1 : i32
    scf.for %scan3A_22 = %scan3A_11 to %scan3A_13 step %scan3A_14  : i32 {
      %mul3A_23 = arith.constant 1 : i32
      %mul3A_24 = arith.muli %scan3A_22, %mul3A_23 : i32
      %add3A_25 = arith.constant 0 : i32
      %add3A_26 = arith.addi %add3A_25, %mul3A_24 : i32
      %mul3A_27 = arith.constant 5 : i32
      %mul3A_28 = arith.muli %add3A, %mul3A_27 : i32
      %add3A_29 = arith.addi %mul3A_28, %add3A_26 : i32
      %mul3A_30 = arith.constant 16 : i32
      %mul3A_31 = arith.muli %add3A_29, %mul3A_30 : i32
      "tpu.region"() ({
        %run_scoped3A_269 = tpu.sem_alloc : memref<!tpu.dma_semaphore, #tpu.memory_space<semaphore_mem>>
        %dma_start3A_270 = arith.constant 0 : i32
        %dma_start3A_271 = tpu.memref_slice %arg3[%mul3A_31, %dma_start3A_270] : memref<2560x128xi32, #tpu.memory_space<hbm>> -> memref<16x128xi32, #tpu.memory_space<hbm>>
        %dma_start3A_272 = arith.constant 0 : i32
        %dma_start3A_273 = tpu.memref_slice %arg3[%mul3A_31, %dma_start3A_272] : memref<2560x128xi32, #tpu.memory_space<hbm>> -> memref<16x128xi32, #tpu.memory_space<hbm>>
        tpu.enqueue_dma source(%dma_start3A_273 : memref<16x128xi32, #tpu.memory_space<hbm>>) target(%arg6 : memref<16x128xi32, #tpu.memory_space<vmem>>) target_semaphore(%run_scoped3A_269 : memref<!tpu.dma_semaphore, #tpu.memory_space<semaphore_mem>>)
        %dma_wait3A_274 = arith.constant 0 : i32
        %dma_wait3A_275 = tpu.memref_slice %arg3[%mul3A_31, %dma_wait3A_274] : memref<2560x128xi32, #tpu.memory_space<hbm>> -> memref<16x128xi32, #tpu.memory_space<hbm>>
        %dma_wait3A_276 = arith.constant 0 : i32
        %dma_wait3A_277 = tpu.memref_slice %arg3[%mul3A_31, %dma_wait3A_276] : memref<2560x128xi32, #tpu.memory_space<hbm>> -> memref<16x128xi32, #tpu.memory_space<hbm>>
        tpu.wait_dma2 semaphore(%run_scoped3A_269 : memref<!tpu.dma_semaphore, #tpu.memory_space<semaphore_mem>>) src(%dma_wait3A_277 : memref<16x128xi32, #tpu.memory_space<hbm>>) dst(%arg6 : memref<16x128xi32, #tpu.memory_space<vmem>>)
        tpu.yield
      }) : () -> ()
      "tpu.region"() ({
        %run_scoped3A_269 = tpu.sem_alloc : memref<!tpu.dma_semaphore, #tpu.memory_space<semaphore_mem>>
        %dma_start3A_270 = arith.constant 0 : i32
        %dma_start3A_271 = tpu.memref_slice %arg4[%mul3A_31, %dma_start3A_270] : memref<2560x128xi32, #tpu.memory_space<hbm>> -> memref<16x128xi32, #tpu.memory_space<hbm>>
        %dma_start3A_272 = arith.constant 0 : i32
        %dma_start3A_273 = tpu.memref_slice %arg4[%mul3A_31, %dma_start3A_272] : memref<2560x128xi32, #tpu.memory_space<hbm>> -> memref<16x128xi32, #tpu.memory_space<hbm>>
        tpu.enqueue_dma source(%dma_start3A_273 : memref<16x128xi32, #tpu.memory_space<hbm>>) target(%arg7 : memref<16x128xi32, #tpu.memory_space<vmem>>) target_semaphore(%run_scoped3A_269 : memref<!tpu.dma_semaphore, #tpu.memory_space<semaphore_mem>>)
        %dma_wait3A_274 = arith.constant 0 : i32
        %dma_wait3A_275 = tpu.memref_slice %arg4[%mul3A_31, %dma_wait3A_274] : memref<2560x128xi32, #tpu.memory_space<hbm>> -> memref<16x128xi32, #tpu.memory_space<hbm>>
        %dma_wait3A_276 = arith.constant 0 : i32
        %dma_wait3A_277 = tpu.memref_slice %arg4[%mul3A_31, %dma_wait3A_276] : memref<2560x128xi32, #tpu.memory_space<hbm>> -> memref<16x128xi32, #tpu.memory_space<hbm>>
        tpu.wait_dma2 semaphore(%run_scoped3A_269 : memref<!tpu.dma_semaphore, #tpu.memory_space<semaphore_mem>>) src(%dma_wait3A_277 : memref<16x128xi32, #tpu.memory_space<hbm>>) dst(%arg7 : memref<16x128xi32, #tpu.memory_space<vmem>>)
        tpu.yield
      }) : () -> ()
      %dma_start3A = arith.constant 0 : i32
      %dma_start3A_32 = arith.constant 0 : i32
      %dma_start3A_33 = tpu.memref_slice %arg6[%dma_start3A, %dma_start3A_32] : memref<16x128xi32, #tpu.memory_space<vmem>> -> memref<1x128xi32, #tpu.memory_space<vmem>>
      %dma_start3A_34 = tpu.memref_squeeze %dma_start3A_33 : memref<1x128xi32, #tpu.memory_space<vmem>> -> memref<128xi32, #tpu.memory_space<vmem>>
      %dma_start3A_35 = arith.constant 0 : i32
      %dma_start3A_36 = arith.constant 0 : i32
      %dma_start3A_37 = tpu.memref_slice %arg2[%dma_start3A_35, %dma_start3A_36] : memref<10000x128xf32, #tpu.memory_space<hbm>> -> memref<10000x128xf32, #tpu.memory_space<hbm>>
      tpu.enqueue_indirect_dma source(%dma_start3A_37 : memref<10000x128xf32, #tpu.memory_space<hbm>>) target(%arg8 : memref<128x128xf32, #tpu.memory_space<vmem>>) offsets(%dma_start3A_34 : memref<128xi32, #tpu.memory_space<vmem>>) semaphore(%arg11 : memref<!tpu.dma_semaphore, #tpu.memory_space<semaphore_mem>>)
      %dma_start3A_38 = arith.constant 1 : i32
      %dma_start3A_39 = arith.constant 0 : i32
      %dma_start3A_40 = tpu.memref_slice %arg6[%dma_start3A_38, %dma_start3A_39] : memref<16x128xi32, #tpu.memory_space<vmem>> -> memref<1x128xi32, #tpu.memory_space<vmem>>
      %dma_start3A_41 = tpu.memref_squeeze %dma_start3A_40 : memref<1x128xi32, #tpu.memory_space<vmem>> -> memref<128xi32, #tpu.memory_space<vmem>>
      %dma_start3A_42 = arith.constant 0 : i32
      %dma_start3A_43 = arith.constant 0 : i32
      %dma_start3A_44 = tpu.memref_slice %arg2[%dma_start3A_42, %dma_start3A_43] : memref<10000x128xf32, #tpu.memory_space<hbm>> -> memref<10000x128xf32, #tpu.memory_space<hbm>>
      tpu.enqueue_indirect_dma source(%dma_start3A_44 : memref<10000x128xf32, #tpu.memory_space<hbm>>) target(%arg9 : memref<128x128xf32, #tpu.memory_space<vmem>>) offsets(%dma_start3A_41 : memref<128xi32, #tpu.memory_space<vmem>>) semaphore(%arg12 : memref<!tpu.dma_semaphore, #tpu.memory_space<semaphore_mem>>)
      %dma_wait3A = arith.constant 0 : i32
      %dma_wait3A_45 = arith.constant 0 : i32
      %dma_wait3A_46 = tpu.memref_slice %arg6[%dma_wait3A, %dma_wait3A_45] : memref<16x128xi32, #tpu.memory_space<vmem>> -> memref<1x128xi32, #tpu.memory_space<vmem>>
      %dma_wait3A_47 = tpu.memref_squeeze %dma_wait3A_46 : memref<1x128xi32, #tpu.memory_space<vmem>> -> memref<128xi32, #tpu.memory_space<vmem>>
      %dma_wait3A_48 = arith.constant 0 : i32
      %dma_wait3A_49 = arith.constant 0 : i32
      %dma_wait3A_50 = tpu.memref_slice %arg2[%dma_wait3A_48, %dma_wait3A_49] : memref<10000x128xf32, #tpu.memory_space<hbm>> -> memref<10000x128xf32, #tpu.memory_space<hbm>>
      tpu.wait_indirect_dma semaphore(%arg11 : memref<!tpu.dma_semaphore, #tpu.memory_space<semaphore_mem>>) src(%dma_wait3A_50 : memref<10000x128xf32, #tpu.memory_space<hbm>>) dst(%arg8 : memref<128x128xf32, #tpu.memory_space<vmem>>)
      %run_scoped3A = arith.constant 0 : i32
      "tpu.region"() ({
        %run_scoped3A_269 = tpu.sem_alloc : memref<!tpu.dma_semaphore, #tpu.memory_space<semaphore_mem>>
        %dma_start3A_270 = arith.constant 0 : i32
        %dma_start3A_271 = tpu.memref_slice %arg7[%run_scoped3A, %dma_start3A_270] : memref<16x128xi32, #tpu.memory_space<vmem>> -> memref<1x128xi32, #tpu.memory_space<vmem>>
        %dma_start3A_272 = tpu.memref_squeeze %dma_start3A_271 : memref<1x128xi32, #tpu.memory_space<vmem>> -> memref<128xi32, #tpu.memory_space<vmem>>
        %dma_start3A_273 = arith.constant 0 : i32
        %dma_start3A_274 = arith.constant 0 : i32
        %dma_start3A_275 = tpu.memref_slice %arg10[%dma_start3A_273, %dma_start3A_274] : memref<10240x128xf32, #tpu.memory_space<vmem_shared>> -> memref<10240x128xf32, #tpu.memory_space<vmem_shared>>
        tpu.enqueue_indirect_dma source(%arg8 : memref<128x128xf32, #tpu.memory_space<vmem>>) target(%dma_start3A_275 : memref<10240x128xf32, #tpu.memory_space<vmem_shared>>) offsets(%dma_start3A_272 : memref<128xi32, #tpu.memory_space<vmem>>) semaphore(%run_scoped3A_269 : memref<!tpu.dma_semaphore, #tpu.memory_space<semaphore_mem>>) {add = true}
        %dma_wait3A_276 = arith.constant 0 : i32
        %dma_wait3A_277 = tpu.memref_slice %arg7[%run_scoped3A, %dma_wait3A_276] : memref<16x128xi32, #tpu.memory_space<vmem>> -> memref<1x128xi32, #tpu.memory_space<vmem>>
        %dma_wait3A_278 = tpu.memref_squeeze %dma_wait3A_277 : memref<1x128xi32, #tpu.memory_space<vmem>> -> memref<128xi32, #tpu.memory_space<vmem>>
        %dma_wait3A_279 = arith.constant 0 : i32
        %dma_wait3A_280 = arith.constant 0 : i32
        %dma_wait3A_281 = tpu.memref_slice %arg10[%dma_wait3A_279, %dma_wait3A_280] : memref<10240x128xf32, #tpu.memory_space<vmem_shared>> -> memref<10240x128xf32, #tpu.memory_space<vmem_shared>>
        tpu.wait_indirect_dma semaphore(%run_scoped3A_269 : memref<!tpu.dma_semaphore, #tpu.memory_space<semaphore_mem>>) src(%arg8 : memref<128x128xf32, #tpu.memory_space<vmem>>) dst(%dma_wait3A_281 : memref<10240x128xf32, #tpu.memory_space<vmem_shared>>)
        tpu.yield
      }) : () -> ()
      %dma_start3A_51 = arith.constant 2 : i32
      %dma_start3A_52 = arith.constant 0 : i32
      %dma_start3A_53 = tpu.memref_slice %arg6[%dma_start3A_51, %dma_start3A_52] : memref<16x128xi32, #tpu.memory_space<vmem>> -> memref<1x128xi32, #tpu.memory_space<vmem>>
      %dma_start3A_54 = tpu.memref_squeeze %dma_start3A_53 : memref<1x128xi32, #tpu.memory_space<vmem>> -> memref<128xi32, #tpu.memory_space<vmem>>
      %dma_start3A_55 = arith.constant 0 : i32
      %dma_start3A_56 = arith.constant 0 : i32
      %dma_start3A_57 = tpu.memref_slice %arg2[%dma_start3A_55, %dma_start3A_56] : memref<10000x128xf32, #tpu.memory_space<hbm>> -> memref<10000x128xf32, #tpu.memory_space<hbm>>
      tpu.enqueue_indirect_dma source(%dma_start3A_57 : memref<10000x128xf32, #tpu.memory_space<hbm>>) target(%arg8 : memref<128x128xf32, #tpu.memory_space<vmem>>) offsets(%dma_start3A_54 : memref<128xi32, #tpu.memory_space<vmem>>) semaphore(%arg11 : memref<!tpu.dma_semaphore, #tpu.memory_space<semaphore_mem>>)
      %dma_wait3A_58 = arith.constant 1 : i32
      %dma_wait3A_59 = arith.constant 0 : i32
      %dma_wait3A_60 = tpu.memref_slice %arg6[%dma_wait3A_58, %dma_wait3A_59] : memref<16x128xi32, #tpu.memory_space<vmem>> -> memref<1x128xi32, #tpu.memory_space<vmem>>
      %dma_wait3A_61 = tpu.memref_squeeze %dma_wait3A_60 : memref<1x128xi32, #tpu.memory_space<vmem>> -> memref<128xi32, #tpu.memory_space<vmem>>
      %dma_wait3A_62 = arith.constant 0 : i32
      %dma_wait3A_63 = arith.constant 0 : i32
      %dma_wait3A_64 = tpu.memref_slice %arg2[%dma_wait3A_62, %dma_wait3A_63] : memref<10000x128xf32, #tpu.memory_space<hbm>> -> memref<10000x128xf32, #tpu.memory_space<hbm>>
      tpu.wait_indirect_dma semaphore(%arg12 : memref<!tpu.dma_semaphore, #tpu.memory_space<semaphore_mem>>) src(%dma_wait3A_64 : memref<10000x128xf32, #tpu.memory_space<hbm>>) dst(%arg9 : memref<128x128xf32, #tpu.memory_space<vmem>>)
      %run_scoped3A_65 = arith.constant 1 : i32
      "tpu.region"() ({
        %run_scoped3A_269 = tpu.sem_alloc : memref<!tpu.dma_semaphore, #tpu.memory_space<semaphore_mem>>
        %dma_start3A_270 = arith.constant 0 : i32
        %dma_start3A_271 = tpu.memref_slice %arg7[%run_scoped3A_65, %dma_start3A_270] : memref<16x128xi32, #tpu.memory_space<vmem>> -> memref<1x128xi32, #tpu.memory_space<vmem>>
        %dma_start3A_272 = tpu.memref_squeeze %dma_start3A_271 : memref<1x128xi32, #tpu.memory_space<vmem>> -> memref<128xi32, #tpu.memory_space<vmem>>
        %dma_start3A_273 = arith.constant 0 : i32
        %dma_start3A_274 = arith.constant 0 : i32
        %dma_start3A_275 = tpu.memref_slice %arg10[%dma_start3A_273, %dma_start3A_274] : memref<10240x128xf32, #tpu.memory_space<vmem_shared>> -> memref<10240x128xf32, #tpu.memory_space<vmem_shared>>
        tpu.enqueue_indirect_dma source(%arg9 : memref<128x128xf32, #tpu.memory_space<vmem>>) target(%dma_start3A_275 : memref<10240x128xf32, #tpu.memory_space<vmem_shared>>) offsets(%dma_start3A_272 : memref<128xi32, #tpu.memory_space<vmem>>) semaphore(%run_scoped3A_269 : memref<!tpu.dma_semaphore, #tpu.memory_space<semaphore_mem>>) {add = true}
        %dma_wait3A_276 = arith.constant 0 : i32
        %dma_wait3A_277 = tpu.memref_slice %arg7[%run_scoped3A_65, %dma_wait3A_276] : memref<16x128xi32, #tpu.memory_space<vmem>> -> memref<1x128xi32, #tpu.memory_space<vmem>>
        %dma_wait3A_278 = tpu.memref_squeeze %dma_wait3A_277 : memref<1x128xi32, #tpu.memory_space<vmem>> -> memref<128xi32, #tpu.memory_space<vmem>>
        %dma_wait3A_279 = arith.constant 0 : i32
        %dma_wait3A_280 = arith.constant 0 : i32
        %dma_wait3A_281 = tpu.memref_slice %arg10[%dma_wait3A_279, %dma_wait3A_280] : memref<10240x128xf32, #tpu.memory_space<vmem_shared>> -> memref<10240x128xf32, #tpu.memory_space<vmem_shared>>
        tpu.wait_indirect_dma semaphore(%run_scoped3A_269 : memref<!tpu.dma_semaphore, #tpu.memory_space<semaphore_mem>>) src(%arg9 : memref<128x128xf32, #tpu.memory_space<vmem>>) dst(%dma_wait3A_281 : memref<10240x128xf32, #tpu.memory_space<vmem_shared>>)
        tpu.yield
      }) : () -> ()
      %dma_start3A_66 = arith.constant 3 : i32
      %dma_start3A_67 = arith.constant 0 : i32
      %dma_start3A_68 = tpu.memref_slice %arg6[%dma_start3A_66, %dma_start3A_67] : memref<16x128xi32, #tpu.memory_space<vmem>> -> memref<1x128xi32, #tpu.memory_space<vmem>>
      %dma_start3A_69 = tpu.memref_squeeze %dma_start3A_68 : memref<1x128xi32, #tpu.memory_space<vmem>> -> memref<128xi32, #tpu.memory_space<vmem>>
      %dma_start3A_70 = arith.constant 0 : i32
      %dma_start3A_71 = arith.constant 0 : i32
      %dma_start3A_72 = tpu.memref_slice %arg2[%dma_start3A_70, %dma_start3A_71] : memref<10000x128xf32, #tpu.memory_space<hbm>> -> memref<10000x128xf32, #tpu.memory_space<hbm>>
      tpu.enqueue_indirect_dma source(%dma_start3A_72 : memref<10000x128xf32, #tpu.memory_space<hbm>>) target(%arg9 : memref<128x128xf32, #tpu.memory_space<vmem>>) offsets(%dma_start3A_69 : memref<128xi32, #tpu.memory_space<vmem>>) semaphore(%arg12 : memref<!tpu.dma_semaphore, #tpu.memory_space<semaphore_mem>>)
      %dma_wait3A_73 = arith.constant 2 : i32
      %dma_wait3A_74 = arith.constant 0 : i32
      %dma_wait3A_75 = tpu.memref_slice %arg6[%dma_wait3A_73, %dma_wait3A_74] : memref<16x128xi32, #tpu.memory_space<vmem>> -> memref<1x128xi32, #tpu.memory_space<vmem>>
      %dma_wait3A_76 = tpu.memref_squeeze %dma_wait3A_75 : memref<1x128xi32, #tpu.memory_space<vmem>> -> memref<128xi32, #tpu.memory_space<vmem>>
      %dma_wait3A_77 = arith.constant 0 : i32
      %dma_wait3A_78 = arith.constant 0 : i32
      %dma_wait3A_79 = tpu.memref_slice %arg2[%dma_wait3A_77, %dma_wait3A_78] : memref<10000x128xf32, #tpu.memory_space<hbm>> -> memref<10000x128xf32, #tpu.memory_space<hbm>>
      tpu.wait_indirect_dma semaphore(%arg11 : memref<!tpu.dma_semaphore, #tpu.memory_space<semaphore_mem>>) src(%dma_wait3A_79 : memref<10000x128xf32, #tpu.memory_space<hbm>>) dst(%arg8 : memref<128x128xf32, #tpu.memory_space<vmem>>)
      %run_scoped3A_80 = arith.constant 2 : i32
      "tpu.region"() ({
        %run_scoped3A_269 = tpu.sem_alloc : memref<!tpu.dma_semaphore, #tpu.memory_space<semaphore_mem>>
        %dma_start3A_270 = arith.constant 0 : i32
        %dma_start3A_271 = tpu.memref_slice %arg7[%run_scoped3A_80, %dma_start3A_270] : memref<16x128xi32, #tpu.memory_space<vmem>> -> memref<1x128xi32, #tpu.memory_space<vmem>>
        %dma_start3A_272 = tpu.memref_squeeze %dma_start3A_271 : memref<1x128xi32, #tpu.memory_space<vmem>> -> memref<128xi32, #tpu.memory_space<vmem>>
        %dma_start3A_273 = arith.constant 0 : i32
        %dma_start3A_274 = arith.constant 0 : i32
        %dma_start3A_275 = tpu.memref_slice %arg10[%dma_start3A_273, %dma_start3A_274] : memref<10240x128xf32, #tpu.memory_space<vmem_shared>> -> memref<10240x128xf32, #tpu.memory_space<vmem_shared>>
        tpu.enqueue_indirect_dma source(%arg8 : memref<128x128xf32, #tpu.memory_space<vmem>>) target(%dma_start3A_275 : memref<10240x128xf32, #tpu.memory_space<vmem_shared>>) offsets(%dma_start3A_272 : memref<128xi32, #tpu.memory_space<vmem>>) semaphore(%run_scoped3A_269 : memref<!tpu.dma_semaphore, #tpu.memory_space<semaphore_mem>>) {add = true}
        %dma_wait3A_276 = arith.constant 0 : i32
        %dma_wait3A_277 = tpu.memref_slice %arg7[%run_scoped3A_80, %dma_wait3A_276] : memref<16x128xi32, #tpu.memory_space<vmem>> -> memref<1x128xi32, #tpu.memory_space<vmem>>
        %dma_wait3A_278 = tpu.memref_squeeze %dma_wait3A_277 : memref<1x128xi32, #tpu.memory_space<vmem>> -> memref<128xi32, #tpu.memory_space<vmem>>
        %dma_wait3A_279 = arith.constant 0 : i32
        %dma_wait3A_280 = arith.constant 0 : i32
        %dma_wait3A_281 = tpu.memref_slice %arg10[%dma_wait3A_279, %dma_wait3A_280] : memref<10240x128xf32, #tpu.memory_space<vmem_shared>> -> memref<10240x128xf32, #tpu.memory_space<vmem_shared>>
        tpu.wait_indirect_dma semaphore(%run_scoped3A_269 : memref<!tpu.dma_semaphore, #tpu.memory_space<semaphore_mem>>) src(%arg8 : memref<128x128xf32, #tpu.memory_space<vmem>>) dst(%dma_wait3A_281 : memref<10240x128xf32, #tpu.memory_space<vmem_shared>>)
        tpu.yield
      }) : () -> ()
      %dma_start3A_81 = arith.constant 4 : i32
      %dma_start3A_82 = arith.constant 0 : i32
      %dma_start3A_83 = tpu.memref_slice %arg6[%dma_start3A_81, %dma_start3A_82] : memref<16x128xi32, #tpu.memory_space<vmem>> -> memref<1x128xi32, #tpu.memory_space<vmem>>
      %dma_start3A_84 = tpu.memref_squeeze %dma_start3A_83 : memref<1x128xi32, #tpu.memory_space<vmem>> -> memref<128xi32, #tpu.memory_space<vmem>>
      %dma_start3A_85 = arith.constant 0 : i32
      %dma_start3A_86 = arith.constant 0 : i32
      %dma_start3A_87 = tpu.memref_slice %arg2[%dma_start3A_85, %dma_start3A_86] : memref<10000x128xf32, #tpu.memory_space<hbm>> -> memref<10000x128xf32, #tpu.memory_space<hbm>>
      tpu.enqueue_indirect_dma source(%dma_start3A_87 : memref<10000x128xf32, #tpu.memory_space<hbm>>) target(%arg8 : memref<128x128xf32, #tpu.memory_space<vmem>>) offsets(%dma_start3A_84 : memref<128xi32, #tpu.memory_space<vmem>>) semaphore(%arg11 : memref<!tpu.dma_semaphore, #tpu.memory_space<semaphore_mem>>)
      %dma_wait3A_88 = arith.constant 3 : i32
      %dma_wait3A_89 = arith.constant 0 : i32
      %dma_wait3A_90 = tpu.memref_slice %arg6[%dma_wait3A_88, %dma_wait3A_89] : memref<16x128xi32, #tpu.memory_space<vmem>> -> memref<1x128xi32, #tpu.memory_space<vmem>>
      %dma_wait3A_91 = tpu.memref_squeeze %dma_wait3A_90 : memref<1x128xi32, #tpu.memory_space<vmem>> -> memref<128xi32, #tpu.memory_space<vmem>>
      %dma_wait3A_92 = arith.constant 0 : i32
      %dma_wait3A_93 = arith.constant 0 : i32
      %dma_wait3A_94 = tpu.memref_slice %arg2[%dma_wait3A_92, %dma_wait3A_93] : memref<10000x128xf32, #tpu.memory_space<hbm>> -> memref<10000x128xf32, #tpu.memory_space<hbm>>
      tpu.wait_indirect_dma semaphore(%arg12 : memref<!tpu.dma_semaphore, #tpu.memory_space<semaphore_mem>>) src(%dma_wait3A_94 : memref<10000x128xf32, #tpu.memory_space<hbm>>) dst(%arg9 : memref<128x128xf32, #tpu.memory_space<vmem>>)
      %run_scoped3A_95 = arith.constant 3 : i32
      "tpu.region"() ({
        %run_scoped3A_269 = tpu.sem_alloc : memref<!tpu.dma_semaphore, #tpu.memory_space<semaphore_mem>>
        %dma_start3A_270 = arith.constant 0 : i32
        %dma_start3A_271 = tpu.memref_slice %arg7[%run_scoped3A_95, %dma_start3A_270] : memref<16x128xi32, #tpu.memory_space<vmem>> -> memref<1x128xi32, #tpu.memory_space<vmem>>
        %dma_start3A_272 = tpu.memref_squeeze %dma_start3A_271 : memref<1x128xi32, #tpu.memory_space<vmem>> -> memref<128xi32, #tpu.memory_space<vmem>>
        %dma_start3A_273 = arith.constant 0 : i32
        %dma_start3A_274 = arith.constant 0 : i32
        %dma_start3A_275 = tpu.memref_slice %arg10[%dma_start3A_273, %dma_start3A_274] : memref<10240x128xf32, #tpu.memory_space<vmem_shared>> -> memref<10240x128xf32, #tpu.memory_space<vmem_shared>>
        tpu.enqueue_indirect_dma source(%arg9 : memref<128x128xf32, #tpu.memory_space<vmem>>) target(%dma_start3A_275 : memref<10240x128xf32, #tpu.memory_space<vmem_shared>>) offsets(%dma_start3A_272 : memref<128xi32, #tpu.memory_space<vmem>>) semaphore(%run_scoped3A_269 : memref<!tpu.dma_semaphore, #tpu.memory_space<semaphore_mem>>) {add = true}
        %dma_wait3A_276 = arith.constant 0 : i32
        %dma_wait3A_277 = tpu.memref_slice %arg7[%run_scoped3A_95, %dma_wait3A_276] : memref<16x128xi32, #tpu.memory_space<vmem>> -> memref<1x128xi32, #tpu.memory_space<vmem>>
        %dma_wait3A_278 = tpu.memref_squeeze %dma_wait3A_277 : memref<1x128xi32, #tpu.memory_space<vmem>> -> memref<128xi32, #tpu.memory_space<vmem>>
        %dma_wait3A_279 = arith.constant 0 : i32
        %dma_wait3A_280 = arith.constant 0 : i32
        %dma_wait3A_281 = tpu.memref_slice %arg10[%dma_wait3A_279, %dma_wait3A_280] : memref<10240x128xf32, #tpu.memory_space<vmem_shared>> -> memref<10240x128xf32, #tpu.memory_space<vmem_shared>>
        tpu.wait_indirect_dma semaphore(%run_scoped3A_269 : memref<!tpu.dma_semaphore, #tpu.memory_space<semaphore_mem>>) src(%arg9 : memref<128x128xf32, #tpu.memory_space<vmem>>) dst(%dma_wait3A_281 : memref<10240x128xf32, #tpu.memory_space<vmem_shared>>)
        tpu.yield
      }) : () -> ()
      %dma_start3A_96 = arith.constant 5 : i32
      %dma_start3A_97 = arith.constant 0 : i32
      %dma_start3A_98 = tpu.memref_slice %arg6[%dma_start3A_96, %dma_start3A_97] : memref<16x128xi32, #tpu.memory_space<vmem>> -> memref<1x128xi32, #tpu.memory_space<vmem>>
      %dma_start3A_99 = tpu.memref_squeeze %dma_start3A_98 : memref<1x128xi32, #tpu.memory_space<vmem>> -> memref<128xi32, #tpu.memory_space<vmem>>
      %dma_start3A_100 = arith.constant 0 : i32
      %dma_start3A_101 = arith.constant 0 : i32
      %dma_start3A_102 = tpu.memref_slice %arg2[%dma_start3A_100, %dma_start3A_101] : memref<10000x128xf32, #tpu.memory_space<hbm>> -> memref<10000x128xf32, #tpu.memory_space<hbm>>
      tpu.enqueue_indirect_dma source(%dma_start3A_102 : memref<10000x128xf32, #tpu.memory_space<hbm>>) target(%arg9 : memref<128x128xf32, #tpu.memory_space<vmem>>) offsets(%dma_start3A_99 : memref<128xi32, #tpu.memory_space<vmem>>) semaphore(%arg12 : memref<!tpu.dma_semaphore, #tpu.memory_space<semaphore_mem>>)
      %dma_wait3A_103 = arith.constant 4 : i32
      %dma_wait3A_104 = arith.constant 0 : i32
      %dma_wait3A_105 = tpu.memref_slice %arg6[%dma_wait3A_103, %dma_wait3A_104] : memref<16x128xi32, #tpu.memory_space<vmem>> -> memref<1x128xi32, #tpu.memory_space<vmem>>
      %dma_wait3A_106 = tpu.memref_squeeze %dma_wait3A_105 : memref<1x128xi32, #tpu.memory_space<vmem>> -> memref<128xi32, #tpu.memory_space<vmem>>
      %dma_wait3A_107 = arith.constant 0 : i32
      %dma_wait3A_108 = arith.constant 0 : i32
      %dma_wait3A_109 = tpu.memref_slice %arg2[%dma_wait3A_107, %dma_wait3A_108] : memref<10000x128xf32, #tpu.memory_space<hbm>> -> memref<10000x128xf32, #tpu.memory_space<hbm>>
      tpu.wait_indirect_dma semaphore(%arg11 : memref<!tpu.dma_semaphore, #tpu.memory_space<semaphore_mem>>) src(%dma_wait3A_109 : memref<10000x128xf32, #tpu.memory_space<hbm>>) dst(%arg8 : memref<128x128xf32, #tpu.memory_space<vmem>>)
      %run_scoped3A_110 = arith.constant 4 : i32
      "tpu.region"() ({
        %run_scoped3A_269 = tpu.sem_alloc : memref<!tpu.dma_semaphore, #tpu.memory_space<semaphore_mem>>
        %dma_start3A_270 = arith.constant 0 : i32
        %dma_start3A_271 = tpu.memref_slice %arg7[%run_scoped3A_110, %dma_start3A_270] : memref<16x128xi32, #tpu.memory_space<vmem>> -> memref<1x128xi32, #tpu.memory_space<vmem>>
        %dma_start3A_272 = tpu.memref_squeeze %dma_start3A_271 : memref<1x128xi32, #tpu.memory_space<vmem>> -> memref<128xi32, #tpu.memory_space<vmem>>
        %dma_start3A_273 = arith.constant 0 : i32
        %dma_start3A_274 = arith.constant 0 : i32
        %dma_start3A_275 = tpu.memref_slice %arg10[%dma_start3A_273, %dma_start3A_274] : memref<10240x128xf32, #tpu.memory_space<vmem_shared>> -> memref<10240x128xf32, #tpu.memory_space<vmem_shared>>
        tpu.enqueue_indirect_dma source(%arg8 : memref<128x128xf32, #tpu.memory_space<vmem>>) target(%dma_start3A_275 : memref<10240x128xf32, #tpu.memory_space<vmem_shared>>) offsets(%dma_start3A_272 : memref<128xi32, #tpu.memory_space<vmem>>) semaphore(%run_scoped3A_269 : memref<!tpu.dma_semaphore, #tpu.memory_space<semaphore_mem>>) {add = true}
        %dma_wait3A_276 = arith.constant 0 : i32
        %dma_wait3A_277 = tpu.memref_slice %arg7[%run_scoped3A_110, %dma_wait3A_276] : memref<16x128xi32, #tpu.memory_space<vmem>> -> memref<1x128xi32, #tpu.memory_space<vmem>>
        %dma_wait3A_278 = tpu.memref_squeeze %dma_wait3A_277 : memref<1x128xi32, #tpu.memory_space<vmem>> -> memref<128xi32, #tpu.memory_space<vmem>>
        %dma_wait3A_279 = arith.constant 0 : i32
        %dma_wait3A_280 = arith.constant 0 : i32
        %dma_wait3A_281 = tpu.memref_slice %arg10[%dma_wait3A_279, %dma_wait3A_280] : memref<10240x128xf32, #tpu.memory_space<vmem_shared>> -> memref<10240x128xf32, #tpu.memory_space<vmem_shared>>
        tpu.wait_indirect_dma semaphore(%run_scoped3A_269 : memref<!tpu.dma_semaphore, #tpu.memory_space<semaphore_mem>>) src(%arg8 : memref<128x128xf32, #tpu.memory_space<vmem>>) dst(%dma_wait3A_281 : memref<10240x128xf32, #tpu.memory_space<vmem_shared>>)
        tpu.yield
      }) : () -> ()
      %dma_start3A_111 = arith.constant 6 : i32
      %dma_start3A_112 = arith.constant 0 : i32
      %dma_start3A_113 = tpu.memref_slice %arg6[%dma_start3A_111, %dma_start3A_112] : memref<16x128xi32, #tpu.memory_space<vmem>> -> memref<1x128xi32, #tpu.memory_space<vmem>>
      %dma_start3A_114 = tpu.memref_squeeze %dma_start3A_113 : memref<1x128xi32, #tpu.memory_space<vmem>> -> memref<128xi32, #tpu.memory_space<vmem>>
      %dma_start3A_115 = arith.constant 0 : i32
      %dma_start3A_116 = arith.constant 0 : i32
      %dma_start3A_117 = tpu.memref_slice %arg2[%dma_start3A_115, %dma_start3A_116] : memref<10000x128xf32, #tpu.memory_space<hbm>> -> memref<10000x128xf32, #tpu.memory_space<hbm>>
      tpu.enqueue_indirect_dma source(%dma_start3A_117 : memref<10000x128xf32, #tpu.memory_space<hbm>>) target(%arg8 : memref<128x128xf32, #tpu.memory_space<vmem>>) offsets(%dma_start3A_114 : memref<128xi32, #tpu.memory_space<vmem>>) semaphore(%arg11 : memref<!tpu.dma_semaphore, #tpu.memory_space<semaphore_mem>>)
      %dma_wait3A_118 = arith.constant 5 : i32
      %dma_wait3A_119 = arith.constant 0 : i32
      %dma_wait3A_120 = tpu.memref_slice %arg6[%dma_wait3A_118, %dma_wait3A_119] : memref<16x128xi32, #tpu.memory_space<vmem>> -> memref<1x128xi32, #tpu.memory_space<vmem>>
      %dma_wait3A_121 = tpu.memref_squeeze %dma_wait3A_120 : memref<1x128xi32, #tpu.memory_space<vmem>> -> memref<128xi32, #tpu.memory_space<vmem>>
      %dma_wait3A_122 = arith.constant 0 : i32
      %dma_wait3A_123 = arith.constant 0 : i32
      %dma_wait3A_124 = tpu.memref_slice %arg2[%dma_wait3A_122, %dma_wait3A_123] : memref<10000x128xf32, #tpu.memory_space<hbm>> -> memref<10000x128xf32, #tpu.memory_space<hbm>>
      tpu.wait_indirect_dma semaphore(%arg12 : memref<!tpu.dma_semaphore, #tpu.memory_space<semaphore_mem>>) src(%dma_wait3A_124 : memref<10000x128xf32, #tpu.memory_space<hbm>>) dst(%arg9 : memref<128x128xf32, #tpu.memory_space<vmem>>)
      %run_scoped3A_125 = arith.constant 5 : i32
      "tpu.region"() ({
        %run_scoped3A_269 = tpu.sem_alloc : memref<!tpu.dma_semaphore, #tpu.memory_space<semaphore_mem>>
        %dma_start3A_270 = arith.constant 0 : i32
        %dma_start3A_271 = tpu.memref_slice %arg7[%run_scoped3A_125, %dma_start3A_270] : memref<16x128xi32, #tpu.memory_space<vmem>> -> memref<1x128xi32, #tpu.memory_space<vmem>>
        %dma_start3A_272 = tpu.memref_squeeze %dma_start3A_271 : memref<1x128xi32, #tpu.memory_space<vmem>> -> memref<128xi32, #tpu.memory_space<vmem>>
        %dma_start3A_273 = arith.constant 0 : i32
        %dma_start3A_274 = arith.constant 0 : i32
        %dma_start3A_275 = tpu.memref_slice %arg10[%dma_start3A_273, %dma_start3A_274] : memref<10240x128xf32, #tpu.memory_space<vmem_shared>> -> memref<10240x128xf32, #tpu.memory_space<vmem_shared>>
        tpu.enqueue_indirect_dma source(%arg9 : memref<128x128xf32, #tpu.memory_space<vmem>>) target(%dma_start3A_275 : memref<10240x128xf32, #tpu.memory_space<vmem_shared>>) offsets(%dma_start3A_272 : memref<128xi32, #tpu.memory_space<vmem>>) semaphore(%run_scoped3A_269 : memref<!tpu.dma_semaphore, #tpu.memory_space<semaphore_mem>>) {add = true}
        %dma_wait3A_276 = arith.constant 0 : i32
        %dma_wait3A_277 = tpu.memref_slice %arg7[%run_scoped3A_125, %dma_wait3A_276] : memref<16x128xi32, #tpu.memory_space<vmem>> -> memref<1x128xi32, #tpu.memory_space<vmem>>
        %dma_wait3A_278 = tpu.memref_squeeze %dma_wait3A_277 : memref<1x128xi32, #tpu.memory_space<vmem>> -> memref<128xi32, #tpu.memory_space<vmem>>
        %dma_wait3A_279 = arith.constant 0 : i32
        %dma_wait3A_280 = arith.constant 0 : i32
        %dma_wait3A_281 = tpu.memref_slice %arg10[%dma_wait3A_279, %dma_wait3A_280] : memref<10240x128xf32, #tpu.memory_space<vmem_shared>> -> memref<10240x128xf32, #tpu.memory_space<vmem_shared>>
        tpu.wait_indirect_dma semaphore(%run_scoped3A_269 : memref<!tpu.dma_semaphore, #tpu.memory_space<semaphore_mem>>) src(%arg9 : memref<128x128xf32, #tpu.memory_space<vmem>>) dst(%dma_wait3A_281 : memref<10240x128xf32, #tpu.memory_space<vmem_shared>>)
        tpu.yield
      }) : () -> ()
      %dma_start3A_126 = arith.constant 7 : i32
      %dma_start3A_127 = arith.constant 0 : i32
      %dma_start3A_128 = tpu.memref_slice %arg6[%dma_start3A_126, %dma_start3A_127] : memref<16x128xi32, #tpu.memory_space<vmem>> -> memref<1x128xi32, #tpu.memory_space<vmem>>
      %dma_start3A_129 = tpu.memref_squeeze %dma_start3A_128 : memref<1x128xi32, #tpu.memory_space<vmem>> -> memref<128xi32, #tpu.memory_space<vmem>>
      %dma_start3A_130 = arith.constant 0 : i32
      %dma_start3A_131 = arith.constant 0 : i32
      %dma_start3A_132 = tpu.memref_slice %arg2[%dma_start3A_130, %dma_start3A_131] : memref<10000x128xf32, #tpu.memory_space<hbm>> -> memref<10000x128xf32, #tpu.memory_space<hbm>>
      tpu.enqueue_indirect_dma source(%dma_start3A_132 : memref<10000x128xf32, #tpu.memory_space<hbm>>) target(%arg9 : memref<128x128xf32, #tpu.memory_space<vmem>>) offsets(%dma_start3A_129 : memref<128xi32, #tpu.memory_space<vmem>>) semaphore(%arg12 : memref<!tpu.dma_semaphore, #tpu.memory_space<semaphore_mem>>)
      %dma_wait3A_133 = arith.constant 6 : i32
      %dma_wait3A_134 = arith.constant 0 : i32
      %dma_wait3A_135 = tpu.memref_slice %arg6[%dma_wait3A_133, %dma_wait3A_134] : memref<16x128xi32, #tpu.memory_space<vmem>> -> memref<1x128xi32, #tpu.memory_space<vmem>>
      %dma_wait3A_136 = tpu.memref_squeeze %dma_wait3A_135 : memref<1x128xi32, #tpu.memory_space<vmem>> -> memref<128xi32, #tpu.memory_space<vmem>>
      %dma_wait3A_137 = arith.constant 0 : i32
      %dma_wait3A_138 = arith.constant 0 : i32
      %dma_wait3A_139 = tpu.memref_slice %arg2[%dma_wait3A_137, %dma_wait3A_138] : memref<10000x128xf32, #tpu.memory_space<hbm>> -> memref<10000x128xf32, #tpu.memory_space<hbm>>
      tpu.wait_indirect_dma semaphore(%arg11 : memref<!tpu.dma_semaphore, #tpu.memory_space<semaphore_mem>>) src(%dma_wait3A_139 : memref<10000x128xf32, #tpu.memory_space<hbm>>) dst(%arg8 : memref<128x128xf32, #tpu.memory_space<vmem>>)
      %run_scoped3A_140 = arith.constant 6 : i32
      "tpu.region"() ({
        %run_scoped3A_269 = tpu.sem_alloc : memref<!tpu.dma_semaphore, #tpu.memory_space<semaphore_mem>>
        %dma_start3A_270 = arith.constant 0 : i32
        %dma_start3A_271 = tpu.memref_slice %arg7[%run_scoped3A_140, %dma_start3A_270] : memref<16x128xi32, #tpu.memory_space<vmem>> -> memref<1x128xi32, #tpu.memory_space<vmem>>
        %dma_start3A_272 = tpu.memref_squeeze %dma_start3A_271 : memref<1x128xi32, #tpu.memory_space<vmem>> -> memref<128xi32, #tpu.memory_space<vmem>>
        %dma_start3A_273 = arith.constant 0 : i32
        %dma_start3A_274 = arith.constant 0 : i32
        %dma_start3A_275 = tpu.memref_slice %arg10[%dma_start3A_273, %dma_start3A_274] : memref<10240x128xf32, #tpu.memory_space<vmem_shared>> -> memref<10240x128xf32, #tpu.memory_space<vmem_shared>>
        tpu.enqueue_indirect_dma source(%arg8 : memref<128x128xf32, #tpu.memory_space<vmem>>) target(%dma_start3A_275 : memref<10240x128xf32, #tpu.memory_space<vmem_shared>>) offsets(%dma_start3A_272 : memref<128xi32, #tpu.memory_space<vmem>>) semaphore(%run_scoped3A_269 : memref<!tpu.dma_semaphore, #tpu.memory_space<semaphore_mem>>) {add = true}
        %dma_wait3A_276 = arith.constant 0 : i32
        %dma_wait3A_277 = tpu.memref_slice %arg7[%run_scoped3A_140, %dma_wait3A_276] : memref<16x128xi32, #tpu.memory_space<vmem>> -> memref<1x128xi32, #tpu.memory_space<vmem>>
        %dma_wait3A_278 = tpu.memref_squeeze %dma_wait3A_277 : memref<1x128xi32, #tpu.memory_space<vmem>> -> memref<128xi32, #tpu.memory_space<vmem>>
        %dma_wait3A_279 = arith.constant 0 : i32
        %dma_wait3A_280 = arith.constant 0 : i32
        %dma_wait3A_281 = tpu.memref_slice %arg10[%dma_wait3A_279, %dma_wait3A_280] : memref<10240x128xf32, #tpu.memory_space<vmem_shared>> -> memref<10240x128xf32, #tpu.memory_space<vmem_shared>>
        tpu.wait_indirect_dma semaphore(%run_scoped3A_269 : memref<!tpu.dma_semaphore, #tpu.memory_space<semaphore_mem>>) src(%arg8 : memref<128x128xf32, #tpu.memory_space<vmem>>) dst(%dma_wait3A_281 : memref<10240x128xf32, #tpu.memory_space<vmem_shared>>)
        tpu.yield
      }) : () -> ()
      %dma_start3A_141 = arith.constant 8 : i32
      %dma_start3A_142 = arith.constant 0 : i32
      %dma_start3A_143 = tpu.memref_slice %arg6[%dma_start3A_141, %dma_start3A_142] : memref<16x128xi32, #tpu.memory_space<vmem>> -> memref<1x128xi32, #tpu.memory_space<vmem>>
      %dma_start3A_144 = tpu.memref_squeeze %dma_start3A_143 : memref<1x128xi32, #tpu.memory_space<vmem>> -> memref<128xi32, #tpu.memory_space<vmem>>
      %dma_start3A_145 = arith.constant 0 : i32
      %dma_start3A_146 = arith.constant 0 : i32
      %dma_start3A_147 = tpu.memref_slice %arg2[%dma_start3A_145, %dma_start3A_146] : memref<10000x128xf32, #tpu.memory_space<hbm>> -> memref<10000x128xf32, #tpu.memory_space<hbm>>
      tpu.enqueue_indirect_dma source(%dma_start3A_147 : memref<10000x128xf32, #tpu.memory_space<hbm>>) target(%arg8 : memref<128x128xf32, #tpu.memory_space<vmem>>) offsets(%dma_start3A_144 : memref<128xi32, #tpu.memory_space<vmem>>) semaphore(%arg11 : memref<!tpu.dma_semaphore, #tpu.memory_space<semaphore_mem>>)
      %dma_wait3A_148 = arith.constant 7 : i32
      %dma_wait3A_149 = arith.constant 0 : i32
      %dma_wait3A_150 = tpu.memref_slice %arg6[%dma_wait3A_148, %dma_wait3A_149] : memref<16x128xi32, #tpu.memory_space<vmem>> -> memref<1x128xi32, #tpu.memory_space<vmem>>
      %dma_wait3A_151 = tpu.memref_squeeze %dma_wait3A_150 : memref<1x128xi32, #tpu.memory_space<vmem>> -> memref<128xi32, #tpu.memory_space<vmem>>
      %dma_wait3A_152 = arith.constant 0 : i32
      %dma_wait3A_153 = arith.constant 0 : i32
      %dma_wait3A_154 = tpu.memref_slice %arg2[%dma_wait3A_152, %dma_wait3A_153] : memref<10000x128xf32, #tpu.memory_space<hbm>> -> memref<10000x128xf32, #tpu.memory_space<hbm>>
      tpu.wait_indirect_dma semaphore(%arg12 : memref<!tpu.dma_semaphore, #tpu.memory_space<semaphore_mem>>) src(%dma_wait3A_154 : memref<10000x128xf32, #tpu.memory_space<hbm>>) dst(%arg9 : memref<128x128xf32, #tpu.memory_space<vmem>>)
      %run_scoped3A_155 = arith.constant 7 : i32
      "tpu.region"() ({
        %run_scoped3A_269 = tpu.sem_alloc : memref<!tpu.dma_semaphore, #tpu.memory_space<semaphore_mem>>
        %dma_start3A_270 = arith.constant 0 : i32
        %dma_start3A_271 = tpu.memref_slice %arg7[%run_scoped3A_155, %dma_start3A_270] : memref<16x128xi32, #tpu.memory_space<vmem>> -> memref<1x128xi32, #tpu.memory_space<vmem>>
        %dma_start3A_272 = tpu.memref_squeeze %dma_start3A_271 : memref<1x128xi32, #tpu.memory_space<vmem>> -> memref<128xi32, #tpu.memory_space<vmem>>
        %dma_start3A_273 = arith.constant 0 : i32
        %dma_start3A_274 = arith.constant 0 : i32
        %dma_start3A_275 = tpu.memref_slice %arg10[%dma_start3A_273, %dma_start3A_274] : memref<10240x128xf32, #tpu.memory_space<vmem_shared>> -> memref<10240x128xf32, #tpu.memory_space<vmem_shared>>
        tpu.enqueue_indirect_dma source(%arg9 : memref<128x128xf32, #tpu.memory_space<vmem>>) target(%dma_start3A_275 : memref<10240x128xf32, #tpu.memory_space<vmem_shared>>) offsets(%dma_start3A_272 : memref<128xi32, #tpu.memory_space<vmem>>) semaphore(%run_scoped3A_269 : memref<!tpu.dma_semaphore, #tpu.memory_space<semaphore_mem>>) {add = true}
        %dma_wait3A_276 = arith.constant 0 : i32
        %dma_wait3A_277 = tpu.memref_slice %arg7[%run_scoped3A_155, %dma_wait3A_276] : memref<16x128xi32, #tpu.memory_space<vmem>> -> memref<1x128xi32, #tpu.memory_space<vmem>>
        %dma_wait3A_278 = tpu.memref_squeeze %dma_wait3A_277 : memref<1x128xi32, #tpu.memory_space<vmem>> -> memref<128xi32, #tpu.memory_space<vmem>>
        %dma_wait3A_279 = arith.constant 0 : i32
        %dma_wait3A_280 = arith.constant 0 : i32
        %dma_wait3A_281 = tpu.memref_slice %arg10[%dma_wait3A_279, %dma_wait3A_280] : memref<10240x128xf32, #tpu.memory_space<vmem_shared>> -> memref<10240x128xf32, #tpu.memory_space<vmem_shared>>
        tpu.wait_indirect_dma semaphore(%run_scoped3A_269 : memref<!tpu.dma_semaphore, #tpu.memory_space<semaphore_mem>>) src(%arg9 : memref<128x128xf32, #tpu.memory_space<vmem>>) dst(%dma_wait3A_281 : memref<10240x128xf32, #tpu.memory_space<vmem_shared>>)
        tpu.yield
      }) : () -> ()
      %dma_start3A_156 = arith.constant 9 : i32
      %dma_start3A_157 = arith.constant 0 : i32
      %dma_start3A_158 = tpu.memref_slice %arg6[%dma_start3A_156, %dma_start3A_157] : memref<16x128xi32, #tpu.memory_space<vmem>> -> memref<1x128xi32, #tpu.memory_space<vmem>>
      %dma_start3A_159 = tpu.memref_squeeze %dma_start3A_158 : memref<1x128xi32, #tpu.memory_space<vmem>> -> memref<128xi32, #tpu.memory_space<vmem>>
      %dma_start3A_160 = arith.constant 0 : i32
      %dma_start3A_161 = arith.constant 0 : i32
      %dma_start3A_162 = tpu.memref_slice %arg2[%dma_start3A_160, %dma_start3A_161] : memref<10000x128xf32, #tpu.memory_space<hbm>> -> memref<10000x128xf32, #tpu.memory_space<hbm>>
      tpu.enqueue_indirect_dma source(%dma_start3A_162 : memref<10000x128xf32, #tpu.memory_space<hbm>>) target(%arg9 : memref<128x128xf32, #tpu.memory_space<vmem>>) offsets(%dma_start3A_159 : memref<128xi32, #tpu.memory_space<vmem>>) semaphore(%arg12 : memref<!tpu.dma_semaphore, #tpu.memory_space<semaphore_mem>>)
      %dma_wait3A_163 = arith.constant 8 : i32
      %dma_wait3A_164 = arith.constant 0 : i32
      %dma_wait3A_165 = tpu.memref_slice %arg6[%dma_wait3A_163, %dma_wait3A_164] : memref<16x128xi32, #tpu.memory_space<vmem>> -> memref<1x128xi32, #tpu.memory_space<vmem>>
      %dma_wait3A_166 = tpu.memref_squeeze %dma_wait3A_165 : memref<1x128xi32, #tpu.memory_space<vmem>> -> memref<128xi32, #tpu.memory_space<vmem>>
      %dma_wait3A_167 = arith.constant 0 : i32
      %dma_wait3A_168 = arith.constant 0 : i32
      %dma_wait3A_169 = tpu.memref_slice %arg2[%dma_wait3A_167, %dma_wait3A_168] : memref<10000x128xf32, #tpu.memory_space<hbm>> -> memref<10000x128xf32, #tpu.memory_space<hbm>>
      tpu.wait_indirect_dma semaphore(%arg11 : memref<!tpu.dma_semaphore, #tpu.memory_space<semaphore_mem>>) src(%dma_wait3A_169 : memref<10000x128xf32, #tpu.memory_space<hbm>>) dst(%arg8 : memref<128x128xf32, #tpu.memory_space<vmem>>)
      %run_scoped3A_170 = arith.constant 8 : i32
      "tpu.region"() ({
        %run_scoped3A_269 = tpu.sem_alloc : memref<!tpu.dma_semaphore, #tpu.memory_space<semaphore_mem>>
        %dma_start3A_270 = arith.constant 0 : i32
        %dma_start3A_271 = tpu.memref_slice %arg7[%run_scoped3A_170, %dma_start3A_270] : memref<16x128xi32, #tpu.memory_space<vmem>> -> memref<1x128xi32, #tpu.memory_space<vmem>>
        %dma_start3A_272 = tpu.memref_squeeze %dma_start3A_271 : memref<1x128xi32, #tpu.memory_space<vmem>> -> memref<128xi32, #tpu.memory_space<vmem>>
        %dma_start3A_273 = arith.constant 0 : i32
        %dma_start3A_274 = arith.constant 0 : i32
        %dma_start3A_275 = tpu.memref_slice %arg10[%dma_start3A_273, %dma_start3A_274] : memref<10240x128xf32, #tpu.memory_space<vmem_shared>> -> memref<10240x128xf32, #tpu.memory_space<vmem_shared>>
        tpu.enqueue_indirect_dma source(%arg8 : memref<128x128xf32, #tpu.memory_space<vmem>>) target(%dma_start3A_275 : memref<10240x128xf32, #tpu.memory_space<vmem_shared>>) offsets(%dma_start3A_272 : memref<128xi32, #tpu.memory_space<vmem>>) semaphore(%run_scoped3A_269 : memref<!tpu.dma_semaphore, #tpu.memory_space<semaphore_mem>>) {add = true}
        %dma_wait3A_276 = arith.constant 0 : i32
        %dma_wait3A_277 = tpu.memref_slice %arg7[%run_scoped3A_170, %dma_wait3A_276] : memref<16x128xi32, #tpu.memory_space<vmem>> -> memref<1x128xi32, #tpu.memory_space<vmem>>
        %dma_wait3A_278 = tpu.memref_squeeze %dma_wait3A_277 : memref<1x128xi32, #tpu.memory_space<vmem>> -> memref<128xi32, #tpu.memory_space<vmem>>
        %dma_wait3A_279 = arith.constant 0 : i32
        %dma_wait3A_280 = arith.constant 0 : i32
        %dma_wait3A_281 = tpu.memref_slice %arg10[%dma_wait3A_279, %dma_wait3A_280] : memref<10240x128xf32, #tpu.memory_space<vmem_shared>> -> memref<10240x128xf32, #tpu.memory_space<vmem_shared>>
        tpu.wait_indirect_dma semaphore(%run_scoped3A_269 : memref<!tpu.dma_semaphore, #tpu.memory_space<semaphore_mem>>) src(%arg8 : memref<128x128xf32, #tpu.memory_space<vmem>>) dst(%dma_wait3A_281 : memref<10240x128xf32, #tpu.memory_space<vmem_shared>>)
        tpu.yield
      }) : () -> ()
      %dma_start3A_171 = arith.constant 10 : i32
      %dma_start3A_172 = arith.constant 0 : i32
      %dma_start3A_173 = tpu.memref_slice %arg6[%dma_start3A_171, %dma_start3A_172] : memref<16x128xi32, #tpu.memory_space<vmem>> -> memref<1x128xi32, #tpu.memory_space<vmem>>
      %dma_start3A_174 = tpu.memref_squeeze %dma_start3A_173 : memref<1x128xi32, #tpu.memory_space<vmem>> -> memref<128xi32, #tpu.memory_space<vmem>>
      %dma_start3A_175 = arith.constant 0 : i32
      %dma_start3A_176 = arith.constant 0 : i32
      %dma_start3A_177 = tpu.memref_slice %arg2[%dma_start3A_175, %dma_start3A_176] : memref<10000x128xf32, #tpu.memory_space<hbm>> -> memref<10000x128xf32, #tpu.memory_space<hbm>>
      tpu.enqueue_indirect_dma source(%dma_start3A_177 : memref<10000x128xf32, #tpu.memory_space<hbm>>) target(%arg8 : memref<128x128xf32, #tpu.memory_space<vmem>>) offsets(%dma_start3A_174 : memref<128xi32, #tpu.memory_space<vmem>>) semaphore(%arg11 : memref<!tpu.dma_semaphore, #tpu.memory_space<semaphore_mem>>)
      %dma_wait3A_178 = arith.constant 9 : i32
      %dma_wait3A_179 = arith.constant 0 : i32
      %dma_wait3A_180 = tpu.memref_slice %arg6[%dma_wait3A_178, %dma_wait3A_179] : memref<16x128xi32, #tpu.memory_space<vmem>> -> memref<1x128xi32, #tpu.memory_space<vmem>>
      %dma_wait3A_181 = tpu.memref_squeeze %dma_wait3A_180 : memref<1x128xi32, #tpu.memory_space<vmem>> -> memref<128xi32, #tpu.memory_space<vmem>>
      %dma_wait3A_182 = arith.constant 0 : i32
      %dma_wait3A_183 = arith.constant 0 : i32
      %dma_wait3A_184 = tpu.memref_slice %arg2[%dma_wait3A_182, %dma_wait3A_183] : memref<10000x128xf32, #tpu.memory_space<hbm>> -> memref<10000x128xf32, #tpu.memory_space<hbm>>
      tpu.wait_indirect_dma semaphore(%arg12 : memref<!tpu.dma_semaphore, #tpu.memory_space<semaphore_mem>>) src(%dma_wait3A_184 : memref<10000x128xf32, #tpu.memory_space<hbm>>) dst(%arg9 : memref<128x128xf32, #tpu.memory_space<vmem>>)
      %run_scoped3A_185 = arith.constant 9 : i32
      "tpu.region"() ({
        %run_scoped3A_269 = tpu.sem_alloc : memref<!tpu.dma_semaphore, #tpu.memory_space<semaphore_mem>>
        %dma_start3A_270 = arith.constant 0 : i32
        %dma_start3A_271 = tpu.memref_slice %arg7[%run_scoped3A_185, %dma_start3A_270] : memref<16x128xi32, #tpu.memory_space<vmem>> -> memref<1x128xi32, #tpu.memory_space<vmem>>
        %dma_start3A_272 = tpu.memref_squeeze %dma_start3A_271 : memref<1x128xi32, #tpu.memory_space<vmem>> -> memref<128xi32, #tpu.memory_space<vmem>>
        %dma_start3A_273 = arith.constant 0 : i32
        %dma_start3A_274 = arith.constant 0 : i32
        %dma_start3A_275 = tpu.memref_slice %arg10[%dma_start3A_273, %dma_start3A_274] : memref<10240x128xf32, #tpu.memory_space<vmem_shared>> -> memref<10240x128xf32, #tpu.memory_space<vmem_shared>>
        tpu.enqueue_indirect_dma source(%arg9 : memref<128x128xf32, #tpu.memory_space<vmem>>) target(%dma_start3A_275 : memref<10240x128xf32, #tpu.memory_space<vmem_shared>>) offsets(%dma_start3A_272 : memref<128xi32, #tpu.memory_space<vmem>>) semaphore(%run_scoped3A_269 : memref<!tpu.dma_semaphore, #tpu.memory_space<semaphore_mem>>) {add = true}
        %dma_wait3A_276 = arith.constant 0 : i32
        %dma_wait3A_277 = tpu.memref_slice %arg7[%run_scoped3A_185, %dma_wait3A_276] : memref<16x128xi32, #tpu.memory_space<vmem>> -> memref<1x128xi32, #tpu.memory_space<vmem>>
        %dma_wait3A_278 = tpu.memref_squeeze %dma_wait3A_277 : memref<1x128xi32, #tpu.memory_space<vmem>> -> memref<128xi32, #tpu.memory_space<vmem>>
        %dma_wait3A_279 = arith.constant 0 : i32
        %dma_wait3A_280 = arith.constant 0 : i32
        %dma_wait3A_281 = tpu.memref_slice %arg10[%dma_wait3A_279, %dma_wait3A_280] : memref<10240x128xf32, #tpu.memory_space<vmem_shared>> -> memref<10240x128xf32, #tpu.memory_space<vmem_shared>>
        tpu.wait_indirect_dma semaphore(%run_scoped3A_269 : memref<!tpu.dma_semaphore, #tpu.memory_space<semaphore_mem>>) src(%arg9 : memref<128x128xf32, #tpu.memory_space<vmem>>) dst(%dma_wait3A_281 : memref<10240x128xf32, #tpu.memory_space<vmem_shared>>)
        tpu.yield
      }) : () -> ()
      %dma_start3A_186 = arith.constant 11 : i32
      %dma_start3A_187 = arith.constant 0 : i32
      %dma_start3A_188 = tpu.memref_slice %arg6[%dma_start3A_186, %dma_start3A_187] : memref<16x128xi32, #tpu.memory_space<vmem>> -> memref<1x128xi32, #tpu.memory_space<vmem>>
      %dma_start3A_189 = tpu.memref_squeeze %dma_start3A_188 : memref<1x128xi32, #tpu.memory_space<vmem>> -> memref<128xi32, #tpu.memory_space<vmem>>
      %dma_start3A_190 = arith.constant 0 : i32
      %dma_start3A_191 = arith.constant 0 : i32
      %dma_start3A_192 = tpu.memref_slice %arg2[%dma_start3A_190, %dma_start3A_191] : memref<10000x128xf32, #tpu.memory_space<hbm>> -> memref<10000x128xf32, #tpu.memory_space<hbm>>
      tpu.enqueue_indirect_dma source(%dma_start3A_192 : memref<10000x128xf32, #tpu.memory_space<hbm>>) target(%arg9 : memref<128x128xf32, #tpu.memory_space<vmem>>) offsets(%dma_start3A_189 : memref<128xi32, #tpu.memory_space<vmem>>) semaphore(%arg12 : memref<!tpu.dma_semaphore, #tpu.memory_space<semaphore_mem>>)
      %dma_wait3A_193 = arith.constant 10 : i32
      %dma_wait3A_194 = arith.constant 0 : i32
      %dma_wait3A_195 = tpu.memref_slice %arg6[%dma_wait3A_193, %dma_wait3A_194] : memref<16x128xi32, #tpu.memory_space<vmem>> -> memref<1x128xi32, #tpu.memory_space<vmem>>
      %dma_wait3A_196 = tpu.memref_squeeze %dma_wait3A_195 : memref<1x128xi32, #tpu.memory_space<vmem>> -> memref<128xi32, #tpu.memory_space<vmem>>
      %dma_wait3A_197 = arith.constant 0 : i32
      %dma_wait3A_198 = arith.constant 0 : i32
      %dma_wait3A_199 = tpu.memref_slice %arg2[%dma_wait3A_197, %dma_wait3A_198] : memref<10000x128xf32, #tpu.memory_space<hbm>> -> memref<10000x128xf32, #tpu.memory_space<hbm>>
      tpu.wait_indirect_dma semaphore(%arg11 : memref<!tpu.dma_semaphore, #tpu.memory_space<semaphore_mem>>) src(%dma_wait3A_199 : memref<10000x128xf32, #tpu.memory_space<hbm>>) dst(%arg8 : memref<128x128xf32, #tpu.memory_space<vmem>>)
      %run_scoped3A_200 = arith.constant 10 : i32
      "tpu.region"() ({
        %run_scoped3A_269 = tpu.sem_alloc : memref<!tpu.dma_semaphore, #tpu.memory_space<semaphore_mem>>
        %dma_start3A_270 = arith.constant 0 : i32
        %dma_start3A_271 = tpu.memref_slice %arg7[%run_scoped3A_200, %dma_start3A_270] : memref<16x128xi32, #tpu.memory_space<vmem>> -> memref<1x128xi32, #tpu.memory_space<vmem>>
        %dma_start3A_272 = tpu.memref_squeeze %dma_start3A_271 : memref<1x128xi32, #tpu.memory_space<vmem>> -> memref<128xi32, #tpu.memory_space<vmem>>
        %dma_start3A_273 = arith.constant 0 : i32
        %dma_start3A_274 = arith.constant 0 : i32
        %dma_start3A_275 = tpu.memref_slice %arg10[%dma_start3A_273, %dma_start3A_274] : memref<10240x128xf32, #tpu.memory_space<vmem_shared>> -> memref<10240x128xf32, #tpu.memory_space<vmem_shared>>
        tpu.enqueue_indirect_dma source(%arg8 : memref<128x128xf32, #tpu.memory_space<vmem>>) target(%dma_start3A_275 : memref<10240x128xf32, #tpu.memory_space<vmem_shared>>) offsets(%dma_start3A_272 : memref<128xi32, #tpu.memory_space<vmem>>) semaphore(%run_scoped3A_269 : memref<!tpu.dma_semaphore, #tpu.memory_space<semaphore_mem>>) {add = true}
        %dma_wait3A_276 = arith.constant 0 : i32
        %dma_wait3A_277 = tpu.memref_slice %arg7[%run_scoped3A_200, %dma_wait3A_276] : memref<16x128xi32, #tpu.memory_space<vmem>> -> memref<1x128xi32, #tpu.memory_space<vmem>>
        %dma_wait3A_278 = tpu.memref_squeeze %dma_wait3A_277 : memref<1x128xi32, #tpu.memory_space<vmem>> -> memref<128xi32, #tpu.memory_space<vmem>>
        %dma_wait3A_279 = arith.constant 0 : i32
        %dma_wait3A_280 = arith.constant 0 : i32
        %dma_wait3A_281 = tpu.memref_slice %arg10[%dma_wait3A_279, %dma_wait3A_280] : memref<10240x128xf32, #tpu.memory_space<vmem_shared>> -> memref<10240x128xf32, #tpu.memory_space<vmem_shared>>
        tpu.wait_indirect_dma semaphore(%run_scoped3A_269 : memref<!tpu.dma_semaphore, #tpu.memory_space<semaphore_mem>>) src(%arg8 : memref<128x128xf32, #tpu.memory_space<vmem>>) dst(%dma_wait3A_281 : memref<10240x128xf32, #tpu.memory_space<vmem_shared>>)
        tpu.yield
      }) : () -> ()
      %dma_start3A_201 = arith.constant 12 : i32
      %dma_start3A_202 = arith.constant 0 : i32
      %dma_start3A_203 = tpu.memref_slice %arg6[%dma_start3A_201, %dma_start3A_202] : memref<16x128xi32, #tpu.memory_space<vmem>> -> memref<1x128xi32, #tpu.memory_space<vmem>>
      %dma_start3A_204 = tpu.memref_squeeze %dma_start3A_203 : memref<1x128xi32, #tpu.memory_space<vmem>> -> memref<128xi32, #tpu.memory_space<vmem>>
      %dma_start3A_205 = arith.constant 0 : i32
      %dma_start3A_206 = arith.constant 0 : i32
      %dma_start3A_207 = tpu.memref_slice %arg2[%dma_start3A_205, %dma_start3A_206] : memref<10000x128xf32, #tpu.memory_space<hbm>> -> memref<10000x128xf32, #tpu.memory_space<hbm>>
      tpu.enqueue_indirect_dma source(%dma_start3A_207 : memref<10000x128xf32, #tpu.memory_space<hbm>>) target(%arg8 : memref<128x128xf32, #tpu.memory_space<vmem>>) offsets(%dma_start3A_204 : memref<128xi32, #tpu.memory_space<vmem>>) semaphore(%arg11 : memref<!tpu.dma_semaphore, #tpu.memory_space<semaphore_mem>>)
      %dma_wait3A_208 = arith.constant 11 : i32
      %dma_wait3A_209 = arith.constant 0 : i32
      %dma_wait3A_210 = tpu.memref_slice %arg6[%dma_wait3A_208, %dma_wait3A_209] : memref<16x128xi32, #tpu.memory_space<vmem>> -> memref<1x128xi32, #tpu.memory_space<vmem>>
      %dma_wait3A_211 = tpu.memref_squeeze %dma_wait3A_210 : memref<1x128xi32, #tpu.memory_space<vmem>> -> memref<128xi32, #tpu.memory_space<vmem>>
      %dma_wait3A_212 = arith.constant 0 : i32
      %dma_wait3A_213 = arith.constant 0 : i32
      %dma_wait3A_214 = tpu.memref_slice %arg2[%dma_wait3A_212, %dma_wait3A_213] : memref<10000x128xf32, #tpu.memory_space<hbm>> -> memref<10000x128xf32, #tpu.memory_space<hbm>>
      tpu.wait_indirect_dma semaphore(%arg12 : memref<!tpu.dma_semaphore, #tpu.memory_space<semaphore_mem>>) src(%dma_wait3A_214 : memref<10000x128xf32, #tpu.memory_space<hbm>>) dst(%arg9 : memref<128x128xf32, #tpu.memory_space<vmem>>)
      %run_scoped3A_215 = arith.constant 11 : i32
      "tpu.region"() ({
        %run_scoped3A_269 = tpu.sem_alloc : memref<!tpu.dma_semaphore, #tpu.memory_space<semaphore_mem>>
        %dma_start3A_270 = arith.constant 0 : i32
        %dma_start3A_271 = tpu.memref_slice %arg7[%run_scoped3A_215, %dma_start3A_270] : memref<16x128xi32, #tpu.memory_space<vmem>> -> memref<1x128xi32, #tpu.memory_space<vmem>>
        %dma_start3A_272 = tpu.memref_squeeze %dma_start3A_271 : memref<1x128xi32, #tpu.memory_space<vmem>> -> memref<128xi32, #tpu.memory_space<vmem>>
        %dma_start3A_273 = arith.constant 0 : i32
        %dma_start3A_274 = arith.constant 0 : i32
        %dma_start3A_275 = tpu.memref_slice %arg10[%dma_start3A_273, %dma_start3A_274] : memref<10240x128xf32, #tpu.memory_space<vmem_shared>> -> memref<10240x128xf32, #tpu.memory_space<vmem_shared>>
        tpu.enqueue_indirect_dma source(%arg9 : memref<128x128xf32, #tpu.memory_space<vmem>>) target(%dma_start3A_275 : memref<10240x128xf32, #tpu.memory_space<vmem_shared>>) offsets(%dma_start3A_272 : memref<128xi32, #tpu.memory_space<vmem>>) semaphore(%run_scoped3A_269 : memref<!tpu.dma_semaphore, #tpu.memory_space<semaphore_mem>>) {add = true}
        %dma_wait3A_276 = arith.constant 0 : i32
        %dma_wait3A_277 = tpu.memref_slice %arg7[%run_scoped3A_215, %dma_wait3A_276] : memref<16x128xi32, #tpu.memory_space<vmem>> -> memref<1x128xi32, #tpu.memory_space<vmem>>
        %dma_wait3A_278 = tpu.memref_squeeze %dma_wait3A_277 : memref<1x128xi32, #tpu.memory_space<vmem>> -> memref<128xi32, #tpu.memory_space<vmem>>
        %dma_wait3A_279 = arith.constant 0 : i32
        %dma_wait3A_280 = arith.constant 0 : i32
        %dma_wait3A_281 = tpu.memref_slice %arg10[%dma_wait3A_279, %dma_wait3A_280] : memref<10240x128xf32, #tpu.memory_space<vmem_shared>> -> memref<10240x128xf32, #tpu.memory_space<vmem_shared>>
        tpu.wait_indirect_dma semaphore(%run_scoped3A_269 : memref<!tpu.dma_semaphore, #tpu.memory_space<semaphore_mem>>) src(%arg9 : memref<128x128xf32, #tpu.memory_space<vmem>>) dst(%dma_wait3A_281 : memref<10240x128xf32, #tpu.memory_space<vmem_shared>>)
        tpu.yield
      }) : () -> ()
      %dma_start3A_216 = arith.constant 13 : i32
      %dma_start3A_217 = arith.constant 0 : i32
      %dma_start3A_218 = tpu.memref_slice %arg6[%dma_start3A_216, %dma_start3A_217] : memref<16x128xi32, #tpu.memory_space<vmem>> -> memref<1x128xi32, #tpu.memory_space<vmem>>
      %dma_start3A_219 = tpu.memref_squeeze %dma_start3A_218 : memref<1x128xi32, #tpu.memory_space<vmem>> -> memref<128xi32, #tpu.memory_space<vmem>>
      %dma_start3A_220 = arith.constant 0 : i32
      %dma_start3A_221 = arith.constant 0 : i32
      %dma_start3A_222 = tpu.memref_slice %arg2[%dma_start3A_220, %dma_start3A_221] : memref<10000x128xf32, #tpu.memory_space<hbm>> -> memref<10000x128xf32, #tpu.memory_space<hbm>>
      tpu.enqueue_indirect_dma source(%dma_start3A_222 : memref<10000x128xf32, #tpu.memory_space<hbm>>) target(%arg9 : memref<128x128xf32, #tpu.memory_space<vmem>>) offsets(%dma_start3A_219 : memref<128xi32, #tpu.memory_space<vmem>>) semaphore(%arg12 : memref<!tpu.dma_semaphore, #tpu.memory_space<semaphore_mem>>)
      %dma_wait3A_223 = arith.constant 12 : i32
      %dma_wait3A_224 = arith.constant 0 : i32
      %dma_wait3A_225 = tpu.memref_slice %arg6[%dma_wait3A_223, %dma_wait3A_224] : memref<16x128xi32, #tpu.memory_space<vmem>> -> memref<1x128xi32, #tpu.memory_space<vmem>>
      %dma_wait3A_226 = tpu.memref_squeeze %dma_wait3A_225 : memref<1x128xi32, #tpu.memory_space<vmem>> -> memref<128xi32, #tpu.memory_space<vmem>>
      %dma_wait3A_227 = arith.constant 0 : i32
      %dma_wait3A_228 = arith.constant 0 : i32
      %dma_wait3A_229 = tpu.memref_slice %arg2[%dma_wait3A_227, %dma_wait3A_228] : memref<10000x128xf32, #tpu.memory_space<hbm>> -> memref<10000x128xf32, #tpu.memory_space<hbm>>
      tpu.wait_indirect_dma semaphore(%arg11 : memref<!tpu.dma_semaphore, #tpu.memory_space<semaphore_mem>>) src(%dma_wait3A_229 : memref<10000x128xf32, #tpu.memory_space<hbm>>) dst(%arg8 : memref<128x128xf32, #tpu.memory_space<vmem>>)
      %run_scoped3A_230 = arith.constant 12 : i32
      "tpu.region"() ({
        %run_scoped3A_269 = tpu.sem_alloc : memref<!tpu.dma_semaphore, #tpu.memory_space<semaphore_mem>>
        %dma_start3A_270 = arith.constant 0 : i32
        %dma_start3A_271 = tpu.memref_slice %arg7[%run_scoped3A_230, %dma_start3A_270] : memref<16x128xi32, #tpu.memory_space<vmem>> -> memref<1x128xi32, #tpu.memory_space<vmem>>
        %dma_start3A_272 = tpu.memref_squeeze %dma_start3A_271 : memref<1x128xi32, #tpu.memory_space<vmem>> -> memref<128xi32, #tpu.memory_space<vmem>>
        %dma_start3A_273 = arith.constant 0 : i32
        %dma_start3A_274 = arith.constant 0 : i32
        %dma_start3A_275 = tpu.memref_slice %arg10[%dma_start3A_273, %dma_start3A_274] : memref<10240x128xf32, #tpu.memory_space<vmem_shared>> -> memref<10240x128xf32, #tpu.memory_space<vmem_shared>>
        tpu.enqueue_indirect_dma source(%arg8 : memref<128x128xf32, #tpu.memory_space<vmem>>) target(%dma_start3A_275 : memref<10240x128xf32, #tpu.memory_space<vmem_shared>>) offsets(%dma_start3A_272 : memref<128xi32, #tpu.memory_space<vmem>>) semaphore(%run_scoped3A_269 : memref<!tpu.dma_semaphore, #tpu.memory_space<semaphore_mem>>) {add = true}
        %dma_wait3A_276 = arith.constant 0 : i32
        %dma_wait3A_277 = tpu.memref_slice %arg7[%run_scoped3A_230, %dma_wait3A_276] : memref<16x128xi32, #tpu.memory_space<vmem>> -> memref<1x128xi32, #tpu.memory_space<vmem>>
        %dma_wait3A_278 = tpu.memref_squeeze %dma_wait3A_277 : memref<1x128xi32, #tpu.memory_space<vmem>> -> memref<128xi32, #tpu.memory_space<vmem>>
        %dma_wait3A_279 = arith.constant 0 : i32
        %dma_wait3A_280 = arith.constant 0 : i32
        %dma_wait3A_281 = tpu.memref_slice %arg10[%dma_wait3A_279, %dma_wait3A_280] : memref<10240x128xf32, #tpu.memory_space<vmem_shared>> -> memref<10240x128xf32, #tpu.memory_space<vmem_shared>>
        tpu.wait_indirect_dma semaphore(%run_scoped3A_269 : memref<!tpu.dma_semaphore, #tpu.memory_space<semaphore_mem>>) src(%arg8 : memref<128x128xf32, #tpu.memory_space<vmem>>) dst(%dma_wait3A_281 : memref<10240x128xf32, #tpu.memory_space<vmem_shared>>)
        tpu.yield
      }) : () -> ()
      %dma_start3A_231 = arith.constant 14 : i32
      %dma_start3A_232 = arith.constant 0 : i32
      %dma_start3A_233 = tpu.memref_slice %arg6[%dma_start3A_231, %dma_start3A_232] : memref<16x128xi32, #tpu.memory_space<vmem>> -> memref<1x128xi32, #tpu.memory_space<vmem>>
      %dma_start3A_234 = tpu.memref_squeeze %dma_start3A_233 : memref<1x128xi32, #tpu.memory_space<vmem>> -> memref<128xi32, #tpu.memory_space<vmem>>
      %dma_start3A_235 = arith.constant 0 : i32
      %dma_start3A_236 = arith.constant 0 : i32
      %dma_start3A_237 = tpu.memref_slice %arg2[%dma_start3A_235, %dma_start3A_236] : memref<10000x128xf32, #tpu.memory_space<hbm>> -> memref<10000x128xf32, #tpu.memory_space<hbm>>
      tpu.enqueue_indirect_dma source(%dma_start3A_237 : memref<10000x128xf32, #tpu.memory_space<hbm>>) target(%arg8 : memref<128x128xf32, #tpu.memory_space<vmem>>) offsets(%dma_start3A_234 : memref<128xi32, #tpu.memory_space<vmem>>) semaphore(%arg11 : memref<!tpu.dma_semaphore, #tpu.memory_space<semaphore_mem>>)
      %dma_wait3A_238 = arith.constant 13 : i32
      %dma_wait3A_239 = arith.constant 0 : i32
      %dma_wait3A_240 = tpu.memref_slice %arg6[%dma_wait3A_238, %dma_wait3A_239] : memref<16x128xi32, #tpu.memory_space<vmem>> -> memref<1x128xi32, #tpu.memory_space<vmem>>
      %dma_wait3A_241 = tpu.memref_squeeze %dma_wait3A_240 : memref<1x128xi32, #tpu.memory_space<vmem>> -> memref<128xi32, #tpu.memory_space<vmem>>
      %dma_wait3A_242 = arith.constant 0 : i32
      %dma_wait3A_243 = arith.constant 0 : i32
      %dma_wait3A_244 = tpu.memref_slice %arg2[%dma_wait3A_242, %dma_wait3A_243] : memref<10000x128xf32, #tpu.memory_space<hbm>> -> memref<10000x128xf32, #tpu.memory_space<hbm>>
      tpu.wait_indirect_dma semaphore(%arg12 : memref<!tpu.dma_semaphore, #tpu.memory_space<semaphore_mem>>) src(%dma_wait3A_244 : memref<10000x128xf32, #tpu.memory_space<hbm>>) dst(%arg9 : memref<128x128xf32, #tpu.memory_space<vmem>>)
      %run_scoped3A_245 = arith.constant 13 : i32
      "tpu.region"() ({
        %run_scoped3A_269 = tpu.sem_alloc : memref<!tpu.dma_semaphore, #tpu.memory_space<semaphore_mem>>
        %dma_start3A_270 = arith.constant 0 : i32
        %dma_start3A_271 = tpu.memref_slice %arg7[%run_scoped3A_245, %dma_start3A_270] : memref<16x128xi32, #tpu.memory_space<vmem>> -> memref<1x128xi32, #tpu.memory_space<vmem>>
        %dma_start3A_272 = tpu.memref_squeeze %dma_start3A_271 : memref<1x128xi32, #tpu.memory_space<vmem>> -> memref<128xi32, #tpu.memory_space<vmem>>
        %dma_start3A_273 = arith.constant 0 : i32
        %dma_start3A_274 = arith.constant 0 : i32
        %dma_start3A_275 = tpu.memref_slice %arg10[%dma_start3A_273, %dma_start3A_274] : memref<10240x128xf32, #tpu.memory_space<vmem_shared>> -> memref<10240x128xf32, #tpu.memory_space<vmem_shared>>
        tpu.enqueue_indirect_dma source(%arg9 : memref<128x128xf32, #tpu.memory_space<vmem>>) target(%dma_start3A_275 : memref<10240x128xf32, #tpu.memory_space<vmem_shared>>) offsets(%dma_start3A_272 : memref<128xi32, #tpu.memory_space<vmem>>) semaphore(%run_scoped3A_269 : memref<!tpu.dma_semaphore, #tpu.memory_space<semaphore_mem>>) {add = true}
        %dma_wait3A_276 = arith.constant 0 : i32
        %dma_wait3A_277 = tpu.memref_slice %arg7[%run_scoped3A_245, %dma_wait3A_276] : memref<16x128xi32, #tpu.memory_space<vmem>> -> memref<1x128xi32, #tpu.memory_space<vmem>>
        %dma_wait3A_278 = tpu.memref_squeeze %dma_wait3A_277 : memref<1x128xi32, #tpu.memory_space<vmem>> -> memref<128xi32, #tpu.memory_space<vmem>>
        %dma_wait3A_279 = arith.constant 0 : i32
        %dma_wait3A_280 = arith.constant 0 : i32
        %dma_wait3A_281 = tpu.memref_slice %arg10[%dma_wait3A_279, %dma_wait3A_280] : memref<10240x128xf32, #tpu.memory_space<vmem_shared>> -> memref<10240x128xf32, #tpu.memory_space<vmem_shared>>
        tpu.wait_indirect_dma semaphore(%run_scoped3A_269 : memref<!tpu.dma_semaphore, #tpu.memory_space<semaphore_mem>>) src(%arg9 : memref<128x128xf32, #tpu.memory_space<vmem>>) dst(%dma_wait3A_281 : memref<10240x128xf32, #tpu.memory_space<vmem_shared>>)
        tpu.yield
      }) : () -> ()
      %dma_start3A_246 = arith.constant 15 : i32
      %dma_start3A_247 = arith.constant 0 : i32
      %dma_start3A_248 = tpu.memref_slice %arg6[%dma_start3A_246, %dma_start3A_247] : memref<16x128xi32, #tpu.memory_space<vmem>> -> memref<1x128xi32, #tpu.memory_space<vmem>>
      %dma_start3A_249 = tpu.memref_squeeze %dma_start3A_248 : memref<1x128xi32, #tpu.memory_space<vmem>> -> memref<128xi32, #tpu.memory_space<vmem>>
      %dma_start3A_250 = arith.constant 0 : i32
      %dma_start3A_251 = arith.constant 0 : i32
      %dma_start3A_252 = tpu.memref_slice %arg2[%dma_start3A_250, %dma_start3A_251] : memref<10000x128xf32, #tpu.memory_space<hbm>> -> memref<10000x128xf32, #tpu.memory_space<hbm>>
      tpu.enqueue_indirect_dma source(%dma_start3A_252 : memref<10000x128xf32, #tpu.memory_space<hbm>>) target(%arg9 : memref<128x128xf32, #tpu.memory_space<vmem>>) offsets(%dma_start3A_249 : memref<128xi32, #tpu.memory_space<vmem>>) semaphore(%arg12 : memref<!tpu.dma_semaphore, #tpu.memory_space<semaphore_mem>>)
      %dma_wait3A_253 = arith.constant 14 : i32
      %dma_wait3A_254 = arith.constant 0 : i32
      %dma_wait3A_255 = tpu.memref_slice %arg6[%dma_wait3A_253, %dma_wait3A_254] : memref<16x128xi32, #tpu.memory_space<vmem>> -> memref<1x128xi32, #tpu.memory_space<vmem>>
      %dma_wait3A_256 = tpu.memref_squeeze %dma_wait3A_255 : memref<1x128xi32, #tpu.memory_space<vmem>> -> memref<128xi32, #tpu.memory_space<vmem>>
      %dma_wait3A_257 = arith.constant 0 : i32
      %dma_wait3A_258 = arith.constant 0 : i32
      %dma_wait3A_259 = tpu.memref_slice %arg2[%dma_wait3A_257, %dma_wait3A_258] : memref<10000x128xf32, #tpu.memory_space<hbm>> -> memref<10000x128xf32, #tpu.memory_space<hbm>>
      tpu.wait_indirect_dma semaphore(%arg11 : memref<!tpu.dma_semaphore, #tpu.memory_space<semaphore_mem>>) src(%dma_wait3A_259 : memref<10000x128xf32, #tpu.memory_space<hbm>>) dst(%arg8 : memref<128x128xf32, #tpu.memory_space<vmem>>)
      %run_scoped3A_260 = arith.constant 14 : i32
      "tpu.region"() ({
        %run_scoped3A_269 = tpu.sem_alloc : memref<!tpu.dma_semaphore, #tpu.memory_space<semaphore_mem>>
        %dma_start3A_270 = arith.constant 0 : i32
        %dma_start3A_271 = tpu.memref_slice %arg7[%run_scoped3A_260, %dma_start3A_270] : memref<16x128xi32, #tpu.memory_space<vmem>> -> memref<1x128xi32, #tpu.memory_space<vmem>>
        %dma_start3A_272 = tpu.memref_squeeze %dma_start3A_271 : memref<1x128xi32, #tpu.memory_space<vmem>> -> memref<128xi32, #tpu.memory_space<vmem>>
        %dma_start3A_273 = arith.constant 0 : i32
        %dma_start3A_274 = arith.constant 0 : i32
        %dma_start3A_275 = tpu.memref_slice %arg10[%dma_start3A_273, %dma_start3A_274] : memref<10240x128xf32, #tpu.memory_space<vmem_shared>> -> memref<10240x128xf32, #tpu.memory_space<vmem_shared>>
        tpu.enqueue_indirect_dma source(%arg8 : memref<128x128xf32, #tpu.memory_space<vmem>>) target(%dma_start3A_275 : memref<10240x128xf32, #tpu.memory_space<vmem_shared>>) offsets(%dma_start3A_272 : memref<128xi32, #tpu.memory_space<vmem>>) semaphore(%run_scoped3A_269 : memref<!tpu.dma_semaphore, #tpu.memory_space<semaphore_mem>>) {add = true}
        %dma_wait3A_276 = arith.constant 0 : i32
        %dma_wait3A_277 = tpu.memref_slice %arg7[%run_scoped3A_260, %dma_wait3A_276] : memref<16x128xi32, #tpu.memory_space<vmem>> -> memref<1x128xi32, #tpu.memory_space<vmem>>
        %dma_wait3A_278 = tpu.memref_squeeze %dma_wait3A_277 : memref<1x128xi32, #tpu.memory_space<vmem>> -> memref<128xi32, #tpu.memory_space<vmem>>
        %dma_wait3A_279 = arith.constant 0 : i32
        %dma_wait3A_280 = arith.constant 0 : i32
        %dma_wait3A_281 = tpu.memref_slice %arg10[%dma_wait3A_279, %dma_wait3A_280] : memref<10240x128xf32, #tpu.memory_space<vmem_shared>> -> memref<10240x128xf32, #tpu.memory_space<vmem_shared>>
        tpu.wait_indirect_dma semaphore(%run_scoped3A_269 : memref<!tpu.dma_semaphore, #tpu.memory_space<semaphore_mem>>) src(%arg8 : memref<128x128xf32, #tpu.memory_space<vmem>>) dst(%dma_wait3A_281 : memref<10240x128xf32, #tpu.memory_space<vmem_shared>>)
        tpu.yield
      }) : () -> ()
      %dma_wait3A_261 = arith.constant 15 : i32
      %dma_wait3A_262 = arith.constant 0 : i32
      %dma_wait3A_263 = tpu.memref_slice %arg6[%dma_wait3A_261, %dma_wait3A_262] : memref<16x128xi32, #tpu.memory_space<vmem>> -> memref<1x128xi32, #tpu.memory_space<vmem>>
      %dma_wait3A_264 = tpu.memref_squeeze %dma_wait3A_263 : memref<1x128xi32, #tpu.memory_space<vmem>> -> memref<128xi32, #tpu.memory_space<vmem>>
      %dma_wait3A_265 = arith.constant 0 : i32
      %dma_wait3A_266 = arith.constant 0 : i32
      %dma_wait3A_267 = tpu.memref_slice %arg2[%dma_wait3A_265, %dma_wait3A_266] : memref<10000x128xf32, #tpu.memory_space<hbm>> -> memref<10000x128xf32, #tpu.memory_space<hbm>>
      tpu.wait_indirect_dma semaphore(%arg12 : memref<!tpu.dma_semaphore, #tpu.memory_space<semaphore_mem>>) src(%dma_wait3A_267 : memref<10000x128xf32, #tpu.memory_space<hbm>>) dst(%arg9 : memref<128x128xf32, #tpu.memory_space<vmem>>)
      %run_scoped3A_268 = arith.constant 15 : i32
      "tpu.region"() ({
        %run_scoped3A_269 = tpu.sem_alloc : memref<!tpu.dma_semaphore, #tpu.memory_space<semaphore_mem>>
        %dma_start3A_270 = arith.constant 0 : i32
        %dma_start3A_271 = tpu.memref_slice %arg7[%run_scoped3A_268, %dma_start3A_270] : memref<16x128xi32, #tpu.memory_space<vmem>> -> memref<1x128xi32, #tpu.memory_space<vmem>>
        %dma_start3A_272 = tpu.memref_squeeze %dma_start3A_271 : memref<1x128xi32, #tpu.memory_space<vmem>> -> memref<128xi32, #tpu.memory_space<vmem>>
        %dma_start3A_273 = arith.constant 0 : i32
        %dma_start3A_274 = arith.constant 0 : i32
        %dma_start3A_275 = tpu.memref_slice %arg10[%dma_start3A_273, %dma_start3A_274] : memref<10240x128xf32, #tpu.memory_space<vmem_shared>> -> memref<10240x128xf32, #tpu.memory_space<vmem_shared>>
        tpu.enqueue_indirect_dma source(%arg9 : memref<128x128xf32, #tpu.memory_space<vmem>>) target(%dma_start3A_275 : memref<10240x128xf32, #tpu.memory_space<vmem_shared>>) offsets(%dma_start3A_272 : memref<128xi32, #tpu.memory_space<vmem>>) semaphore(%run_scoped3A_269 : memref<!tpu.dma_semaphore, #tpu.memory_space<semaphore_mem>>) {add = true}
        %dma_wait3A_276 = arith.constant 0 : i32
        %dma_wait3A_277 = tpu.memref_slice %arg7[%run_scoped3A_268, %dma_wait3A_276] : memref<16x128xi32, #tpu.memory_space<vmem>> -> memref<1x128xi32, #tpu.memory_space<vmem>>
        %dma_wait3A_278 = tpu.memref_squeeze %dma_wait3A_277 : memref<1x128xi32, #tpu.memory_space<vmem>> -> memref<128xi32, #tpu.memory_space<vmem>>
        %dma_wait3A_279 = arith.constant 0 : i32
        %dma_wait3A_280 = arith.constant 0 : i32
        %dma_wait3A_281 = tpu.memref_slice %arg10[%dma_wait3A_279, %dma_wait3A_280] : memref<10240x128xf32, #tpu.memory_space<vmem_shared>> -> memref<10240x128xf32, #tpu.memory_space<vmem_shared>>
        tpu.wait_indirect_dma semaphore(%run_scoped3A_269 : memref<!tpu.dma_semaphore, #tpu.memory_space<semaphore_mem>>) src(%arg9 : memref<128x128xf32, #tpu.memory_space<vmem>>) dst(%dma_wait3A_281 : memref<10240x128xf32, #tpu.memory_space<vmem_shared>>)
        tpu.yield
      }) : () -> ()
    }
    %scan3A_15 = arith.constant 5 : i32
    %barrier3A_16 = arith.constant 0 : index
    tpu.barrier barrier_id(%barrier3A_16)
    %scan3A_17 = arith.constant 0 : i32
    %scan3A_18 = arith.constant 5 : i32
    %scan3A_19 = arith.addi %scan3A_17, %scan3A_18 : i32
    %scan3A_20 = arith.constant 1 : i32
    scf.for %scan3A_22 = %scan3A_17 to %scan3A_19 step %scan3A_20  : i32 {
      %mul3A_23 = arith.constant 128 : i32
      %mul3A_24 = arith.muli %scan3A_22, %mul3A_23 : i32
      %add3A_25 = arith.constant 0 : i32
      %add3A_26 = arith.addi %add3A_25, %mul3A_24 : i32
      %mul3A_27 = arith.constant 640 : i32
      %mul3A_28 = arith.muli %arg1, %mul3A_27 : i32
      %add3A_29 = arith.addi %mul3A_28, %add3A_26 : i32
      "tpu.region"() ({
        %run_scoped3A = tpu.sem_alloc : memref<!tpu.dma_semaphore, #tpu.memory_space<semaphore_mem>>
        %dma_start3A = arith.constant 0 : i32
        %dma_start3A_30 = arith.constant 0 : i32
        %dma_start3A_31 = tpu.memref_slice %arg5[%arg0, %dma_start3A, %dma_start3A_30] : memref<2x10240x128xf32, #tpu.memory_space<hbm>> -> memref<1x10240x128xf32, #tpu.memory_space<hbm>>
        %dma_start3A_32 = tpu.memref_squeeze %dma_start3A_31 : memref<1x10240x128xf32, #tpu.memory_space<hbm>> -> memref<10240x128xf32, #tpu.memory_space<hbm>>
        %dma_start3A_33 = arith.constant 0 : i32
        %dma_start3A_34 = tpu.memref_slice %dma_start3A_32[%add3A_29, %dma_start3A_33] : memref<10240x128xf32, #tpu.memory_space<hbm>> -> memref<128x128xf32, #tpu.memory_space<hbm>>
        %dma_start3A_35 = arith.constant 0 : i32
        %dma_start3A_36 = tpu.memref_slice %arg10[%add3A_29, %dma_start3A_35] : memref<10240x128xf32, #tpu.memory_space<vmem_shared>> -> memref<128x128xf32, #tpu.memory_space<vmem_shared>>
        tpu.enqueue_dma source(%dma_start3A_36 : memref<128x128xf32, #tpu.memory_space<vmem_shared>>) target(%dma_start3A_34 : memref<128x128xf32, #tpu.memory_space<hbm>>) target_semaphore(%run_scoped3A : memref<!tpu.dma_semaphore, #tpu.memory_space<semaphore_mem>>)
        %dma_wait3A = arith.constant 0 : i32
        %dma_wait3A_37 = arith.constant 0 : i32
        %dma_wait3A_38 = tpu.memref_slice %arg5[%arg0, %dma_wait3A, %dma_wait3A_37] : memref<2x10240x128xf32, #tpu.memory_space<hbm>> -> memref<1x10240x128xf32, #tpu.memory_space<hbm>>
        %dma_wait3A_39 = tpu.memref_squeeze %dma_wait3A_38 : memref<1x10240x128xf32, #tpu.memory_space<hbm>> -> memref<10240x128xf32, #tpu.memory_space<hbm>>
        %dma_wait3A_40 = arith.constant 0 : i32
        %dma_wait3A_41 = tpu.memref_slice %dma_wait3A_39[%add3A_29, %dma_wait3A_40] : memref<10240x128xf32, #tpu.memory_space<hbm>> -> memref<128x128xf32, #tpu.memory_space<hbm>>
        %dma_wait3A_42 = arith.constant 0 : i32
        %dma_wait3A_43 = tpu.memref_slice %arg10[%add3A_29, %dma_wait3A_42] : memref<10240x128xf32, #tpu.memory_space<vmem_shared>> -> memref<128x128xf32, #tpu.memory_space<vmem_shared>>
        tpu.wait_dma2 semaphore(%run_scoped3A : memref<!tpu.dma_semaphore, #tpu.memory_space<semaphore_mem>>) src(%dma_wait3A_43 : memref<128x128xf32, #tpu.memory_space<vmem_shared>>) dst(%dma_wait3A_41 : memref<128x128xf32, #tpu.memory_space<hbm>>)
        tpu.yield
      }) : () -> ()
    }
    %scan3A_21 = arith.constant 5 : i32
    return
  }
}

#map = affine_map<(d0, d1) -> (0, 0)>
#map1 = affine_map<(d0, d1) -> (0, 0, 0)>
module attributes {stable_mosaic.version = 14 : i64} {
  func.func @k(%arg0: i32, %arg1: i32, %arg2: memref<10000x128xf32, #tpu.memory_space<hbm>>, %arg3: memref<2560x128xi32, #tpu.memory_space<hbm>>, %arg4: memref<2560x128xi32, #tpu.memory_space<hbm>>, %arg5: memref<2x10240x128xf32, #tpu.memory_space<hbm>>, %arg6: memref<16x128xi32, #tpu.memory_space<vmem>>, %arg7: memref<16x128xi32, #tpu.memory_space<vmem>>, %arg8: memref<128x128xf32, #tpu.memory_space<vmem>>, %arg9: memref<128x128xf32, #tpu.memory_space<vmem>>, %arg10: memref<10240x128xf32, #tpu.memory_space<vmem_shared>>, %arg11: memref<!tpu.dma_semaphore, #tpu.memory_space<semaphore_mem>>, %arg12: memref<!tpu.dma_semaphore, #tpu.memory_space<semaphore_mem>>, %arg13: memref<!tpu.dma_semaphore, #tpu.memory_space<semaphore_mem>>, %arg14: memref<!tpu.dma_semaphore, #tpu.memory_space<semaphore_mem>>) attributes {dimension_semantics = [#tpu.dimension_semantics<core_parallel>, #tpu.dimension_semantics<subcore_parallel>], iteration_bounds = array<i64: 2, 16>, scalar_prefetch = 0 : i64, scratch_operands = 9 : i64, tpu.core_type = #tpu.core_type<sc_vector_subcore>, window_params = [{transform_indices = #map}, {transform_indices = #map}, {transform_indices = #map}, {transform_indices = #map1}]} {
    %mul3A = arith.constant 16 : i32
    %mul3A_0 = arith.muli %arg0, %mul3A : i32
    %add3A = arith.addi %mul3A_0, %arg1 : i32
    %broadcast_in_dim3A = arith.constant 0.000000e+00 : f32
    %broadcast_in_dim3A_1 = vector.broadcast %broadcast_in_dim3A : f32 to vector<16xf32>
    %scan3A = arith.constant 0 : i32
    %scan3A_2 = arith.constant 128 : i32
    %scan3A_3 = arith.addi %scan3A, %scan3A_2 : i32
    %scan3A_4 = arith.constant 1 : i32
    scf.for %scan3A_22 = %scan3A to %scan3A_3 step %scan3A_4  : i32 {
      %mul3A_23 = arith.constant 1 : i32
      %mul3A_24 = arith.muli %scan3A_22, %mul3A_23 : i32
      %add3A_25 = arith.constant 0 : i32
      %add3A_26 = arith.addi %add3A_25, %mul3A_24 : i32
      %scan3A_27 = arith.constant 0 : i32
      %scan3A_28 = arith.constant 8 : i32
      %scan3A_29 = arith.addi %scan3A_27, %scan3A_28 : i32
      %scan3A_30 = arith.constant 1 : i32
      scf.for %scan3A_32 = %scan3A_27 to %scan3A_29 step %scan3A_30  : i32 {
        %mul3A_33 = arith.constant 16 : i32
        %mul3A_34 = arith.muli %scan3A_32, %mul3A_33 : i32
        %add3A_35 = arith.constant 0 : i32
        %add3A_36 = arith.addi %add3A_35, %mul3A_34 : i32
        %swap3A = arith.index_cast %add3A_26 : i32 to index
        %swap3A_37 = arith.index_cast %add3A_36 : i32 to index
        %swap3A_38 = tpu.vector_load %arg8[%swap3A, %swap3A_37] {strides = array<i32>} : memref<128x128xf32, #tpu.memory_space<vmem>>, vector<1x16xf32>,
        %swap3A_39 = vector.shape_cast %swap3A_38 : vector<1x16xf32> to vector<16xf32>
        %swap3A_40 = vector.shape_cast %broadcast_in_dim3A_1 : vector<16xf32> to vector<1x16xf32>
        tpu.vector_store %arg8[%swap3A, %swap3A_37], %swap3A_40 {strides = array<i32>} : memref<128x128xf32, #tpu.memory_space<vmem>>, vector<1x16xf32>,
      }
      %scan3A_31 = arith.constant 8 : i32
    }
    %scan3A_5 = arith.constant 128 : i32
    %scan3A_6 = arith.constant 0 : i32
    %scan3A_7 = arith.constant 5 : i32
    %scan3A_8 = arith.addi %scan3A_6, %scan3A_7 : i32
    %scan3A_9 = arith.constant 1 : i32
    scf.for %scan3A_22 = %scan3A_6 to %scan3A_8 step %scan3A_9  : i32 {
      %mul3A_23 = arith.constant 128 : i32
      %mul3A_24 = arith.muli %scan3A_22, %mul3A_23 : i32
      %add3A_25 = arith.constant 0 : i32
      %add3A_26 = arith.addi %add3A_25, %mul3A_24 : i32
      %mul3A_27 = arith.constant 640 : i32
      %mul3A_28 = arith.muli %arg1, %mul3A_27 : i32
      %add3A_29 = arith.addi %mul3A_28, %add3A_26 : i32
      "tpu.region"() ({
        %run_scoped3A = tpu.sem_alloc : memref<!tpu.dma_semaphore, #tpu.memory_space<semaphore_mem>>
        %dma_start3A = arith.constant 0 : i32
        %dma_start3A_30 = tpu.memref_slice %arg10[%add3A_29, %dma_start3A] : memref<10240x128xf32, #tpu.memory_space<vmem_shared>> -> memref<128x128xf32, #tpu.memory_space<vmem_shared>>
        %dma_start3A_31 = arith.constant 0 : i32
        %dma_start3A_32 = tpu.memref_slice %arg10[%add3A_29, %dma_start3A_31] : memref<10240x128xf32, #tpu.memory_space<vmem_shared>> -> memref<128x128xf32, #tpu.memory_space<vmem_shared>>
        tpu.enqueue_dma source(%arg8 : memref<128x128xf32, #tpu.memory_space<vmem>>) target(%dma_start3A_32 : memref<128x128xf32, #tpu.memory_space<vmem_shared>>) target_semaphore(%run_scoped3A : memref<!tpu.dma_semaphore, #tpu.memory_space<semaphore_mem>>)
        %dma_wait3A = arith.constant 0 : i32
        %dma_wait3A_33 = tpu.memref_slice %arg10[%add3A_29, %dma_wait3A] : memref<10240x128xf32, #tpu.memory_space<vmem_shared>> -> memref<128x128xf32, #tpu.memory_space<vmem_shared>>
        %dma_wait3A_34 = arith.constant 0 : i32
        %dma_wait3A_35 = tpu.memref_slice %arg10[%add3A_29, %dma_wait3A_34] : memref<10240x128xf32, #tpu.memory_space<vmem_shared>> -> memref<128x128xf32, #tpu.memory_space<vmem_shared>>
        tpu.wait_dma2 semaphore(%run_scoped3A : memref<!tpu.dma_semaphore, #tpu.memory_space<semaphore_mem>>) src(%arg8 : memref<128x128xf32, #tpu.memory_space<vmem>>) dst(%dma_wait3A_35 : memref<128x128xf32, #tpu.memory_space<vmem_shared>>)
        tpu.yield
      }) : () -> ()
    }
    %scan3A_10 = arith.constant 5 : i32
    %barrier3A = arith.constant 0 : index
    tpu.barrier barrier_id(%barrier3A)
    %scan3A_11 = arith.constant 0 : i32
    %scan3A_12 = arith.constant 5 : i32
    %scan3A_13 = arith.addi %scan3A_11, %scan3A_12 : i32
    %scan3A_14 = arith.constant 1 : i32
    scf.for %scan3A_22 = %scan3A_11 to %scan3A_13 step %scan3A_14  : i32 {
      %mul3A_23 = arith.constant 1 : i32
      %mul3A_24 = arith.muli %scan3A_22, %mul3A_23 : i32
      %add3A_25 = arith.constant 0 : i32
      %add3A_26 = arith.addi %add3A_25, %mul3A_24 : i32
      %mul3A_27 = arith.constant 5 : i32
      %mul3A_28 = arith.muli %add3A, %mul3A_27 : i32
      %add3A_29 = arith.addi %mul3A_28, %add3A_26 : i32
      %mul3A_30 = arith.constant 16 : i32
      %mul3A_31 = arith.muli %add3A_29, %mul3A_30 : i32
      "tpu.region"() ({
        %run_scoped3A_269 = tpu.sem_alloc : memref<!tpu.dma_semaphore, #tpu.memory_space<semaphore_mem>>
        %dma_start3A_270 = arith.constant 0 : i32
        %dma_start3A_271 = tpu.memref_slice %arg3[%mul3A_31, %dma_start3A_270] : memref<2560x128xi32, #tpu.memory_space<hbm>> -> memref<16x128xi32, #tpu.memory_space<hbm>>
        %dma_start3A_272 = arith.constant 0 : i32
        %dma_start3A_273 = tpu.memref_slice %arg3[%mul3A_31, %dma_start3A_272] : memref<2560x128xi32, #tpu.memory_space<hbm>> -> memref<16x128xi32, #tpu.memory_space<hbm>>
        tpu.enqueue_dma source(%dma_start3A_273 : memref<16x128xi32, #tpu.memory_space<hbm>>) target(%arg6 : memref<16x128xi32, #tpu.memory_space<vmem>>) target_semaphore(%run_scoped3A_269 : memref<!tpu.dma_semaphore, #tpu.memory_space<semaphore_mem>>)
        %dma_wait3A_274 = arith.constant 0 : i32
        %dma_wait3A_275 = tpu.memref_slice %arg3[%mul3A_31, %dma_wait3A_274] : memref<2560x128xi32, #tpu.memory_space<hbm>> -> memref<16x128xi32, #tpu.memory_space<hbm>>
        %dma_wait3A_276 = arith.constant 0 : i32
        %dma_wait3A_277 = tpu.memref_slice %arg3[%mul3A_31, %dma_wait3A_276] : memref<2560x128xi32, #tpu.memory_space<hbm>> -> memref<16x128xi32, #tpu.memory_space<hbm>>
        tpu.wait_dma2 semaphore(%run_scoped3A_269 : memref<!tpu.dma_semaphore, #tpu.memory_space<semaphore_mem>>) src(%dma_wait3A_277 : memref<16x128xi32, #tpu.memory_space<hbm>>) dst(%arg6 : memref<16x128xi32, #tpu.memory_space<vmem>>)
        tpu.yield
      }) : () -> ()
      "tpu.region"() ({
        %run_scoped3A_269 = tpu.sem_alloc : memref<!tpu.dma_semaphore, #tpu.memory_space<semaphore_mem>>
        %dma_start3A_270 = arith.constant 0 : i32
        %dma_start3A_271 = tpu.memref_slice %arg4[%mul3A_31, %dma_start3A_270] : memref<2560x128xi32, #tpu.memory_space<hbm>> -> memref<16x128xi32, #tpu.memory_space<hbm>>
        %dma_start3A_272 = arith.constant 0 : i32
        %dma_start3A_273 = tpu.memref_slice %arg4[%mul3A_31, %dma_start3A_272] : memref<2560x128xi32, #tpu.memory_space<hbm>> -> memref<16x128xi32, #tpu.memory_space<hbm>>
        tpu.enqueue_dma source(%dma_start3A_273 : memref<16x128xi32, #tpu.memory_space<hbm>>) target(%arg7 : memref<16x128xi32, #tpu.memory_space<vmem>>) target_semaphore(%run_scoped3A_269 : memref<!tpu.dma_semaphore, #tpu.memory_space<semaphore_mem>>)
        %dma_wait3A_274 = arith.constant 0 : i32
        %dma_wait3A_275 = tpu.memref_slice %arg4[%mul3A_31, %dma_wait3A_274] : memref<2560x128xi32, #tpu.memory_space<hbm>> -> memref<16x128xi32, #tpu.memory_space<hbm>>
        %dma_wait3A_276 = arith.constant 0 : i32
        %dma_wait3A_277 = tpu.memref_slice %arg4[%mul3A_31, %dma_wait3A_276] : memref<2560x128xi32, #tpu.memory_space<hbm>> -> memref<16x128xi32, #tpu.memory_space<hbm>>
        tpu.wait_dma2 semaphore(%run_scoped3A_269 : memref<!tpu.dma_semaphore, #tpu.memory_space<semaphore_mem>>) src(%dma_wait3A_277 : memref<16x128xi32, #tpu.memory_space<hbm>>) dst(%arg7 : memref<16x128xi32, #tpu.memory_space<vmem>>)
        tpu.yield
      }) : () -> ()
      %dma_start3A = arith.constant 0 : i32
      %dma_start3A_32 = arith.constant 0 : i32
      %dma_start3A_33 = tpu.memref_slice %arg6[%dma_start3A, %dma_start3A_32] : memref<16x128xi32, #tpu.memory_space<vmem>> -> memref<1x128xi32, #tpu.memory_space<vmem>>
      %dma_start3A_34 = tpu.memref_squeeze %dma_start3A_33 : memref<1x128xi32, #tpu.memory_space<vmem>> -> memref<128xi32, #tpu.memory_space<vmem>>
      %dma_start3A_35 = arith.constant 0 : i32
      %dma_start3A_36 = arith.constant 0 : i32
      %dma_start3A_37 = tpu.memref_slice %arg2[%dma_start3A_35, %dma_start3A_36] : memref<10000x128xf32, #tpu.memory_space<hbm>> -> memref<10000x128xf32, #tpu.memory_space<hbm>>
      tpu.enqueue_indirect_dma source(%dma_start3A_37 : memref<10000x128xf32, #tpu.memory_space<hbm>>) target(%arg8 : memref<128x128xf32, #tpu.memory_space<vmem>>) offsets(%dma_start3A_34 : memref<128xi32, #tpu.memory_space<vmem>>) semaphore(%arg11 : memref<!tpu.dma_semaphore, #tpu.memory_space<semaphore_mem>>)
      %dma_start3A_38 = arith.constant 1 : i32
      %dma_start3A_39 = arith.constant 0 : i32
      %dma_start3A_40 = tpu.memref_slice %arg6[%dma_start3A_38, %dma_start3A_39] : memref<16x128xi32, #tpu.memory_space<vmem>> -> memref<1x128xi32, #tpu.memory_space<vmem>>
      %dma_start3A_41 = tpu.memref_squeeze %dma_start3A_40 : memref<1x128xi32, #tpu.memory_space<vmem>> -> memref<128xi32, #tpu.memory_space<vmem>>
      %dma_start3A_42 = arith.constant 0 : i32
      %dma_start3A_43 = arith.constant 0 : i32
      %dma_start3A_44 = tpu.memref_slice %arg2[%dma_start3A_42, %dma_start3A_43] : memref<10000x128xf32, #tpu.memory_space<hbm>> -> memref<10000x128xf32, #tpu.memory_space<hbm>>
      tpu.enqueue_indirect_dma source(%dma_start3A_44 : memref<10000x128xf32, #tpu.memory_space<hbm>>) target(%arg9 : memref<128x128xf32, #tpu.memory_space<vmem>>) offsets(%dma_start3A_41 : memref<128xi32, #tpu.memory_space<vmem>>) semaphore(%arg12 : memref<!tpu.dma_semaphore, #tpu.memory_space<semaphore_mem>>)
      %dma_wait3A = arith.constant 0 : i32
      %dma_wait3A_45 = arith.constant 0 : i32
      %dma_wait3A_46 = tpu.memref_slice %arg6[%dma_wait3A, %dma_wait3A_45] : memref<16x128xi32, #tpu.memory_space<vmem>> -> memref<1x128xi32, #tpu.memory_space<vmem>>
      %dma_wait3A_47 = tpu.memref_squeeze %dma_wait3A_46 : memref<1x128xi32, #tpu.memory_space<vmem>> -> memref<128xi32, #tpu.memory_space<vmem>>
      %dma_wait3A_48 = arith.constant 0 : i32
      %dma_wait3A_49 = arith.constant 0 : i32
      %dma_wait3A_50 = tpu.memref_slice %arg2[%dma_wait3A_48, %dma_wait3A_49] : memref<10000x128xf32, #tpu.memory_space<hbm>> -> memref<10000x128xf32, #tpu.memory_space<hbm>>
      tpu.wait_indirect_dma semaphore(%arg11 : memref<!tpu.dma_semaphore, #tpu.memory_space<semaphore_mem>>) src(%dma_wait3A_50 : memref<10000x128xf32, #tpu.memory_space<hbm>>) dst(%arg8 : memref<128x128xf32, #tpu.memory_space<vmem>>)
      %run_scoped3A = arith.constant 0 : i32
      "tpu.region"() ({
        %run_scoped3A_269 = tpu.sem_alloc : memref<!tpu.dma_semaphore, #tpu.memory_space<semaphore_mem>>
        %dma_start3A_270 = arith.constant 0 : i32
        %dma_start3A_271 = tpu.memref_slice %arg7[%run_scoped3A, %dma_start3A_270] : memref<16x128xi32, #tpu.memory_space<vmem>> -> memref<1x128xi32, #tpu.memory_space<vmem>>
        %dma_start3A_272 = tpu.memref_squeeze %dma_start3A_271 : memref<1x128xi32, #tpu.memory_space<vmem>> -> memref<128xi32, #tpu.memory_space<vmem>>
        %dma_start3A_273 = arith.constant 0 : i32
        %dma_start3A_274 = arith.constant 0 : i32
        %dma_start3A_275 = tpu.memref_slice %arg10[%dma_start3A_273, %dma_start3A_274] : memref<10240x128xf32, #tpu.memory_space<vmem_shared>> -> memref<10240x128xf32, #tpu.memory_space<vmem_shared>>
        tpu.enqueue_indirect_dma source(%arg8 : memref<128x128xf32, #tpu.memory_space<vmem>>) target(%dma_start3A_275 : memref<10240x128xf32, #tpu.memory_space<vmem_shared>>) offsets(%dma_start3A_272 : memref<128xi32, #tpu.memory_space<vmem>>) semaphore(%run_scoped3A_269 : memref<!tpu.dma_semaphore, #tpu.memory_space<semaphore_mem>>) {add = true}
        %dma_wait3A_276 = arith.constant 0 : i32
        %dma_wait3A_277 = tpu.memref_slice %arg7[%run_scoped3A, %dma_wait3A_276] : memref<16x128xi32, #tpu.memory_space<vmem>> -> memref<1x128xi32, #tpu.memory_space<vmem>>
        %dma_wait3A_278 = tpu.memref_squeeze %dma_wait3A_277 : memref<1x128xi32, #tpu.memory_space<vmem>> -> memref<128xi32, #tpu.memory_space<vmem>>
        %dma_wait3A_279 = arith.constant 0 : i32
        %dma_wait3A_280 = arith.constant 0 : i32
        %dma_wait3A_281 = tpu.memref_slice %arg10[%dma_wait3A_279, %dma_wait3A_280] : memref<10240x128xf32, #tpu.memory_space<vmem_shared>> -> memref<10240x128xf32, #tpu.memory_space<vmem_shared>>
        tpu.wait_indirect_dma semaphore(%run_scoped3A_269 : memref<!tpu.dma_semaphore, #tpu.memory_space<semaphore_mem>>) src(%arg8 : memref<128x128xf32, #tpu.memory_space<vmem>>) dst(%dma_wait3A_281 : memref<10240x128xf32, #tpu.memory_space<vmem_shared>>)
        tpu.yield
      }) : () -> ()
      %dma_start3A_51 = arith.constant 2 : i32
      %dma_start3A_52 = arith.constant 0 : i32
      %dma_start3A_53 = tpu.memref_slice %arg6[%dma_start3A_51, %dma_start3A_52] : memref<16x128xi32, #tpu.memory_space<vmem>> -> memref<1x128xi32, #tpu.memory_space<vmem>>
      %dma_start3A_54 = tpu.memref_squeeze %dma_start3A_53 : memref<1x128xi32, #tpu.memory_space<vmem>> -> memref<128xi32, #tpu.memory_space<vmem>>
      %dma_start3A_55 = arith.constant 0 : i32
      %dma_start3A_56 = arith.constant 0 : i32
      %dma_start3A_57 = tpu.memref_slice %arg2[%dma_start3A_55, %dma_start3A_56] : memref<10000x128xf32, #tpu.memory_space<hbm>> -> memref<10000x128xf32, #tpu.memory_space<hbm>>
      tpu.enqueue_indirect_dma source(%dma_start3A_57 : memref<10000x128xf32, #tpu.memory_space<hbm>>) target(%arg8 : memref<128x128xf32, #tpu.memory_space<vmem>>) offsets(%dma_start3A_54 : memref<128xi32, #tpu.memory_space<vmem>>) semaphore(%arg11 : memref<!tpu.dma_semaphore, #tpu.memory_space<semaphore_mem>>)
      %dma_wait3A_58 = arith.constant 1 : i32
      %dma_wait3A_59 = arith.constant 0 : i32
      %dma_wait3A_60 = tpu.memref_slice %arg6[%dma_wait3A_58, %dma_wait3A_59] : memref<16x128xi32, #tpu.memory_space<vmem>> -> memref<1x128xi32, #tpu.memory_space<vmem>>
      %dma_wait3A_61 = tpu.memref_squeeze %dma_wait3A_60 : memref<1x128xi32, #tpu.memory_space<vmem>> -> memref<128xi32, #tpu.memory_space<vmem>>
      %dma_wait3A_62 = arith.constant 0 : i32
      %dma_wait3A_63 = arith.constant 0 : i32
      %dma_wait3A_64 = tpu.memref_slice %arg2[%dma_wait3A_62, %dma_wait3A_63] : memref<10000x128xf32, #tpu.memory_space<hbm>> -> memref<10000x128xf32, #tpu.memory_space<hbm>>
      tpu.wait_indirect_dma semaphore(%arg12 : memref<!tpu.dma_semaphore, #tpu.memory_space<semaphore_mem>>) src(%dma_wait3A_64 : memref<10000x128xf32, #tpu.memory_space<hbm>>) dst(%arg9 : memref<128x128xf32, #tpu.memory_space<vmem>>)
      %run_scoped3A_65 = arith.constant 1 : i32
      "tpu.region"() ({
        %run_scoped3A_269 = tpu.sem_alloc : memref<!tpu.dma_semaphore, #tpu.memory_space<semaphore_mem>>
        %dma_start3A_270 = arith.constant 0 : i32
        %dma_start3A_271 = tpu.memref_slice %arg7[%run_scoped3A_65, %dma_start3A_270] : memref<16x128xi32, #tpu.memory_space<vmem>> -> memref<1x128xi32, #tpu.memory_space<vmem>>
        %dma_start3A_272 = tpu.memref_squeeze %dma_start3A_271 : memref<1x128xi32, #tpu.memory_space<vmem>> -> memref<128xi32, #tpu.memory_space<vmem>>
        %dma_start3A_273 = arith.constant 0 : i32
        %dma_start3A_274 = arith.constant 0 : i32
        %dma_start3A_275 = tpu.memref_slice %arg10[%dma_start3A_273, %dma_start3A_274] : memref<10240x128xf32, #tpu.memory_space<vmem_shared>> -> memref<10240x128xf32, #tpu.memory_space<vmem_shared>>
        tpu.enqueue_indirect_dma source(%arg9 : memref<128x128xf32, #tpu.memory_space<vmem>>) target(%dma_start3A_275 : memref<10240x128xf32, #tpu.memory_space<vmem_shared>>) offsets(%dma_start3A_272 : memref<128xi32, #tpu.memory_space<vmem>>) semaphore(%run_scoped3A_269 : memref<!tpu.dma_semaphore, #tpu.memory_space<semaphore_mem>>) {add = true}
        %dma_wait3A_276 = arith.constant 0 : i32
        %dma_wait3A_277 = tpu.memref_slice %arg7[%run_scoped3A_65, %dma_wait3A_276] : memref<16x128xi32, #tpu.memory_space<vmem>> -> memref<1x128xi32, #tpu.memory_space<vmem>>
        %dma_wait3A_278 = tpu.memref_squeeze %dma_wait3A_277 : memref<1x128xi32, #tpu.memory_space<vmem>> -> memref<128xi32, #tpu.memory_space<vmem>>
        %dma_wait3A_279 = arith.constant 0 : i32
        %dma_wait3A_280 = arith.constant 0 : i32
        %dma_wait3A_281 = tpu.memref_slice %arg10[%dma_wait3A_279, %dma_wait3A_280] : memref<10240x128xf32, #tpu.memory_space<vmem_shared>> -> memref<10240x128xf32, #tpu.memory_space<vmem_shared>>
        tpu.wait_indirect_dma semaphore(%run_scoped3A_269 : memref<!tpu.dma_semaphore, #tpu.memory_space<semaphore_mem>>) src(%arg9 : memref<128x128xf32, #tpu.memory_space<vmem>>) dst(%dma_wait3A_281 : memref<10240x128xf32, #tpu.memory_space<vmem_shared>>)
        tpu.yield
      }) : () -> ()
      %dma_start3A_66 = arith.constant 3 : i32
      %dma_start3A_67 = arith.constant 0 : i32
      %dma_start3A_68 = tpu.memref_slice %arg6[%dma_start3A_66, %dma_start3A_67] : memref<16x128xi32, #tpu.memory_space<vmem>> -> memref<1x128xi32, #tpu.memory_space<vmem>>
      %dma_start3A_69 = tpu.memref_squeeze %dma_start3A_68 : memref<1x128xi32, #tpu.memory_space<vmem>> -> memref<128xi32, #tpu.memory_space<vmem>>
      %dma_start3A_70 = arith.constant 0 : i32
      %dma_start3A_71 = arith.constant 0 : i32
      %dma_start3A_72 = tpu.memref_slice %arg2[%dma_start3A_70, %dma_start3A_71] : memref<10000x128xf32, #tpu.memory_space<hbm>> -> memref<10000x128xf32, #tpu.memory_space<hbm>>
      tpu.enqueue_indirect_dma source(%dma_start3A_72 : memref<10000x128xf32, #tpu.memory_space<hbm>>) target(%arg9 : memref<128x128xf32, #tpu.memory_space<vmem>>) offsets(%dma_start3A_69 : memref<128xi32, #tpu.memory_space<vmem>>) semaphore(%arg12 : memref<!tpu.dma_semaphore, #tpu.memory_space<semaphore_mem>>)
      %dma_wait3A_73 = arith.constant 2 : i32
      %dma_wait3A_74 = arith.constant 0 : i32
      %dma_wait3A_75 = tpu.memref_slice %arg6[%dma_wait3A_73, %dma_wait3A_74] : memref<16x128xi32, #tpu.memory_space<vmem>> -> memref<1x128xi32, #tpu.memory_space<vmem>>
      %dma_wait3A_76 = tpu.memref_squeeze %dma_wait3A_75 : memref<1x128xi32, #tpu.memory_space<vmem>> -> memref<128xi32, #tpu.memory_space<vmem>>
      %dma_wait3A_77 = arith.constant 0 : i32
      %dma_wait3A_78 = arith.constant 0 : i32
      %dma_wait3A_79 = tpu.memref_slice %arg2[%dma_wait3A_77, %dma_wait3A_78] : memref<10000x128xf32, #tpu.memory_space<hbm>> -> memref<10000x128xf32, #tpu.memory_space<hbm>>
      tpu.wait_indirect_dma semaphore(%arg11 : memref<!tpu.dma_semaphore, #tpu.memory_space<semaphore_mem>>) src(%dma_wait3A_79 : memref<10000x128xf32, #tpu.memory_space<hbm>>) dst(%arg8 : memref<128x128xf32, #tpu.memory_space<vmem>>)
      %run_scoped3A_80 = arith.constant 2 : i32
      "tpu.region"() ({
        %run_scoped3A_269 = tpu.sem_alloc : memref<!tpu.dma_semaphore, #tpu.memory_space<semaphore_mem>>
        %dma_start3A_270 = arith.constant 0 : i32
        %dma_start3A_271 = tpu.memref_slice %arg7[%run_scoped3A_80, %dma_start3A_270] : memref<16x128xi32, #tpu.memory_space<vmem>> -> memref<1x128xi32, #tpu.memory_space<vmem>>
        %dma_start3A_272 = tpu.memref_squeeze %dma_start3A_271 : memref<1x128xi32, #tpu.memory_space<vmem>> -> memref<128xi32, #tpu.memory_space<vmem>>
        %dma_start3A_273 = arith.constant 0 : i32
        %dma_start3A_274 = arith.constant 0 : i32
        %dma_start3A_275 = tpu.memref_slice %arg10[%dma_start3A_273, %dma_start3A_274] : memref<10240x128xf32, #tpu.memory_space<vmem_shared>> -> memref<10240x128xf32, #tpu.memory_space<vmem_shared>>
        tpu.enqueue_indirect_dma source(%arg8 : memref<128x128xf32, #tpu.memory_space<vmem>>) target(%dma_start3A_275 : memref<10240x128xf32, #tpu.memory_space<vmem_shared>>) offsets(%dma_start3A_272 : memref<128xi32, #tpu.memory_space<vmem>>) semaphore(%run_scoped3A_269 : memref<!tpu.dma_semaphore, #tpu.memory_space<semaphore_mem>>) {add = true}
        %dma_wait3A_276 = arith.constant 0 : i32
        %dma_wait3A_277 = tpu.memref_slice %arg7[%run_scoped3A_80, %dma_wait3A_276] : memref<16x128xi32, #tpu.memory_space<vmem>> -> memref<1x128xi32, #tpu.memory_space<vmem>>
        %dma_wait3A_278 = tpu.memref_squeeze %dma_wait3A_277 : memref<1x128xi32, #tpu.memory_space<vmem>> -> memref<128xi32, #tpu.memory_space<vmem>>
        %dma_wait3A_279 = arith.constant 0 : i32
        %dma_wait3A_280 = arith.constant 0 : i32
        %dma_wait3A_281 = tpu.memref_slice %arg10[%dma_wait3A_279, %dma_wait3A_280] : memref<10240x128xf32, #tpu.memory_space<vmem_shared>> -> memref<10240x128xf32, #tpu.memory_space<vmem_shared>>
        tpu.wait_indirect_dma semaphore(%run_scoped3A_269 : memref<!tpu.dma_semaphore, #tpu.memory_space<semaphore_mem>>) src(%arg8 : memref<128x128xf32, #tpu.memory_space<vmem>>) dst(%dma_wait3A_281 : memref<10240x128xf32, #tpu.memory_space<vmem_shared>>)
        tpu.yield
      }) : () -> ()
      %dma_start3A_81 = arith.constant 4 : i32
      %dma_start3A_82 = arith.constant 0 : i32
      %dma_start3A_83 = tpu.memref_slice %arg6[%dma_start3A_81, %dma_start3A_82] : memref<16x128xi32, #tpu.memory_space<vmem>> -> memref<1x128xi32, #tpu.memory_space<vmem>>
      %dma_start3A_84 = tpu.memref_squeeze %dma_start3A_83 : memref<1x128xi32, #tpu.memory_space<vmem>> -> memref<128xi32, #tpu.memory_space<vmem>>
      %dma_start3A_85 = arith.constant 0 : i32
      %dma_start3A_86 = arith.constant 0 : i32
      %dma_start3A_87 = tpu.memref_slice %arg2[%dma_start3A_85, %dma_start3A_86] : memref<10000x128xf32, #tpu.memory_space<hbm>> -> memref<10000x128xf32, #tpu.memory_space<hbm>>
      tpu.enqueue_indirect_dma source(%dma_start3A_87 : memref<10000x128xf32, #tpu.memory_space<hbm>>) target(%arg8 : memref<128x128xf32, #tpu.memory_space<vmem>>) offsets(%dma_start3A_84 : memref<128xi32, #tpu.memory_space<vmem>>) semaphore(%arg11 : memref<!tpu.dma_semaphore, #tpu.memory_space<semaphore_mem>>)
      %dma_wait3A_88 = arith.constant 3 : i32
      %dma_wait3A_89 = arith.constant 0 : i32
      %dma_wait3A_90 = tpu.memref_slice %arg6[%dma_wait3A_88, %dma_wait3A_89] : memref<16x128xi32, #tpu.memory_space<vmem>> -> memref<1x128xi32, #tpu.memory_space<vmem>>
      %dma_wait3A_91 = tpu.memref_squeeze %dma_wait3A_90 : memref<1x128xi32, #tpu.memory_space<vmem>> -> memref<128xi32, #tpu.memory_space<vmem>>
      %dma_wait3A_92 = arith.constant 0 : i32
      %dma_wait3A_93 = arith.constant 0 : i32
      %dma_wait3A_94 = tpu.memref_slice %arg2[%dma_wait3A_92, %dma_wait3A_93] : memref<10000x128xf32, #tpu.memory_space<hbm>> -> memref<10000x128xf32, #tpu.memory_space<hbm>>
      tpu.wait_indirect_dma semaphore(%arg12 : memref<!tpu.dma_semaphore, #tpu.memory_space<semaphore_mem>>) src(%dma_wait3A_94 : memref<10000x128xf32, #tpu.memory_space<hbm>>) dst(%arg9 : memref<128x128xf32, #tpu.memory_space<vmem>>)
      %run_scoped3A_95 = arith.constant 3 : i32
      "tpu.region"() ({
        %run_scoped3A_269 = tpu.sem_alloc : memref<!tpu.dma_semaphore, #tpu.memory_space<semaphore_mem>>
        %dma_start3A_270 = arith.constant 0 : i32
        %dma_start3A_271 = tpu.memref_slice %arg7[%run_scoped3A_95, %dma_start3A_270] : memref<16x128xi32, #tpu.memory_space<vmem>> -> memref<1x128xi32, #tpu.memory_space<vmem>>
        %dma_start3A_272 = tpu.memref_squeeze %dma_start3A_271 : memref<1x128xi32, #tpu.memory_space<vmem>> -> memref<128xi32, #tpu.memory_space<vmem>>
        %dma_start3A_273 = arith.constant 0 : i32
        %dma_start3A_274 = arith.constant 0 : i32
        %dma_start3A_275 = tpu.memref_slice %arg10[%dma_start3A_273, %dma_start3A_274] : memref<10240x128xf32, #tpu.memory_space<vmem_shared>> -> memref<10240x128xf32, #tpu.memory_space<vmem_shared>>
        tpu.enqueue_indirect_dma source(%arg9 : memref<128x128xf32, #tpu.memory_space<vmem>>) target(%dma_start3A_275 : memref<10240x128xf32, #tpu.memory_space<vmem_shared>>) offsets(%dma_start3A_272 : memref<128xi32, #tpu.memory_space<vmem>>) semaphore(%run_scoped3A_269 : memref<!tpu.dma_semaphore, #tpu.memory_space<semaphore_mem>>) {add = true}
        %dma_wait3A_276 = arith.constant 0 : i32
        %dma_wait3A_277 = tpu.memref_slice %arg7[%run_scoped3A_95, %dma_wait3A_276] : memref<16x128xi32, #tpu.memory_space<vmem>> -> memref<1x128xi32, #tpu.memory_space<vmem>>
        %dma_wait3A_278 = tpu.memref_squeeze %dma_wait3A_277 : memref<1x128xi32, #tpu.memory_space<vmem>> -> memref<128xi32, #tpu.memory_space<vmem>>
        %dma_wait3A_279 = arith.constant 0 : i32
        %dma_wait3A_280 = arith.constant 0 : i32
        %dma_wait3A_281 = tpu.memref_slice %arg10[%dma_wait3A_279, %dma_wait3A_280] : memref<10240x128xf32, #tpu.memory_space<vmem_shared>> -> memref<10240x128xf32, #tpu.memory_space<vmem_shared>>
        tpu.wait_indirect_dma semaphore(%run_scoped3A_269 : memref<!tpu.dma_semaphore, #tpu.memory_space<semaphore_mem>>) src(%arg9 : memref<128x128xf32, #tpu.memory_space<vmem>>) dst(%dma_wait3A_281 : memref<10240x128xf32, #tpu.memory_space<vmem_shared>>)
        tpu.yield
      }) : () -> ()
      %dma_start3A_96 = arith.constant 5 : i32
      %dma_start3A_97 = arith.constant 0 : i32
      %dma_start3A_98 = tpu.memref_slice %arg6[%dma_start3A_96, %dma_start3A_97] : memref<16x128xi32, #tpu.memory_space<vmem>> -> memref<1x128xi32, #tpu.memory_space<vmem>>
      %dma_start3A_99 = tpu.memref_squeeze %dma_start3A_98 : memref<1x128xi32, #tpu.memory_space<vmem>> -> memref<128xi32, #tpu.memory_space<vmem>>
      %dma_start3A_100 = arith.constant 0 : i32
      %dma_start3A_101 = arith.constant 0 : i32
      %dma_start3A_102 = tpu.memref_slice %arg2[%dma_start3A_100, %dma_start3A_101] : memref<10000x128xf32, #tpu.memory_space<hbm>> -> memref<10000x128xf32, #tpu.memory_space<hbm>>
      tpu.enqueue_indirect_dma source(%dma_start3A_102 : memref<10000x128xf32, #tpu.memory_space<hbm>>) target(%arg9 : memref<128x128xf32, #tpu.memory_space<vmem>>) offsets(%dma_start3A_99 : memref<128xi32, #tpu.memory_space<vmem>>) semaphore(%arg12 : memref<!tpu.dma_semaphore, #tpu.memory_space<semaphore_mem>>)
      %dma_wait3A_103 = arith.constant 4 : i32
      %dma_wait3A_104 = arith.constant 0 : i32
      %dma_wait3A_105 = tpu.memref_slice %arg6[%dma_wait3A_103, %dma_wait3A_104] : memref<16x128xi32, #tpu.memory_space<vmem>> -> memref<1x128xi32, #tpu.memory_space<vmem>>
      %dma_wait3A_106 = tpu.memref_squeeze %dma_wait3A_105 : memref<1x128xi32, #tpu.memory_space<vmem>> -> memref<128xi32, #tpu.memory_space<vmem>>
      %dma_wait3A_107 = arith.constant 0 : i32
      %dma_wait3A_108 = arith.constant 0 : i32
      %dma_wait3A_109 = tpu.memref_slice %arg2[%dma_wait3A_107, %dma_wait3A_108] : memref<10000x128xf32, #tpu.memory_space<hbm>> -> memref<10000x128xf32, #tpu.memory_space<hbm>>
      tpu.wait_indirect_dma semaphore(%arg11 : memref<!tpu.dma_semaphore, #tpu.memory_space<semaphore_mem>>) src(%dma_wait3A_109 : memref<10000x128xf32, #tpu.memory_space<hbm>>) dst(%arg8 : memref<128x128xf32, #tpu.memory_space<vmem>>)
      %run_scoped3A_110 = arith.constant 4 : i32
      "tpu.region"() ({
        %run_scoped3A_269 = tpu.sem_alloc : memref<!tpu.dma_semaphore, #tpu.memory_space<semaphore_mem>>
        %dma_start3A_270 = arith.constant 0 : i32
        %dma_start3A_271 = tpu.memref_slice %arg7[%run_scoped3A_110, %dma_start3A_270] : memref<16x128xi32, #tpu.memory_space<vmem>> -> memref<1x128xi32, #tpu.memory_space<vmem>>
        %dma_start3A_272 = tpu.memref_squeeze %dma_start3A_271 : memref<1x128xi32, #tpu.memory_space<vmem>> -> memref<128xi32, #tpu.memory_space<vmem>>
        %dma_start3A_273 = arith.constant 0 : i32
        %dma_start3A_274 = arith.constant 0 : i32
        %dma_start3A_275 = tpu.memref_slice %arg10[%dma_start3A_273, %dma_start3A_274] : memref<10240x128xf32, #tpu.memory_space<vmem_shared>> -> memref<10240x128xf32, #tpu.memory_space<vmem_shared>>
        tpu.enqueue_indirect_dma source(%arg8 : memref<128x128xf32, #tpu.memory_space<vmem>>) target(%dma_start3A_275 : memref<10240x128xf32, #tpu.memory_space<vmem_shared>>) offsets(%dma_start3A_272 : memref<128xi32, #tpu.memory_space<vmem>>) semaphore(%run_scoped3A_269 : memref<!tpu.dma_semaphore, #tpu.memory_space<semaphore_mem>>) {add = true}
        %dma_wait3A_276 = arith.constant 0 : i32
        %dma_wait3A_277 = tpu.memref_slice %arg7[%run_scoped3A_110, %dma_wait3A_276] : memref<16x128xi32, #tpu.memory_space<vmem>> -> memref<1x128xi32, #tpu.memory_space<vmem>>
        %dma_wait3A_278 = tpu.memref_squeeze %dma_wait3A_277 : memref<1x128xi32, #tpu.memory_space<vmem>> -> memref<128xi32, #tpu.memory_space<vmem>>
        %dma_wait3A_279 = arith.constant 0 : i32
        %dma_wait3A_280 = arith.constant 0 : i32
        %dma_wait3A_281 = tpu.memref_slice %arg10[%dma_wait3A_279, %dma_wait3A_280] : memref<10240x128xf32, #tpu.memory_space<vmem_shared>> -> memref<10240x128xf32, #tpu.memory_space<vmem_shared>>
        tpu.wait_indirect_dma semaphore(%run_scoped3A_269 : memref<!tpu.dma_semaphore, #tpu.memory_space<semaphore_mem>>) src(%arg8 : memref<128x128xf32, #tpu.memory_space<vmem>>) dst(%dma_wait3A_281 : memref<10240x128xf32, #tpu.memory_space<vmem_shared>>)
        tpu.yield
      }) : () -> ()
      %dma_start3A_111 = arith.constant 6 : i32
      %dma_start3A_112 = arith.constant 0 : i32
      %dma_start3A_113 = tpu.memref_slice %arg6[%dma_start3A_111, %dma_start3A_112] : memref<16x128xi32, #tpu.memory_space<vmem>> -> memref<1x128xi32, #tpu.memory_space<vmem>>
      %dma_start3A_114 = tpu.memref_squeeze %dma_start3A_113 : memref<1x128xi32, #tpu.memory_space<vmem>> -> memref<128xi32, #tpu.memory_space<vmem>>
      %dma_start3A_115 = arith.constant 0 : i32
      %dma_start3A_116 = arith.constant 0 : i32
      %dma_start3A_117 = tpu.memref_slice %arg2[%dma_start3A_115, %dma_start3A_116] : memref<10000x128xf32, #tpu.memory_space<hbm>> -> memref<10000x128xf32, #tpu.memory_space<hbm>>
      tpu.enqueue_indirect_dma source(%dma_start3A_117 : memref<10000x128xf32, #tpu.memory_space<hbm>>) target(%arg8 : memref<128x128xf32, #tpu.memory_space<vmem>>) offsets(%dma_start3A_114 : memref<128xi32, #tpu.memory_space<vmem>>) semaphore(%arg11 : memref<!tpu.dma_semaphore, #tpu.memory_space<semaphore_mem>>)
      %dma_wait3A_118 = arith.constant 5 : i32
      %dma_wait3A_119 = arith.constant 0 : i32
      %dma_wait3A_120 = tpu.memref_slice %arg6[%dma_wait3A_118, %dma_wait3A_119] : memref<16x128xi32, #tpu.memory_space<vmem>> -> memref<1x128xi32, #tpu.memory_space<vmem>>
      %dma_wait3A_121 = tpu.memref_squeeze %dma_wait3A_120 : memref<1x128xi32, #tpu.memory_space<vmem>> -> memref<128xi32, #tpu.memory_space<vmem>>
      %dma_wait3A_122 = arith.constant 0 : i32
      %dma_wait3A_123 = arith.constant 0 : i32
      %dma_wait3A_124 = tpu.memref_slice %arg2[%dma_wait3A_122, %dma_wait3A_123] : memref<10000x128xf32, #tpu.memory_space<hbm>> -> memref<10000x128xf32, #tpu.memory_space<hbm>>
      tpu.wait_indirect_dma semaphore(%arg12 : memref<!tpu.dma_semaphore, #tpu.memory_space<semaphore_mem>>) src(%dma_wait3A_124 : memref<10000x128xf32, #tpu.memory_space<hbm>>) dst(%arg9 : memref<128x128xf32, #tpu.memory_space<vmem>>)
      %run_scoped3A_125 = arith.constant 5 : i32
      "tpu.region"() ({
        %run_scoped3A_269 = tpu.sem_alloc : memref<!tpu.dma_semaphore, #tpu.memory_space<semaphore_mem>>
        %dma_start3A_270 = arith.constant 0 : i32
        %dma_start3A_271 = tpu.memref_slice %arg7[%run_scoped3A_125, %dma_start3A_270] : memref<16x128xi32, #tpu.memory_space<vmem>> -> memref<1x128xi32, #tpu.memory_space<vmem>>
        %dma_start3A_272 = tpu.memref_squeeze %dma_start3A_271 : memref<1x128xi32, #tpu.memory_space<vmem>> -> memref<128xi32, #tpu.memory_space<vmem>>
        %dma_start3A_273 = arith.constant 0 : i32
        %dma_start3A_274 = arith.constant 0 : i32
        %dma_start3A_275 = tpu.memref_slice %arg10[%dma_start3A_273, %dma_start3A_274] : memref<10240x128xf32, #tpu.memory_space<vmem_shared>> -> memref<10240x128xf32, #tpu.memory_space<vmem_shared>>
        tpu.enqueue_indirect_dma source(%arg9 : memref<128x128xf32, #tpu.memory_space<vmem>>) target(%dma_start3A_275 : memref<10240x128xf32, #tpu.memory_space<vmem_shared>>) offsets(%dma_start3A_272 : memref<128xi32, #tpu.memory_space<vmem>>) semaphore(%run_scoped3A_269 : memref<!tpu.dma_semaphore, #tpu.memory_space<semaphore_mem>>) {add = true}
        %dma_wait3A_276 = arith.constant 0 : i32
        %dma_wait3A_277 = tpu.memref_slice %arg7[%run_scoped3A_125, %dma_wait3A_276] : memref<16x128xi32, #tpu.memory_space<vmem>> -> memref<1x128xi32, #tpu.memory_space<vmem>>
        %dma_wait3A_278 = tpu.memref_squeeze %dma_wait3A_277 : memref<1x128xi32, #tpu.memory_space<vmem>> -> memref<128xi32, #tpu.memory_space<vmem>>
        %dma_wait3A_279 = arith.constant 0 : i32
        %dma_wait3A_280 = arith.constant 0 : i32
        %dma_wait3A_281 = tpu.memref_slice %arg10[%dma_wait3A_279, %dma_wait3A_280] : memref<10240x128xf32, #tpu.memory_space<vmem_shared>> -> memref<10240x128xf32, #tpu.memory_space<vmem_shared>>
        tpu.wait_indirect_dma semaphore(%run_scoped3A_269 : memref<!tpu.dma_semaphore, #tpu.memory_space<semaphore_mem>>) src(%arg9 : memref<128x128xf32, #tpu.memory_space<vmem>>) dst(%dma_wait3A_281 : memref<10240x128xf32, #tpu.memory_space<vmem_shared>>)
        tpu.yield
      }) : () -> ()
      %dma_start3A_126 = arith.constant 7 : i32
      %dma_start3A_127 = arith.constant 0 : i32
      %dma_start3A_128 = tpu.memref_slice %arg6[%dma_start3A_126, %dma_start3A_127] : memref<16x128xi32, #tpu.memory_space<vmem>> -> memref<1x128xi32, #tpu.memory_space<vmem>>
      %dma_start3A_129 = tpu.memref_squeeze %dma_start3A_128 : memref<1x128xi32, #tpu.memory_space<vmem>> -> memref<128xi32, #tpu.memory_space<vmem>>
      %dma_start3A_130 = arith.constant 0 : i32
      %dma_start3A_131 = arith.constant 0 : i32
      %dma_start3A_132 = tpu.memref_slice %arg2[%dma_start3A_130, %dma_start3A_131] : memref<10000x128xf32, #tpu.memory_space<hbm>> -> memref<10000x128xf32, #tpu.memory_space<hbm>>
      tpu.enqueue_indirect_dma source(%dma_start3A_132 : memref<10000x128xf32, #tpu.memory_space<hbm>>) target(%arg9 : memref<128x128xf32, #tpu.memory_space<vmem>>) offsets(%dma_start3A_129 : memref<128xi32, #tpu.memory_space<vmem>>) semaphore(%arg12 : memref<!tpu.dma_semaphore, #tpu.memory_space<semaphore_mem>>)
      %dma_wait3A_133 = arith.constant 6 : i32
      %dma_wait3A_134 = arith.constant 0 : i32
      %dma_wait3A_135 = tpu.memref_slice %arg6[%dma_wait3A_133, %dma_wait3A_134] : memref<16x128xi32, #tpu.memory_space<vmem>> -> memref<1x128xi32, #tpu.memory_space<vmem>>
      %dma_wait3A_136 = tpu.memref_squeeze %dma_wait3A_135 : memref<1x128xi32, #tpu.memory_space<vmem>> -> memref<128xi32, #tpu.memory_space<vmem>>
      %dma_wait3A_137 = arith.constant 0 : i32
      %dma_wait3A_138 = arith.constant 0 : i32
      %dma_wait3A_139 = tpu.memref_slice %arg2[%dma_wait3A_137, %dma_wait3A_138] : memref<10000x128xf32, #tpu.memory_space<hbm>> -> memref<10000x128xf32, #tpu.memory_space<hbm>>
      tpu.wait_indirect_dma semaphore(%arg11 : memref<!tpu.dma_semaphore, #tpu.memory_space<semaphore_mem>>) src(%dma_wait3A_139 : memref<10000x128xf32, #tpu.memory_space<hbm>>) dst(%arg8 : memref<128x128xf32, #tpu.memory_space<vmem>>)
      %run_scoped3A_140 = arith.constant 6 : i32
      "tpu.region"() ({
        %run_scoped3A_269 = tpu.sem_alloc : memref<!tpu.dma_semaphore, #tpu.memory_space<semaphore_mem>>
        %dma_start3A_270 = arith.constant 0 : i32
        %dma_start3A_271 = tpu.memref_slice %arg7[%run_scoped3A_140, %dma_start3A_270] : memref<16x128xi32, #tpu.memory_space<vmem>> -> memref<1x128xi32, #tpu.memory_space<vmem>>
        %dma_start3A_272 = tpu.memref_squeeze %dma_start3A_271 : memref<1x128xi32, #tpu.memory_space<vmem>> -> memref<128xi32, #tpu.memory_space<vmem>>
        %dma_start3A_273 = arith.constant 0 : i32
        %dma_start3A_274 = arith.constant 0 : i32
        %dma_start3A_275 = tpu.memref_slice %arg10[%dma_start3A_273, %dma_start3A_274] : memref<10240x128xf32, #tpu.memory_space<vmem_shared>> -> memref<10240x128xf32, #tpu.memory_space<vmem_shared>>
        tpu.enqueue_indirect_dma source(%arg8 : memref<128x128xf32, #tpu.memory_space<vmem>>) target(%dma_start3A_275 : memref<10240x128xf32, #tpu.memory_space<vmem_shared>>) offsets(%dma_start3A_272 : memref<128xi32, #tpu.memory_space<vmem>>) semaphore(%run_scoped3A_269 : memref<!tpu.dma_semaphore, #tpu.memory_space<semaphore_mem>>) {add = true}
        %dma_wait3A_276 = arith.constant 0 : i32
        %dma_wait3A_277 = tpu.memref_slice %arg7[%run_scoped3A_140, %dma_wait3A_276] : memref<16x128xi32, #tpu.memory_space<vmem>> -> memref<1x128xi32, #tpu.memory_space<vmem>>
        %dma_wait3A_278 = tpu.memref_squeeze %dma_wait3A_277 : memref<1x128xi32, #tpu.memory_space<vmem>> -> memref<128xi32, #tpu.memory_space<vmem>>
        %dma_wait3A_279 = arith.constant 0 : i32
        %dma_wait3A_280 = arith.constant 0 : i32
        %dma_wait3A_281 = tpu.memref_slice %arg10[%dma_wait3A_279, %dma_wait3A_280] : memref<10240x128xf32, #tpu.memory_space<vmem_shared>> -> memref<10240x128xf32, #tpu.memory_space<vmem_shared>>
        tpu.wait_indirect_dma semaphore(%run_scoped3A_269 : memref<!tpu.dma_semaphore, #tpu.memory_space<semaphore_mem>>) src(%arg8 : memref<128x128xf32, #tpu.memory_space<vmem>>) dst(%dma_wait3A_281 : memref<10240x128xf32, #tpu.memory_space<vmem_shared>>)
        tpu.yield
      }) : () -> ()
      %dma_start3A_141 = arith.constant 8 : i32
      %dma_start3A_142 = arith.constant 0 : i32
      %dma_start3A_143 = tpu.memref_slice %arg6[%dma_start3A_141, %dma_start3A_142] : memref<16x128xi32, #tpu.memory_space<vmem>> -> memref<1x128xi32, #tpu.memory_space<vmem>>
      %dma_start3A_144 = tpu.memref_squeeze %dma_start3A_143 : memref<1x128xi32, #tpu.memory_space<vmem>> -> memref<128xi32, #tpu.memory_space<vmem>>
      %dma_start3A_145 = arith.constant 0 : i32
      %dma_start3A_146 = arith.constant 0 : i32
      %dma_start3A_147 = tpu.memref_slice %arg2[%dma_start3A_145, %dma_start3A_146] : memref<10000x128xf32, #tpu.memory_space<hbm>> -> memref<10000x128xf32, #tpu.memory_space<hbm>>
      tpu.enqueue_indirect_dma source(%dma_start3A_147 : memref<10000x128xf32, #tpu.memory_space<hbm>>) target(%arg8 : memref<128x128xf32, #tpu.memory_space<vmem>>) offsets(%dma_start3A_144 : memref<128xi32, #tpu.memory_space<vmem>>) semaphore(%arg11 : memref<!tpu.dma_semaphore, #tpu.memory_space<semaphore_mem>>)
      %dma_wait3A_148 = arith.constant 7 : i32
      %dma_wait3A_149 = arith.constant 0 : i32
      %dma_wait3A_150 = tpu.memref_slice %arg6[%dma_wait3A_148, %dma_wait3A_149] : memref<16x128xi32, #tpu.memory_space<vmem>> -> memref<1x128xi32, #tpu.memory_space<vmem>>
      %dma_wait3A_151 = tpu.memref_squeeze %dma_wait3A_150 : memref<1x128xi32, #tpu.memory_space<vmem>> -> memref<128xi32, #tpu.memory_space<vmem>>
      %dma_wait3A_152 = arith.constant 0 : i32
      %dma_wait3A_153 = arith.constant 0 : i32
      %dma_wait3A_154 = tpu.memref_slice %arg2[%dma_wait3A_152, %dma_wait3A_153] : memref<10000x128xf32, #tpu.memory_space<hbm>> -> memref<10000x128xf32, #tpu.memory_space<hbm>>
      tpu.wait_indirect_dma semaphore(%arg12 : memref<!tpu.dma_semaphore, #tpu.memory_space<semaphore_mem>>) src(%dma_wait3A_154 : memref<10000x128xf32, #tpu.memory_space<hbm>>) dst(%arg9 : memref<128x128xf32, #tpu.memory_space<vmem>>)
      %run_scoped3A_155 = arith.constant 7 : i32
      "tpu.region"() ({
        %run_scoped3A_269 = tpu.sem_alloc : memref<!tpu.dma_semaphore, #tpu.memory_space<semaphore_mem>>
        %dma_start3A_270 = arith.constant 0 : i32
        %dma_start3A_271 = tpu.memref_slice %arg7[%run_scoped3A_155, %dma_start3A_270] : memref<16x128xi32, #tpu.memory_space<vmem>> -> memref<1x128xi32, #tpu.memory_space<vmem>>
        %dma_start3A_272 = tpu.memref_squeeze %dma_start3A_271 : memref<1x128xi32, #tpu.memory_space<vmem>> -> memref<128xi32, #tpu.memory_space<vmem>>
        %dma_start3A_273 = arith.constant 0 : i32
        %dma_start3A_274 = arith.constant 0 : i32
        %dma_start3A_275 = tpu.memref_slice %arg10[%dma_start3A_273, %dma_start3A_274] : memref<10240x128xf32, #tpu.memory_space<vmem_shared>> -> memref<10240x128xf32, #tpu.memory_space<vmem_shared>>
        tpu.enqueue_indirect_dma source(%arg9 : memref<128x128xf32, #tpu.memory_space<vmem>>) target(%dma_start3A_275 : memref<10240x128xf32, #tpu.memory_space<vmem_shared>>) offsets(%dma_start3A_272 : memref<128xi32, #tpu.memory_space<vmem>>) semaphore(%run_scoped3A_269 : memref<!tpu.dma_semaphore, #tpu.memory_space<semaphore_mem>>) {add = true}
        %dma_wait3A_276 = arith.constant 0 : i32
        %dma_wait3A_277 = tpu.memref_slice %arg7[%run_scoped3A_155, %dma_wait3A_276] : memref<16x128xi32, #tpu.memory_space<vmem>> -> memref<1x128xi32, #tpu.memory_space<vmem>>
        %dma_wait3A_278 = tpu.memref_squeeze %dma_wait3A_277 : memref<1x128xi32, #tpu.memory_space<vmem>> -> memref<128xi32, #tpu.memory_space<vmem>>
        %dma_wait3A_279 = arith.constant 0 : i32
        %dma_wait3A_280 = arith.constant 0 : i32
        %dma_wait3A_281 = tpu.memref_slice %arg10[%dma_wait3A_279, %dma_wait3A_280] : memref<10240x128xf32, #tpu.memory_space<vmem_shared>> -> memref<10240x128xf32, #tpu.memory_space<vmem_shared>>
        tpu.wait_indirect_dma semaphore(%run_scoped3A_269 : memref<!tpu.dma_semaphore, #tpu.memory_space<semaphore_mem>>) src(%arg9 : memref<128x128xf32, #tpu.memory_space<vmem>>) dst(%dma_wait3A_281 : memref<10240x128xf32, #tpu.memory_space<vmem_shared>>)
        tpu.yield
      }) : () -> ()
      %dma_start3A_156 = arith.constant 9 : i32
      %dma_start3A_157 = arith.constant 0 : i32
      %dma_start3A_158 = tpu.memref_slice %arg6[%dma_start3A_156, %dma_start3A_157] : memref<16x128xi32, #tpu.memory_space<vmem>> -> memref<1x128xi32, #tpu.memory_space<vmem>>
      %dma_start3A_159 = tpu.memref_squeeze %dma_start3A_158 : memref<1x128xi32, #tpu.memory_space<vmem>> -> memref<128xi32, #tpu.memory_space<vmem>>
      %dma_start3A_160 = arith.constant 0 : i32
      %dma_start3A_161 = arith.constant 0 : i32
      %dma_start3A_162 = tpu.memref_slice %arg2[%dma_start3A_160, %dma_start3A_161] : memref<10000x128xf32, #tpu.memory_space<hbm>> -> memref<10000x128xf32, #tpu.memory_space<hbm>>
      tpu.enqueue_indirect_dma source(%dma_start3A_162 : memref<10000x128xf32, #tpu.memory_space<hbm>>) target(%arg9 : memref<128x128xf32, #tpu.memory_space<vmem>>) offsets(%dma_start3A_159 : memref<128xi32, #tpu.memory_space<vmem>>) semaphore(%arg12 : memref<!tpu.dma_semaphore, #tpu.memory_space<semaphore_mem>>)
      %dma_wait3A_163 = arith.constant 8 : i32
      %dma_wait3A_164 = arith.constant 0 : i32
      %dma_wait3A_165 = tpu.memref_slice %arg6[%dma_wait3A_163, %dma_wait3A_164] : memref<16x128xi32, #tpu.memory_space<vmem>> -> memref<1x128xi32, #tpu.memory_space<vmem>>
      %dma_wait3A_166 = tpu.memref_squeeze %dma_wait3A_165 : memref<1x128xi32, #tpu.memory_space<vmem>> -> memref<128xi32, #tpu.memory_space<vmem>>
      %dma_wait3A_167 = arith.constant 0 : i32
      %dma_wait3A_168 = arith.constant 0 : i32
      %dma_wait3A_169 = tpu.memref_slice %arg2[%dma_wait3A_167, %dma_wait3A_168] : memref<10000x128xf32, #tpu.memory_space<hbm>> -> memref<10000x128xf32, #tpu.memory_space<hbm>>
      tpu.wait_indirect_dma semaphore(%arg11 : memref<!tpu.dma_semaphore, #tpu.memory_space<semaphore_mem>>) src(%dma_wait3A_169 : memref<10000x128xf32, #tpu.memory_space<hbm>>) dst(%arg8 : memref<128x128xf32, #tpu.memory_space<vmem>>)
      %run_scoped3A_170 = arith.constant 8 : i32
      "tpu.region"() ({
        %run_scoped3A_269 = tpu.sem_alloc : memref<!tpu.dma_semaphore, #tpu.memory_space<semaphore_mem>>
        %dma_start3A_270 = arith.constant 0 : i32
        %dma_start3A_271 = tpu.memref_slice %arg7[%run_scoped3A_170, %dma_start3A_270] : memref<16x128xi32, #tpu.memory_space<vmem>> -> memref<1x128xi32, #tpu.memory_space<vmem>>
        %dma_start3A_272 = tpu.memref_squeeze %dma_start3A_271 : memref<1x128xi32, #tpu.memory_space<vmem>> -> memref<128xi32, #tpu.memory_space<vmem>>
        %dma_start3A_273 = arith.constant 0 : i32
        %dma_start3A_274 = arith.constant 0 : i32
        %dma_start3A_275 = tpu.memref_slice %arg10[%dma_start3A_273, %dma_start3A_274] : memref<10240x128xf32, #tpu.memory_space<vmem_shared>> -> memref<10240x128xf32, #tpu.memory_space<vmem_shared>>
        tpu.enqueue_indirect_dma source(%arg8 : memref<128x128xf32, #tpu.memory_space<vmem>>) target(%dma_start3A_275 : memref<10240x128xf32, #tpu.memory_space<vmem_shared>>) offsets(%dma_start3A_272 : memref<128xi32, #tpu.memory_space<vmem>>) semaphore(%run_scoped3A_269 : memref<!tpu.dma_semaphore, #tpu.memory_space<semaphore_mem>>) {add = true}
        %dma_wait3A_276 = arith.constant 0 : i32
        %dma_wait3A_277 = tpu.memref_slice %arg7[%run_scoped3A_170, %dma_wait3A_276] : memref<16x128xi32, #tpu.memory_space<vmem>> -> memref<1x128xi32, #tpu.memory_space<vmem>>
        %dma_wait3A_278 = tpu.memref_squeeze %dma_wait3A_277 : memref<1x128xi32, #tpu.memory_space<vmem>> -> memref<128xi32, #tpu.memory_space<vmem>>
        %dma_wait3A_279 = arith.constant 0 : i32
        %dma_wait3A_280 = arith.constant 0 : i32
        %dma_wait3A_281 = tpu.memref_slice %arg10[%dma_wait3A_279, %dma_wait3A_280] : memref<10240x128xf32, #tpu.memory_space<vmem_shared>> -> memref<10240x128xf32, #tpu.memory_space<vmem_shared>>
        tpu.wait_indirect_dma semaphore(%run_scoped3A_269 : memref<!tpu.dma_semaphore, #tpu.memory_space<semaphore_mem>>) src(%arg8 : memref<128x128xf32, #tpu.memory_space<vmem>>) dst(%dma_wait3A_281 : memref<10240x128xf32, #tpu.memory_space<vmem_shared>>)
        tpu.yield
      }) : () -> ()
      %dma_start3A_171 = arith.constant 10 : i32
      %dma_start3A_172 = arith.constant 0 : i32
      %dma_start3A_173 = tpu.memref_slice %arg6[%dma_start3A_171, %dma_start3A_172] : memref<16x128xi32, #tpu.memory_space<vmem>> -> memref<1x128xi32, #tpu.memory_space<vmem>>
      %dma_start3A_174 = tpu.memref_squeeze %dma_start3A_173 : memref<1x128xi32, #tpu.memory_space<vmem>> -> memref<128xi32, #tpu.memory_space<vmem>>
      %dma_start3A_175 = arith.constant 0 : i32
      %dma_start3A_176 = arith.constant 0 : i32
      %dma_start3A_177 = tpu.memref_slice %arg2[%dma_start3A_175, %dma_start3A_176] : memref<10000x128xf32, #tpu.memory_space<hbm>> -> memref<10000x128xf32, #tpu.memory_space<hbm>>
      tpu.enqueue_indirect_dma source(%dma_start3A_177 : memref<10000x128xf32, #tpu.memory_space<hbm>>) target(%arg8 : memref<128x128xf32, #tpu.memory_space<vmem>>) offsets(%dma_start3A_174 : memref<128xi32, #tpu.memory_space<vmem>>) semaphore(%arg11 : memref<!tpu.dma_semaphore, #tpu.memory_space<semaphore_mem>>)
      %dma_wait3A_178 = arith.constant 9 : i32
      %dma_wait3A_179 = arith.constant 0 : i32
      %dma_wait3A_180 = tpu.memref_slice %arg6[%dma_wait3A_178, %dma_wait3A_179] : memref<16x128xi32, #tpu.memory_space<vmem>> -> memref<1x128xi32, #tpu.memory_space<vmem>>
      %dma_wait3A_181 = tpu.memref_squeeze %dma_wait3A_180 : memref<1x128xi32, #tpu.memory_space<vmem>> -> memref<128xi32, #tpu.memory_space<vmem>>
      %dma_wait3A_182 = arith.constant 0 : i32
      %dma_wait3A_183 = arith.constant 0 : i32
      %dma_wait3A_184 = tpu.memref_slice %arg2[%dma_wait3A_182, %dma_wait3A_183] : memref<10000x128xf32, #tpu.memory_space<hbm>> -> memref<10000x128xf32, #tpu.memory_space<hbm>>
      tpu.wait_indirect_dma semaphore(%arg12 : memref<!tpu.dma_semaphore, #tpu.memory_space<semaphore_mem>>) src(%dma_wait3A_184 : memref<10000x128xf32, #tpu.memory_space<hbm>>) dst(%arg9 : memref<128x128xf32, #tpu.memory_space<vmem>>)
      %run_scoped3A_185 = arith.constant 9 : i32
      "tpu.region"() ({
        %run_scoped3A_269 = tpu.sem_alloc : memref<!tpu.dma_semaphore, #tpu.memory_space<semaphore_mem>>
        %dma_start3A_270 = arith.constant 0 : i32
        %dma_start3A_271 = tpu.memref_slice %arg7[%run_scoped3A_185, %dma_start3A_270] : memref<16x128xi32, #tpu.memory_space<vmem>> -> memref<1x128xi32, #tpu.memory_space<vmem>>
        %dma_start3A_272 = tpu.memref_squeeze %dma_start3A_271 : memref<1x128xi32, #tpu.memory_space<vmem>> -> memref<128xi32, #tpu.memory_space<vmem>>
        %dma_start3A_273 = arith.constant 0 : i32
        %dma_start3A_274 = arith.constant 0 : i32
        %dma_start3A_275 = tpu.memref_slice %arg10[%dma_start3A_273, %dma_start3A_274] : memref<10240x128xf32, #tpu.memory_space<vmem_shared>> -> memref<10240x128xf32, #tpu.memory_space<vmem_shared>>
        tpu.enqueue_indirect_dma source(%arg9 : memref<128x128xf32, #tpu.memory_space<vmem>>) target(%dma_start3A_275 : memref<10240x128xf32, #tpu.memory_space<vmem_shared>>) offsets(%dma_start3A_272 : memref<128xi32, #tpu.memory_space<vmem>>) semaphore(%run_scoped3A_269 : memref<!tpu.dma_semaphore, #tpu.memory_space<semaphore_mem>>) {add = true}
        %dma_wait3A_276 = arith.constant 0 : i32
        %dma_wait3A_277 = tpu.memref_slice %arg7[%run_scoped3A_185, %dma_wait3A_276] : memref<16x128xi32, #tpu.memory_space<vmem>> -> memref<1x128xi32, #tpu.memory_space<vmem>>
        %dma_wait3A_278 = tpu.memref_squeeze %dma_wait3A_277 : memref<1x128xi32, #tpu.memory_space<vmem>> -> memref<128xi32, #tpu.memory_space<vmem>>
        %dma_wait3A_279 = arith.constant 0 : i32
        %dma_wait3A_280 = arith.constant 0 : i32
        %dma_wait3A_281 = tpu.memref_slice %arg10[%dma_wait3A_279, %dma_wait3A_280] : memref<10240x128xf32, #tpu.memory_space<vmem_shared>> -> memref<10240x128xf32, #tpu.memory_space<vmem_shared>>
        tpu.wait_indirect_dma semaphore(%run_scoped3A_269 : memref<!tpu.dma_semaphore, #tpu.memory_space<semaphore_mem>>) src(%arg9 : memref<128x128xf32, #tpu.memory_space<vmem>>) dst(%dma_wait3A_281 : memref<10240x128xf32, #tpu.memory_space<vmem_shared>>)
        tpu.yield
      }) : () -> ()
      %dma_start3A_186 = arith.constant 11 : i32
      %dma_start3A_187 = arith.constant 0 : i32
      %dma_start3A_188 = tpu.memref_slice %arg6[%dma_start3A_186, %dma_start3A_187] : memref<16x128xi32, #tpu.memory_space<vmem>> -> memref<1x128xi32, #tpu.memory_space<vmem>>
      %dma_start3A_189 = tpu.memref_squeeze %dma_start3A_188 : memref<1x128xi32, #tpu.memory_space<vmem>> -> memref<128xi32, #tpu.memory_space<vmem>>
      %dma_start3A_190 = arith.constant 0 : i32
      %dma_start3A_191 = arith.constant 0 : i32
      %dma_start3A_192 = tpu.memref_slice %arg2[%dma_start3A_190, %dma_start3A_191] : memref<10000x128xf32, #tpu.memory_space<hbm>> -> memref<10000x128xf32, #tpu.memory_space<hbm>>
      tpu.enqueue_indirect_dma source(%dma_start3A_192 : memref<10000x128xf32, #tpu.memory_space<hbm>>) target(%arg9 : memref<128x128xf32, #tpu.memory_space<vmem>>) offsets(%dma_start3A_189 : memref<128xi32, #tpu.memory_space<vmem>>) semaphore(%arg12 : memref<!tpu.dma_semaphore, #tpu.memory_space<semaphore_mem>>)
      %dma_wait3A_193 = arith.constant 10 : i32
      %dma_wait3A_194 = arith.constant 0 : i32
      %dma_wait3A_195 = tpu.memref_slice %arg6[%dma_wait3A_193, %dma_wait3A_194] : memref<16x128xi32, #tpu.memory_space<vmem>> -> memref<1x128xi32, #tpu.memory_space<vmem>>
      %dma_wait3A_196 = tpu.memref_squeeze %dma_wait3A_195 : memref<1x128xi32, #tpu.memory_space<vmem>> -> memref<128xi32, #tpu.memory_space<vmem>>
      %dma_wait3A_197 = arith.constant 0 : i32
      %dma_wait3A_198 = arith.constant 0 : i32
      %dma_wait3A_199 = tpu.memref_slice %arg2[%dma_wait3A_197, %dma_wait3A_198] : memref<10000x128xf32, #tpu.memory_space<hbm>> -> memref<10000x128xf32, #tpu.memory_space<hbm>>
      tpu.wait_indirect_dma semaphore(%arg11 : memref<!tpu.dma_semaphore, #tpu.memory_space<semaphore_mem>>) src(%dma_wait3A_199 : memref<10000x128xf32, #tpu.memory_space<hbm>>) dst(%arg8 : memref<128x128xf32, #tpu.memory_space<vmem>>)
      %run_scoped3A_200 = arith.constant 10 : i32
      "tpu.region"() ({
        %run_scoped3A_269 = tpu.sem_alloc : memref<!tpu.dma_semaphore, #tpu.memory_space<semaphore_mem>>
        %dma_start3A_270 = arith.constant 0 : i32
        %dma_start3A_271 = tpu.memref_slice %arg7[%run_scoped3A_200, %dma_start3A_270] : memref<16x128xi32, #tpu.memory_space<vmem>> -> memref<1x128xi32, #tpu.memory_space<vmem>>
        %dma_start3A_272 = tpu.memref_squeeze %dma_start3A_271 : memref<1x128xi32, #tpu.memory_space<vmem>> -> memref<128xi32, #tpu.memory_space<vmem>>
        %dma_start3A_273 = arith.constant 0 : i32
        %dma_start3A_274 = arith.constant 0 : i32
        %dma_start3A_275 = tpu.memref_slice %arg10[%dma_start3A_273, %dma_start3A_274] : memref<10240x128xf32, #tpu.memory_space<vmem_shared>> -> memref<10240x128xf32, #tpu.memory_space<vmem_shared>>
        tpu.enqueue_indirect_dma source(%arg8 : memref<128x128xf32, #tpu.memory_space<vmem>>) target(%dma_start3A_275 : memref<10240x128xf32, #tpu.memory_space<vmem_shared>>) offsets(%dma_start3A_272 : memref<128xi32, #tpu.memory_space<vmem>>) semaphore(%run_scoped3A_269 : memref<!tpu.dma_semaphore, #tpu.memory_space<semaphore_mem>>) {add = true}
        %dma_wait3A_276 = arith.constant 0 : i32
        %dma_wait3A_277 = tpu.memref_slice %arg7[%run_scoped3A_200, %dma_wait3A_276] : memref<16x128xi32, #tpu.memory_space<vmem>> -> memref<1x128xi32, #tpu.memory_space<vmem>>
        %dma_wait3A_278 = tpu.memref_squeeze %dma_wait3A_277 : memref<1x128xi32, #tpu.memory_space<vmem>> -> memref<128xi32, #tpu.memory_space<vmem>>
        %dma_wait3A_279 = arith.constant 0 : i32
        %dma_wait3A_280 = arith.constant 0 : i32
        %dma_wait3A_281 = tpu.memref_slice %arg10[%dma_wait3A_279, %dma_wait3A_280] : memref<10240x128xf32, #tpu.memory_space<vmem_shared>> -> memref<10240x128xf32, #tpu.memory_space<vmem_shared>>
        tpu.wait_indirect_dma semaphore(%run_scoped3A_269 : memref<!tpu.dma_semaphore, #tpu.memory_space<semaphore_mem>>) src(%arg8 : memref<128x128xf32, #tpu.memory_space<vmem>>) dst(%dma_wait3A_281 : memref<10240x128xf32, #tpu.memory_space<vmem_shared>>)
        tpu.yield
      }) : () -> ()
      %dma_start3A_201 = arith.constant 12 : i32
      %dma_start3A_202 = arith.constant 0 : i32
      %dma_start3A_203 = tpu.memref_slice %arg6[%dma_start3A_201, %dma_start3A_202] : memref<16x128xi32, #tpu.memory_space<vmem>> -> memref<1x128xi32, #tpu.memory_space<vmem>>
      %dma_start3A_204 = tpu.memref_squeeze %dma_start3A_203 : memref<1x128xi32, #tpu.memory_space<vmem>> -> memref<128xi32, #tpu.memory_space<vmem>>
      %dma_start3A_205 = arith.constant 0 : i32
      %dma_start3A_206 = arith.constant 0 : i32
      %dma_start3A_207 = tpu.memref_slice %arg2[%dma_start3A_205, %dma_start3A_206] : memref<10000x128xf32, #tpu.memory_space<hbm>> -> memref<10000x128xf32, #tpu.memory_space<hbm>>
      tpu.enqueue_indirect_dma source(%dma_start3A_207 : memref<10000x128xf32, #tpu.memory_space<hbm>>) target(%arg8 : memref<128x128xf32, #tpu.memory_space<vmem>>) offsets(%dma_start3A_204 : memref<128xi32, #tpu.memory_space<vmem>>) semaphore(%arg11 : memref<!tpu.dma_semaphore, #tpu.memory_space<semaphore_mem>>)
      %dma_wait3A_208 = arith.constant 11 : i32
      %dma_wait3A_209 = arith.constant 0 : i32
      %dma_wait3A_210 = tpu.memref_slice %arg6[%dma_wait3A_208, %dma_wait3A_209] : memref<16x128xi32, #tpu.memory_space<vmem>> -> memref<1x128xi32, #tpu.memory_space<vmem>>
      %dma_wait3A_211 = tpu.memref_squeeze %dma_wait3A_210 : memref<1x128xi32, #tpu.memory_space<vmem>> -> memref<128xi32, #tpu.memory_space<vmem>>
      %dma_wait3A_212 = arith.constant 0 : i32
      %dma_wait3A_213 = arith.constant 0 : i32
      %dma_wait3A_214 = tpu.memref_slice %arg2[%dma_wait3A_212, %dma_wait3A_213] : memref<10000x128xf32, #tpu.memory_space<hbm>> -> memref<10000x128xf32, #tpu.memory_space<hbm>>
      tpu.wait_indirect_dma semaphore(%arg12 : memref<!tpu.dma_semaphore, #tpu.memory_space<semaphore_mem>>) src(%dma_wait3A_214 : memref<10000x128xf32, #tpu.memory_space<hbm>>) dst(%arg9 : memref<128x128xf32, #tpu.memory_space<vmem>>)
      %run_scoped3A_215 = arith.constant 11 : i32
      "tpu.region"() ({
        %run_scoped3A_269 = tpu.sem_alloc : memref<!tpu.dma_semaphore, #tpu.memory_space<semaphore_mem>>
        %dma_start3A_270 = arith.constant 0 : i32
        %dma_start3A_271 = tpu.memref_slice %arg7[%run_scoped3A_215, %dma_start3A_270] : memref<16x128xi32, #tpu.memory_space<vmem>> -> memref<1x128xi32, #tpu.memory_space<vmem>>
        %dma_start3A_272 = tpu.memref_squeeze %dma_start3A_271 : memref<1x128xi32, #tpu.memory_space<vmem>> -> memref<128xi32, #tpu.memory_space<vmem>>
        %dma_start3A_273 = arith.constant 0 : i32
        %dma_start3A_274 = arith.constant 0 : i32
        %dma_start3A_275 = tpu.memref_slice %arg10[%dma_start3A_273, %dma_start3A_274] : memref<10240x128xf32, #tpu.memory_space<vmem_shared>> -> memref<10240x128xf32, #tpu.memory_space<vmem_shared>>
        tpu.enqueue_indirect_dma source(%arg9 : memref<128x128xf32, #tpu.memory_space<vmem>>) target(%dma_start3A_275 : memref<10240x128xf32, #tpu.memory_space<vmem_shared>>) offsets(%dma_start3A_272 : memref<128xi32, #tpu.memory_space<vmem>>) semaphore(%run_scoped3A_269 : memref<!tpu.dma_semaphore, #tpu.memory_space<semaphore_mem>>) {add = true}
        %dma_wait3A_276 = arith.constant 0 : i32
        %dma_wait3A_277 = tpu.memref_slice %arg7[%run_scoped3A_215, %dma_wait3A_276] : memref<16x128xi32, #tpu.memory_space<vmem>> -> memref<1x128xi32, #tpu.memory_space<vmem>>
        %dma_wait3A_278 = tpu.memref_squeeze %dma_wait3A_277 : memref<1x128xi32, #tpu.memory_space<vmem>> -> memref<128xi32, #tpu.memory_space<vmem>>
        %dma_wait3A_279 = arith.constant 0 : i32
        %dma_wait3A_280 = arith.constant 0 : i32
        %dma_wait3A_281 = tpu.memref_slice %arg10[%dma_wait3A_279, %dma_wait3A_280] : memref<10240x128xf32, #tpu.memory_space<vmem_shared>> -> memref<10240x128xf32, #tpu.memory_space<vmem_shared>>
        tpu.wait_indirect_dma semaphore(%run_scoped3A_269 : memref<!tpu.dma_semaphore, #tpu.memory_space<semaphore_mem>>) src(%arg9 : memref<128x128xf32, #tpu.memory_space<vmem>>) dst(%dma_wait3A_281 : memref<10240x128xf32, #tpu.memory_space<vmem_shared>>)
        tpu.yield
      }) : () -> ()
      %dma_start3A_216 = arith.constant 13 : i32
      %dma_start3A_217 = arith.constant 0 : i32
      %dma_start3A_218 = tpu.memref_slice %arg6[%dma_start3A_216, %dma_start3A_217] : memref<16x128xi32, #tpu.memory_space<vmem>> -> memref<1x128xi32, #tpu.memory_space<vmem>>
      %dma_start3A_219 = tpu.memref_squeeze %dma_start3A_218 : memref<1x128xi32, #tpu.memory_space<vmem>> -> memref<128xi32, #tpu.memory_space<vmem>>
      %dma_start3A_220 = arith.constant 0 : i32
      %dma_start3A_221 = arith.constant 0 : i32
      %dma_start3A_222 = tpu.memref_slice %arg2[%dma_start3A_220, %dma_start3A_221] : memref<10000x128xf32, #tpu.memory_space<hbm>> -> memref<10000x128xf32, #tpu.memory_space<hbm>>
      tpu.enqueue_indirect_dma source(%dma_start3A_222 : memref<10000x128xf32, #tpu.memory_space<hbm>>) target(%arg9 : memref<128x128xf32, #tpu.memory_space<vmem>>) offsets(%dma_start3A_219 : memref<128xi32, #tpu.memory_space<vmem>>) semaphore(%arg12 : memref<!tpu.dma_semaphore, #tpu.memory_space<semaphore_mem>>)
      %dma_wait3A_223 = arith.constant 12 : i32
      %dma_wait3A_224 = arith.constant 0 : i32
      %dma_wait3A_225 = tpu.memref_slice %arg6[%dma_wait3A_223, %dma_wait3A_224] : memref<16x128xi32, #tpu.memory_space<vmem>> -> memref<1x128xi32, #tpu.memory_space<vmem>>
      %dma_wait3A_226 = tpu.memref_squeeze %dma_wait3A_225 : memref<1x128xi32, #tpu.memory_space<vmem>> -> memref<128xi32, #tpu.memory_space<vmem>>
      %dma_wait3A_227 = arith.constant 0 : i32
      %dma_wait3A_228 = arith.constant 0 : i32
      %dma_wait3A_229 = tpu.memref_slice %arg2[%dma_wait3A_227, %dma_wait3A_228] : memref<10000x128xf32, #tpu.memory_space<hbm>> -> memref<10000x128xf32, #tpu.memory_space<hbm>>
      tpu.wait_indirect_dma semaphore(%arg11 : memref<!tpu.dma_semaphore, #tpu.memory_space<semaphore_mem>>) src(%dma_wait3A_229 : memref<10000x128xf32, #tpu.memory_space<hbm>>) dst(%arg8 : memref<128x128xf32, #tpu.memory_space<vmem>>)
      %run_scoped3A_230 = arith.constant 12 : i32
      "tpu.region"() ({
        %run_scoped3A_269 = tpu.sem_alloc : memref<!tpu.dma_semaphore, #tpu.memory_space<semaphore_mem>>
        %dma_start3A_270 = arith.constant 0 : i32
        %dma_start3A_271 = tpu.memref_slice %arg7[%run_scoped3A_230, %dma_start3A_270] : memref<16x128xi32, #tpu.memory_space<vmem>> -> memref<1x128xi32, #tpu.memory_space<vmem>>
        %dma_start3A_272 = tpu.memref_squeeze %dma_start3A_271 : memref<1x128xi32, #tpu.memory_space<vmem>> -> memref<128xi32, #tpu.memory_space<vmem>>
        %dma_start3A_273 = arith.constant 0 : i32
        %dma_start3A_274 = arith.constant 0 : i32
        %dma_start3A_275 = tpu.memref_slice %arg10[%dma_start3A_273, %dma_start3A_274] : memref<10240x128xf32, #tpu.memory_space<vmem_shared>> -> memref<10240x128xf32, #tpu.memory_space<vmem_shared>>
        tpu.enqueue_indirect_dma source(%arg8 : memref<128x128xf32, #tpu.memory_space<vmem>>) target(%dma_start3A_275 : memref<10240x128xf32, #tpu.memory_space<vmem_shared>>) offsets(%dma_start3A_272 : memref<128xi32, #tpu.memory_space<vmem>>) semaphore(%run_scoped3A_269 : memref<!tpu.dma_semaphore, #tpu.memory_space<semaphore_mem>>) {add = true}
        %dma_wait3A_276 = arith.constant 0 : i32
        %dma_wait3A_277 = tpu.memref_slice %arg7[%run_scoped3A_230, %dma_wait3A_276] : memref<16x128xi32, #tpu.memory_space<vmem>> -> memref<1x128xi32, #tpu.memory_space<vmem>>
        %dma_wait3A_278 = tpu.memref_squeeze %dma_wait3A_277 : memref<1x128xi32, #tpu.memory_space<vmem>> -> memref<128xi32, #tpu.memory_space<vmem>>
        %dma_wait3A_279 = arith.constant 0 : i32
        %dma_wait3A_280 = arith.constant 0 : i32
        %dma_wait3A_281 = tpu.memref_slice %arg10[%dma_wait3A_279, %dma_wait3A_280] : memref<10240x128xf32, #tpu.memory_space<vmem_shared>> -> memref<10240x128xf32, #tpu.memory_space<vmem_shared>>
        tpu.wait_indirect_dma semaphore(%run_scoped3A_269 : memref<!tpu.dma_semaphore, #tpu.memory_space<semaphore_mem>>) src(%arg8 : memref<128x128xf32, #tpu.memory_space<vmem>>) dst(%dma_wait3A_281 : memref<10240x128xf32, #tpu.memory_space<vmem_shared>>)
        tpu.yield
      }) : () -> ()
      %dma_start3A_231 = arith.constant 14 : i32
      %dma_start3A_232 = arith.constant 0 : i32
      %dma_start3A_233 = tpu.memref_slice %arg6[%dma_start3A_231, %dma_start3A_232] : memref<16x128xi32, #tpu.memory_space<vmem>> -> memref<1x128xi32, #tpu.memory_space<vmem>>
      %dma_start3A_234 = tpu.memref_squeeze %dma_start3A_233 : memref<1x128xi32, #tpu.memory_space<vmem>> -> memref<128xi32, #tpu.memory_space<vmem>>
      %dma_start3A_235 = arith.constant 0 : i32
      %dma_start3A_236 = arith.constant 0 : i32
      %dma_start3A_237 = tpu.memref_slice %arg2[%dma_start3A_235, %dma_start3A_236] : memref<10000x128xf32, #tpu.memory_space<hbm>> -> memref<10000x128xf32, #tpu.memory_space<hbm>>
      tpu.enqueue_indirect_dma source(%dma_start3A_237 : memref<10000x128xf32, #tpu.memory_space<hbm>>) target(%arg8 : memref<128x128xf32, #tpu.memory_space<vmem>>) offsets(%dma_start3A_234 : memref<128xi32, #tpu.memory_space<vmem>>) semaphore(%arg11 : memref<!tpu.dma_semaphore, #tpu.memory_space<semaphore_mem>>)
      %dma_wait3A_238 = arith.constant 13 : i32
      %dma_wait3A_239 = arith.constant 0 : i32
      %dma_wait3A_240 = tpu.memref_slice %arg6[%dma_wait3A_238, %dma_wait3A_239] : memref<16x128xi32, #tpu.memory_space<vmem>> -> memref<1x128xi32, #tpu.memory_space<vmem>>
      %dma_wait3A_241 = tpu.memref_squeeze %dma_wait3A_240 : memref<1x128xi32, #tpu.memory_space<vmem>> -> memref<128xi32, #tpu.memory_space<vmem>>
      %dma_wait3A_242 = arith.constant 0 : i32
      %dma_wait3A_243 = arith.constant 0 : i32
      %dma_wait3A_244 = tpu.memref_slice %arg2[%dma_wait3A_242, %dma_wait3A_243] : memref<10000x128xf32, #tpu.memory_space<hbm>> -> memref<10000x128xf32, #tpu.memory_space<hbm>>
      tpu.wait_indirect_dma semaphore(%arg12 : memref<!tpu.dma_semaphore, #tpu.memory_space<semaphore_mem>>) src(%dma_wait3A_244 : memref<10000x128xf32, #tpu.memory_space<hbm>>) dst(%arg9 : memref<128x128xf32, #tpu.memory_space<vmem>>)
      %run_scoped3A_245 = arith.constant 13 : i32
      "tpu.region"() ({
        %run_scoped3A_269 = tpu.sem_alloc : memref<!tpu.dma_semaphore, #tpu.memory_space<semaphore_mem>>
        %dma_start3A_270 = arith.constant 0 : i32
        %dma_start3A_271 = tpu.memref_slice %arg7[%run_scoped3A_245, %dma_start3A_270] : memref<16x128xi32, #tpu.memory_space<vmem>> -> memref<1x128xi32, #tpu.memory_space<vmem>>
        %dma_start3A_272 = tpu.memref_squeeze %dma_start3A_271 : memref<1x128xi32, #tpu.memory_space<vmem>> -> memref<128xi32, #tpu.memory_space<vmem>>
        %dma_start3A_273 = arith.constant 0 : i32
        %dma_start3A_274 = arith.constant 0 : i32
        %dma_start3A_275 = tpu.memref_slice %arg10[%dma_start3A_273, %dma_start3A_274] : memref<10240x128xf32, #tpu.memory_space<vmem_shared>> -> memref<10240x128xf32, #tpu.memory_space<vmem_shared>>
        tpu.enqueue_indirect_dma source(%arg9 : memref<128x128xf32, #tpu.memory_space<vmem>>) target(%dma_start3A_275 : memref<10240x128xf32, #tpu.memory_space<vmem_shared>>) offsets(%dma_start3A_272 : memref<128xi32, #tpu.memory_space<vmem>>) semaphore(%run_scoped3A_269 : memref<!tpu.dma_semaphore, #tpu.memory_space<semaphore_mem>>) {add = true}
        %dma_wait3A_276 = arith.constant 0 : i32
        %dma_wait3A_277 = tpu.memref_slice %arg7[%run_scoped3A_245, %dma_wait3A_276] : memref<16x128xi32, #tpu.memory_space<vmem>> -> memref<1x128xi32, #tpu.memory_space<vmem>>
        %dma_wait3A_278 = tpu.memref_squeeze %dma_wait3A_277 : memref<1x128xi32, #tpu.memory_space<vmem>> -> memref<128xi32, #tpu.memory_space<vmem>>
        %dma_wait3A_279 = arith.constant 0 : i32
        %dma_wait3A_280 = arith.constant 0 : i32
        %dma_wait3A_281 = tpu.memref_slice %arg10[%dma_wait3A_279, %dma_wait3A_280] : memref<10240x128xf32, #tpu.memory_space<vmem_shared>> -> memref<10240x128xf32, #tpu.memory_space<vmem_shared>>
        tpu.wait_indirect_dma semaphore(%run_scoped3A_269 : memref<!tpu.dma_semaphore, #tpu.memory_space<semaphore_mem>>) src(%arg9 : memref<128x128xf32, #tpu.memory_space<vmem>>) dst(%dma_wait3A_281 : memref<10240x128xf32, #tpu.memory_space<vmem_shared>>)
        tpu.yield
      }) : () -> ()
      %dma_start3A_246 = arith.constant 15 : i32
      %dma_start3A_247 = arith.constant 0 : i32
      %dma_start3A_248 = tpu.memref_slice %arg6[%dma_start3A_246, %dma_start3A_247] : memref<16x128xi32, #tpu.memory_space<vmem>> -> memref<1x128xi32, #tpu.memory_space<vmem>>
      %dma_start3A_249 = tpu.memref_squeeze %dma_start3A_248 : memref<1x128xi32, #tpu.memory_space<vmem>> -> memref<128xi32, #tpu.memory_space<vmem>>
      %dma_start3A_250 = arith.constant 0 : i32
      %dma_start3A_251 = arith.constant 0 : i32
      %dma_start3A_252 = tpu.memref_slice %arg2[%dma_start3A_250, %dma_start3A_251] : memref<10000x128xf32, #tpu.memory_space<hbm>> -> memref<10000x128xf32, #tpu.memory_space<hbm>>
      tpu.enqueue_indirect_dma source(%dma_start3A_252 : memref<10000x128xf32, #tpu.memory_space<hbm>>) target(%arg9 : memref<128x128xf32, #tpu.memory_space<vmem>>) offsets(%dma_start3A_249 : memref<128xi32, #tpu.memory_space<vmem>>) semaphore(%arg12 : memref<!tpu.dma_semaphore, #tpu.memory_space<semaphore_mem>>)
      %dma_wait3A_253 = arith.constant 14 : i32
      %dma_wait3A_254 = arith.constant 0 : i32
      %dma_wait3A_255 = tpu.memref_slice %arg6[%dma_wait3A_253, %dma_wait3A_254] : memref<16x128xi32, #tpu.memory_space<vmem>> -> memref<1x128xi32, #tpu.memory_space<vmem>>
      %dma_wait3A_256 = tpu.memref_squeeze %dma_wait3A_255 : memref<1x128xi32, #tpu.memory_space<vmem>> -> memref<128xi32, #tpu.memory_space<vmem>>
      %dma_wait3A_257 = arith.constant 0 : i32
      %dma_wait3A_258 = arith.constant 0 : i32
      %dma_wait3A_259 = tpu.memref_slice %arg2[%dma_wait3A_257, %dma_wait3A_258] : memref<10000x128xf32, #tpu.memory_space<hbm>> -> memref<10000x128xf32, #tpu.memory_space<hbm>>
      tpu.wait_indirect_dma semaphore(%arg11 : memref<!tpu.dma_semaphore, #tpu.memory_space<semaphore_mem>>) src(%dma_wait3A_259 : memref<10000x128xf32, #tpu.memory_space<hbm>>) dst(%arg8 : memref<128x128xf32, #tpu.memory_space<vmem>>)
      %run_scoped3A_260 = arith.constant 14 : i32
      "tpu.region"() ({
        %run_scoped3A_269 = tpu.sem_alloc : memref<!tpu.dma_semaphore, #tpu.memory_space<semaphore_mem>>
        %dma_start3A_270 = arith.constant 0 : i32
        %dma_start3A_271 = tpu.memref_slice %arg7[%run_scoped3A_260, %dma_start3A_270] : memref<16x128xi32, #tpu.memory_space<vmem>> -> memref<1x128xi32, #tpu.memory_space<vmem>>
        %dma_start3A_272 = tpu.memref_squeeze %dma_start3A_271 : memref<1x128xi32, #tpu.memory_space<vmem>> -> memref<128xi32, #tpu.memory_space<vmem>>
        %dma_start3A_273 = arith.constant 0 : i32
        %dma_start3A_274 = arith.constant 0 : i32
        %dma_start3A_275 = tpu.memref_slice %arg10[%dma_start3A_273, %dma_start3A_274] : memref<10240x128xf32, #tpu.memory_space<vmem_shared>> -> memref<10240x128xf32, #tpu.memory_space<vmem_shared>>
        tpu.enqueue_indirect_dma source(%arg8 : memref<128x128xf32, #tpu.memory_space<vmem>>) target(%dma_start3A_275 : memref<10240x128xf32, #tpu.memory_space<vmem_shared>>) offsets(%dma_start3A_272 : memref<128xi32, #tpu.memory_space<vmem>>) semaphore(%run_scoped3A_269 : memref<!tpu.dma_semaphore, #tpu.memory_space<semaphore_mem>>) {add = true}
        %dma_wait3A_276 = arith.constant 0 : i32
        %dma_wait3A_277 = tpu.memref_slice %arg7[%run_scoped3A_260, %dma_wait3A_276] : memref<16x128xi32, #tpu.memory_space<vmem>> -> memref<1x128xi32, #tpu.memory_space<vmem>>
        %dma_wait3A_278 = tpu.memref_squeeze %dma_wait3A_277 : memref<1x128xi32, #tpu.memory_space<vmem>> -> memref<128xi32, #tpu.memory_space<vmem>>
        %dma_wait3A_279 = arith.constant 0 : i32
        %dma_wait3A_280 = arith.constant 0 : i32
        %dma_wait3A_281 = tpu.memref_slice %arg10[%dma_wait3A_279, %dma_wait3A_280] : memref<10240x128xf32, #tpu.memory_space<vmem_shared>> -> memref<10240x128xf32, #tpu.memory_space<vmem_shared>>
        tpu.wait_indirect_dma semaphore(%run_scoped3A_269 : memref<!tpu.dma_semaphore, #tpu.memory_space<semaphore_mem>>) src(%arg8 : memref<128x128xf32, #tpu.memory_space<vmem>>) dst(%dma_wait3A_281 : memref<10240x128xf32, #tpu.memory_space<vmem_shared>>)
        tpu.yield
      }) : () -> ()
      %dma_wait3A_261 = arith.constant 15 : i32
      %dma_wait3A_262 = arith.constant 0 : i32
      %dma_wait3A_263 = tpu.memref_slice %arg6[%dma_wait3A_261, %dma_wait3A_262] : memref<16x128xi32, #tpu.memory_space<vmem>> -> memref<1x128xi32, #tpu.memory_space<vmem>>
      %dma_wait3A_264 = tpu.memref_squeeze %dma_wait3A_263 : memref<1x128xi32, #tpu.memory_space<vmem>> -> memref<128xi32, #tpu.memory_space<vmem>>
      %dma_wait3A_265 = arith.constant 0 : i32
      %dma_wait3A_266 = arith.constant 0 : i32
      %dma_wait3A_267 = tpu.memref_slice %arg2[%dma_wait3A_265, %dma_wait3A_266] : memref<10000x128xf32, #tpu.memory_space<hbm>> -> memref<10000x128xf32, #tpu.memory_space<hbm>>
      tpu.wait_indirect_dma semaphore(%arg12 : memref<!tpu.dma_semaphore, #tpu.memory_space<semaphore_mem>>) src(%dma_wait3A_267 : memref<10000x128xf32, #tpu.memory_space<hbm>>) dst(%arg9 : memref<128x128xf32, #tpu.memory_space<vmem>>)
      %run_scoped3A_268 = arith.constant 15 : i32
      "tpu.region"() ({
        %run_scoped3A_269 = tpu.sem_alloc : memref<!tpu.dma_semaphore, #tpu.memory_space<semaphore_mem>>
        %dma_start3A_270 = arith.constant 0 : i32
        %dma_start3A_271 = tpu.memref_slice %arg7[%run_scoped3A_268, %dma_start3A_270] : memref<16x128xi32, #tpu.memory_space<vmem>> -> memref<1x128xi32, #tpu.memory_space<vmem>>
        %dma_start3A_272 = tpu.memref_squeeze %dma_start3A_271 : memref<1x128xi32, #tpu.memory_space<vmem>> -> memref<128xi32, #tpu.memory_space<vmem>>
        %dma_start3A_273 = arith.constant 0 : i32
        %dma_start3A_274 = arith.constant 0 : i32
        %dma_start3A_275 = tpu.memref_slice %arg10[%dma_start3A_273, %dma_start3A_274] : memref<10240x128xf32, #tpu.memory_space<vmem_shared>> -> memref<10240x128xf32, #tpu.memory_space<vmem_shared>>
        tpu.enqueue_indirect_dma source(%arg9 : memref<128x128xf32, #tpu.memory_space<vmem>>) target(%dma_start3A_275 : memref<10240x128xf32, #tpu.memory_space<vmem_shared>>) offsets(%dma_start3A_272 : memref<128xi32, #tpu.memory_space<vmem>>) semaphore(%run_scoped3A_269 : memref<!tpu.dma_semaphore, #tpu.memory_space<semaphore_mem>>) {add = true}
        %dma_wait3A_276 = arith.constant 0 : i32
        %dma_wait3A_277 = tpu.memref_slice %arg7[%run_scoped3A_268, %dma_wait3A_276] : memref<16x128xi32, #tpu.memory_space<vmem>> -> memref<1x128xi32, #tpu.memory_space<vmem>>
        %dma_wait3A_278 = tpu.memref_squeeze %dma_wait3A_277 : memref<1x128xi32, #tpu.memory_space<vmem>> -> memref<128xi32, #tpu.memory_space<vmem>>
        %dma_wait3A_279 = arith.constant 0 : i32
        %dma_wait3A_280 = arith.constant 0 : i32
        %dma_wait3A_281 = tpu.memref_slice %arg10[%dma_wait3A_279, %dma_wait3A_280] : memref<10240x128xf32, #tpu.memory_space<vmem_shared>> -> memref<10240x128xf32, #tpu.memory_space<vmem_shared>>
        tpu.wait_indirect_dma semaphore(%run_scoped3A_269 : memref<!tpu.dma_semaphore, #tpu.memory_space<semaphore_mem>>) src(%arg9 : memref<128x128xf32, #tpu.memory_space<vmem>>) dst(%dma_wait3A_281 : memref<10240x128xf32, #tpu.memory_space<vmem_shared>>)
        tpu.yield
      }) : () -> ()
    }
    %scan3A_15 = arith.constant 5 : i32
    %barrier3A_16 = arith.constant 0 : index
    tpu.barrier barrier_id(%barrier3A_16)
    %scan3A_17 = arith.constant 0 : i32
    %scan3A_18 = arith.constant 5 : i32
    %scan3A_19 = arith.addi %scan3A_17, %scan3A_18 : i32
    %scan3A_20 = arith.constant 1 : i32
    scf.for %scan3A_22 = %scan3A_17 to %scan3A_19 step %scan3A_20  : i32 {
      %mul3A_23 = arith.constant 128 : i32
      %mul3A_24 = arith.muli %scan3A_22, %mul3A_23 : i32
      %add3A_25 = arith.constant 0 : i32
      %add3A_26 = arith.addi %add3A_25, %mul3A_24 : i32
      %mul3A_27 = arith.constant 640 : i32
      %mul3A_28 = arith.muli %arg1, %mul3A_27 : i32
      %add3A_29 = arith.addi %mul3A_28, %add3A_26 : i32
      "tpu.region"() ({
        %run_scoped3A = tpu.sem_alloc : memref<!tpu.dma_semaphore, #tpu.memory_space<semaphore_mem>>
        %dma_start3A = arith.constant 0 : i32
        %dma_start3A_30 = arith.constant 0 : i32
        %dma_start3A_31 = tpu.memref_slice %arg5[%arg0, %dma_start3A, %dma_start3A_30] : memref<2x10240x128xf32, #tpu.memory_space<hbm>> -> memref<1x10240x128xf32, #tpu.memory_space<hbm>>
        %dma_start3A_32 = tpu.memref_squeeze %dma_start3A_31 : memref<1x10240x128xf32, #tpu.memory_space<hbm>> -> memref<10240x128xf32, #tpu.memory_space<hbm>>
        %dma_start3A_33 = arith.constant 0 : i32
        %dma_start3A_34 = tpu.memref_slice %dma_start3A_32[%add3A_29, %dma_start3A_33] : memref<10240x128xf32, #tpu.memory_space<hbm>> -> memref<128x128xf32, #tpu.memory_space<hbm>>
        %dma_start3A_35 = arith.constant 0 : i32
        %dma_start3A_36 = tpu.memref_slice %arg10[%add3A_29, %dma_start3A_35] : memref<10240x128xf32, #tpu.memory_space<vmem_shared>> -> memref<128x128xf32, #tpu.memory_space<vmem_shared>>
        tpu.enqueue_dma source(%dma_start3A_36 : memref<128x128xf32, #tpu.memory_space<vmem_shared>>) target(%dma_start3A_34 : memref<128x128xf32, #tpu.memory_space<hbm>>) target_semaphore(%run_scoped3A : memref<!tpu.dma_semaphore, #tpu.memory_space<semaphore_mem>>)
        %dma_wait3A = arith.constant 0 : i32
        %dma_wait3A_37 = arith.constant 0 : i32
        %dma_wait3A_38 = tpu.memref_slice %arg5[%arg0, %dma_wait3A, %dma_wait3A_37] : memref<2x10240x128xf32, #tpu.memory_space<hbm>> -> memref<1x10240x128xf32, #tpu.memory_space<hbm>>
        %dma_wait3A_39 = tpu.memref_squeeze %dma_wait3A_38 : memref<1x10240x128xf32, #tpu.memory_space<hbm>> -> memref<10240x128xf32, #tpu.memory_space<hbm>>
        %dma_wait3A_40 = arith.constant 0 : i32
        %dma_wait3A_41 = tpu.memref_slice %dma_wait3A_39[%add3A_29, %dma_wait3A_40] : memref<10240x128xf32, #tpu.memory_space<hbm>> -> memref<128x128xf32, #tpu.memory_space<hbm>>
        %dma_wait3A_42 = arith.constant 0 : i32
        %dma_wait3A_43 = tpu.memref_slice %arg10[%add3A_29, %dma_wait3A_42] : memref<10240x128xf32, #tpu.memory_space<vmem_shared>> -> memref<128x128xf32, #tpu.memory_space<vmem_shared>>
        tpu.wait_dma2 semaphore(%run_scoped3A : memref<!tpu.dma_semaphore, #tpu.memory_space<semaphore_mem>>) src(%dma_wait3A_43 : memref<128x128xf32, #tpu.memory_space<vmem_shared>>) dst(%dma_wait3A_41 : memref<128x128xf32, #tpu.memory_space<hbm>>)
        tpu.yield
      }) : () -> ()
    }
    %scan3A_21 = arith.constant 5 : i32
    return
  }
}

module attributes {stable_mosaic.version = 14 : i64} {
  func.func @_lstm_body(%arg0: i32, %arg1: memref<1000x12x128xf32, #tpu.memory_space<vmem>>, %arg2: memref<128x512xf32, #tpu.memory_space<vmem>>, %arg3: memref<128x512xf32, #tpu.memory_space<vmem>>, %arg4: memref<1x512xf32, #tpu.memory_space<vmem>>, %arg5: memref<1x512xf32, #tpu.memory_space<vmem>>, %arg6: memref<1000x128xf32, #tpu.memory_space<vmem>>) attributes {dimension_semantics = [#tpu.dimension_semantics<arbitrary>], iteration_bounds = array<i64: 10>, scalar_prefetch = 0 : i64, scratch_operands = 0 : i64, tpu.core_type = #tpu.core_type<tc>, window_params = [{transform_indices = @transform_0, window_bounds = array<i64: 1000, 12, 128>}, {pipeline_mode = #tpu.pipeline_mode<synchronous>, transform_indices = @transform_1, window_bounds = array<i64: 128, 512>}, {pipeline_mode = #tpu.pipeline_mode<synchronous>, transform_indices = @transform_2, window_bounds = array<i64: 128, 512>}, {pipeline_mode = #tpu.pipeline_mode<synchronous>, transform_indices = @transform_3, window_bounds = array<i64: 1, 512>}, {pipeline_mode = #tpu.pipeline_mode<synchronous>, transform_indices = @transform_4, window_bounds = array<i64: 1, 512>}, {transform_indices = @transform_5, window_bounds = array<i64: 1000, 128>}]} {
    %get3A = arith.constant 0 : index
    %get3A_0 = arith.constant 0 : index
    %get3A_1 = vector.load %arg4[%get3A, %get3A_0] : memref<1x512xf32, #tpu.memory_space<vmem>>, vector<1x512xf32>
    %get3A_2 = arith.constant 0 : index
    %get3A_3 = arith.constant 0 : index
    %get3A_4 = vector.load %arg5[%get3A_2, %get3A_3] : memref<1x512xf32, #tpu.memory_space<vmem>>, vector<1x512xf32>
    %add3A = arith.addf %get3A_1, %get3A_4 : vector<1x512xf32>
    %broadcast_in_dim3A = arith.constant 0.000000e+00 : f32
    %broadcast_in_dim3A_5 = vector.broadcast %broadcast_in_dim3A : f32 to vector<1000x128xf32>
    %broadcast_in_dim3A_6 = arith.constant 0.000000e+00 : f32
    %broadcast_in_dim3A_7 = vector.broadcast %broadcast_in_dim3A_6 : f32 to vector<1000x128xf32>
    %get3A_8 = arith.constant 0 : index
    %get3A_9 = arith.constant 0 : index
    %get3A_10 = arith.constant 0 : index
    %get3A_11 = vector.load %arg1[%get3A_8, %get3A_9, %get3A_10] : memref<1000x12x128xf32, #tpu.memory_space<vmem>>, vector<1000x1x128xf32>
    %get3A_12 = vector.shape_cast %get3A_11 : vector<1000x1x128xf32> to vector<1000x128xf32>
    %get3A_13 = arith.constant 0 : index
    %get3A_14 = arith.constant 0 : index
    %get3A_15 = vector.load %arg2[%get3A_13, %get3A_14] : memref<128x512xf32, #tpu.memory_space<vmem>>, vector<128x512xf32>
    %dot_general3A = arith.constant dense<0.000000e+00> : vector<1000x512xf32>
    %dot_general3A_16 = tpu.matmul %get3A_12, %get3A_15, %dot_general3A {dimension_numbers = #tpu.dot_dimension_numbers<[1], [0], [0], [1], [0, 0, 1, 1], [], []>, transpose_lhs_hint = false} : vector<1000x128xf32>, vector<128x512xf32>, vector<1000x512xf32> -> vector<1000x512xf32>
    %get3A_17 = arith.constant 0 : index
    %get3A_18 = arith.constant 0 : index
    %get3A_19 = vector.load %arg3[%get3A_17, %get3A_18] : memref<128x512xf32, #tpu.memory_space<vmem>>, vector<128x512xf32>
    %dot_general3A_20 = arith.constant dense<0.000000e+00> : vector<1000x512xf32>
    %dot_general3A_21 = tpu.matmul %broadcast_in_dim3A_5, %get3A_19, %dot_general3A_20 {dimension_numbers = #tpu.dot_dimension_numbers<[1], [0], [0], [1], [0, 0, 1, 1], [], []>, transpose_lhs_hint = false} : vector<1000x128xf32>, vector<128x512xf32>, vector<1000x512xf32> -> vector<1000x512xf32>
    %add3A_22 = arith.addf %dot_general3A_16, %dot_general3A_21 : vector<1000x512xf32>
    %add3A_23 = vector.broadcast %add3A : vector<1x512xf32> to vector<1000x512xf32>
    %add3A_24 = arith.addf %add3A_22, %add3A_23 : vector<1000x512xf32>
    %slice3A = vector.extract_strided_slice %add3A_24 {offsets = [0, 0], sizes = [1000, 128], strides = [1, 1]} : vector<1000x512xf32> to vector<1000x128xf32>
    %logistic3A = arith.negf %slice3A : vector<1000x128xf32>
    %logistic3A_25 = math.exp %logistic3A : vector<1000x128xf32>
    %logistic3A_26 = arith.constant 1.000000e+00 : f32
    %logistic3A_27 = vector.broadcast %logistic3A_26 : f32 to vector<1000x128xf32>
    %logistic3A_28 = arith.addf %logistic3A_27, %logistic3A_25 : vector<1000x128xf32>
    %logistic3A_29 = arith.divf %logistic3A_27, %logistic3A_28 : vector<1000x128xf32>
    %slice3A_30 = vector.extract_strided_slice %add3A_24 {offsets = [0, 128], sizes = [1000, 128], strides = [1, 1]} : vector<1000x512xf32> to vector<1000x128xf32>
    %logistic3A_31 = arith.negf %slice3A_30 : vector<1000x128xf32>
    %logistic3A_32 = math.exp %logistic3A_31 : vector<1000x128xf32>
    %logistic3A_33 = arith.constant 1.000000e+00 : f32
    %logistic3A_34 = vector.broadcast %logistic3A_33 : f32 to vector<1000x128xf32>
    %logistic3A_35 = arith.addf %logistic3A_34, %logistic3A_32 : vector<1000x128xf32>
    %logistic3A_36 = arith.divf %logistic3A_34, %logistic3A_35 : vector<1000x128xf32>
    %slice3A_37 = vector.extract_strided_slice %add3A_24 {offsets = [0, 256], sizes = [1000, 128], strides = [1, 1]} : vector<1000x512xf32> to vector<1000x128xf32>
    %tanh3A = math.tanh %slice3A_37 : vector<1000x128xf32>
    %slice3A_38 = vector.extract_strided_slice %add3A_24 {offsets = [0, 384], sizes = [1000, 128], strides = [1, 1]} : vector<1000x512xf32> to vector<1000x128xf32>
    %logistic3A_39 = arith.negf %slice3A_38 : vector<1000x128xf32>
    %logistic3A_40 = math.exp %logistic3A_39 : vector<1000x128xf32>
    %logistic3A_41 = arith.constant 1.000000e+00 : f32
    %logistic3A_42 = vector.broadcast %logistic3A_41 : f32 to vector<1000x128xf32>
    %logistic3A_43 = arith.addf %logistic3A_42, %logistic3A_40 : vector<1000x128xf32>
    %logistic3A_44 = arith.divf %logistic3A_42, %logistic3A_43 : vector<1000x128xf32>
    %mul3A = arith.mulf %logistic3A_36, %broadcast_in_dim3A_7 : vector<1000x128xf32>
    %mul3A_45 = arith.mulf %logistic3A_29, %tanh3A : vector<1000x128xf32>
    %add3A_46 = arith.addf %mul3A, %mul3A_45 : vector<1000x128xf32>
    %tanh3A_47 = math.tanh %add3A_46 : vector<1000x128xf32>
    %mul3A_48 = arith.mulf %logistic3A_44, %tanh3A_47 : vector<1000x128xf32>
    %get3A_49 = arith.constant 0 : index
    %get3A_50 = arith.constant 1 : index
    %get3A_51 = arith.constant 0 : index
    %get3A_52 = vector.load %arg1[%get3A_49, %get3A_50, %get3A_51] : memref<1000x12x128xf32, #tpu.memory_space<vmem>>, vector<1000x1x128xf32>
    %get3A_53 = vector.shape_cast %get3A_52 : vector<1000x1x128xf32> to vector<1000x128xf32>
    %get3A_54 = arith.constant 0 : index
    %get3A_55 = arith.constant 0 : index
    %get3A_56 = vector.load %arg2[%get3A_54, %get3A_55] : memref<128x512xf32, #tpu.memory_space<vmem>>, vector<128x512xf32>
    %dot_general3A_57 = arith.constant dense<0.000000e+00> : vector<1000x512xf32>
    %dot_general3A_58 = tpu.matmul %get3A_53, %get3A_56, %dot_general3A_57 {dimension_numbers = #tpu.dot_dimension_numbers<[1], [0], [0], [1], [0, 0, 1, 1], [], []>, transpose_lhs_hint = false} : vector<1000x128xf32>, vector<128x512xf32>, vector<1000x512xf32> -> vector<1000x512xf32>
    %get3A_59 = arith.constant 0 : index
    %get3A_60 = arith.constant 0 : index
    %get3A_61 = vector.load %arg3[%get3A_59, %get3A_60] : memref<128x512xf32, #tpu.memory_space<vmem>>, vector<128x512xf32>
    %dot_general3A_62 = arith.constant dense<0.000000e+00> : vector<1000x512xf32>
    %dot_general3A_63 = tpu.matmul %mul3A_48, %get3A_61, %dot_general3A_62 {dimension_numbers = #tpu.dot_dimension_numbers<[1], [0], [0], [1], [0, 0, 1, 1], [], []>, transpose_lhs_hint = false} : vector<1000x128xf32>, vector<128x512xf32>, vector<1000x512xf32> -> vector<1000x512xf32>
    %add3A_64 = arith.addf %dot_general3A_58, %dot_general3A_63 : vector<1000x512xf32>
    %add3A_65 = vector.broadcast %add3A : vector<1x512xf32> to vector<1000x512xf32>
    %add3A_66 = arith.addf %add3A_64, %add3A_65 : vector<1000x512xf32>
    %slice3A_67 = vector.extract_strided_slice %add3A_66 {offsets = [0, 0], sizes = [1000, 128], strides = [1, 1]} : vector<1000x512xf32> to vector<1000x128xf32>
    %logistic3A_68 = arith.negf %slice3A_67 : vector<1000x128xf32>
    %logistic3A_69 = math.exp %logistic3A_68 : vector<1000x128xf32>
    %logistic3A_70 = arith.constant 1.000000e+00 : f32
    %logistic3A_71 = vector.broadcast %logistic3A_70 : f32 to vector<1000x128xf32>
    %logistic3A_72 = arith.addf %logistic3A_71, %logistic3A_69 : vector<1000x128xf32>
    %logistic3A_73 = arith.divf %logistic3A_71, %logistic3A_72 : vector<1000x128xf32>
    %slice3A_74 = vector.extract_strided_slice %add3A_66 {offsets = [0, 128], sizes = [1000, 128], strides = [1, 1]} : vector<1000x512xf32> to vector<1000x128xf32>
    %logistic3A_75 = arith.negf %slice3A_74 : vector<1000x128xf32>
    %logistic3A_76 = math.exp %logistic3A_75 : vector<1000x128xf32>
    %logistic3A_77 = arith.constant 1.000000e+00 : f32
    %logistic3A_78 = vector.broadcast %logistic3A_77 : f32 to vector<1000x128xf32>
    %logistic3A_79 = arith.addf %logistic3A_78, %logistic3A_76 : vector<1000x128xf32>
    %logistic3A_80 = arith.divf %logistic3A_78, %logistic3A_79 : vector<1000x128xf32>
    %slice3A_81 = vector.extract_strided_slice %add3A_66 {offsets = [0, 256], sizes = [1000, 128], strides = [1, 1]} : vector<1000x512xf32> to vector<1000x128xf32>
    %tanh3A_82 = math.tanh %slice3A_81 : vector<1000x128xf32>
    %slice3A_83 = vector.extract_strided_slice %add3A_66 {offsets = [0, 384], sizes = [1000, 128], strides = [1, 1]} : vector<1000x512xf32> to vector<1000x128xf32>
    %logistic3A_84 = arith.negf %slice3A_83 : vector<1000x128xf32>
    %logistic3A_85 = math.exp %logistic3A_84 : vector<1000x128xf32>
    %logistic3A_86 = arith.constant 1.000000e+00 : f32
    %logistic3A_87 = vector.broadcast %logistic3A_86 : f32 to vector<1000x128xf32>
    %logistic3A_88 = arith.addf %logistic3A_87, %logistic3A_85 : vector<1000x128xf32>
    %logistic3A_89 = arith.divf %logistic3A_87, %logistic3A_88 : vector<1000x128xf32>
    %mul3A_90 = arith.mulf %logistic3A_80, %add3A_46 : vector<1000x128xf32>
    %mul3A_91 = arith.mulf %logistic3A_73, %tanh3A_82 : vector<1000x128xf32>
    %add3A_92 = arith.addf %mul3A_90, %mul3A_91 : vector<1000x128xf32>
    %tanh3A_93 = math.tanh %add3A_92 : vector<1000x128xf32>
    %mul3A_94 = arith.mulf %logistic3A_89, %tanh3A_93 : vector<1000x128xf32>
    %get3A_95 = arith.constant 0 : index
    %get3A_96 = arith.constant 2 : index
    %get3A_97 = arith.constant 0 : index
    %get3A_98 = vector.load %arg1[%get3A_95, %get3A_96, %get3A_97] : memref<1000x12x128xf32, #tpu.memory_space<vmem>>, vector<1000x1x128xf32>
    %get3A_99 = vector.shape_cast %get3A_98 : vector<1000x1x128xf32> to vector<1000x128xf32>
    %get3A_100 = arith.constant 0 : index
    %get3A_101 = arith.constant 0 : index
    %get3A_102 = vector.load %arg2[%get3A_100, %get3A_101] : memref<128x512xf32, #tpu.memory_space<vmem>>, vector<128x512xf32>
    %dot_general3A_103 = arith.constant dense<0.000000e+00> : vector<1000x512xf32>
    %dot_general3A_104 = tpu.matmul %get3A_99, %get3A_102, %dot_general3A_103 {dimension_numbers = #tpu.dot_dimension_numbers<[1], [0], [0], [1], [0, 0, 1, 1], [], []>, transpose_lhs_hint = false} : vector<1000x128xf32>, vector<128x512xf32>, vector<1000x512xf32> -> vector<1000x512xf32>
    %get3A_105 = arith.constant 0 : index
    %get3A_106 = arith.constant 0 : index
    %get3A_107 = vector.load %arg3[%get3A_105, %get3A_106] : memref<128x512xf32, #tpu.memory_space<vmem>>, vector<128x512xf32>
    %dot_general3A_108 = arith.constant dense<0.000000e+00> : vector<1000x512xf32>
    %dot_general3A_109 = tpu.matmul %mul3A_94, %get3A_107, %dot_general3A_108 {dimension_numbers = #tpu.dot_dimension_numbers<[1], [0], [0], [1], [0, 0, 1, 1], [], []>, transpose_lhs_hint = false} : vector<1000x128xf32>, vector<128x512xf32>, vector<1000x512xf32> -> vector<1000x512xf32>
    %add3A_110 = arith.addf %dot_general3A_104, %dot_general3A_109 : vector<1000x512xf32>
    %add3A_111 = vector.broadcast %add3A : vector<1x512xf32> to vector<1000x512xf32>
    %add3A_112 = arith.addf %add3A_110, %add3A_111 : vector<1000x512xf32>
    %slice3A_113 = vector.extract_strided_slice %add3A_112 {offsets = [0, 0], sizes = [1000, 128], strides = [1, 1]} : vector<1000x512xf32> to vector<1000x128xf32>
    %logistic3A_114 = arith.negf %slice3A_113 : vector<1000x128xf32>
    %logistic3A_115 = math.exp %logistic3A_114 : vector<1000x128xf32>
    %logistic3A_116 = arith.constant 1.000000e+00 : f32
    %logistic3A_117 = vector.broadcast %logistic3A_116 : f32 to vector<1000x128xf32>
    %logistic3A_118 = arith.addf %logistic3A_117, %logistic3A_115 : vector<1000x128xf32>
    %logistic3A_119 = arith.divf %logistic3A_117, %logistic3A_118 : vector<1000x128xf32>
    %slice3A_120 = vector.extract_strided_slice %add3A_112 {offsets = [0, 128], sizes = [1000, 128], strides = [1, 1]} : vector<1000x512xf32> to vector<1000x128xf32>
    %logistic3A_121 = arith.negf %slice3A_120 : vector<1000x128xf32>
    %logistic3A_122 = math.exp %logistic3A_121 : vector<1000x128xf32>
    %logistic3A_123 = arith.constant 1.000000e+00 : f32
    %logistic3A_124 = vector.broadcast %logistic3A_123 : f32 to vector<1000x128xf32>
    %logistic3A_125 = arith.addf %logistic3A_124, %logistic3A_122 : vector<1000x128xf32>
    %logistic3A_126 = arith.divf %logistic3A_124, %logistic3A_125 : vector<1000x128xf32>
    %slice3A_127 = vector.extract_strided_slice %add3A_112 {offsets = [0, 256], sizes = [1000, 128], strides = [1, 1]} : vector<1000x512xf32> to vector<1000x128xf32>
    %tanh3A_128 = math.tanh %slice3A_127 : vector<1000x128xf32>
    %slice3A_129 = vector.extract_strided_slice %add3A_112 {offsets = [0, 384], sizes = [1000, 128], strides = [1, 1]} : vector<1000x512xf32> to vector<1000x128xf32>
    %logistic3A_130 = arith.negf %slice3A_129 : vector<1000x128xf32>
    %logistic3A_131 = math.exp %logistic3A_130 : vector<1000x128xf32>
    %logistic3A_132 = arith.constant 1.000000e+00 : f32
    %logistic3A_133 = vector.broadcast %logistic3A_132 : f32 to vector<1000x128xf32>
    %logistic3A_134 = arith.addf %logistic3A_133, %logistic3A_131 : vector<1000x128xf32>
    %logistic3A_135 = arith.divf %logistic3A_133, %logistic3A_134 : vector<1000x128xf32>
    %mul3A_136 = arith.mulf %logistic3A_126, %add3A_92 : vector<1000x128xf32>
    %mul3A_137 = arith.mulf %logistic3A_119, %tanh3A_128 : vector<1000x128xf32>
    %add3A_138 = arith.addf %mul3A_136, %mul3A_137 : vector<1000x128xf32>
    %tanh3A_139 = math.tanh %add3A_138 : vector<1000x128xf32>
    %mul3A_140 = arith.mulf %logistic3A_135, %tanh3A_139 : vector<1000x128xf32>
    %get3A_141 = arith.constant 0 : index
    %get3A_142 = arith.constant 3 : index
    %get3A_143 = arith.constant 0 : index
    %get3A_144 = vector.load %arg1[%get3A_141, %get3A_142, %get3A_143] : memref<1000x12x128xf32, #tpu.memory_space<vmem>>, vector<1000x1x128xf32>
    %get3A_145 = vector.shape_cast %get3A_144 : vector<1000x1x128xf32> to vector<1000x128xf32>
    %get3A_146 = arith.constant 0 : index
    %get3A_147 = arith.constant 0 : index
    %get3A_148 = vector.load %arg2[%get3A_146, %get3A_147] : memref<128x512xf32, #tpu.memory_space<vmem>>, vector<128x512xf32>
    %dot_general3A_149 = arith.constant dense<0.000000e+00> : vector<1000x512xf32>
    %dot_general3A_150 = tpu.matmul %get3A_145, %get3A_148, %dot_general3A_149 {dimension_numbers = #tpu.dot_dimension_numbers<[1], [0], [0], [1], [0, 0, 1, 1], [], []>, transpose_lhs_hint = false} : vector<1000x128xf32>, vector<128x512xf32>, vector<1000x512xf32> -> vector<1000x512xf32>
    %get3A_151 = arith.constant 0 : index
    %get3A_152 = arith.constant 0 : index
    %get3A_153 = vector.load %arg3[%get3A_151, %get3A_152] : memref<128x512xf32, #tpu.memory_space<vmem>>, vector<128x512xf32>
    %dot_general3A_154 = arith.constant dense<0.000000e+00> : vector<1000x512xf32>
    %dot_general3A_155 = tpu.matmul %mul3A_140, %get3A_153, %dot_general3A_154 {dimension_numbers = #tpu.dot_dimension_numbers<[1], [0], [0], [1], [0, 0, 1, 1], [], []>, transpose_lhs_hint = false} : vector<1000x128xf32>, vector<128x512xf32>, vector<1000x512xf32> -> vector<1000x512xf32>
    %add3A_156 = arith.addf %dot_general3A_150, %dot_general3A_155 : vector<1000x512xf32>
    %add3A_157 = vector.broadcast %add3A : vector<1x512xf32> to vector<1000x512xf32>
    %add3A_158 = arith.addf %add3A_156, %add3A_157 : vector<1000x512xf32>
    %slice3A_159 = vector.extract_strided_slice %add3A_158 {offsets = [0, 0], sizes = [1000, 128], strides = [1, 1]} : vector<1000x512xf32> to vector<1000x128xf32>
    %logistic3A_160 = arith.negf %slice3A_159 : vector<1000x128xf32>
    %logistic3A_161 = math.exp %logistic3A_160 : vector<1000x128xf32>
    %logistic3A_162 = arith.constant 1.000000e+00 : f32
    %logistic3A_163 = vector.broadcast %logistic3A_162 : f32 to vector<1000x128xf32>
    %logistic3A_164 = arith.addf %logistic3A_163, %logistic3A_161 : vector<1000x128xf32>
    %logistic3A_165 = arith.divf %logistic3A_163, %logistic3A_164 : vector<1000x128xf32>
    %slice3A_166 = vector.extract_strided_slice %add3A_158 {offsets = [0, 128], sizes = [1000, 128], strides = [1, 1]} : vector<1000x512xf32> to vector<1000x128xf32>
    %logistic3A_167 = arith.negf %slice3A_166 : vector<1000x128xf32>
    %logistic3A_168 = math.exp %logistic3A_167 : vector<1000x128xf32>
    %logistic3A_169 = arith.constant 1.000000e+00 : f32
    %logistic3A_170 = vector.broadcast %logistic3A_169 : f32 to vector<1000x128xf32>
    %logistic3A_171 = arith.addf %logistic3A_170, %logistic3A_168 : vector<1000x128xf32>
    %logistic3A_172 = arith.divf %logistic3A_170, %logistic3A_171 : vector<1000x128xf32>
    %slice3A_173 = vector.extract_strided_slice %add3A_158 {offsets = [0, 256], sizes = [1000, 128], strides = [1, 1]} : vector<1000x512xf32> to vector<1000x128xf32>
    %tanh3A_174 = math.tanh %slice3A_173 : vector<1000x128xf32>
    %slice3A_175 = vector.extract_strided_slice %add3A_158 {offsets = [0, 384], sizes = [1000, 128], strides = [1, 1]} : vector<1000x512xf32> to vector<1000x128xf32>
    %logistic3A_176 = arith.negf %slice3A_175 : vector<1000x128xf32>
    %logistic3A_177 = math.exp %logistic3A_176 : vector<1000x128xf32>
    %logistic3A_178 = arith.constant 1.000000e+00 : f32
    %logistic3A_179 = vector.broadcast %logistic3A_178 : f32 to vector<1000x128xf32>
    %logistic3A_180 = arith.addf %logistic3A_179, %logistic3A_177 : vector<1000x128xf32>
    %logistic3A_181 = arith.divf %logistic3A_179, %logistic3A_180 : vector<1000x128xf32>
    %mul3A_182 = arith.mulf %logistic3A_172, %add3A_138 : vector<1000x128xf32>
    %mul3A_183 = arith.mulf %logistic3A_165, %tanh3A_174 : vector<1000x128xf32>
    %add3A_184 = arith.addf %mul3A_182, %mul3A_183 : vector<1000x128xf32>
    %tanh3A_185 = math.tanh %add3A_184 : vector<1000x128xf32>
    %mul3A_186 = arith.mulf %logistic3A_181, %tanh3A_185 : vector<1000x128xf32>
    %get3A_187 = arith.constant 0 : index
    %get3A_188 = arith.constant 4 : index
    %get3A_189 = arith.constant 0 : index
    %get3A_190 = vector.load %arg1[%get3A_187, %get3A_188, %get3A_189] : memref<1000x12x128xf32, #tpu.memory_space<vmem>>, vector<1000x1x128xf32>
    %get3A_191 = vector.shape_cast %get3A_190 : vector<1000x1x128xf32> to vector<1000x128xf32>
    %get3A_192 = arith.constant 0 : index
    %get3A_193 = arith.constant 0 : index
    %get3A_194 = vector.load %arg2[%get3A_192, %get3A_193] : memref<128x512xf32, #tpu.memory_space<vmem>>, vector<128x512xf32>
    %dot_general3A_195 = arith.constant dense<0.000000e+00> : vector<1000x512xf32>
    %dot_general3A_196 = tpu.matmul %get3A_191, %get3A_194, %dot_general3A_195 {dimension_numbers = #tpu.dot_dimension_numbers<[1], [0], [0], [1], [0, 0, 1, 1], [], []>, transpose_lhs_hint = false} : vector<1000x128xf32>, vector<128x512xf32>, vector<1000x512xf32> -> vector<1000x512xf32>
    %get3A_197 = arith.constant 0 : index
    %get3A_198 = arith.constant 0 : index
    %get3A_199 = vector.load %arg3[%get3A_197, %get3A_198] : memref<128x512xf32, #tpu.memory_space<vmem>>, vector<128x512xf32>
    %dot_general3A_200 = arith.constant dense<0.000000e+00> : vector<1000x512xf32>
    %dot_general3A_201 = tpu.matmul %mul3A_186, %get3A_199, %dot_general3A_200 {dimension_numbers = #tpu.dot_dimension_numbers<[1], [0], [0], [1], [0, 0, 1, 1], [], []>, transpose_lhs_hint = false} : vector<1000x128xf32>, vector<128x512xf32>, vector<1000x512xf32> -> vector<1000x512xf32>
    %add3A_202 = arith.addf %dot_general3A_196, %dot_general3A_201 : vector<1000x512xf32>
    %add3A_203 = vector.broadcast %add3A : vector<1x512xf32> to vector<1000x512xf32>
    %add3A_204 = arith.addf %add3A_202, %add3A_203 : vector<1000x512xf32>
    %slice3A_205 = vector.extract_strided_slice %add3A_204 {offsets = [0, 0], sizes = [1000, 128], strides = [1, 1]} : vector<1000x512xf32> to vector<1000x128xf32>
    %logistic3A_206 = arith.negf %slice3A_205 : vector<1000x128xf32>
    %logistic3A_207 = math.exp %logistic3A_206 : vector<1000x128xf32>
    %logistic3A_208 = arith.constant 1.000000e+00 : f32
    %logistic3A_209 = vector.broadcast %logistic3A_208 : f32 to vector<1000x128xf32>
    %logistic3A_210 = arith.addf %logistic3A_209, %logistic3A_207 : vector<1000x128xf32>
    %logistic3A_211 = arith.divf %logistic3A_209, %logistic3A_210 : vector<1000x128xf32>
    %slice3A_212 = vector.extract_strided_slice %add3A_204 {offsets = [0, 128], sizes = [1000, 128], strides = [1, 1]} : vector<1000x512xf32> to vector<1000x128xf32>
    %logistic3A_213 = arith.negf %slice3A_212 : vector<1000x128xf32>
    %logistic3A_214 = math.exp %logistic3A_213 : vector<1000x128xf32>
    %logistic3A_215 = arith.constant 1.000000e+00 : f32
    %logistic3A_216 = vector.broadcast %logistic3A_215 : f32 to vector<1000x128xf32>
    %logistic3A_217 = arith.addf %logistic3A_216, %logistic3A_214 : vector<1000x128xf32>
    %logistic3A_218 = arith.divf %logistic3A_216, %logistic3A_217 : vector<1000x128xf32>
    %slice3A_219 = vector.extract_strided_slice %add3A_204 {offsets = [0, 256], sizes = [1000, 128], strides = [1, 1]} : vector<1000x512xf32> to vector<1000x128xf32>
    %tanh3A_220 = math.tanh %slice3A_219 : vector<1000x128xf32>
    %slice3A_221 = vector.extract_strided_slice %add3A_204 {offsets = [0, 384], sizes = [1000, 128], strides = [1, 1]} : vector<1000x512xf32> to vector<1000x128xf32>
    %logistic3A_222 = arith.negf %slice3A_221 : vector<1000x128xf32>
    %logistic3A_223 = math.exp %logistic3A_222 : vector<1000x128xf32>
    %logistic3A_224 = arith.constant 1.000000e+00 : f32
    %logistic3A_225 = vector.broadcast %logistic3A_224 : f32 to vector<1000x128xf32>
    %logistic3A_226 = arith.addf %logistic3A_225, %logistic3A_223 : vector<1000x128xf32>
    %logistic3A_227 = arith.divf %logistic3A_225, %logistic3A_226 : vector<1000x128xf32>
    %mul3A_228 = arith.mulf %logistic3A_218, %add3A_184 : vector<1000x128xf32>
    %mul3A_229 = arith.mulf %logistic3A_211, %tanh3A_220 : vector<1000x128xf32>
    %add3A_230 = arith.addf %mul3A_228, %mul3A_229 : vector<1000x128xf32>
    %tanh3A_231 = math.tanh %add3A_230 : vector<1000x128xf32>
    %mul3A_232 = arith.mulf %logistic3A_227, %tanh3A_231 : vector<1000x128xf32>
    %get3A_233 = arith.constant 0 : index
    %get3A_234 = arith.constant 5 : index
    %get3A_235 = arith.constant 0 : index
    %get3A_236 = vector.load %arg1[%get3A_233, %get3A_234, %get3A_235] : memref<1000x12x128xf32, #tpu.memory_space<vmem>>, vector<1000x1x128xf32>
    %get3A_237 = vector.shape_cast %get3A_236 : vector<1000x1x128xf32> to vector<1000x128xf32>
    %get3A_238 = arith.constant 0 : index
    %get3A_239 = arith.constant 0 : index
    %get3A_240 = vector.load %arg2[%get3A_238, %get3A_239] : memref<128x512xf32, #tpu.memory_space<vmem>>, vector<128x512xf32>
    %dot_general3A_241 = arith.constant dense<0.000000e+00> : vector<1000x512xf32>
    %dot_general3A_242 = tpu.matmul %get3A_237, %get3A_240, %dot_general3A_241 {dimension_numbers = #tpu.dot_dimension_numbers<[1], [0], [0], [1], [0, 0, 1, 1], [], []>, transpose_lhs_hint = false} : vector<1000x128xf32>, vector<128x512xf32>, vector<1000x512xf32> -> vector<1000x512xf32>
    %get3A_243 = arith.constant 0 : index
    %get3A_244 = arith.constant 0 : index
    %get3A_245 = vector.load %arg3[%get3A_243, %get3A_244] : memref<128x512xf32, #tpu.memory_space<vmem>>, vector<128x512xf32>
    %dot_general3A_246 = arith.constant dense<0.000000e+00> : vector<1000x512xf32>
    %dot_general3A_247 = tpu.matmul %mul3A_232, %get3A_245, %dot_general3A_246 {dimension_numbers = #tpu.dot_dimension_numbers<[1], [0], [0], [1], [0, 0, 1, 1], [], []>, transpose_lhs_hint = false} : vector<1000x128xf32>, vector<128x512xf32>, vector<1000x512xf32> -> vector<1000x512xf32>
    %add3A_248 = arith.addf %dot_general3A_242, %dot_general3A_247 : vector<1000x512xf32>
    %add3A_249 = vector.broadcast %add3A : vector<1x512xf32> to vector<1000x512xf32>
    %add3A_250 = arith.addf %add3A_248, %add3A_249 : vector<1000x512xf32>
    %slice3A_251 = vector.extract_strided_slice %add3A_250 {offsets = [0, 0], sizes = [1000, 128], strides = [1, 1]} : vector<1000x512xf32> to vector<1000x128xf32>
    %logistic3A_252 = arith.negf %slice3A_251 : vector<1000x128xf32>
    %logistic3A_253 = math.exp %logistic3A_252 : vector<1000x128xf32>
    %logistic3A_254 = arith.constant 1.000000e+00 : f32
    %logistic3A_255 = vector.broadcast %logistic3A_254 : f32 to vector<1000x128xf32>
    %logistic3A_256 = arith.addf %logistic3A_255, %logistic3A_253 : vector<1000x128xf32>
    %logistic3A_257 = arith.divf %logistic3A_255, %logistic3A_256 : vector<1000x128xf32>
    %slice3A_258 = vector.extract_strided_slice %add3A_250 {offsets = [0, 128], sizes = [1000, 128], strides = [1, 1]} : vector<1000x512xf32> to vector<1000x128xf32>
    %logistic3A_259 = arith.negf %slice3A_258 : vector<1000x128xf32>
    %logistic3A_260 = math.exp %logistic3A_259 : vector<1000x128xf32>
    %logistic3A_261 = arith.constant 1.000000e+00 : f32
    %logistic3A_262 = vector.broadcast %logistic3A_261 : f32 to vector<1000x128xf32>
    %logistic3A_263 = arith.addf %logistic3A_262, %logistic3A_260 : vector<1000x128xf32>
    %logistic3A_264 = arith.divf %logistic3A_262, %logistic3A_263 : vector<1000x128xf32>
    %slice3A_265 = vector.extract_strided_slice %add3A_250 {offsets = [0, 256], sizes = [1000, 128], strides = [1, 1]} : vector<1000x512xf32> to vector<1000x128xf32>
    %tanh3A_266 = math.tanh %slice3A_265 : vector<1000x128xf32>
    %slice3A_267 = vector.extract_strided_slice %add3A_250 {offsets = [0, 384], sizes = [1000, 128], strides = [1, 1]} : vector<1000x512xf32> to vector<1000x128xf32>
    %logistic3A_268 = arith.negf %slice3A_267 : vector<1000x128xf32>
    %logistic3A_269 = math.exp %logistic3A_268 : vector<1000x128xf32>
    %logistic3A_270 = arith.constant 1.000000e+00 : f32
    %logistic3A_271 = vector.broadcast %logistic3A_270 : f32 to vector<1000x128xf32>
    %logistic3A_272 = arith.addf %logistic3A_271, %logistic3A_269 : vector<1000x128xf32>
    %logistic3A_273 = arith.divf %logistic3A_271, %logistic3A_272 : vector<1000x128xf32>
    %mul3A_274 = arith.mulf %logistic3A_264, %add3A_230 : vector<1000x128xf32>
    %mul3A_275 = arith.mulf %logistic3A_257, %tanh3A_266 : vector<1000x128xf32>
    %add3A_276 = arith.addf %mul3A_274, %mul3A_275 : vector<1000x128xf32>
    %tanh3A_277 = math.tanh %add3A_276 : vector<1000x128xf32>
    %mul3A_278 = arith.mulf %logistic3A_273, %tanh3A_277 : vector<1000x128xf32>
    %get3A_279 = arith.constant 0 : index
    %get3A_280 = arith.constant 6 : index
    %get3A_281 = arith.constant 0 : index
    %get3A_282 = vector.load %arg1[%get3A_279, %get3A_280, %get3A_281] : memref<1000x12x128xf32, #tpu.memory_space<vmem>>, vector<1000x1x128xf32>
    %get3A_283 = vector.shape_cast %get3A_282 : vector<1000x1x128xf32> to vector<1000x128xf32>
    %get3A_284 = arith.constant 0 : index
    %get3A_285 = arith.constant 0 : index
    %get3A_286 = vector.load %arg2[%get3A_284, %get3A_285] : memref<128x512xf32, #tpu.memory_space<vmem>>, vector<128x512xf32>
    %dot_general3A_287 = arith.constant dense<0.000000e+00> : vector<1000x512xf32>
    %dot_general3A_288 = tpu.matmul %get3A_283, %get3A_286, %dot_general3A_287 {dimension_numbers = #tpu.dot_dimension_numbers<[1], [0], [0], [1], [0, 0, 1, 1], [], []>, transpose_lhs_hint = false} : vector<1000x128xf32>, vector<128x512xf32>, vector<1000x512xf32> -> vector<1000x512xf32>
    %get3A_289 = arith.constant 0 : index
    %get3A_290 = arith.constant 0 : index
    %get3A_291 = vector.load %arg3[%get3A_289, %get3A_290] : memref<128x512xf32, #tpu.memory_space<vmem>>, vector<128x512xf32>
    %dot_general3A_292 = arith.constant dense<0.000000e+00> : vector<1000x512xf32>
    %dot_general3A_293 = tpu.matmul %mul3A_278, %get3A_291, %dot_general3A_292 {dimension_numbers = #tpu.dot_dimension_numbers<[1], [0], [0], [1], [0, 0, 1, 1], [], []>, transpose_lhs_hint = false} : vector<1000x128xf32>, vector<128x512xf32>, vector<1000x512xf32> -> vector<1000x512xf32>
    %add3A_294 = arith.addf %dot_general3A_288, %dot_general3A_293 : vector<1000x512xf32>
    %add3A_295 = vector.broadcast %add3A : vector<1x512xf32> to vector<1000x512xf32>
    %add3A_296 = arith.addf %add3A_294, %add3A_295 : vector<1000x512xf32>
    %slice3A_297 = vector.extract_strided_slice %add3A_296 {offsets = [0, 0], sizes = [1000, 128], strides = [1, 1]} : vector<1000x512xf32> to vector<1000x128xf32>
    %logistic3A_298 = arith.negf %slice3A_297 : vector<1000x128xf32>
    %logistic3A_299 = math.exp %logistic3A_298 : vector<1000x128xf32>
    %logistic3A_300 = arith.constant 1.000000e+00 : f32
    %logistic3A_301 = vector.broadcast %logistic3A_300 : f32 to vector<1000x128xf32>
    %logistic3A_302 = arith.addf %logistic3A_301, %logistic3A_299 : vector<1000x128xf32>
    %logistic3A_303 = arith.divf %logistic3A_301, %logistic3A_302 : vector<1000x128xf32>
    %slice3A_304 = vector.extract_strided_slice %add3A_296 {offsets = [0, 128], sizes = [1000, 128], strides = [1, 1]} : vector<1000x512xf32> to vector<1000x128xf32>
    %logistic3A_305 = arith.negf %slice3A_304 : vector<1000x128xf32>
    %logistic3A_306 = math.exp %logistic3A_305 : vector<1000x128xf32>
    %logistic3A_307 = arith.constant 1.000000e+00 : f32
    %logistic3A_308 = vector.broadcast %logistic3A_307 : f32 to vector<1000x128xf32>
    %logistic3A_309 = arith.addf %logistic3A_308, %logistic3A_306 : vector<1000x128xf32>
    %logistic3A_310 = arith.divf %logistic3A_308, %logistic3A_309 : vector<1000x128xf32>
    %slice3A_311 = vector.extract_strided_slice %add3A_296 {offsets = [0, 256], sizes = [1000, 128], strides = [1, 1]} : vector<1000x512xf32> to vector<1000x128xf32>
    %tanh3A_312 = math.tanh %slice3A_311 : vector<1000x128xf32>
    %slice3A_313 = vector.extract_strided_slice %add3A_296 {offsets = [0, 384], sizes = [1000, 128], strides = [1, 1]} : vector<1000x512xf32> to vector<1000x128xf32>
    %logistic3A_314 = arith.negf %slice3A_313 : vector<1000x128xf32>
    %logistic3A_315 = math.exp %logistic3A_314 : vector<1000x128xf32>
    %logistic3A_316 = arith.constant 1.000000e+00 : f32
    %logistic3A_317 = vector.broadcast %logistic3A_316 : f32 to vector<1000x128xf32>
    %logistic3A_318 = arith.addf %logistic3A_317, %logistic3A_315 : vector<1000x128xf32>
    %logistic3A_319 = arith.divf %logistic3A_317, %logistic3A_318 : vector<1000x128xf32>
    %mul3A_320 = arith.mulf %logistic3A_310, %add3A_276 : vector<1000x128xf32>
    %mul3A_321 = arith.mulf %logistic3A_303, %tanh3A_312 : vector<1000x128xf32>
    %add3A_322 = arith.addf %mul3A_320, %mul3A_321 : vector<1000x128xf32>
    %tanh3A_323 = math.tanh %add3A_322 : vector<1000x128xf32>
    %mul3A_324 = arith.mulf %logistic3A_319, %tanh3A_323 : vector<1000x128xf32>
    %get3A_325 = arith.constant 0 : index
    %get3A_326 = arith.constant 7 : index
    %get3A_327 = arith.constant 0 : index
    %get3A_328 = vector.load %arg1[%get3A_325, %get3A_326, %get3A_327] : memref<1000x12x128xf32, #tpu.memory_space<vmem>>, vector<1000x1x128xf32>
    %get3A_329 = vector.shape_cast %get3A_328 : vector<1000x1x128xf32> to vector<1000x128xf32>
    %get3A_330 = arith.constant 0 : index
    %get3A_331 = arith.constant 0 : index
    %get3A_332 = vector.load %arg2[%get3A_330, %get3A_331] : memref<128x512xf32, #tpu.memory_space<vmem>>, vector<128x512xf32>
    %dot_general3A_333 = arith.constant dense<0.000000e+00> : vector<1000x512xf32>
    %dot_general3A_334 = tpu.matmul %get3A_329, %get3A_332, %dot_general3A_333 {dimension_numbers = #tpu.dot_dimension_numbers<[1], [0], [0], [1], [0, 0, 1, 1], [], []>, transpose_lhs_hint = false} : vector<1000x128xf32>, vector<128x512xf32>, vector<1000x512xf32> -> vector<1000x512xf32>
    %get3A_335 = arith.constant 0 : index
    %get3A_336 = arith.constant 0 : index
    %get3A_337 = vector.load %arg3[%get3A_335, %get3A_336] : memref<128x512xf32, #tpu.memory_space<vmem>>, vector<128x512xf32>
    %dot_general3A_338 = arith.constant dense<0.000000e+00> : vector<1000x512xf32>
    %dot_general3A_339 = tpu.matmul %mul3A_324, %get3A_337, %dot_general3A_338 {dimension_numbers = #tpu.dot_dimension_numbers<[1], [0], [0], [1], [0, 0, 1, 1], [], []>, transpose_lhs_hint = false} : vector<1000x128xf32>, vector<128x512xf32>, vector<1000x512xf32> -> vector<1000x512xf32>
    %add3A_340 = arith.addf %dot_general3A_334, %dot_general3A_339 : vector<1000x512xf32>
    %add3A_341 = vector.broadcast %add3A : vector<1x512xf32> to vector<1000x512xf32>
    %add3A_342 = arith.addf %add3A_340, %add3A_341 : vector<1000x512xf32>
    %slice3A_343 = vector.extract_strided_slice %add3A_342 {offsets = [0, 0], sizes = [1000, 128], strides = [1, 1]} : vector<1000x512xf32> to vector<1000x128xf32>
    %logistic3A_344 = arith.negf %slice3A_343 : vector<1000x128xf32>
    %logistic3A_345 = math.exp %logistic3A_344 : vector<1000x128xf32>
    %logistic3A_346 = arith.constant 1.000000e+00 : f32
    %logistic3A_347 = vector.broadcast %logistic3A_346 : f32 to vector<1000x128xf32>
    %logistic3A_348 = arith.addf %logistic3A_347, %logistic3A_345 : vector<1000x128xf32>
    %logistic3A_349 = arith.divf %logistic3A_347, %logistic3A_348 : vector<1000x128xf32>
    %slice3A_350 = vector.extract_strided_slice %add3A_342 {offsets = [0, 128], sizes = [1000, 128], strides = [1, 1]} : vector<1000x512xf32> to vector<1000x128xf32>
    %logistic3A_351 = arith.negf %slice3A_350 : vector<1000x128xf32>
    %logistic3A_352 = math.exp %logistic3A_351 : vector<1000x128xf32>
    %logistic3A_353 = arith.constant 1.000000e+00 : f32
    %logistic3A_354 = vector.broadcast %logistic3A_353 : f32 to vector<1000x128xf32>
    %logistic3A_355 = arith.addf %logistic3A_354, %logistic3A_352 : vector<1000x128xf32>
    %logistic3A_356 = arith.divf %logistic3A_354, %logistic3A_355 : vector<1000x128xf32>
    %slice3A_357 = vector.extract_strided_slice %add3A_342 {offsets = [0, 256], sizes = [1000, 128], strides = [1, 1]} : vector<1000x512xf32> to vector<1000x128xf32>
    %tanh3A_358 = math.tanh %slice3A_357 : vector<1000x128xf32>
    %slice3A_359 = vector.extract_strided_slice %add3A_342 {offsets = [0, 384], sizes = [1000, 128], strides = [1, 1]} : vector<1000x512xf32> to vector<1000x128xf32>
    %logistic3A_360 = arith.negf %slice3A_359 : vector<1000x128xf32>
    %logistic3A_361 = math.exp %logistic3A_360 : vector<1000x128xf32>
    %logistic3A_362 = arith.constant 1.000000e+00 : f32
    %logistic3A_363 = vector.broadcast %logistic3A_362 : f32 to vector<1000x128xf32>
    %logistic3A_364 = arith.addf %logistic3A_363, %logistic3A_361 : vector<1000x128xf32>
    %logistic3A_365 = arith.divf %logistic3A_363, %logistic3A_364 : vector<1000x128xf32>
    %mul3A_366 = arith.mulf %logistic3A_356, %add3A_322 : vector<1000x128xf32>
    %mul3A_367 = arith.mulf %logistic3A_349, %tanh3A_358 : vector<1000x128xf32>
    %add3A_368 = arith.addf %mul3A_366, %mul3A_367 : vector<1000x128xf32>
    %tanh3A_369 = math.tanh %add3A_368 : vector<1000x128xf32>
    %mul3A_370 = arith.mulf %logistic3A_365, %tanh3A_369 : vector<1000x128xf32>
    %get3A_371 = arith.constant 0 : index
    %get3A_372 = arith.constant 8 : index
    %get3A_373 = arith.constant 0 : index
    %get3A_374 = vector.load %arg1[%get3A_371, %get3A_372, %get3A_373] : memref<1000x12x128xf32, #tpu.memory_space<vmem>>, vector<1000x1x128xf32>
    %get3A_375 = vector.shape_cast %get3A_374 : vector<1000x1x128xf32> to vector<1000x128xf32>
    %get3A_376 = arith.constant 0 : index
    %get3A_377 = arith.constant 0 : index
    %get3A_378 = vector.load %arg2[%get3A_376, %get3A_377] : memref<128x512xf32, #tpu.memory_space<vmem>>, vector<128x512xf32>
    %dot_general3A_379 = arith.constant dense<0.000000e+00> : vector<1000x512xf32>
    %dot_general3A_380 = tpu.matmul %get3A_375, %get3A_378, %dot_general3A_379 {dimension_numbers = #tpu.dot_dimension_numbers<[1], [0], [0], [1], [0, 0, 1, 1], [], []>, transpose_lhs_hint = false} : vector<1000x128xf32>, vector<128x512xf32>, vector<1000x512xf32> -> vector<1000x512xf32>
    %get3A_381 = arith.constant 0 : index
    %get3A_382 = arith.constant 0 : index
    %get3A_383 = vector.load %arg3[%get3A_381, %get3A_382] : memref<128x512xf32, #tpu.memory_space<vmem>>, vector<128x512xf32>
    %dot_general3A_384 = arith.constant dense<0.000000e+00> : vector<1000x512xf32>
    %dot_general3A_385 = tpu.matmul %mul3A_370, %get3A_383, %dot_general3A_384 {dimension_numbers = #tpu.dot_dimension_numbers<[1], [0], [0], [1], [0, 0, 1, 1], [], []>, transpose_lhs_hint = false} : vector<1000x128xf32>, vector<128x512xf32>, vector<1000x512xf32> -> vector<1000x512xf32>
    %add3A_386 = arith.addf %dot_general3A_380, %dot_general3A_385 : vector<1000x512xf32>
    %add3A_387 = vector.broadcast %add3A : vector<1x512xf32> to vector<1000x512xf32>
    %add3A_388 = arith.addf %add3A_386, %add3A_387 : vector<1000x512xf32>
    %slice3A_389 = vector.extract_strided_slice %add3A_388 {offsets = [0, 0], sizes = [1000, 128], strides = [1, 1]} : vector<1000x512xf32> to vector<1000x128xf32>
    %logistic3A_390 = arith.negf %slice3A_389 : vector<1000x128xf32>
    %logistic3A_391 = math.exp %logistic3A_390 : vector<1000x128xf32>
    %logistic3A_392 = arith.constant 1.000000e+00 : f32
    %logistic3A_393 = vector.broadcast %logistic3A_392 : f32 to vector<1000x128xf32>
    %logistic3A_394 = arith.addf %logistic3A_393, %logistic3A_391 : vector<1000x128xf32>
    %logistic3A_395 = arith.divf %logistic3A_393, %logistic3A_394 : vector<1000x128xf32>
    %slice3A_396 = vector.extract_strided_slice %add3A_388 {offsets = [0, 128], sizes = [1000, 128], strides = [1, 1]} : vector<1000x512xf32> to vector<1000x128xf32>
    %logistic3A_397 = arith.negf %slice3A_396 : vector<1000x128xf32>
    %logistic3A_398 = math.exp %logistic3A_397 : vector<1000x128xf32>
    %logistic3A_399 = arith.constant 1.000000e+00 : f32
    %logistic3A_400 = vector.broadcast %logistic3A_399 : f32 to vector<1000x128xf32>
    %logistic3A_401 = arith.addf %logistic3A_400, %logistic3A_398 : vector<1000x128xf32>
    %logistic3A_402 = arith.divf %logistic3A_400, %logistic3A_401 : vector<1000x128xf32>
    %slice3A_403 = vector.extract_strided_slice %add3A_388 {offsets = [0, 256], sizes = [1000, 128], strides = [1, 1]} : vector<1000x512xf32> to vector<1000x128xf32>
    %tanh3A_404 = math.tanh %slice3A_403 : vector<1000x128xf32>
    %slice3A_405 = vector.extract_strided_slice %add3A_388 {offsets = [0, 384], sizes = [1000, 128], strides = [1, 1]} : vector<1000x512xf32> to vector<1000x128xf32>
    %logistic3A_406 = arith.negf %slice3A_405 : vector<1000x128xf32>
    %logistic3A_407 = math.exp %logistic3A_406 : vector<1000x128xf32>
    %logistic3A_408 = arith.constant 1.000000e+00 : f32
    %logistic3A_409 = vector.broadcast %logistic3A_408 : f32 to vector<1000x128xf32>
    %logistic3A_410 = arith.addf %logistic3A_409, %logistic3A_407 : vector<1000x128xf32>
    %logistic3A_411 = arith.divf %logistic3A_409, %logistic3A_410 : vector<1000x128xf32>
    %mul3A_412 = arith.mulf %logistic3A_402, %add3A_368 : vector<1000x128xf32>
    %mul3A_413 = arith.mulf %logistic3A_395, %tanh3A_404 : vector<1000x128xf32>
    %add3A_414 = arith.addf %mul3A_412, %mul3A_413 : vector<1000x128xf32>
    %tanh3A_415 = math.tanh %add3A_414 : vector<1000x128xf32>
    %mul3A_416 = arith.mulf %logistic3A_411, %tanh3A_415 : vector<1000x128xf32>
    %get3A_417 = arith.constant 0 : index
    %get3A_418 = arith.constant 9 : index
    %get3A_419 = arith.constant 0 : index
    %get3A_420 = vector.load %arg1[%get3A_417, %get3A_418, %get3A_419] : memref<1000x12x128xf32, #tpu.memory_space<vmem>>, vector<1000x1x128xf32>
    %get3A_421 = vector.shape_cast %get3A_420 : vector<1000x1x128xf32> to vector<1000x128xf32>
    %get3A_422 = arith.constant 0 : index
    %get3A_423 = arith.constant 0 : index
    %get3A_424 = vector.load %arg2[%get3A_422, %get3A_423] : memref<128x512xf32, #tpu.memory_space<vmem>>, vector<128x512xf32>
    %dot_general3A_425 = arith.constant dense<0.000000e+00> : vector<1000x512xf32>
    %dot_general3A_426 = tpu.matmul %get3A_421, %get3A_424, %dot_general3A_425 {dimension_numbers = #tpu.dot_dimension_numbers<[1], [0], [0], [1], [0, 0, 1, 1], [], []>, transpose_lhs_hint = false} : vector<1000x128xf32>, vector<128x512xf32>, vector<1000x512xf32> -> vector<1000x512xf32>
    %get3A_427 = arith.constant 0 : index
    %get3A_428 = arith.constant 0 : index
    %get3A_429 = vector.load %arg3[%get3A_427, %get3A_428] : memref<128x512xf32, #tpu.memory_space<vmem>>, vector<128x512xf32>
    %dot_general3A_430 = arith.constant dense<0.000000e+00> : vector<1000x512xf32>
    %dot_general3A_431 = tpu.matmul %mul3A_416, %get3A_429, %dot_general3A_430 {dimension_numbers = #tpu.dot_dimension_numbers<[1], [0], [0], [1], [0, 0, 1, 1], [], []>, transpose_lhs_hint = false} : vector<1000x128xf32>, vector<128x512xf32>, vector<1000x512xf32> -> vector<1000x512xf32>
    %add3A_432 = arith.addf %dot_general3A_426, %dot_general3A_431 : vector<1000x512xf32>
    %add3A_433 = vector.broadcast %add3A : vector<1x512xf32> to vector<1000x512xf32>
    %add3A_434 = arith.addf %add3A_432, %add3A_433 : vector<1000x512xf32>
    %slice3A_435 = vector.extract_strided_slice %add3A_434 {offsets = [0, 0], sizes = [1000, 128], strides = [1, 1]} : vector<1000x512xf32> to vector<1000x128xf32>
    %logistic3A_436 = arith.negf %slice3A_435 : vector<1000x128xf32>
    %logistic3A_437 = math.exp %logistic3A_436 : vector<1000x128xf32>
    %logistic3A_438 = arith.constant 1.000000e+00 : f32
    %logistic3A_439 = vector.broadcast %logistic3A_438 : f32 to vector<1000x128xf32>
    %logistic3A_440 = arith.addf %logistic3A_439, %logistic3A_437 : vector<1000x128xf32>
    %logistic3A_441 = arith.divf %logistic3A_439, %logistic3A_440 : vector<1000x128xf32>
    %slice3A_442 = vector.extract_strided_slice %add3A_434 {offsets = [0, 128], sizes = [1000, 128], strides = [1, 1]} : vector<1000x512xf32> to vector<1000x128xf32>
    %logistic3A_443 = arith.negf %slice3A_442 : vector<1000x128xf32>
    %logistic3A_444 = math.exp %logistic3A_443 : vector<1000x128xf32>
    %logistic3A_445 = arith.constant 1.000000e+00 : f32
    %logistic3A_446 = vector.broadcast %logistic3A_445 : f32 to vector<1000x128xf32>
    %logistic3A_447 = arith.addf %logistic3A_446, %logistic3A_444 : vector<1000x128xf32>
    %logistic3A_448 = arith.divf %logistic3A_446, %logistic3A_447 : vector<1000x128xf32>
    %slice3A_449 = vector.extract_strided_slice %add3A_434 {offsets = [0, 256], sizes = [1000, 128], strides = [1, 1]} : vector<1000x512xf32> to vector<1000x128xf32>
    %tanh3A_450 = math.tanh %slice3A_449 : vector<1000x128xf32>
    %slice3A_451 = vector.extract_strided_slice %add3A_434 {offsets = [0, 384], sizes = [1000, 128], strides = [1, 1]} : vector<1000x512xf32> to vector<1000x128xf32>
    %logistic3A_452 = arith.negf %slice3A_451 : vector<1000x128xf32>
    %logistic3A_453 = math.exp %logistic3A_452 : vector<1000x128xf32>
    %logistic3A_454 = arith.constant 1.000000e+00 : f32
    %logistic3A_455 = vector.broadcast %logistic3A_454 : f32 to vector<1000x128xf32>
    %logistic3A_456 = arith.addf %logistic3A_455, %logistic3A_453 : vector<1000x128xf32>
    %logistic3A_457 = arith.divf %logistic3A_455, %logistic3A_456 : vector<1000x128xf32>
    %mul3A_458 = arith.mulf %logistic3A_448, %add3A_414 : vector<1000x128xf32>
    %mul3A_459 = arith.mulf %logistic3A_441, %tanh3A_450 : vector<1000x128xf32>
    %add3A_460 = arith.addf %mul3A_458, %mul3A_459 : vector<1000x128xf32>
    %tanh3A_461 = math.tanh %add3A_460 : vector<1000x128xf32>
    %mul3A_462 = arith.mulf %logistic3A_457, %tanh3A_461 : vector<1000x128xf32>
    %get3A_463 = arith.constant 0 : index
    %get3A_464 = arith.constant 10 : index
    %get3A_465 = arith.constant 0 : index
    %get3A_466 = vector.load %arg1[%get3A_463, %get3A_464, %get3A_465] : memref<1000x12x128xf32, #tpu.memory_space<vmem>>, vector<1000x1x128xf32>
    %get3A_467 = vector.shape_cast %get3A_466 : vector<1000x1x128xf32> to vector<1000x128xf32>
    %get3A_468 = arith.constant 0 : index
    %get3A_469 = arith.constant 0 : index
    %get3A_470 = vector.load %arg2[%get3A_468, %get3A_469] : memref<128x512xf32, #tpu.memory_space<vmem>>, vector<128x512xf32>
    %dot_general3A_471 = arith.constant dense<0.000000e+00> : vector<1000x512xf32>
    %dot_general3A_472 = tpu.matmul %get3A_467, %get3A_470, %dot_general3A_471 {dimension_numbers = #tpu.dot_dimension_numbers<[1], [0], [0], [1], [0, 0, 1, 1], [], []>, transpose_lhs_hint = false} : vector<1000x128xf32>, vector<128x512xf32>, vector<1000x512xf32> -> vector<1000x512xf32>
    %get3A_473 = arith.constant 0 : index
    %get3A_474 = arith.constant 0 : index
    %get3A_475 = vector.load %arg3[%get3A_473, %get3A_474] : memref<128x512xf32, #tpu.memory_space<vmem>>, vector<128x512xf32>
    %dot_general3A_476 = arith.constant dense<0.000000e+00> : vector<1000x512xf32>
    %dot_general3A_477 = tpu.matmul %mul3A_462, %get3A_475, %dot_general3A_476 {dimension_numbers = #tpu.dot_dimension_numbers<[1], [0], [0], [1], [0, 0, 1, 1], [], []>, transpose_lhs_hint = false} : vector<1000x128xf32>, vector<128x512xf32>, vector<1000x512xf32> -> vector<1000x512xf32>
    %add3A_478 = arith.addf %dot_general3A_472, %dot_general3A_477 : vector<1000x512xf32>
    %add3A_479 = vector.broadcast %add3A : vector<1x512xf32> to vector<1000x512xf32>
    %add3A_480 = arith.addf %add3A_478, %add3A_479 : vector<1000x512xf32>
    %slice3A_481 = vector.extract_strided_slice %add3A_480 {offsets = [0, 0], sizes = [1000, 128], strides = [1, 1]} : vector<1000x512xf32> to vector<1000x128xf32>
    %logistic3A_482 = arith.negf %slice3A_481 : vector<1000x128xf32>
    %logistic3A_483 = math.exp %logistic3A_482 : vector<1000x128xf32>
    %logistic3A_484 = arith.constant 1.000000e+00 : f32
    %logistic3A_485 = vector.broadcast %logistic3A_484 : f32 to vector<1000x128xf32>
    %logistic3A_486 = arith.addf %logistic3A_485, %logistic3A_483 : vector<1000x128xf32>
    %logistic3A_487 = arith.divf %logistic3A_485, %logistic3A_486 : vector<1000x128xf32>
    %slice3A_488 = vector.extract_strided_slice %add3A_480 {offsets = [0, 128], sizes = [1000, 128], strides = [1, 1]} : vector<1000x512xf32> to vector<1000x128xf32>
    %logistic3A_489 = arith.negf %slice3A_488 : vector<1000x128xf32>
    %logistic3A_490 = math.exp %logistic3A_489 : vector<1000x128xf32>
    %logistic3A_491 = arith.constant 1.000000e+00 : f32
    %logistic3A_492 = vector.broadcast %logistic3A_491 : f32 to vector<1000x128xf32>
    %logistic3A_493 = arith.addf %logistic3A_492, %logistic3A_490 : vector<1000x128xf32>
    %logistic3A_494 = arith.divf %logistic3A_492, %logistic3A_493 : vector<1000x128xf32>
    %slice3A_495 = vector.extract_strided_slice %add3A_480 {offsets = [0, 256], sizes = [1000, 128], strides = [1, 1]} : vector<1000x512xf32> to vector<1000x128xf32>
    %tanh3A_496 = math.tanh %slice3A_495 : vector<1000x128xf32>
    %slice3A_497 = vector.extract_strided_slice %add3A_480 {offsets = [0, 384], sizes = [1000, 128], strides = [1, 1]} : vector<1000x512xf32> to vector<1000x128xf32>
    %logistic3A_498 = arith.negf %slice3A_497 : vector<1000x128xf32>
    %logistic3A_499 = math.exp %logistic3A_498 : vector<1000x128xf32>
    %logistic3A_500 = arith.constant 1.000000e+00 : f32
    %logistic3A_501 = vector.broadcast %logistic3A_500 : f32 to vector<1000x128xf32>
    %logistic3A_502 = arith.addf %logistic3A_501, %logistic3A_499 : vector<1000x128xf32>
    %logistic3A_503 = arith.divf %logistic3A_501, %logistic3A_502 : vector<1000x128xf32>
    %mul3A_504 = arith.mulf %logistic3A_494, %add3A_460 : vector<1000x128xf32>
    %mul3A_505 = arith.mulf %logistic3A_487, %tanh3A_496 : vector<1000x128xf32>
    %add3A_506 = arith.addf %mul3A_504, %mul3A_505 : vector<1000x128xf32>
    %tanh3A_507 = math.tanh %add3A_506 : vector<1000x128xf32>
    %mul3A_508 = arith.mulf %logistic3A_503, %tanh3A_507 : vector<1000x128xf32>
    %get3A_509 = arith.constant 0 : index
    %get3A_510 = arith.constant 11 : index
    %get3A_511 = arith.constant 0 : index
    %get3A_512 = vector.load %arg1[%get3A_509, %get3A_510, %get3A_511] : memref<1000x12x128xf32, #tpu.memory_space<vmem>>, vector<1000x1x128xf32>
    %get3A_513 = vector.shape_cast %get3A_512 : vector<1000x1x128xf32> to vector<1000x128xf32>
    %get3A_514 = arith.constant 0 : index
    %get3A_515 = arith.constant 0 : index
    %get3A_516 = vector.load %arg2[%get3A_514, %get3A_515] : memref<128x512xf32, #tpu.memory_space<vmem>>, vector<128x512xf32>
    %dot_general3A_517 = arith.constant dense<0.000000e+00> : vector<1000x512xf32>
    %dot_general3A_518 = tpu.matmul %get3A_513, %get3A_516, %dot_general3A_517 {dimension_numbers = #tpu.dot_dimension_numbers<[1], [0], [0], [1], [0, 0, 1, 1], [], []>, transpose_lhs_hint = false} : vector<1000x128xf32>, vector<128x512xf32>, vector<1000x512xf32> -> vector<1000x512xf32>
    %get3A_519 = arith.constant 0 : index
    %get3A_520 = arith.constant 0 : index
    %get3A_521 = vector.load %arg3[%get3A_519, %get3A_520] : memref<128x512xf32, #tpu.memory_space<vmem>>, vector<128x512xf32>
    %dot_general3A_522 = arith.constant dense<0.000000e+00> : vector<1000x512xf32>
    %dot_general3A_523 = tpu.matmul %mul3A_508, %get3A_521, %dot_general3A_522 {dimension_numbers = #tpu.dot_dimension_numbers<[1], [0], [0], [1], [0, 0, 1, 1], [], []>, transpose_lhs_hint = false} : vector<1000x128xf32>, vector<128x512xf32>, vector<1000x512xf32> -> vector<1000x512xf32>
    %add3A_524 = arith.addf %dot_general3A_518, %dot_general3A_523 : vector<1000x512xf32>
    %add3A_525 = vector.broadcast %add3A : vector<1x512xf32> to vector<1000x512xf32>
    %add3A_526 = arith.addf %add3A_524, %add3A_525 : vector<1000x512xf32>
    %slice3A_527 = vector.extract_strided_slice %add3A_526 {offsets = [0, 0], sizes = [1000, 128], strides = [1, 1]} : vector<1000x512xf32> to vector<1000x128xf32>
    %logistic3A_528 = arith.negf %slice3A_527 : vector<1000x128xf32>
    %logistic3A_529 = math.exp %logistic3A_528 : vector<1000x128xf32>
    %logistic3A_530 = arith.constant 1.000000e+00 : f32
    %logistic3A_531 = vector.broadcast %logistic3A_530 : f32 to vector<1000x128xf32>
    %logistic3A_532 = arith.addf %logistic3A_531, %logistic3A_529 : vector<1000x128xf32>
    %logistic3A_533 = arith.divf %logistic3A_531, %logistic3A_532 : vector<1000x128xf32>
    %slice3A_534 = vector.extract_strided_slice %add3A_526 {offsets = [0, 128], sizes = [1000, 128], strides = [1, 1]} : vector<1000x512xf32> to vector<1000x128xf32>
    %logistic3A_535 = arith.negf %slice3A_534 : vector<1000x128xf32>
    %logistic3A_536 = math.exp %logistic3A_535 : vector<1000x128xf32>
    %logistic3A_537 = arith.constant 1.000000e+00 : f32
    %logistic3A_538 = vector.broadcast %logistic3A_537 : f32 to vector<1000x128xf32>
    %logistic3A_539 = arith.addf %logistic3A_538, %logistic3A_536 : vector<1000x128xf32>
    %logistic3A_540 = arith.divf %logistic3A_538, %logistic3A_539 : vector<1000x128xf32>
    %slice3A_541 = vector.extract_strided_slice %add3A_526 {offsets = [0, 256], sizes = [1000, 128], strides = [1, 1]} : vector<1000x512xf32> to vector<1000x128xf32>
    %tanh3A_542 = math.tanh %slice3A_541 : vector<1000x128xf32>
    %slice3A_543 = vector.extract_strided_slice %add3A_526 {offsets = [0, 384], sizes = [1000, 128], strides = [1, 1]} : vector<1000x512xf32> to vector<1000x128xf32>
    %logistic3A_544 = arith.negf %slice3A_543 : vector<1000x128xf32>
    %logistic3A_545 = math.exp %logistic3A_544 : vector<1000x128xf32>
    %logistic3A_546 = arith.constant 1.000000e+00 : f32
    %logistic3A_547 = vector.broadcast %logistic3A_546 : f32 to vector<1000x128xf32>
    %logistic3A_548 = arith.addf %logistic3A_547, %logistic3A_545 : vector<1000x128xf32>
    %logistic3A_549 = arith.divf %logistic3A_547, %logistic3A_548 : vector<1000x128xf32>
    %mul3A_550 = arith.mulf %logistic3A_540, %add3A_506 : vector<1000x128xf32>
    %mul3A_551 = arith.mulf %logistic3A_533, %tanh3A_542 : vector<1000x128xf32>
    %add3A_552 = arith.addf %mul3A_550, %mul3A_551 : vector<1000x128xf32>
    %tanh3A_553 = math.tanh %add3A_552 : vector<1000x128xf32>
    %mul3A_554 = arith.mulf %logistic3A_549, %tanh3A_553 : vector<1000x128xf32>
    %swap3A = arith.constant 0 : index
    %swap3A_555 = arith.constant 0 : index
    %swap3A_556 = vector.load %arg6[%swap3A, %swap3A_555] : memref<1000x128xf32, #tpu.memory_space<vmem>>, vector<1000x128xf32>
    tpu.vector_store %arg6[%swap3A, %swap3A_555], %mul3A_554 {strides = array<i32>} : memref<1000x128xf32, #tpu.memory_space<vmem>>, vector<1000x128xf32>,
    return
  }
  func.func @transform_0(%arg0: i32) -> (i32, i32, i32) {
    %c0_i32 = arith.constant 0 : i32
    %c0_i32_0 = arith.constant 0 : i32
    %c0_i32_1 = arith.constant 0 : i32
    return %arg0, %c0_i32, %c0_i32_0 : i32, i32, i32
  }
  func.func @transform_1(%arg0: i32) -> (i32, i32) {
    %c0_i32 = arith.constant 0 : i32
    %c0_i32_0 = arith.constant 0 : i32
    %c0_i32_1 = arith.constant 0 : i32
    return %c0_i32, %c0_i32_0 : i32, i32
  }
  func.func @transform_2(%arg0: i32) -> (i32, i32) {
    %c0_i32 = arith.constant 0 : i32
    %c0_i32_0 = arith.constant 0 : i32
    %c0_i32_1 = arith.constant 0 : i32
    return %c0_i32, %c0_i32_0 : i32, i32
  }
  func.func @transform_3(%arg0: i32) -> (i32, i32) {
    %c0_i32 = arith.constant 0 : i32
    %c0_i32_0 = arith.constant 0 : i32
    %c0_i32_1 = arith.constant 0 : i32
    return %c0_i32, %c0_i32_0 : i32, i32
  }
  func.func @transform_4(%arg0: i32) -> (i32, i32) {
    %c0_i32 = arith.constant 0 : i32
    %c0_i32_0 = arith.constant 0 : i32
    %c0_i32_1 = arith.constant 0 : i32
    return %c0_i32, %c0_i32_0 : i32, i32
  }
  func.func @transform_5(%arg0: i32) -> (i32, i32) {
    %c0_i32 = arith.constant 0 : i32
    %c0_i32_0 = arith.constant 0 : i32
    return %arg0, %c0_i32 : i32, i32
  }
}

module attributes {stable_mosaic.version = 14 : i64} {
  func.func @_eprep_body(%arg0: memref<2x320000xi32, #tpu.memory_space<vmem>>, %arg1: memref<2560x128xi32, #tpu.memory_space<vmem>>, %arg2: memref<2560x128xi32, #tpu.memory_space<vmem>>) attributes {dimension_semantics = [], scalar_prefetch = 0 : i64, scratch_operands = 0 : i64, tpu.core_type = #tpu.core_type<tc>} {
    %get3A = arith.constant 0 : index
    %get3A_0 = arith.constant 0 : index
    %get3A_1 = vector.load %arg0[%get3A, %get3A_0] : memref<2x320000xi32, #tpu.memory_space<vmem>>, vector<1x320000xi32>
    %get3A_2 = vector.shape_cast %get3A_1 : vector<1x320000xi32> to vector<320000xi32>
    %reshape3A = vector.shape_cast %get3A_2 : vector<320000xi32> to vector<2500x128xi32>
    %get3A_3 = arith.constant 1 : index
    %get3A_4 = arith.constant 0 : index
    %get3A_5 = vector.load %arg0[%get3A_3, %get3A_4] : memref<2x320000xi32, #tpu.memory_space<vmem>>, vector<1x320000xi32>
    %get3A_6 = vector.shape_cast %get3A_5 : vector<1x320000xi32> to vector<320000xi32>
    %reshape3A_7 = vector.shape_cast %get3A_6 : vector<320000xi32> to vector<2500x128xi32>
    %iota3A = tpu.iota {dimensions = array<i32: 0>} : vector<60x128xi32>
    %mul3A = arith.constant 128 : i32
    %mul3A_8 = vector.broadcast %mul3A : i32 to vector<60x128xi32>
    %mul3A_9 = arith.muli %iota3A, %mul3A_8 : vector<60x128xi32>
    %iota3A_10 = tpu.iota {dimensions = array<i32: 1>} : vector<60x128xi32>
    %add3A = arith.addi %mul3A_9, %iota3A_10 : vector<60x128xi32>
    %jit3A = arith.constant 10000 : i32
    %eq3A = arith.constant 0 : i32
    %eq3A_11 = arith.cmpi eq, %jit3A, %eq3A : i32
    %jit3A_12 = arith.constant 1 : i32
    %select_n3A = arith.select %eq3A_11, %jit3A_12, %jit3A : i32
    %rem3A = vector.broadcast %select_n3A : i32 to vector<60x128xi32>
    %rem3A_13 = arith.remsi %add3A, %rem3A : vector<60x128xi32>
    %ne3A = arith.constant 0 : i32
    %ne3A_14 = vector.broadcast %ne3A : i32 to vector<60x128xi32>
    %ne3A_15 = arith.cmpi ne, %rem3A_13, %ne3A_14 : vector<60x128xi32>
    %lt3A = arith.constant 0 : i32
    %lt3A_16 = vector.broadcast %lt3A : i32 to vector<60x128xi32>
    %lt3A_17 = arith.cmpi slt, %rem3A_13, %lt3A_16 : vector<60x128xi32>
    %lt3A_18 = arith.constant 0 : i32
    %lt3A_19 = arith.cmpi slt, %select_n3A, %lt3A_18 : i32
    %ne3A_20 = vector.broadcast %lt3A_19 : i1 to vector<60x128xi1>
    %ne3A_21 = vector.broadcast %ne3A_20 : vector<60x128xi1> to vector<60x128xi1>
    %ne3A_22 = arith.xori %lt3A_17, %ne3A_21 : vector<60x128xi1>
    %and3A = arith.andi %ne3A_22, %ne3A_15 : vector<60x128xi1>
    %add3A_23 = vector.broadcast %select_n3A : i32 to vector<60x128xi32>
    %add3A_24 = arith.addi %rem3A_13, %add3A_23 : vector<60x128xi32>
    %select_n3A_25 = arith.select %and3A, %add3A_24, %rem3A_13 : vector<60x128xi1>, vector<60x128xi32>
    %concatenate3A = tpu.concatenate %reshape3A, %select_n3A_25 in 0 : vector<2500x128xi32>, vector<60x128xi32> -> vector<2560x128xi32>
    %swap3A = arith.constant 0 : index
    %swap3A_26 = arith.constant 0 : index
    %swap3A_27 = vector.load %arg1[%swap3A, %swap3A_26] : memref<2560x128xi32, #tpu.memory_space<vmem>>, vector<2560x128xi32>
    tpu.vector_store %arg1[%swap3A, %swap3A_26], %concatenate3A {strides = array<i32>} : memref<2560x128xi32, #tpu.memory_space<vmem>>, vector<2560x128xi32>,
    %jit3A_28 = arith.constant 240 : i32
    %eq3A_29 = arith.constant 0 : i32
    %eq3A_30 = arith.cmpi eq, %jit3A_28, %eq3A_29 : i32
    %jit3A_31 = arith.constant 1 : i32
    %select_n3A_32 = arith.select %eq3A_30, %jit3A_31, %jit3A_28 : i32
    %rem3A_33 = vector.broadcast %select_n3A_32 : i32 to vector<60x128xi32>
    %rem3A_34 = arith.remsi %add3A, %rem3A_33 : vector<60x128xi32>
    %ne3A_35 = arith.constant 0 : i32
    %ne3A_36 = vector.broadcast %ne3A_35 : i32 to vector<60x128xi32>
    %ne3A_37 = arith.cmpi ne, %rem3A_34, %ne3A_36 : vector<60x128xi32>
    %lt3A_38 = arith.constant 0 : i32
    %lt3A_39 = vector.broadcast %lt3A_38 : i32 to vector<60x128xi32>
    %lt3A_40 = arith.cmpi slt, %rem3A_34, %lt3A_39 : vector<60x128xi32>
    %lt3A_41 = arith.constant 0 : i32
    %lt3A_42 = arith.cmpi slt, %select_n3A_32, %lt3A_41 : i32
    %ne3A_43 = vector.broadcast %lt3A_42 : i1 to vector<60x128xi1>
    %ne3A_44 = vector.broadcast %ne3A_43 : vector<60x128xi1> to vector<60x128xi1>
    %ne3A_45 = arith.xori %lt3A_40, %ne3A_44 : vector<60x128xi1>
    %and3A_46 = arith.andi %ne3A_45, %ne3A_37 : vector<60x128xi1>
    %add3A_47 = vector.broadcast %select_n3A_32 : i32 to vector<60x128xi32>
    %add3A_48 = arith.addi %rem3A_34, %add3A_47 : vector<60x128xi32>
    %select_n3A_49 = arith.select %and3A_46, %add3A_48, %rem3A_34 : vector<60x128xi1>, vector<60x128xi32>
    %add3A_50 = arith.constant 10000 : i32
    %add3A_51 = vector.broadcast %add3A_50 : i32 to vector<60x128xi32>
    %add3A_52 = arith.addi %add3A_51, %select_n3A_49 : vector<60x128xi32>
    %concatenate3A_53 = tpu.concatenate %reshape3A_7, %add3A_52 in 0 : vector<2500x128xi32>, vector<60x128xi32> -> vector<2560x128xi32>
    %swap3A_54 = arith.constant 0 : index
    %swap3A_55 = arith.constant 0 : index
    %swap3A_56 = vector.load %arg2[%swap3A_54, %swap3A_55] : memref<2560x128xi32, #tpu.memory_space<vmem>>, vector<2560x128xi32>
    tpu.vector_store %arg2[%swap3A_54, %swap3A_55], %concatenate3A_53 {strides = array<i32>} : memref<2560x128xi32, #tpu.memory_space<vmem>>, vector<2560x128xi32>,
    return
  }
}

module attributes {stable_mosaic.version = 14 : i64} {
  func.func @_prep_body(%arg0: i32, %arg1: memref<1000x128xf32, #tpu.memory_space<vmem>>, %arg2: memref<128x128xf32, #tpu.memory_space<vmem>>, %arg3: memref<2x1000x128xf32, #tpu.memory_space<vmem>>, %arg4: memref<1000x128xf32, #tpu.memory_space<vmem>>) attributes {dimension_semantics = [#tpu.dimension_semantics<arbitrary>], iteration_bounds = array<i64: 10>, scalar_prefetch = 0 : i64, scratch_operands = 0 : i64, tpu.core_type = #tpu.core_type<tc>, window_params = [{transform_indices = @transform_0, window_bounds = array<i64: 1000, 128>}, {pipeline_mode = #tpu.pipeline_mode<synchronous>, transform_indices = @transform_1, window_bounds = array<i64: 128, 128>}, {transform_indices = @transform_2, window_bounds = array<i64: 2, 1000, 128>}, {transform_indices = @transform_3, window_bounds = array<i64: 1000, 128>}]} {
    %get3A = arith.constant 0 : index
    %get3A_0 = arith.constant 0 : index
    %get3A_1 = arith.constant 0 : index
    %get3A_2 = vector.load %arg3[%get3A, %get3A_0, %get3A_1] : memref<2x1000x128xf32, #tpu.memory_space<vmem>>, vector<1x1000x1xf32>
    %get3A_3 = vector.shape_cast %get3A_2 : vector<1x1000x1xf32> to vector<1000x1xf32>
    %get3A_4 = arith.constant 1 : index
    %get3A_5 = arith.constant 0 : index
    %get3A_6 = arith.constant 0 : index
    %get3A_7 = vector.load %arg3[%get3A_4, %get3A_5, %get3A_6] : memref<2x1000x128xf32, #tpu.memory_space<vmem>>, vector<1x1000x1xf32>
    %get3A_8 = vector.shape_cast %get3A_7 : vector<1x1000x1xf32> to vector<1000x1xf32>
    %add3A = arith.addf %get3A_3, %get3A_8 : vector<1000x1xf32>
    %add3A_9 = arith.constant 1.000000e+00 : f32
    %add3A_10 = vector.broadcast %add3A_9 : f32 to vector<1000x1xf32>
    %add3A_11 = arith.addf %add3A, %add3A_10 : vector<1000x1xf32>
    %rsqrt3A = math.rsqrt %add3A_11 : vector<1000x1xf32>
    %get3A_12 = arith.constant 0 : index
    %get3A_13 = arith.constant 0 : index
    %get3A_14 = vector.load %arg1[%get3A_12, %get3A_13] : memref<1000x128xf32, #tpu.memory_space<vmem>>, vector<1000x128xf32>
    %get3A_15 = arith.constant 0 : index
    %get3A_16 = arith.constant 0 : index
    %get3A_17 = vector.load %arg2[%get3A_15, %get3A_16] : memref<128x128xf32, #tpu.memory_space<vmem>>, vector<128x128xf32>
    %dot_general3A = arith.constant dense<0.000000e+00> : vector<1000x128xf32>
    %dot_general3A_18 = tpu.matmul %get3A_14, %get3A_17, %dot_general3A {dimension_numbers = #tpu.dot_dimension_numbers<[1], [0], [0], [1], [0, 0, 1, 1], [], []>, transpose_lhs_hint = false} : vector<1000x128xf32>, vector<128x128xf32>, vector<1000x128xf32> -> vector<1000x128xf32>
    %mul3A = vector.broadcast %rsqrt3A : vector<1000x1xf32> to vector<1000x128xf32>
    %mul3A_19 = arith.mulf %dot_general3A_18, %mul3A : vector<1000x128xf32>
    %swap3A = arith.constant 0 : index
    %swap3A_20 = arith.constant 0 : index
    %swap3A_21 = vector.load %arg4[%swap3A, %swap3A_20] : memref<1000x128xf32, #tpu.memory_space<vmem>>, vector<1000x128xf32>
    tpu.vector_store %arg4[%swap3A, %swap3A_20], %mul3A_19 {strides = array<i32>} : memref<1000x128xf32, #tpu.memory_space<vmem>>, vector<1000x128xf32>,
    return
  }
  func.func @transform_0(%arg0: i32) -> (i32, i32) {
    %c0_i32 = arith.constant 0 : i32
    %c0_i32_0 = arith.constant 0 : i32
    return %arg0, %c0_i32 : i32, i32
  }
  func.func @transform_1(%arg0: i32) -> (i32, i32) {
    %c0_i32 = arith.constant 0 : i32
    %c0_i32_0 = arith.constant 0 : i32
    %c0_i32_1 = arith.constant 0 : i32
    return %c0_i32, %c0_i32_0 : i32, i32
  }
  func.func @transform_2(%arg0: i32) -> (i32, i32, i32) {
    %c0_i32 = arith.constant 0 : i32
    %c0_i32_0 = arith.constant 0 : i32
    %c0_i32_1 = arith.constant 0 : i32
    return %c0_i32, %arg0, %c0_i32_0 : i32, i32, i32
  }
  func.func @transform_3(%arg0: i32) -> (i32, i32) {
    %c0_i32 = arith.constant 0 : i32
    %c0_i32_0 = arith.constant 0 : i32
    return %arg0, %c0_i32 : i32, i32
  }
}

module attributes {stable_mosaic.version = 14 : i64} {
  func.func @_mid_body(%arg0: i32, %arg1: memref<2x1000x128xf32, #tpu.memory_space<vmem>>, %arg2: memref<1000x128xf32, #tpu.memory_space<vmem>>, %arg3: memref<2x1000x128xf32, #tpu.memory_space<vmem>>, %arg4: memref<1x128xf32, #tpu.memory_space<vmem>>, %arg5: memref<128x128xf32, #tpu.memory_space<vmem>>, %arg6: memref<1000x128xf32, #tpu.memory_space<vmem>>) attributes {dimension_semantics = [#tpu.dimension_semantics<arbitrary>], iteration_bounds = array<i64: 10>, scalar_prefetch = 0 : i64, scratch_operands = 0 : i64, tpu.core_type = #tpu.core_type<tc>, window_params = [{transform_indices = @transform_0, window_bounds = array<i64: 2, 1000, 128>}, {transform_indices = @transform_1, window_bounds = array<i64: 1000, 128>}, {transform_indices = @transform_2, window_bounds = array<i64: 2, 1000, 128>}, {pipeline_mode = #tpu.pipeline_mode<synchronous>, transform_indices = @transform_3, window_bounds = array<i64: 1, 128>}, {pipeline_mode = #tpu.pipeline_mode<synchronous>, transform_indices = @transform_4, window_bounds = array<i64: 128, 128>}, {transform_indices = @transform_5, window_bounds = array<i64: 1000, 128>}]} {
    %get3A = arith.constant 0 : index
    %get3A_0 = arith.constant 0 : index
    %get3A_1 = arith.constant 0 : index
    %get3A_2 = vector.load %arg3[%get3A, %get3A_0, %get3A_1] : memref<2x1000x128xf32, #tpu.memory_space<vmem>>, vector<1x1000x1xf32>
    %get3A_3 = vector.shape_cast %get3A_2 : vector<1x1000x1xf32> to vector<1000x1xf32>
    %get3A_4 = arith.constant 1 : index
    %get3A_5 = arith.constant 0 : index
    %get3A_6 = arith.constant 0 : index
    %get3A_7 = vector.load %arg3[%get3A_4, %get3A_5, %get3A_6] : memref<2x1000x128xf32, #tpu.memory_space<vmem>>, vector<1x1000x1xf32>
    %get3A_8 = vector.shape_cast %get3A_7 : vector<1x1000x1xf32> to vector<1000x1xf32>
    %add3A = arith.addf %get3A_3, %get3A_8 : vector<1000x1xf32>
    %add3A_9 = arith.constant 1.000000e+00 : f32
    %add3A_10 = vector.broadcast %add3A_9 : f32 to vector<1000x1xf32>
    %add3A_11 = arith.addf %add3A, %add3A_10 : vector<1000x1xf32>
    %rsqrt3A = math.rsqrt %add3A_11 : vector<1000x1xf32>
    %get3A_12 = arith.constant 0 : index
    %get3A_13 = arith.constant 0 : index
    %get3A_14 = arith.constant 0 : index
    %get3A_15 = vector.load %arg1[%get3A_12, %get3A_13, %get3A_14] : memref<2x1000x128xf32, #tpu.memory_space<vmem>>, vector<1x1000x128xf32>
    %get3A_16 = vector.shape_cast %get3A_15 : vector<1x1000x128xf32> to vector<1000x128xf32>
    %get3A_17 = arith.constant 1 : index
    %get3A_18 = arith.constant 0 : index
    %get3A_19 = arith.constant 0 : index
    %get3A_20 = vector.load %arg1[%get3A_17, %get3A_18, %get3A_19] : memref<2x1000x128xf32, #tpu.memory_space<vmem>>, vector<1x1000x128xf32>
    %get3A_21 = vector.shape_cast %get3A_20 : vector<1x1000x128xf32> to vector<1000x128xf32>
    %add3A_22 = arith.addf %get3A_16, %get3A_21 : vector<1000x128xf32>
    %get3A_23 = arith.constant 0 : index
    %get3A_24 = arith.constant 0 : index
    %get3A_25 = vector.load %arg2[%get3A_23, %get3A_24] : memref<1000x128xf32, #tpu.memory_space<vmem>>, vector<1000x128xf32>
    %add3A_26 = arith.addf %add3A_22, %get3A_25 : vector<1000x128xf32>
    %mul3A = vector.broadcast %rsqrt3A : vector<1000x1xf32> to vector<1000x128xf32>
    %mul3A_27 = arith.mulf %add3A_26, %mul3A : vector<1000x128xf32>
    %get3A_28 = arith.constant 0 : index
    %get3A_29 = arith.constant 0 : index
    %get3A_30 = vector.load %arg4[%get3A_28, %get3A_29] : memref<1x128xf32, #tpu.memory_space<vmem>>, vector<1x128xf32>
    %add3A_31 = vector.broadcast %get3A_30 : vector<1x128xf32> to vector<1000x128xf32>
    %add3A_32 = arith.addf %mul3A_27, %add3A_31 : vector<1000x128xf32>
    %max3A = arith.constant 0.000000e+00 : f32
    %max3A_33 = vector.broadcast %max3A : f32 to vector<1000x128xf32>
    %max3A_34 = arith.maximumf %add3A_32, %max3A_33 : vector<1000x128xf32>
    %get3A_35 = arith.constant 0 : index
    %get3A_36 = arith.constant 0 : index
    %get3A_37 = vector.load %arg5[%get3A_35, %get3A_36] : memref<128x128xf32, #tpu.memory_space<vmem>>, vector<128x128xf32>
    %dot_general3A = arith.constant dense<0.000000e+00> : vector<1000x128xf32>
    %dot_general3A_38 = tpu.matmul %max3A_34, %get3A_37, %dot_general3A {dimension_numbers = #tpu.dot_dimension_numbers<[1], [0], [0], [1], [0, 0, 1, 1], [], []>, transpose_lhs_hint = false} : vector<1000x128xf32>, vector<128x128xf32>, vector<1000x128xf32> -> vector<1000x128xf32>
    %mul3A_39 = vector.broadcast %rsqrt3A : vector<1000x1xf32> to vector<1000x128xf32>
    %mul3A_40 = arith.mulf %dot_general3A_38, %mul3A_39 : vector<1000x128xf32>
    %swap3A = arith.constant 0 : index
    %swap3A_41 = arith.constant 0 : index
    %swap3A_42 = vector.load %arg6[%swap3A, %swap3A_41] : memref<1000x128xf32, #tpu.memory_space<vmem>>, vector<1000x128xf32>
    tpu.vector_store %arg6[%swap3A, %swap3A_41], %mul3A_40 {strides = array<i32>} : memref<1000x128xf32, #tpu.memory_space<vmem>>, vector<1000x128xf32>,
    return
  }
  func.func @transform_0(%arg0: i32) -> (i32, i32, i32) {
    %c0_i32 = arith.constant 0 : i32
    %c0_i32_0 = arith.constant 0 : i32
    %c0_i32_1 = arith.constant 0 : i32
    return %c0_i32, %arg0, %c0_i32_0 : i32, i32, i32
  }
  func.func @transform_1(%arg0: i32) -> (i32, i32) {
    %c0_i32 = arith.constant 0 : i32
    %c0_i32_0 = arith.constant 0 : i32
    return %arg0, %c0_i32 : i32, i32
  }
  func.func @transform_2(%arg0: i32) -> (i32, i32, i32) {
    %c0_i32 = arith.constant 0 : i32
    %c0_i32_0 = arith.constant 0 : i32
    %c0_i32_1 = arith.constant 0 : i32
    return %c0_i32, %arg0, %c0_i32_0 : i32, i32, i32
  }
  func.func @transform_3(%arg0: i32) -> (i32, i32) {
    %c0_i32 = arith.constant 0 : i32
    %c0_i32_0 = arith.constant 0 : i32
    %c0_i32_1 = arith.constant 0 : i32
    return %c0_i32, %c0_i32_0 : i32, i32
  }
  func.func @transform_4(%arg0: i32) -> (i32, i32) {
    %c0_i32 = arith.constant 0 : i32
    %c0_i32_0 = arith.constant 0 : i32
    %c0_i32_1 = arith.constant 0 : i32
    return %c0_i32, %c0_i32_0 : i32, i32
  }
  func.func @transform_5(%arg0: i32) -> (i32, i32) {
    %c0_i32 = arith.constant 0 : i32
    %c0_i32_0 = arith.constant 0 : i32
    return %arg0, %c0_i32 : i32, i32
  }
}

module attributes {stable_mosaic.version = 14 : i64} {
  func.func @_fin_body(%arg0: i32, %arg1: memref<2x1000x128xf32, #tpu.memory_space<vmem>>, %arg2: memref<1000x128xf32, #tpu.memory_space<vmem>>, %arg3: memref<2x1000x128xf32, #tpu.memory_space<vmem>>, %arg4: memref<1x128xf32, #tpu.memory_space<vmem>>, %arg5: memref<1000x128xf32, #tpu.memory_space<vmem>>) attributes {dimension_semantics = [#tpu.dimension_semantics<arbitrary>], iteration_bounds = array<i64: 10>, scalar_prefetch = 0 : i64, scratch_operands = 0 : i64, tpu.core_type = #tpu.core_type<tc>, window_params = [{transform_indices = @transform_0, window_bounds = array<i64: 2, 1000, 128>}, {transform_indices = @transform_1, window_bounds = array<i64: 1000, 128>}, {transform_indices = @transform_2, window_bounds = array<i64: 2, 1000, 128>}, {pipeline_mode = #tpu.pipeline_mode<synchronous>, transform_indices = @transform_3, window_bounds = array<i64: 1, 128>}, {transform_indices = @transform_4, window_bounds = array<i64: 1000, 128>}]} {
    %get3A = arith.constant 0 : index
    %get3A_0 = arith.constant 0 : index
    %get3A_1 = arith.constant 0 : index
    %get3A_2 = vector.load %arg3[%get3A, %get3A_0, %get3A_1] : memref<2x1000x128xf32, #tpu.memory_space<vmem>>, vector<1x1000x1xf32>
    %get3A_3 = vector.shape_cast %get3A_2 : vector<1x1000x1xf32> to vector<1000x1xf32>
    %get3A_4 = arith.constant 1 : index
    %get3A_5 = arith.constant 0 : index
    %get3A_6 = arith.constant 0 : index
    %get3A_7 = vector.load %arg3[%get3A_4, %get3A_5, %get3A_6] : memref<2x1000x128xf32, #tpu.memory_space<vmem>>, vector<1x1000x1xf32>
    %get3A_8 = vector.shape_cast %get3A_7 : vector<1x1000x1xf32> to vector<1000x1xf32>
    %add3A = arith.addf %get3A_3, %get3A_8 : vector<1000x1xf32>
    %add3A_9 = arith.constant 1.000000e+00 : f32
    %add3A_10 = vector.broadcast %add3A_9 : f32 to vector<1000x1xf32>
    %add3A_11 = arith.addf %add3A, %add3A_10 : vector<1000x1xf32>
    %rsqrt3A = math.rsqrt %add3A_11 : vector<1000x1xf32>
    %get3A_12 = arith.constant 0 : index
    %get3A_13 = arith.constant 0 : index
    %get3A_14 = arith.constant 0 : index
    %get3A_15 = vector.load %arg1[%get3A_12, %get3A_13, %get3A_14] : memref<2x1000x128xf32, #tpu.memory_space<vmem>>, vector<1x1000x128xf32>
    %get3A_16 = vector.shape_cast %get3A_15 : vector<1x1000x128xf32> to vector<1000x128xf32>
    %get3A_17 = arith.constant 1 : index
    %get3A_18 = arith.constant 0 : index
    %get3A_19 = arith.constant 0 : index
    %get3A_20 = vector.load %arg1[%get3A_17, %get3A_18, %get3A_19] : memref<2x1000x128xf32, #tpu.memory_space<vmem>>, vector<1x1000x128xf32>
    %get3A_21 = vector.shape_cast %get3A_20 : vector<1x1000x128xf32> to vector<1000x128xf32>
    %add3A_22 = arith.addf %get3A_16, %get3A_21 : vector<1000x128xf32>
    %get3A_23 = arith.constant 0 : index
    %get3A_24 = arith.constant 0 : index
    %get3A_25 = vector.load %arg2[%get3A_23, %get3A_24] : memref<1000x128xf32, #tpu.memory_space<vmem>>, vector<1000x128xf32>
    %add3A_26 = arith.addf %add3A_22, %get3A_25 : vector<1000x128xf32>
    %mul3A = vector.broadcast %rsqrt3A : vector<1000x1xf32> to vector<1000x128xf32>
    %mul3A_27 = arith.mulf %add3A_26, %mul3A : vector<1000x128xf32>
    %get3A_28 = arith.constant 0 : index
    %get3A_29 = arith.constant 0 : index
    %get3A_30 = vector.load %arg4[%get3A_28, %get3A_29] : memref<1x128xf32, #tpu.memory_space<vmem>>, vector<1x128xf32>
    %add3A_31 = vector.broadcast %get3A_30 : vector<1x128xf32> to vector<1000x128xf32>
    %add3A_32 = arith.addf %mul3A_27, %add3A_31 : vector<1000x128xf32>
    %swap3A = arith.constant 0 : index
    %swap3A_33 = arith.constant 0 : index
    %swap3A_34 = vector.load %arg5[%swap3A, %swap3A_33] : memref<1000x128xf32, #tpu.memory_space<vmem>>, vector<1000x128xf32>
    tpu.vector_store %arg5[%swap3A, %swap3A_33], %add3A_32 {strides = array<i32>} : memref<1000x128xf32, #tpu.memory_space<vmem>>, vector<1000x128xf32>,
    return
  }
  func.func @transform_0(%arg0: i32) -> (i32, i32, i32) {
    %c0_i32 = arith.constant 0 : i32
    %c0_i32_0 = arith.constant 0 : i32
    %c0_i32_1 = arith.constant 0 : i32
    return %c0_i32, %arg0, %c0_i32_0 : i32, i32, i32
  }
  func.func @transform_1(%arg0: i32) -> (i32, i32) {
    %c0_i32 = arith.constant 0 : i32
    %c0_i32_0 = arith.constant 0 : i32
    return %arg0, %c0_i32 : i32, i32
  }
  func.func @transform_2(%arg0: i32) -> (i32, i32, i32) {
    %c0_i32 = arith.constant 0 : i32
    %c0_i32_0 = arith.constant 0 : i32
    %c0_i32_1 = arith.constant 0 : i32
    return %c0_i32, %arg0, %c0_i32_0 : i32, i32, i32
  }
  func.func @transform_3(%arg0: i32) -> (i32, i32) {
    %c0_i32 = arith.constant 0 : i32
    %c0_i32_0 = arith.constant 0 : i32
    %c0_i32_1 = arith.constant 0 : i32
    return %c0_i32, %c0_i32_0 : i32, i32
  }
  func.func @transform_4(%arg0: i32) -> (i32, i32) {
    %c0_i32 = arith.constant 0 : i32
    %c0_i32_0 = arith.constant 0 : i32
    return %arg0, %c0_i32 : i32, i32
  }
}

</mosaic_0001>

<sc_bundles>
// kernel: kernel.10.cloned.1.call-start
scs
__scs_entry_jumppad:
0x0: {  	(pc) =	sbr.rel $0x88, $3  }
0x1: {  	(tag) =	ssettag $0x0;
	lr =	simm.s32 $0x1  }
0x2: {  	[smem:$0x3F97] =	sst lr;
	_ =	strace $0xD0000000  }
0x3: {  	_ = 	snop  }
0x4: {  	_ = 	snop  }
0x5: {  	_ = 	snop  }
0x6: {  	_ = 	snop  }
0x7: {  	_ = 	snop  }
__scs_overlays_trampoline_lowered:
0x8: {  	[smem:$0x3FA6] =	sst s0  }
0x9: {  	[smem:$0x3FA7] =	sst s1  }
0xa: {  	[smem:$0x3FA8] =	sst s2  }
0xb: {  	[smem:$0x3FA9] =	sst s3  }
0xc: {  	[smem:$0x3FAA] =	sst s4  }
0xd: {  	[smem:$0x3FAB] =	sst s5  }
0xe: {  	[smem:$0x3FAC] =	sst s6  }
0xf: {  	[smem:$0x3FAD] =	sst s7  }
0x10: {  	[smem:$0x3FAE] =	sst s8  }
0x11: {  	[smem:$0x3FAF] =	sst s9;
	s0 =	simm.s32 @!p0 $0x0  }
0x12: {  	s1 =	sld [smem:$0x3F95];
	s0 =	simm.s32 @p0 $0x1  }
0x13: {  	[smem:$0x3FB0] =	sst s0;
	s0 =	simm.s32 @!p1 $0x0  }
0x14: {  	s2 =	sld [smem:$0x3F94];
	s0 =	simm.s32 @p1 $0x1  }
0x15: {  	[smem:$0x3FB1] =	sst s0;
	s0 =	simm.s32 @!p2 $0x0  }
0x16: {  	s3 =	sld [smem:$0x3FDB];
	s0 =	simm.s32 @p2 $0x1  }
0x17: {  	s4 =	simm.s32 $0x1BF5;
	[smem:$0x3FB3] =	sst s0  }
0x18: {  	s0 =	sld [smem:$0x3F96];
	_ =	swait.ge [sflag:s4], $0x0  }
0x19: {  	s7 =	sld [smem:$0x3F97]  }
0x1a: {  	s8 =	sadd.s32 $0xFFFFE003, lr  }
0x1b: {  	s9 =	sadd.s32 $0xFFFFFEF7, lr;
	s5 =	simm.s32 $0xFFFFFFFF;
	p2 =	slt.u32 s8, $0xFFFFF086  }
0x1c: {  	p1 =	slt.u32 s9, $0xF7A;
	s5 =	simm.s32 @!p2 $0x0  }
0x1d: {  	s5 =	simm.s32 @p1 $0x1;
	p0 =	seq.s32 s7, s2  }
0x1e: {  	s7 =	smul.u32 @!p0 $0xF7A, s2;
	p2 =	seq.s32 @!p0 s5, $0x0  }
0x1f: {  	s9 =	smul.u32 $0xF7A, s1;
	s8 =	simm.s32 @!p0 $0x1BF5;
	p2 =	por !p2, p0  }
0x20: {  	[sflag:s8] =	ssyncset.s32 @!p0 $0xFFFFF086;
	s6 =	sadd.s32 @!p0 s3, s7;
	s7 =	simm.s32 @!p0 $0x108  }
0x21: {  	s3 =	sadd.s32 s3, s9;
	s6 =	sadd.s32 @!p0 $0x88, s6;
	s7 =	simm.s32 @p2 $0x1082  }
0x22: {  	[simem:s7], [sflag:s8] =	dma.local @!p0 [hbm:s6], $0xF7A  }
0x23: {  	s9 =	sor.u32 $0xD0000000, s2;
	s6 =	simm.s32 $0x108;
	_ =	swait.ge @!p0 [sflag:s8], $0x0  }
0x24: {  	s3 =	sadd.s32 $0x88, s3;
	s6 =	simm.s32 @!p1 $0x1082;
	[sflag:s4] =	ssyncset.s32 $0xFFFFF086  }
0x25: {  	[simem:s6], [sflag:s4] =	dma.local [hbm:s3], $0xF7A  }
0x26: {  	[smem:$0x3F97] =	sst s1;
	(tag) =	ssettag s2;
	_ =	strace s9  }
0x27: {  	s1 =	sld [smem:$0x3FA7]  }
0x28: {  	s2 =	sld [smem:$0x3FA8]  }
0x29: {  	s4 =	sld [smem:$0x3FAA]  }
0x2a: {  	p0 =	seq.s32 s5, $0x0;
	s5 =	sld [smem:$0x3FAB]  }
0x2b: {  	s6 =	sld [smem:$0x3FAC]  }
0x2c: {  	s7 =	sld [smem:$0x3FAD]  }
0x2d: {  	s3 =	simm.s32 $0x108;
	s8 =	sld [smem:$0x3FAE]  }
0x2e: {  	s3 =	simm.s32 @!p0 $0x1082;
	s9 =	sld [smem:$0x3FAF]  }
0x2f: {  	lr =	sadd.s32 s0, s3;
	s0 =	sld [smem:$0x3FA6]  }
0x30: {  	s3 =	sld [smem:$0x3FA9]  }
0x31: {  	[smem:$0x3FB2] =	sst s10  }
0x32: {  	s10 =	sld [smem:$0x3FB0];
	_ =	sdelay $0x3  }
0x33: {  	p0 =	seq.s32 s10, $0x1;
	s10 =	sld [smem:$0x3FB2];
	_ =	sdelay $0x3  }
0x34: {  	[smem:$0x3FB2] =	sst s10  }
0x35: {  	s10 =	sld [smem:$0x3FB1];
	_ =	sdelay $0x3  }
0x36: {  	p1 =	seq.s32 s10, $0x1;
	s10 =	sld [smem:$0x3FB2];
	_ =	sdelay $0x3  }
0x37: {  	[smem:$0x3FB2] =	sst s10  }
0x38: {  	s10 =	sld [smem:$0x3FB3]  }
0x39: {  	_ = 	snop;
	(pc) =	sbr.ind lr, $3  }
0x3a: {  	_ = 	snop  }
0x3b: {  	_ = 	snop  }
0x3c: {  	p2 =	seq.s32 s10, $0x1;
	s10 =	sld [smem:$0x3FB2]  }
0x3d: {  	_ =	shalt  }
0x3e: {  	_ =	shalt  }
0x3f: {  	_ =	shalt  }
0x40: {  	_ =	shalt  }
0x41: {  	_ =	shalt  }
0x42: {  	_ =	shalt  }
0x43: {  	_ =	shalt  }
0x44: {  	_ =	shalt  }
0x45: {  	_ =	shalt  }
0x46: {  	_ =	shalt  }
0x47: {  	_ =	shalt  }
0x48: {  	_ =	shalt  }
0x49: {  	_ =	shalt  }
0x4a: {  	_ =	shalt  }
0x4b: {  	_ =	shalt  }
0x4c: {  	_ =	shalt  }
0x4d: {  	_ =	shalt  }
0x4e: {  	_ =	shalt  }
0x4f: {  	_ =	shalt  }
0x50: {  	_ =	shalt  }
0x51: {  	_ =	shalt  }
0x52: {  	_ =	shalt  }
0x53: {  	_ =	shalt  }
0x54: {  	_ =	shalt  }
0x55: {  	_ =	shalt  }
0x56: {  	_ =	shalt  }
0x57: {  	_ =	shalt  }
0x58: {  	_ =	shalt  }
0x59: {  	_ =	shalt  }
0x5a: {  	_ =	shalt  }
0x5b: {  	_ =	shalt  }
0x5c: {  	_ =	shalt  }
0x5d: {  	_ =	shalt  }
0x5e: {  	_ =	shalt  }
0x5f: {  	_ =	shalt  }
0x60: {  	_ =	shalt  }
0x61: {  	_ =	shalt  }
0x62: {  	_ =	shalt  }
0x63: {  	_ =	shalt  }
0x64: {  	_ =	shalt  }
0x65: {  	_ =	shalt  }
0x66: {  	_ =	shalt  }
0x67: {  	_ =	shalt  }
0x68: {  	_ =	shalt  }
0x69: {  	_ =	shalt  }
0x6a: {  	_ =	shalt  }
0x6b: {  	_ =	shalt  }
0x6c: {  	_ =	shalt  }
0x6d: {  	_ =	shalt  }
0x6e: {  	_ =	shalt  }
0x6f: {  	_ =	shalt  }
0x70: {  	_ =	shalt  }
0x71: {  	_ =	shalt  }
0x72: {  	_ =	shalt  }
0x73: {  	_ =	shalt  }
0x74: {  	_ =	shalt  }
0x75: {  	_ =	shalt  }
0x76: {  	_ =	shalt  }
0x77: {  	_ =	shalt  }
0x78: {  	_ =	shalt  }
0x79: {  	_ =	shalt  }
0x7a: {  	_ =	shalt  }
0x7b: {  	_ =	shalt  }
0x7c: {  	_ =	shalt  }
0x7d: {  	_ =	shalt  }
0x7e: {  	_ =	shalt  }
0x7f: {  	_ =	shalt  }
0x80: {  	_ =	shalt  }
0x81: {  	_ =	shalt  }
0x82: {  	_ =	shalt  }
0x83: {  	_ =	shalt  }
0x84: {  	_ =	shalt  }
0x85: {  	_ =	shalt  }
0x86: {  	_ =	shalt  }
0x87: {  	_ =	shalt  }
.Lfunc_end0:
.L_simem_size_0:
called_computation_lowered:
.L_overlay_start_0:
0x88: {  	s2 =	sld [smem:$0x3FD9]  }
0x89: {  	s3 =	sld [smem:$0x3FFE];
	_ =	sdelay $0x1  }
0x8a: {  	s1 =	srdreg.scid  }
0x8b: {  	s0 =	sand.u32 $0x1, s1  }
0x8c: {  	s16 =	sshll.u32 s0, $0xA;
	s2 =	sadd.s32 s3, s2  }
0x8d: {  	s2 =	sadd.s32 s2, s16  }
0x8e: {  	[smem:$0x3FBE] =	sst s2  }
0x8f: {  	_ = 	snop  }
0x90: {  	(tm) =	ssettm $0x1  }
0x91: {  	s17 =	sld [smem:$0x3FFB];
	_ =	sdelay $0x3  }
0x92: {  	_ =	strace s17  }
0x93: {  	s2 =	sld [smem:$0x3FFC];
	_ =	sdelay $0x3  }
0x94: {  	_ =	strace s2  }
0x95: {  	s2 =	sld [smem:$0x3FFD];
	_ =	sdelay $0x3  }
0x96: {  	_ =	strace s2  }
0x97: {  	_ =	strace $0x8FFFFFFF  }
0x98: {  	s18 =	sld [smem:$0x3FDB];
	_ =	sdelay $0x1  }
0x99: {  	s19 =	simm.s32 $_scs_section_size  }
0x9a: {  	s4 =	simm.s32 $_size__tile_overlayer_lowered;
	s5 =	simm.s32 $_tile_overlayer_lowered  }
0x9b: {  	s22 =	simm.s32 $0x1BFF;
	s21 =	sshll.u32 s5, $0x1;
	s2 =	sadd.s32 s19, s18  }
0x9c: {  	s6 =	simm.s32 $0x0;
	s20 =	sshll.u32 s4, $0x1;
	s4 =	sadd.s32 s21, s2  }
0x9d: {  	[timem:s6], [sflag:s22] =	dma.local [hbm:s4], s20  }
0x9e: {  	_ =	swait.ge [sflag:s22], s20  }
0x9f: {  	s3 =	ssub.s32 $0x0, s20;
	[sflag:s22] =	ssyncset.done $0x0  }
0xa0: {  	[sflag:s22] =	ssyncadd.s32 s3;
	_ =	sdelay $0x1  }
0xa1: {  	s23 =	simm.s32 $0x1B8B  }
0xa2: {  	_ =	swait.ge [sflag:s23], $0x1  }
0xa3: {  	[sflag:s23] =	ssyncset.done $0x0  }
0xa4: {  	s25 =	simm.s32 $0x1B8E;
	s24 =	sld [smem:$0x3FFE];
	[sflag:s23] =	ssyncadd.s32 $0xFFFFFFFF  }
0xa5: {  	s26 =	simm.s32 $execute0_lowered;
	[smem:$0x3FD2] =	sst s25  }
0xa6: {  	s4 =	sshll.u32 s26, $0x1;
	_ =	strace $0x80000046;
	[dreg:$0x1] =	wrdreg $0xFFFFFFFF  }
0xa7: {  	s28 =	simm.s32 $_size_execute0_lowered;
	s2 =	sadd.s32 s2, s4;
	[dreg:$0x0] =	wrdreg $0x0  }
0xa8: {  	s4 =	sshll.u32 s28, $0x1;
	[dreg:$0x2] =	wrdreg s2  }
0xa9: {  	[dreg:$0x3] =	wrdreg s4  }
0xaa: {  	[dreg:$0x4] =	wrdreg $0xC0  }
0xab: {  	_ =	task [dreg:s6], $0x5FFFF  }
0xac: {  	[dreg:$0x1] =	wrdreg $0xFFFFFFFF  }
0xad: {  	[dreg:$0x0] =	wrdreg $0x60  }
0xae: {  	[dreg:$0x2] =	wrdreg s24  }
0xaf: {  	[dreg:$0x3] =	wrdreg $0x48000  }
0xb0: {  	[dreg:$0x4] =	wrdreg $0x9  }
0xb1: {  	_ =	task.clear_ibuf [dreg:s6], $0x5FFFF;
	_ =	strace $0x90000046  }
0xb2: {  	s29 =	simm.s32 $0x9;
	_ =	strace $0x80000048  }
0xb3: {  	_ =	swait.ge [sflag:s29], $0x1  }
0xb4: {  	[sflag:s29] =	ssyncadd.s32 $0xFFFFFFFF  }
0xb5: {  	_ =	strace $0x90000048  }
0xb6: {  	_ =	sfence  }
0xb7: {  	s30 =	sld [smem:$0x0];
	_ =	sdelay $0x2  }
0xb8: {  	s31 =	sshll.u32 s1, $0xD;
	s1 =	sshrl.u32 s1, $0x2  }
0xb9: {  	s3 =	sand.u32 $0x4000, s31;
	s1 =	sadd.s32 s1, s30  }
0xba: {  	s0 =	sor.u32 s3, s0;
	s1 =	sshll.u32 s1, $0x11  }
0xbb: {  	s0 =	sor.u32 s1, s0  }
0xbc: {  	s0 =	sadd.s32 $0x8F2B, s0  }
0xbd: {  	[sflag:s0] =	ssyncadd.remote.s32 $0x1  }
0xbe: {  	_ =	sfence.sel $0xFFFF  }
0xbf: {  	[dreg:$0x0] =	wrdreg $0xFFFFFFFF;
	(pc) =	sbr.abs _section_cstart, $3  }
0xc0: {  	[dreg:$0x1] =	wrdreg $0xFFFFFFFF  }
0xc1: {  	_ =	task.clear_ibuf [dreg:s6], $0x2FFFF;
	_ =	strace $0x9FFFFFFF  }
0xc2: {  	(tm) =	ssettm $0x7FFFFFFF  }
0xc3: {  	_ =	shalt  }
tec
execute0_lowered:
.L_overlay_start_1:
0x0: {  	(tag) =	ssettag $0x1  }
0x1: {  	s0 =	rddreg [dreg:$0x0]  }
0x2: {  	s1 =	rddreg [dreg:$0x1];
	s12 =	stileid.u32  }
0x3: {  	s3 =	srdreg.scid;
	s2 =	simm.s32 $0x0;
	s6 =	smul.u32 $0x50000, s12  }
0x4: {  	s13 =	simm.s32 $0x80;
	s14 =	simm.s32 $0x100;
	s25 =	smul.u32 $0x280, s12  }
0x5: {  	s15 =	simm.s32 $0x180;
	s28 =	simm.s32 $0x300;
	s26 =	smul.u32 $0x2800, s12  }
0x6: {  	s29 =	simm.s32 $0x380;
	s3 =	sand.u32 $0x1, s3;
	s12 =	smul.u32 $0x500, s12  }
0x7: {  	s30 =	simm.s32 $0x400;
	s31 =	simm.s32 $0x480;
	s4 =	smul.u32 $0x5000, s3  }
0x8: {  	[smem:$0x7FF] =	sst s2;
	s5 =	smul.u32 $0x28000, s3;
	s3 =	ssub.s32 $0x2, s3  }
0x9: {  	_ =	strace $0x80000047;
	s23 =	sshrl.u32 s3, $0x1;
	s24 =	sshrl.u32 s6, $0x2  }
0xa: {  	s18 =	sadd.s32 $0x80, s25;
	s21 =	sadd.s32 $0x100, s25;
	s11 =	sadd.s32 $0x180, s25  }
0xb: {  	s7 =	sadd.s32 s4, s0;
	s0 =	sadd.s32 s5, s0;
	s3 =	ssub.s32 s3, s23  }
0xc: {  	s4 =	sadd.s32 s24, s1;
	s20 =	sshll.u32 s18, $0x7;
	s10 =	sshll.u32 s21, $0x7  }
0xd: {  	s22 =	sshll.u32 s11, $0x7;
	s5 =	sadd.s32 $0x200, s25;
	s3 =	smax.u32 s3, $0x1  }
0xe: {  	s0 =	sadd.s32 $0x17200, s0;
	s17 =	sadd.s32 $0x4000, s4;
	[dreg:$0x3] =	wrdreg s3  }
0xf: {  	s8 =	sadd.s32 $0x8000, s4;
	s19 =	sadd.s32 $0xC000, s4;
	[dreg:$0x4] =	wrdreg s17  }
0x10: {  	s9 =	sadd.s32 $0x10000, s4;
	s16 =	sadd.s32 s10, s1;
	[dreg:$0x5] =	wrdreg s8  }
0x11: {  	s23 =	sshll.u32 s5, $0x7;
	s7 =	sadd.s32 s12, s7;
	[dreg:$0x6] =	wrdreg s19  }
0x12: {  	s5 =	sshll.u32 s5, $0x4;
	s12 =	simm.s32 $0x1;
	[dreg:$0x7] =	wrdreg s9  }
0x13: {  	s8 =	sadd.s32 s20, s1;
	s3 =	sshll.u32 s18, $0x4;
	s9 =	sshll.u32 s21, $0x4  }
0x14: {  	s17 =	sadd.s32 s22, s1;
	s18 =	sshll.u32 s11, $0x4;
	s25 =	sadd.s32 s23, s1  }
0x15: {  	s10 =	sadd.s32 $0x3200, s7;
	s11 =	simm.s32 $0x800;
	s6 =	sadd.s32 s26, s0  }
0x16: {  	s20 =	sadd.s32 s5, s0;
	s21 =	simm.s32 $0x200;
	s23 =	sshrl.u32 s16, $0x3  }
0x17: {  	s5 =	simm.s32 $0x600;
	s7 =	simm.s32 $0x700;
	[dreg:$0x8] =	wrdreg s6  }
0x18: {  	s3 =	sadd.s32 s3, s0;
	s24 =	sadd.s32 s9, s0;
	s26 =	sadd.s32 s18, s0  }
0x19: {  	s22 =	sshrl.u32 s8, $0x3;
	s25 =	sshrl.u32 s25, $0x3;
	[dreg:$0x9] =	wrdreg s3  }
0x1a: {  	s0 =	simm.s32 $0x500;
	s6 =	simm.s32 $0x680;
	[dreg:$0xa] =	wrdreg s24  }
0x1b: {  	s8 =	simm.s32 $0x780;
	s9 =	simm.s32 $0x0;
	[dreg:$0xb] =	wrdreg s26  }
0x1c: {  	v0 =	vimm.f32 $0.0e+00;
	v1 =	vimm.f32 $1.000000000e+00;
	s24 =	sshrl.u32 s17, $0x3;
	s26 =	simm.s32 $0x280;
	s3 =	simm.s32 $0x580  }
.LBB2_1:
0x1d: {  	s16 =	simm.s32 $0x0;
	s17 =	simm.s32 $0x200  }
.LBB2_2:
0x1e: {  	p0 =	sne.s32 s17, $0xFE00;
	[tilespmem:s16+$0x870] =	vst v0  }
0x1f: {  	[tilespmem:s16+$0x800] =	vst v0  }
0x20: {  	[tilespmem:s16+$0x810] =	vst v0  }
.Ltmp0:
0x21: {  	[tilespmem:s16+$0x820] =	vst v0;
	(pc) =	sbr.rel @p0 .LBB2_2-.Ltmp0, $4  }
0x22: {  	[tilespmem:s16+$0x830] =	vst v0  }
0x23: {  	[tilespmem:s16+$0x840] =	vst v0  }
0x24: {  	[tilespmem:s16+$0x850] =	vst v0  }
0x25: {  	[tilespmem:s16+$0x860] =	vst v0;
	s16 =	sshra.s32 s17, $0x2;
	s17 =	sadd.s32 $0x200, s17  }
0x26: {  	[tilespmem:s16+$0x870] =	vst v0  }
0x27: {  	[tilespmem:s16+$0x800] =	vst v0  }
0x28: {  	[tilespmem:s16+$0x810] =	vst v0  }
0x29: {  	[tilespmem:s16+$0x820] =	vst v0  }
0x2a: {  	[tilespmem:s16+$0x830] =	vst v0  }
0x2b: {  	[tilespmem:s16+$0x840] =	vst v0  }
0x2c: {  	[tilespmem:s16+$0x850] =	vst v0  }
0x2d: {  	[tilespmem:s16+$0x860] =	vst v0  }
0x2e: {  	[spmem:s4] =	stream.linear.scatter [tilespmem:s11], [sflag:$0x1], $0x4000, $0x38;
	[tilespmem:$0x18800] =	vst v63  }
0x2f: {  	_ =	swait.ge [sflag:s12], $0x4000  }
0x30: {  	[sflag:s12] =	ssyncset.done $0x0  }
0x31: {  	s19 =	rddreg [dreg:$0x4];
	[sflag:s12] =	ssyncadd.s32 $0xFFFFC000  }
0x32: {  	[spmem:s19] =	stream.linear.scatter [tilespmem:s11], [sflag:$0x1], $0x4000, $0x38;
	[tilespmem:$0x18800] =	vst v63  }
0x33: {  	_ =	swait.ge [sflag:s12], $0x4000  }
0x34: {  	[sflag:s12] =	ssyncset.done $0x0  }
0x35: {  	s17 =	rddreg [dreg:$0x5];
	[sflag:s12] =	ssyncadd.s32 $0xFFFFC000  }
0x36: {  	[spmem:s17] =	stream.linear.scatter [tilespmem:s11], [sflag:$0x1], $0x4000, $0x38;
	[tilespmem:$0x18800] =	vst v63  }
0x37: {  	_ =	swait.ge [sflag:s12], $0x4000  }
0x38: {  	[sflag:s12] =	ssyncset.done $0x0  }
0x39: {  	s18 =	rddreg [dreg:$0x6];
	[sflag:s12] =	ssyncadd.s32 $0xFFFFC000  }
0x3a: {  	[spmem:s18] =	stream.linear.scatter [tilespmem:s11], [sflag:$0x1], $0x4000, $0x38;
	[tilespmem:$0x18800] =	vst v63  }
0x3b: {  	_ =	swait.ge [sflag:s12], $0x4000  }
0x3c: {  	[sflag:s12] =	ssyncset.done $0x0  }
0x3d: {  	s19 =	rddreg [dreg:$0x7];
	[sflag:s12] =	ssyncadd.s32 $0xFFFFC000  }
0x3e: {  	[spmem:s19] =	stream.linear.scatter [tilespmem:s11], [sflag:$0x1], $0x4000, $0x38;
	[tilespmem:$0x18800] =	vst v63  }
0x3f: {  	_ =	swait.ge [sflag:s12], $0x4000  }
0x40: {  	[sflag:s12] =	ssyncset.done $0x0  }
0x41: {  	s16 =	simm.s32 $0x0;
	s17 =	simm.s32 $0x200;
	[sflag:s12] =	ssyncadd.s32 $0xFFFFC000  }
.LBB2_4:
0x42: {  	p0 =	sne.s32 s17, $0xFE00;
	[tilespmem:s16+$0x870] =	vst v1  }
0x43: {  	[tilespmem:s16+$0x800] =	vst v1  }
0x44: {  	[tilespmem:s16+$0x810] =	vst v1  }
.Ltmp1:
0x45: {  	[tilespmem:s16+$0x820] =	vst v1;
	(pc) =	sbr.rel @p0 .LBB2_4-.Ltmp1, $4  }
0x46: {  	[tilespmem:s16+$0x830] =	vst v1  }
0x47: {  	[tilespmem:s16+$0x840] =	vst v1  }
0x48: {  	[tilespmem:s16+$0x850] =	vst v1  }
0x49: {  	[tilespmem:s16+$0x860] =	vst v1;
	s16 =	sshra.s32 s17, $0x2;
	s17 =	sadd.s32 $0x200, s17  }
0x4a: {  	[tilespmem:s16+$0x870] =	vst v1  }
0x4b: {  	[tilespmem:s16+$0x800] =	vst v1  }
0x4c: {  	[tilespmem:s16+$0x810] =	vst v1  }
0x4d: {  	[tilespmem:s16+$0x820] =	vst v1  }
0x4e: {  	[tilespmem:s16+$0x830] =	vst v1  }
0x4f: {  	[tilespmem:s16+$0x840] =	vst v1  }
0x50: {  	[tilespmem:s16+$0x850] =	vst v1  }
0x51: {  	[tilespmem:s16+$0x860] =	vst v1  }
0x52: {  	s19 =	sadd.s32 $0x0, s10;
	[bflag:$0x0] =	sbarrier.arrive $0xFFFF  }
0x53: {  	[tilespmem:s2], [sflag:$0x1] =	stream.linear.gather [hbm4b:s19+s2], $0x800, $0x38;
	[tilespmem:$0x18800] =	vst v63  }
0x54: {  	_ =	swait.ge [sflag:s12], $0x800  }
0x55: {  	[sflag:s12] =	ssyncset.done $0x0  }
0x56: {  	[sflag:s12] =	ssyncadd.s32 $0xFFFFF800  }
0x57: {  	[spmem:s1] =	stream.indirect.scatter.add.f32 [tilespmem:s11], [sflag:$0x1], $0x80, s2, s13, $0xb8;
	[tilespmem:$0x18800] =	vst v63  }
0x58: {  	_ =	swait.ge [sflag:s12], $0x4000  }
0x59: {  	[sflag:s12] =	ssyncset.done $0x0  }
0x5a: {  	[sflag:s12] =	ssyncadd.s32 $0xFFFFC000  }
0x5b: {  	[spmem:s1] =	stream.indirect.scatter.add.f32 [tilespmem:s11], [sflag:$0x1], $0x80, s13, s13, $0xb8;
	[tilespmem:$0x18800] =	vst v63  }
0x5c: {  	_ =	swait.ge [sflag:s12], $0x4000  }
0x5d: {  	[sflag:s12] =	ssyncset.done $0x0  }
0x5e: {  	[sflag:s12] =	ssyncadd.s32 $0xFFFFC000  }
0x5f: {  	[spmem:s1] =	stream.indirect.scatter.add.f32 [tilespmem:s11], [sflag:$0x1], $0x80, s14, s13, $0xb8;
	[tilespmem:$0x18800] =	vst v63  }
0x60: {  	_ =	swait.ge [sflag:s12], $0x4000  }
0x61: {  	[sflag:s12] =	ssyncset.done $0x0  }
0x62: {  	[sflag:s12] =	ssyncadd.s32 $0xFFFFC000  }
0x63: {  	[spmem:s1] =	stream.indirect.scatter.add.f32 [tilespmem:s11], [sflag:$0x1], $0x80, s15, s13, $0xb8;
	[tilespmem:$0x18800] =	vst v63  }
0x64: {  	_ =	swait.ge [sflag:s12], $0x4000  }
0x65: {  	[sflag:s12] =	ssyncset.done $0x0  }
0x66: {  	[sflag:s12] =	ssyncadd.s32 $0xFFFFC000  }
0x67: {  	[spmem:s1] =	stream.indirect.scatter.add.f32 [tilespmem:s11], [sflag:$0x1], $0x80, s21, s13, $0xb8;
	[tilespmem:$0x18800] =	vst v63  }
0x68: {  	_ =	swait.ge [sflag:s12], $0x4000  }
0x69: {  	[sflag:s12] =	ssyncset.done $0x0  }
0x6a: {  	[sflag:s12] =	ssyncadd.s32 $0xFFFFC000  }
0x6b: {  	[spmem:s1] =	stream.indirect.scatter.add.f32 [tilespmem:s11], [sflag:$0x1], $0x80, s26, s13, $0xb8;
	[tilespmem:$0x18800] =	vst v63  }
0x6c: {  	_ =	swait.ge [sflag:s12], $0x4000  }
0x6d: {  	[sflag:s12] =	ssyncset.done $0x0  }
0x6e: {  	[sflag:s12] =	ssyncadd.s32 $0xFFFFC000  }
0x6f: {  	[spmem:s1] =	stream.indirect.scatter.add.f32 [tilespmem:s11], [sflag:$0x1], $0x80, s28, s13, $0xb8;
	[tilespmem:$0x18800] =	vst v63  }
0x70: {  	_ =	swait.ge [sflag:s12], $0x4000  }
0x71: {  	[sflag:s12] =	ssyncset.done $0x0  }
0x72: {  	[sflag:s12] =	ssyncadd.s32 $0xFFFFC000  }
0x73: {  	[spmem:s1] =	stream.indirect.scatter.add.f32 [tilespmem:s11], [sflag:$0x1], $0x80, s29, s13, $0xb8;
	[tilespmem:$0x18800] =	vst v63  }
0x74: {  	_ =	swait.ge [sflag:s12], $0x4000  }
0x75: {  	[sflag:s12] =	ssyncset.done $0x0  }
0x76: {  	[sflag:s12] =	ssyncadd.s32 $0xFFFFC000  }
0x77: {  	[spmem:s1] =	stream.indirect.scatter.add.f32 [tilespmem:s11], [sflag:$0x1], $0x80, s30, s13, $0xb8;
	[tilespmem:$0x18800] =	vst v63  }
0x78: {  	_ =	swait.ge [sflag:s12], $0x4000  }
0x79: {  	[sflag:s12] =	ssyncset.done $0x0  }
0x7a: {  	[sflag:s12] =	ssyncadd.s32 $0xFFFFC000  }
0x7b: {  	[spmem:s1] =	stream.indirect.scatter.add.f32 [tilespmem:s11], [sflag:$0x1], $0x80, s31, s13, $0xb8;
	[tilespmem:$0x18800] =	vst v63  }
0x7c: {  	_ =	swait.ge [sflag:s12], $0x4000  }
0x7d: {  	[sflag:s12] =	ssyncset.done $0x0  }
0x7e: {  	[sflag:s12] =	ssyncadd.s32 $0xFFFFC000  }
0x7f: {  	[spmem:s1] =	stream.indirect.scatter.add.f32 [tilespmem:s11], [sflag:$0x1], $0x80, s0, s13, $0xb8;
	[tilespmem:$0x18800] =	vst v63  }
0x80: {  	_ =	swait.ge [sflag:s12], $0x4000  }
0x81: {  	[sflag:s12] =	ssyncset.done $0x0  }
0x82: {  	[sflag:s12] =	ssyncadd.s32 $0xFFFFC000  }
0x83: {  	[spmem:s1] =	stream.indirect.scatter.add.f32 [tilespmem:s11], [sflag:$0x1], $0x80, s3, s13, $0xb8;
	[tilespmem:$0x18800] =	vst v63  }
0x84: {  	_ =	swait.ge [sflag:s12], $0x4000  }
0x85: {  	[sflag:s12] =	ssyncset.done $0x0  }
0x86: {  	[sflag:s12] =	ssyncadd.s32 $0xFFFFC000  }
0x87: {  	[spmem:s1] =	stream.indirect.scatter.add.f32 [tilespmem:s11], [sflag:$0x1], $0x80, s5, s13, $0xb8;
	[tilespmem:$0x18800] =	vst v63  }
0x88: {  	_ =	swait.ge [sflag:s12], $0x4000  }
0x89: {  	[sflag:s12] =	ssyncset.done $0x0  }
0x8a: {  	[sflag:s12] =	ssyncadd.s32 $0xFFFFC000  }
0x8b: {  	[spmem:s1] =	stream.indirect.scatter.add.f32 [tilespmem:s11], [sflag:$0x1], $0x80, s6, s13, $0xb8;
	[tilespmem:$0x18800] =	vst v63  }
0x8c: {  	_ =	swait.ge [sflag:s12], $0x4000  }
0x8d: {  	[sflag:s12] =	ssyncset.done $0x0  }
0x8e: {  	[sflag:s12] =	ssyncadd.s32 $0xFFFFC000  }
0x8f: {  	[spmem:s1] =	stream.indirect.scatter.add.f32 [tilespmem:s11], [sflag:$0x1], $0x80, s7, s13, $0xb8;
	[tilespmem:$0x18800] =	vst v63  }
0x90: {  	_ =	swait.ge [sflag:s12], $0x4000  }
0x91: {  	[sflag:s12] =	ssyncset.done $0x0  }
0x92: {  	[sflag:s12] =	ssyncadd.s32 $0xFFFFC000  }
0x93: {  	[spmem:s1] =	stream.indirect.scatter.add.f32 [tilespmem:s11], [sflag:$0x1], $0x80, s8, s13, $0xb8;
	[tilespmem:$0x18800] =	vst v63  }
0x94: {  	_ =	swait.ge [sflag:s12], $0x4000  }
0x95: {  	s16 =	simm.s32 $0x100;
	s17 =	simm.s32 $0x200;
	[sflag:s12] =	ssyncset.done $0x0  }
.LBB2_6:
0x96: {  	s19 =	sadd.s32 s16, s10  }
0x97: {  	[sflag:s12] =	ssyncadd.s32 $0xFFFFC000;
	s16 =	smov.u32 s17;
	s18 =	sadd.s32 $0x100, s17  }
0x98: {  	[tilespmem:s2], [sflag:$0x1] =	stream.linear.gather [hbm4b:s19+s2], $0x800, $0x38;
	[tilespmem:$0x18800] =	vst v63  }
0x99: {  	p0 =	sne.s32 s17, $0x400;
	_ =	swait.ge [sflag:s12], $0x800  }
0x9a: {  	[sflag:s12] =	ssyncset.done $0x0  }
0x9b: {  	[sflag:s12] =	ssyncadd.s32 $0xFFFFF800  }
0x9c: {  	[spmem:s1] =	stream.indirect.scatter.add.f32 [tilespmem:s11], [sflag:$0x1], $0x80, s2, s13, $0xb8;
	[tilespmem:$0x18800] =	vst v63  }
0x9d: {  	_ =	swait.ge [sflag:s12], $0x4000  }
0x9e: {  	[sflag:s12] =	ssyncset.done $0x0  }
0x9f: {  	[sflag:s12] =	ssyncadd.s32 $0xFFFFC000  }
0xa0: {  	[spmem:s1] =	stream.indirect.scatter.add.f32 [tilespmem:s11], [sflag:$0x1], $0x80, s13, s13, $0xb8;
	[tilespmem:$0x18800] =	vst v63  }
0xa1: {  	_ =	swait.ge [sflag:s12], $0x4000  }
0xa2: {  	[sflag:s12] =	ssyncset.done $0x0  }
0xa3: {  	[sflag:s12] =	ssyncadd.s32 $0xFFFFC000  }
0xa4: {  	[spmem:s1] =	stream.indirect.scatter.add.f32 [tilespmem:s11], [sflag:$0x1], $0x80, s14, s13, $0xb8;
	[tilespmem:$0x18800] =	vst v63  }
0xa5: {  	_ =	swait.ge [sflag:s12], $0x4000  }
0xa6: {  	[sflag:s12] =	ssyncset.done $0x0  }
0xa7: {  	[sflag:s12] =	ssyncadd.s32 $0xFFFFC000  }
0xa8: {  	[spmem:s1] =	stream.indirect.scatter.add.f32 [tilespmem:s11], [sflag:$0x1], $0x80, s15, s13, $0xb8;
	[tilespmem:$0x18800] =	vst v63  }
0xa9: {  	_ =	swait.ge [sflag:s12], $0x4000  }
0xaa: {  	[sflag:s12] =	ssyncset.done $0x0  }
0xab: {  	[sflag:s12] =	ssyncadd.s32 $0xFFFFC000  }
0xac: {  	[spmem:s1] =	stream.indirect.scatter.add.f32 [tilespmem:s11], [sflag:$0x1], $0x80, s21, s13, $0xb8;
	[tilespmem:$0x18800] =	vst v63  }
0xad: {  	_ =	swait.ge [sflag:s12], $0x4000  }
0xae: {  	[sflag:s12] =	ssyncset.done $0x0  }
0xaf: {  	[sflag:s12] =	ssyncadd.s32 $0xFFFFC000  }
0xb0: {  	[spmem:s1] =	stream.indirect.scatter.add.f32 [tilespmem:s11], [sflag:$0x1], $0x80, s26, s13, $0xb8;
	[tilespmem:$0x18800] =	vst v63  }
0xb1: {  	_ =	swait.ge [sflag:s12], $0x4000  }
0xb2: {  	[sflag:s12] =	ssyncset.done $0x0  }
0xb3: {  	[sflag:s12] =	ssyncadd.s32 $0xFFFFC000  }
0xb4: {  	[spmem:s1] =	stream.indirect.scatter.add.f32 [tilespmem:s11], [sflag:$0x1], $0x80, s28, s13, $0xb8;
	[tilespmem:$0x18800] =	vst v63  }
0xb5: {  	_ =	swait.ge [sflag:s12], $0x4000  }
0xb6: {  	[sflag:s12] =	ssyncset.done $0x0  }
0xb7: {  	[sflag:s12] =	ssyncadd.s32 $0xFFFFC000  }
0xb8: {  	[spmem:s1] =	stream.indirect.scatter.add.f32 [tilespmem:s11], [sflag:$0x1], $0x80, s29, s13, $0xb8;
	[tilespmem:$0x18800] =	vst v63  }
0xb9: {  	_ =	swait.ge [sflag:s12], $0x4000  }
0xba: {  	[sflag:s12] =	ssyncset.done $0x0  }
0xbb: {  	[sflag:s12] =	ssyncadd.s32 $0xFFFFC000  }
0xbc: {  	[spmem:s1] =	stream.indirect.scatter.add.f32 [tilespmem:s11], [sflag:$0x1], $0x80, s30, s13, $0xb8;
	[tilespmem:$0x18800] =	vst v63  }
0xbd: {  	_ =	swait.ge [sflag:s12], $0x4000  }
0xbe: {  	[sflag:s12] =	ssyncset.done $0x0  }
0xbf: {  	[sflag:s12] =	ssyncadd.s32 $0xFFFFC000  }
0xc0: {  	[spmem:s1] =	stream.indirect.scatter.add.f32 [tilespmem:s11], [sflag:$0x1], $0x80, s31, s13, $0xb8;
	[tilespmem:$0x18800] =	vst v63  }
0xc1: {  	_ =	swait.ge [sflag:s12], $0x4000  }
0xc2: {  	[sflag:s12] =	ssyncset.done $0x0  }
0xc3: {  	[sflag:s12] =	ssyncadd.s32 $0xFFFFC000  }
0xc4: {  	[spmem:s1] =	stream.indirect.scatter.add.f32 [tilespmem:s11], [sflag:$0x1], $0x80, s0, s13, $0xb8;
	[tilespmem:$0x18800] =	vst v63  }
0xc5: {  	_ =	swait.ge [sflag:s12], $0x4000  }
0xc6: {  	[sflag:s12] =	ssyncset.done $0x0  }
0xc7: {  	[sflag:s12] =	ssyncadd.s32 $0xFFFFC000  }
0xc8: {  	[spmem:s1] =	stream.indirect.scatter.add.f32 [tilespmem:s11], [sflag:$0x1], $0x80, s3, s13, $0xb8;
	[tilespmem:$0x18800] =	vst v63  }
0xc9: {  	_ =	swait.ge [sflag:s12], $0x4000  }
0xca: {  	[sflag:s12] =	ssyncset.done $0x0  }
0xcb: {  	[sflag:s12] =	ssyncadd.s32 $0xFFFFC000  }
0xcc: {  	[spmem:s1] =	stream.indirect.scatter.add.f32 [tilespmem:s11], [sflag:$0x1], $0x80, s5, s13, $0xb8;
	[tilespmem:$0x18800] =	vst v63  }
0xcd: {  	_ =	swait.ge [sflag:s12], $0x4000  }
0xce: {  	[sflag:s12] =	ssyncset.done $0x0  }
0xcf: {  	[sflag:s12] =	ssyncadd.s32 $0xFFFFC000  }
0xd0: {  	[spmem:s1] =	stream.indirect.scatter.add.f32 [tilespmem:s11], [sflag:$0x1], $0x80, s6, s13, $0xb8;
	[tilespmem:$0x18800] =	vst v63  }
0xd1: {  	_ =	swait.ge [sflag:s12], $0x4000  }
0xd2: {  	[sflag:s12] =	ssyncset.done $0x0  }
0xd3: {  	[sflag:s12] =	ssyncadd.s32 $0xFFFFC000  }
0xd4: {  	[spmem:s1] =	stream.indirect.scatter.add.f32 [tilespmem:s11], [sflag:$0x1], $0x80, s7, s13, $0xb8;
	[tilespmem:$0x18800] =	vst v63  }
0xd5: {  	_ =	swait.ge [sflag:s12], $0x4000  }
.Ltmp2:
0xd6: {  	[sflag:s12] =	ssyncset.done $0x0;
	(pc) =	sbr.rel @p0 .LBB2_6-.Ltmp2, $4  }
0xd7: {  	[sflag:s12] =	ssyncadd.s32 $0xFFFFC000  }
0xd8: {  	[spmem:s1] =	stream.indirect.scatter.add.f32 [tilespmem:s11], [sflag:$0x1], $0x80, s8, s13, $0xb8;
	[tilespmem:$0x18800] =	vst v63  }
0xd9: {  	_ =	swait.ge [sflag:s12], $0x4000  }
0xda: {  	s17 =	smov.u32 s18;
	[sflag:s12] =	ssyncset.done $0x0  }
0xdb: {  	s16 =	sadd.s32 s16, s10;
	[sflag:s12] =	ssyncadd.s32 $0xFFFFC000  }
0xdc: {  	[tilespmem:s2], [sflag:$0x1] =	stream.linear.gather [hbm4b:s16+s2], $0x800, $0x38;
	[tilespmem:$0x18800] =	vst v63  }
0xdd: {  	_ =	swait.ge [sflag:s12], $0x800  }
0xde: {  	[sflag:s12] =	ssyncset.done $0x0  }
0xdf: {  	[sflag:s12] =	ssyncadd.s32 $0xFFFFF800  }
0xe0: {  	[spmem:s1] =	stream.indirect.scatter.add.f32 [tilespmem:s11], [sflag:$0x1], $0x80, s2, s13, $0xb8;
	[tilespmem:$0x18800] =	vst v63  }
0xe1: {  	_ =	swait.ge [sflag:s12], $0x4000  }
0xe2: {  	[sflag:s12] =	ssyncset.done $0x0  }
0xe3: {  	[sflag:s12] =	ssyncadd.s32 $0xFFFFC000  }
0xe4: {  	[spmem:s1] =	stream.indirect.scatter.add.f32 [tilespmem:s11], [sflag:$0x1], $0x80, s13, s13, $0xb8;
	[tilespmem:$0x18800] =	vst v63  }
0xe5: {  	_ =	swait.ge [sflag:s12], $0x4000  }
0xe6: {  	[sflag:s12] =	ssyncset.done $0x0  }
0xe7: {  	[sflag:s12] =	ssyncadd.s32 $0xFFFFC000  }
0xe8: {  	[spmem:s1] =	stream.indirect.scatter.add.f32 [tilespmem:s11], [sflag:$0x1], $0x80, s14, s13, $0xb8;
	[tilespmem:$0x18800] =	vst v63  }
0xe9: {  	_ =	swait.ge [sflag:s12], $0x4000  }
0xea: {  	[sflag:s12] =	ssyncset.done $0x0  }
0xeb: {  	[sflag:s12] =	ssyncadd.s32 $0xFFFFC000  }
0xec: {  	[spmem:s1] =	stream.indirect.scatter.add.f32 [tilespmem:s11], [sflag:$0x1], $0x80, s15, s13, $0xb8;
	[tilespmem:$0x18800] =	vst v63  }
0xed: {  	_ =	swait.ge [sflag:s12], $0x4000  }
0xee: {  	[sflag:s12] =	ssyncset.done $0x0  }
0xef: {  	[sflag:s12] =	ssyncadd.s32 $0xFFFFC000  }
0xf0: {  	[spmem:s1] =	stream.indirect.scatter.add.f32 [tilespmem:s11], [sflag:$0x1], $0x80, s21, s13, $0xb8;
	[tilespmem:$0x18800] =	vst v63  }
0xf1: {  	_ =	swait.ge [sflag:s12], $0x4000  }
0xf2: {  	[sflag:s12] =	ssyncset.done $0x0  }
0xf3: {  	[sflag:s12] =	ssyncadd.s32 $0xFFFFC000  }
0xf4: {  	[spmem:s1] =	stream.indirect.scatter.add.f32 [tilespmem:s11], [sflag:$0x1], $0x80, s26, s13, $0xb8;
	[tilespmem:$0x18800] =	vst v63  }
0xf5: {  	_ =	swait.ge [sflag:s12], $0x4000  }
0xf6: {  	[sflag:s12] =	ssyncset.done $0x0  }
0xf7: {  	[sflag:s12] =	ssyncadd.s32 $0xFFFFC000  }
0xf8: {  	[spmem:s1] =	stream.indirect.scatter.add.f32 [tilespmem:s11], [sflag:$0x1], $0x80, s28, s13, $0xb8;
	[tilespmem:$0x18800] =	vst v63  }
0xf9: {  	_ =	swait.ge [sflag:s12], $0x4000  }
0xfa: {  	[sflag:s12] =	ssyncset.done $0x0  }
0xfb: {  	[sflag:s12] =	ssyncadd.s32 $0xFFFFC000  }
0xfc: {  	[spmem:s1] =	stream.indirect.scatter.add.f32 [tilespmem:s11], [sflag:$0x1], $0x80, s29, s13, $0xb8;
	[tilespmem:$0x18800] =	vst v63  }
0xfd: {  	_ =	swait.ge [sflag:s12], $0x4000  }
0xfe: {  	[sflag:s12] =	ssyncset.done $0x0  }
0xff: {  	[sflag:s12] =	ssyncadd.s32 $0xFFFFC000  }
0x100: {  	[spmem:s1] =	stream.indirect.scatter.add.f32 [tilespmem:s11], [sflag:$0x1], $0x80, s30, s13, $0xb8;
	[tilespmem:$0x18800] =	vst v63  }
0x101: {  	_ =	swait.ge [sflag:s12], $0x4000  }
0x102: {  	[sflag:s12] =	ssyncset.done $0x0  }
0x103: {  	[sflag:s12] =	ssyncadd.s32 $0xFFFFC000  }
0x104: {  	[spmem:s1] =	stream.indirect.scatter.add.f32 [tilespmem:s11], [sflag:$0x1], $0x80, s31, s13, $0xb8;
	[tilespmem:$0x18800] =	vst v63  }
0x105: {  	_ =	swait.ge [sflag:s12], $0x4000  }
0x106: {  	[sflag:s12] =	ssyncset.done $0x0  }
0x107: {  	[sflag:s12] =	ssyncadd.s32 $0xFFFFC000  }
0x108: {  	[spmem:s1] =	stream.indirect.scatter.add.f32 [tilespmem:s11], [sflag:$0x1], $0x80, s0, s13, $0xb8;
	[tilespmem:$0x18800] =	vst v63  }
0x109: {  	_ =	swait.ge [sflag:s12], $0x4000  }
0x10a: {  	[sflag:s12] =	ssyncset.done $0x0  }
0x10b: {  	[sflag:s12] =	ssyncadd.s32 $0xFFFFC000  }
0x10c: {  	[spmem:s1] =	stream.indirect.scatter.add.f32 [tilespmem:s11], [sflag:$0x1], $0x80, s3, s13, $0xb8;
	[tilespmem:$0x18800] =	vst v63  }
0x10d: {  	_ =	swait.ge [sflag:s12], $0x4000  }
0x10e: {  	[sflag:s12] =	ssyncset.done $0x0  }
0x10f: {  	[sflag:s12] =	ssyncadd.s32 $0xFFFFC000  }
0x110: {  	[spmem:s1] =	stream.indirect.scatter.add.f32 [tilespmem:s11], [sflag:$0x1], $0x80, s5, s13, $0xb8;
	[tilespmem:$0x18800] =	vst v63  }
0x111: {  	_ =	swait.ge [sflag:s12], $0x4000  }
0x112: {  	[sflag:s12] =	ssyncset.done $0x0  }
0x113: {  	[sflag:s12] =	ssyncadd.s32 $0xFFFFC000  }
0x114: {  	[spmem:s1] =	stream.indirect.scatter.add.f32 [tilespmem:s11], [sflag:$0x1], $0x80, s6, s13, $0xb8;
	[tilespmem:$0x18800] =	vst v63  }
0x115: {  	_ =	swait.ge [sflag:s12], $0x4000  }
0x116: {  	[sflag:s12] =	ssyncset.done $0x0  }
0x117: {  	[sflag:s12] =	ssyncadd.s32 $0xFFFFC000  }
0x118: {  	[spmem:s1] =	stream.indirect.scatter.add.f32 [tilespmem:s11], [sflag:$0x1], $0x80, s7, s13, $0xb8;
	[tilespmem:$0x18800] =	vst v63  }
0x119: {  	_ =	swait.ge [sflag:s12], $0x4000  }
0x11a: {  	[sflag:s12] =	ssyncset.done $0x0  }
0x11b: {  	[sflag:s12] =	ssyncadd.s32 $0xFFFFC000  }
0x11c: {  	[spmem:s1] =	stream.indirect.scatter.add.f32 [tilespmem:s11], [sflag:$0x1], $0x80, s8, s13, $0xb8;
	[tilespmem:$0x18800] =	vst v63  }
0x11d: {  	_ =	swait.ge [sflag:s12], $0x4000  }
0x11e: {  	[sflag:s12] =	ssyncset.done $0x0  }
0x11f: {  	s17 =	stileid.u32;
	[sflag:s12] =	ssyncadd.s32 $0xFFFFC000  }
0x120: {  	s16 =	sshll.u32 s17, $0x6;
	[bflag:$0x0] =	sbarrier.arrive $0xFFFF  }
0x121: {  	s17 =	sshrl.u32 s4, $0x3;
	s16 =	sor.u32 $0x1C01, s16;
	s18 =	rddreg [dreg:$0x8]  }
0x122: {  	[hbm:s18], [sflag:s16] =	dma.local [spmem:s17], $0x800  }
0x123: {  	_ =	swait.ge [sflag:s12], $0x800  }
0x124: {  	[sflag:s12] =	ssyncset.done $0x0  }
0x125: {  	s18 =	rddreg [dreg:$0x9];
	[sflag:s12] =	ssyncadd.s32 $0xFFFFF800  }
0x126: {  	[hbm:s18], [sflag:s16] =	dma.local [spmem:s22], $0x800  }
0x127: {  	_ =	swait.ge [sflag:s12], $0x800  }
0x128: {  	[sflag:s12] =	ssyncset.done $0x0  }
0x129: {  	s19 =	rddreg [dreg:$0xa];
	[sflag:s12] =	ssyncadd.s32 $0xFFFFF800  }
0x12a: {  	[hbm:s19], [sflag:s16] =	dma.local [spmem:s23], $0x800  }
0x12b: {  	_ =	swait.ge [sflag:s12], $0x800  }
0x12c: {  	[sflag:s12] =	ssyncset.done $0x0  }
0x12d: {  	s18 =	rddreg [dreg:$0xb];
	[sflag:s12] =	ssyncadd.s32 $0xFFFFF800  }
0x12e: {  	[hbm:s18], [sflag:s16] =	dma.local [spmem:s24], $0x800  }
0x12f: {  	_ =	swait.ge [sflag:s12], $0x800  }
0x130: {  	[sflag:s12] =	ssyncset.done $0x0  }
0x131: {  	[sflag:s12] =	ssyncadd.s32 $0xFFFFF800  }
0x132: {  	[hbm:s20], [sflag:s16] =	dma.local [spmem:s25], $0x800  }
0x133: {  	_ =	swait.ge [sflag:s12], $0x800  }
0x134: {  	s9 =	sadd.s32 $0x1, s9;
	s19 =	rddreg [dreg:$0x3]  }
0x135: {  	p0 =	sne.s32 s9, s19  }
.Ltmp3:
0x136: {  	_ = 	snop;
	(pc) =	sbr.rel @p0 .LBB2_1-.Ltmp3, $3  }
0x137: {  	_ =	sdelay $0x1  }
0x138: {  	[sflag:s12] =	ssyncset.done $0x0  }
0x139: {  	[sflag:s12] =	ssyncadd.s32 $0xFFFFF800  }
0x13a: {  	_ =	sfence.sel $0x180000  }
0x13b: {  	[bflag:$0x0] =	sbarrier.arrive $0xFFFF  }
0x13c: {  	_ =	strace $0x90000047  }
0x13d: {  	s0 =	stileid.u32;
	[bflag:$0x2] =	sbarrier.arrive $0xFFFF  }
0x13e: {  	p0 =	sne.s32 s0, $0x0;
	s0 =	rddreg [dreg:$0x2]  }
0x13f: {  	s0 =	sadd.s32 @!p0 $0x100000, s0  }
0x140: {  	[sflag:s0] =	ssyncadd.tile.s32 @!p0 $0x1;
	_ =	shalt  }
.Lfunc_end2:
_tile_overlayer_lowered:
.L_overlay_start_2:
0x141: {  	(tag) =	ssettag $0x2  }
0x142: {  	s0 =	rddreg [dreg:$0x0];
	s2 =	stileid.u32  }
0x143: {  	s1 =	rddreg [dreg:$0x1];
	p0 =	sne.s32 s2, $0x0  }
0x144: {  	s3 =	rddreg [dreg:$0x2];
	[bflag:$0x3] =	sbarrier.arrive $0xFFFF;
	s2 =	simm.s32 @!p0 $0x1C01  }
0x145: {  	[timem:s3], [sflag:s2] =	dma.local @!p0 [hbm:s0], s1  }
0x146: {  	s0 =	simm.s32 @!p0 $0x1  }
0x147: {  	_ =	swait.ge @!p0 [sflag:s0], s1  }
0x148: {  	s1 =	ssub.s32 @!p0 $0x0, s1;
	[sflag:s0] =	ssyncset.done @!p0 $0x0  }
0x149: {  	[sflag:s0] =	ssyncadd.s32 @!p0 s1  }
0x14a: {  	[bflag:$0x3] =	sbarrier.arrive $0xFFFF  }
0x14b: {  	_ =	shalt  }

// kernel: kernel.13.cloned.1.call-start
scs
__scs_entry_jumppad:
0x0: {  	(pc) =	sbr.rel $0x88, $3  }
0x1: {  	(tag) =	ssettag $0x0;
	lr =	simm.s32 $0x1  }
0x2: {  	[smem:$0x3F97] =	sst lr;
	_ =	strace $0xD0000000  }
0x3: {  	_ = 	snop  }
0x4: {  	_ = 	snop  }
0x5: {  	_ = 	snop  }
0x6: {  	_ = 	snop  }
0x7: {  	_ = 	snop  }
__scs_overlays_trampoline_lowered:
0x8: {  	[smem:$0x3FA6] =	sst s0  }
0x9: {  	[smem:$0x3FA7] =	sst s1  }
0xa: {  	[smem:$0x3FA8] =	sst s2  }
0xb: {  	[smem:$0x3FA9] =	sst s3  }
0xc: {  	[smem:$0x3FAA] =	sst s4  }
0xd: {  	[smem:$0x3FAB] =	sst s5  }
0xe: {  	[smem:$0x3FAC] =	sst s6  }
0xf: {  	[smem:$0x3FAD] =	sst s7  }
0x10: {  	[smem:$0x3FAE] =	sst s8  }
0x11: {  	[smem:$0x3FAF] =	sst s9;
	s0 =	simm.s32 @!p0 $0x0  }
0x12: {  	s1 =	sld [smem:$0x3F95];
	s0 =	simm.s32 @p0 $0x1  }
0x13: {  	[smem:$0x3FB0] =	sst s0;
	s0 =	simm.s32 @!p1 $0x0  }
0x14: {  	s2 =	sld [smem:$0x3F94];
	s0 =	simm.s32 @p1 $0x1  }
0x15: {  	[smem:$0x3FB1] =	sst s0;
	s0 =	simm.s32 @!p2 $0x0  }
0x16: {  	s3 =	sld [smem:$0x3FDB];
	s0 =	simm.s32 @p2 $0x1  }
0x17: {  	s4 =	simm.s32 $0x1BF5;
	[smem:$0x3FB3] =	sst s0  }
0x18: {  	s0 =	sld [smem:$0x3F96];
	_ =	swait.ge [sflag:s4], $0x0  }
0x19: {  	s7 =	sld [smem:$0x3F97]  }
0x1a: {  	s8 =	sadd.s32 $0xFFFFE003, lr  }
0x1b: {  	s9 =	sadd.s32 $0xFFFFFEF7, lr;
	s5 =	simm.s32 $0xFFFFFFFF;
	p2 =	slt.u32 s8, $0xFFFFF086  }
0x1c: {  	p1 =	slt.u32 s9, $0xF7A;
	s5 =	simm.s32 @!p2 $0x0  }
0x1d: {  	s5 =	simm.s32 @p1 $0x1;
	p0 =	seq.s32 s7, s2  }
0x1e: {  	s7 =	smul.u32 @!p0 $0xF7A, s2;
	p2 =	seq.s32 @!p0 s5, $0x0  }
0x1f: {  	s9 =	smul.u32 $0xF7A, s1;
	s8 =	simm.s32 @!p0 $0x1BF5;
	p2 =	por !p2, p0  }
0x20: {  	[sflag:s8] =	ssyncset.s32 @!p0 $0xFFFFF086;
	s6 =	sadd.s32 @!p0 s3, s7;
	s7 =	simm.s32 @!p0 $0x108  }
0x21: {  	s3 =	sadd.s32 s3, s9;
	s6 =	sadd.s32 @!p0 $0x88, s6;
	s7 =	simm.s32 @p2 $0x1082  }
0x22: {  	[simem:s7], [sflag:s8] =	dma.local @!p0 [hbm:s6], $0xF7A  }
0x23: {  	s9 =	sor.u32 $0xD0000000, s2;
	s6 =	simm.s32 $0x108;
	_ =	swait.ge @!p0 [sflag:s8], $0x0  }
0x24: {  	s3 =	sadd.s32 $0x88, s3;
	s6 =	simm.s32 @!p1 $0x1082;
	[sflag:s4] =	ssyncset.s32 $0xFFFFF086  }
0x25: {  	[simem:s6], [sflag:s4] =	dma.local [hbm:s3], $0xF7A  }
0x26: {  	[smem:$0x3F97] =	sst s1;
	(tag) =	ssettag s2;
	_ =	strace s9  }
0x27: {  	s1 =	sld [smem:$0x3FA7]  }
0x28: {  	s2 =	sld [smem:$0x3FA8]  }
0x29: {  	s4 =	sld [smem:$0x3FAA]  }
0x2a: {  	p0 =	seq.s32 s5, $0x0;
	s5 =	sld [smem:$0x3FAB]  }
0x2b: {  	s6 =	sld [smem:$0x3FAC]  }
0x2c: {  	s7 =	sld [smem:$0x3FAD]  }
0x2d: {  	s3 =	simm.s32 $0x108;
	s8 =	sld [smem:$0x3FAE]  }
0x2e: {  	s3 =	simm.s32 @!p0 $0x1082;
	s9 =	sld [smem:$0x3FAF]  }
0x2f: {  	lr =	sadd.s32 s0, s3;
	s0 =	sld [smem:$0x3FA6]  }
0x30: {  	s3 =	sld [smem:$0x3FA9]  }
0x31: {  	[smem:$0x3FB2] =	sst s10  }
0x32: {  	s10 =	sld [smem:$0x3FB0];
	_ =	sdelay $0x3  }
0x33: {  	p0 =	seq.s32 s10, $0x1;
	s10 =	sld [smem:$0x3FB2];
	_ =	sdelay $0x3  }
0x34: {  	[smem:$0x3FB2] =	sst s10  }
0x35: {  	s10 =	sld [smem:$0x3FB1];
	_ =	sdelay $0x3  }
0x36: {  	p1 =	seq.s32 s10, $0x1;
	s10 =	sld [smem:$0x3FB2];
	_ =	sdelay $0x3  }
0x37: {  	[smem:$0x3FB2] =	sst s10  }
0x38: {  	s10 =	sld [smem:$0x3FB3]  }
0x39: {  	_ = 	snop;
	(pc) =	sbr.ind lr, $3  }
0x3a: {  	_ = 	snop  }
0x3b: {  	_ = 	snop  }
0x3c: {  	p2 =	seq.s32 s10, $0x1;
	s10 =	sld [smem:$0x3FB2]  }
0x3d: {  	_ =	shalt  }
0x3e: {  	_ =	shalt  }
0x3f: {  	_ =	shalt  }
0x40: {  	_ =	shalt  }
0x41: {  	_ =	shalt  }
0x42: {  	_ =	shalt  }
0x43: {  	_ =	shalt  }
0x44: {  	_ =	shalt  }
0x45: {  	_ =	shalt  }
0x46: {  	_ =	shalt  }
0x47: {  	_ =	shalt  }
0x48: {  	_ =	shalt  }
0x49: {  	_ =	shalt  }
0x4a: {  	_ =	shalt  }
0x4b: {  	_ =	shalt  }
0x4c: {  	_ =	shalt  }
0x4d: {  	_ =	shalt  }
0x4e: {  	_ =	shalt  }
0x4f: {  	_ =	shalt  }
0x50: {  	_ =	shalt  }
0x51: {  	_ =	shalt  }
0x52: {  	_ =	shalt  }
0x53: {  	_ =	shalt  }
0x54: {  	_ =	shalt  }
0x55: {  	_ =	shalt  }
0x56: {  	_ =	shalt  }
0x57: {  	_ =	shalt  }
0x58: {  	_ =	shalt  }
0x59: {  	_ =	shalt  }
0x5a: {  	_ =	shalt  }
0x5b: {  	_ =	shalt  }
0x5c: {  	_ =	shalt  }
0x5d: {  	_ =	shalt  }
0x5e: {  	_ =	shalt  }
0x5f: {  	_ =	shalt  }
0x60: {  	_ =	shalt  }
0x61: {  	_ =	shalt  }
0x62: {  	_ =	shalt  }
0x63: {  	_ =	shalt  }
0x64: {  	_ =	shalt  }
0x65: {  	_ =	shalt  }
0x66: {  	_ =	shalt  }
0x67: {  	_ =	shalt  }
0x68: {  	_ =	shalt  }
0x69: {  	_ =	shalt  }
0x6a: {  	_ =	shalt  }
0x6b: {  	_ =	shalt  }
0x6c: {  	_ =	shalt  }
0x6d: {  	_ =	shalt  }
0x6e: {  	_ =	shalt  }
0x6f: {  	_ =	shalt  }
0x70: {  	_ =	shalt  }
0x71: {  	_ =	shalt  }
0x72: {  	_ =	shalt  }
0x73: {  	_ =	shalt  }
0x74: {  	_ =	shalt  }
0x75: {  	_ =	shalt  }
0x76: {  	_ =	shalt  }
0x77: {  	_ =	shalt  }
0x78: {  	_ =	shalt  }
0x79: {  	_ =	shalt  }
0x7a: {  	_ =	shalt  }
0x7b: {  	_ =	shalt  }
0x7c: {  	_ =	shalt  }
0x7d: {  	_ =	shalt  }
0x7e: {  	_ =	shalt  }
0x7f: {  	_ =	shalt  }
0x80: {  	_ =	shalt  }
0x81: {  	_ =	shalt  }
0x82: {  	_ =	shalt  }
0x83: {  	_ =	shalt  }
0x84: {  	_ =	shalt  }
0x85: {  	_ =	shalt  }
0x86: {  	_ =	shalt  }
0x87: {  	_ =	shalt  }
.Lfunc_end0:
.L_simem_size_0:
called_computation.1_lowered:
.L_overlay_start_0:
0x88: {  	s2 =	sld [smem:$0x3FD9]  }
0x89: {  	s3 =	sld [smem:$0x3FFE];
	_ =	sdelay $0x1  }
0x8a: {  	s1 =	srdreg.scid  }
0x8b: {  	s0 =	sand.u32 $0x1, s1  }
0x8c: {  	s17 =	sshll.u32 s0, $0xA;
	s2 =	sadd.s32 s3, s2  }
0x8d: {  	s2 =	sadd.s32 s2, s17  }
0x8e: {  	[smem:$0x3FBE] =	sst s2  }
0x8f: {  	_ = 	snop  }
0x90: {  	s2 =	sld [smem:$0x3FD0];
	(tm) =	ssettm $0x1  }
0x91: {  	s18 =	sld [smem:$0x3FFB];
	_ =	sdelay $0x3  }
0x92: {  	_ =	strace s18  }
0x93: {  	s3 =	sld [smem:$0x3FFC];
	_ =	sdelay $0x3  }
0x94: {  	_ =	strace s3  }
0x95: {  	s3 =	sld [smem:$0x3FFD];
	_ =	sdelay $0x3  }
0x96: {  	_ =	strace s3  }
0x97: {  	_ =	strace $0x8FFFFFFF  }
0x98: {  	s19 =	sld [smem:$0x3FDB];
	_ =	sdelay $0x1  }
0x99: {  	s4 =	simm.s32 $_scs_section_size  }
0x9a: {  	s5 =	simm.s32 $_size__tile_overlayer_lowered;
	s6 =	simm.s32 $_tile_overlayer_lowered  }
0x9b: {  	s22 =	simm.s32 $0x1BFF;
	s21 =	sshll.u32 s6, $0x1;
	s3 =	sadd.s32 s4, s19  }
0x9c: {  	s7 =	simm.s32 $0x0;
	s20 =	sshll.u32 s5, $0x1;
	s5 =	sadd.s32 s21, s3  }
0x9d: {  	[timem:s7], [sflag:s22] =	dma.local [hbm:s5], s20  }
0x9e: {  	_ =	swait.ge [sflag:s22], s20  }
0x9f: {  	s4 =	ssub.s32 $0x0, s20;
	[sflag:s22] =	ssyncset.done $0x0  }
0xa0: {  	[sflag:s22] =	ssyncadd.s32 s4;
	_ =	sdelay $0x1  }
0xa1: {  	s23 =	simm.s32 $0x1B8B  }
0xa2: {  	_ =	swait.ge [sflag:s23], $0x1  }
0xa3: {  	[sflag:s23] =	ssyncset.done $0x0  }
0xa4: {  	s25 =	simm.s32 $0x1B8E;
	s24 =	sld [smem:$0x3FFE];
	[sflag:s23] =	ssyncadd.s32 $0xFFFFFFFF  }
0xa5: {  	s26 =	simm.s32 $execute0_lowered;
	[smem:$0x3FD2] =	sst s25  }
0xa6: {  	s5 =	sshll.u32 s26, $0x1;
	_ =	strace $0x80000049;
	[dreg:$0x1] =	wrdreg $0xFFFFFFFF  }
0xa7: {  	s28 =	simm.s32 $_size_execute0_lowered;
	s3 =	sadd.s32 s3, s5;
	[dreg:$0x0] =	wrdreg $0x0  }
0xa8: {  	s5 =	sshll.u32 s28, $0x1;
	[dreg:$0x2] =	wrdreg s3  }
0xa9: {  	[dreg:$0x3] =	wrdreg s5  }
0xaa: {  	[dreg:$0x4] =	wrdreg $0xC0  }
0xab: {  	_ =	task [dreg:s7], $0x5FFFF  }
0xac: {  	[dreg:$0x1] =	wrdreg $0xFFFFFFFF  }
0xad: {  	[dreg:$0x0] =	wrdreg $0x60  }
0xae: {  	[dreg:$0x2] =	wrdreg s2  }
0xaf: {  	[dreg:$0x3] =	wrdreg s24  }
0xb0: {  	[dreg:$0x4] =	wrdreg $0x90000  }
0xb1: {  	[dreg:$0x5] =	wrdreg $0x9  }
0xb2: {  	_ =	task.clear_ibuf [dreg:s7], $0x6FFFF;
	_ =	strace $0x90000049  }
0xb3: {  	s29 =	simm.s32 $0x9;
	_ =	strace $0x8000004B  }
0xb4: {  	_ =	swait.ge [sflag:s29], $0x1  }
0xb5: {  	[sflag:s29] =	ssyncadd.s32 $0xFFFFFFFF  }
0xb6: {  	_ =	strace $0x9000004B  }
0xb7: {  	_ =	sfence  }
0xb8: {  	s30 =	sld [smem:$0x0];
	_ =	sdelay $0x2  }
0xb9: {  	s31 =	sshll.u32 s1, $0xD;
	s1 =	sshrl.u32 s1, $0x2  }
0xba: {  	s3 =	sand.u32 $0x4000, s31;
	s1 =	sadd.s32 s1, s30  }
0xbb: {  	s0 =	sor.u32 s3, s0;
	s1 =	sshll.u32 s1, $0x11  }
0xbc: {  	s0 =	sor.u32 s1, s0  }
0xbd: {  	s0 =	sadd.s32 $0x8F2B, s0  }
0xbe: {  	[sflag:s0] =	ssyncadd.remote.s32 $0x1  }
0xbf: {  	_ =	sfence.sel $0xFFFF  }
0xc0: {  	[dreg:$0x0] =	wrdreg $0xFFFFFFFF;
	(pc) =	sbr.abs _section_cstart, $3  }
0xc1: {  	[dreg:$0x1] =	wrdreg $0xFFFFFFFF  }
0xc2: {  	_ =	task.clear_ibuf [dreg:s7], $0x2FFFF;
	_ =	strace $0x9FFFFFFF  }
0xc3: {  	(tm) =	ssettm $0x7FFFFFFF  }
tec
execute0_lowered:
.L_overlay_start_1:
0x0: {  	(tag) =	ssettag $0x1  }
0x1: {  	s1 =	rddreg [dreg:$0x0]  }
0x2: {  	s0 =	rddreg [dreg:$0x1]  }
0x3: {  	s3 =	srdreg.scid;
	s2 =	rddreg [dreg:$0x2];
	s4 =	simm.s32 $0x0  }
0x4: {  	s8 =	stileid.u32;
	s18 =	simm.s32 $0x100;
	s19 =	simm.s32 $0x880  }
0x5: {  	s21 =	simm.s32 $0x180;
	s22 =	simm.s32 $0x900;
	s23 =	simm.s32 $0x200  }
0x6: {  	s24 =	simm.s32 $0x980;
	s28 =	simm.s32 $0x400;
	[smem:$0x7FF] =	sst s4  }
0x7: {  	s29 =	simm.s32 $0xB80;
	_ =	strace $0x8000004A;
	[dreg:$0x6] =	wrdreg s18  }
0x8: {  	s30 =	simm.s32 $0x480;
	s7 =	smul.u32 $0x50000, s8;
	[dreg:$0x7] =	wrdreg s19  }
0x9: {  	s3 =	sand.u32 $0x1, s3;
	s26 =	smul.u32 $0x280, s8;
	[dreg:$0x8] =	wrdreg s21  }
0xa: {  	s31 =	simm.s32 $0xC00;
	s5 =	smul.u32 $0x5000, s3;
	[dreg:$0x9] =	wrdreg s22  }
0xb: {  	s6 =	smul.u32 $0x28000, s3;
	s3 =	ssub.s32 $0x2, s3;
	[dreg:$0xa] =	wrdreg s23  }
0xc: {  	[dreg:$0xb] =	wrdreg s24;
	s19 =	simm.s32 $0xB00;
	s25 =	sshrl.u32 s3, $0x1  }
0xd: {  	s7 =	sshrl.u32 s7, $0x2;
	s13 =	sadd.s32 $0x80, s26;
	s16 =	sadd.s32 $0x100, s26  }
0xe: {  	s20 =	sadd.s32 $0x180, s26;
	[dreg:$0x11] =	wrdreg s19;
	s19 =	simm.s32 $0x780  }
0xf: {  	s5 =	sadd.s32 s5, s0;
	s10 =	sadd.s32 s7, s2;
	s7 =	smul.u32 $0x2800, s8  }
0x10: {  	s0 =	sadd.s32 s6, s0;
	s3 =	ssub.s32 s3, s25;
	s8 =	smul.u32 $0x500, s8  }
0x11: {  	s15 =	sshll.u32 s13, $0x7;
	s25 =	simm.s32 $0x280;
	[dreg:$0x12] =	wrdreg s10  }
0x12: {  	s11 =	sshll.u32 s16, $0x7;
	s3 =	smax.u32 s3, $0x1;
	[dreg:$0xc] =	wrdreg s25  }
0x13: {  	s6 =	sadd.s32 $0x200, s26;
	s12 =	sadd.s32 $0x4000, s10;
	[dreg:$0x13] =	wrdreg s3  }
0x14: {  	s0 =	sadd.s32 $0x67200, s0;
	s9 =	sadd.s32 $0x8000, s10;
	[dreg:$0x14] =	wrdreg s12  }
0x15: {  	s14 =	sadd.s32 $0xC000, s10;
	s10 =	sadd.s32 $0x10000, s10;
	[dreg:$0x15] =	wrdreg s9  }
0x16: {  	s26 =	sshll.u32 s6, $0x7;
	s6 =	sshll.u32 s6, $0x4;
	[dreg:$0x16] =	wrdreg s14  }
0x17: {  	[dreg:$0x17] =	wrdreg s10;
	s9 =	sadd.s32 s15, s2;
	s5 =	sadd.s32 s8, s5  }
0x18: {  	s3 =	sshll.u32 s13, $0x4;
	s10 =	sadd.s32 s11, s2;
	s8 =	sshll.u32 s16, $0x4  }
0x19: {  	s12 =	sshll.u32 s20, $0x7;
	s18 =	sadd.s32 s26, s2;
	s13 =	simm.s32 $0x300  }
0x1a: {  	s14 =	simm.s32 $0xA80;
	s11 =	simm.s32 $0x1000;
	s15 =	simm.s32 $0x380  }
0x1b: {  	s17 =	sadd.s32 $0x3200, s5;
	s5 =	sadd.s32 $0xD200, s5;
	[dreg:$0xe] =	wrdreg s13  }
0x1c: {  	s16 =	sadd.s32 s12, s2;
	s12 =	simm.s32 $0xA00;
	[dreg:$0xf] =	wrdreg s14  }
0x1d: {  	[dreg:$0x10] =	wrdreg s15;
	s13 =	simm.s32 $0x800;
	s14 =	simm.s32 $0x80  }
0x1e: {  	s15 =	simm.s32 $0x5000;
	s3 =	sadd.s32 s3, s0;
	[dreg:$0x4] =	wrdreg s17  }
0x1f: {  	s21 =	sadd.s32 s8, s0;
	s23 =	sshrl.u32 s9, $0x3;
	[dreg:$0x5] =	wrdreg s5  }
0x20: {  	s24 =	sshrl.u32 s10, $0x3;
	s26 =	sshrl.u32 s18, $0x3;
	[dreg:$0xd] =	wrdreg s12  }
0x21: {  	s8 =	simm.s32 $0x600;
	s9 =	simm.s32 $0xD80;
	[dreg:$0x19] =	wrdreg s3  }
0x22: {  	s10 =	simm.s32 $0x680;
	s18 =	simm.s32 $0xE80;
	[dreg:$0x1a] =	wrdreg s21  }
0x23: {  	s17 =	sshll.u32 s20, $0x4;
	s12 =	simm.s32 $0x3;
	[dreg:$0x1d] =	wrdreg s23  }
0x24: {  	s20 =	sadd.s32 s7, s0;
	s21 =	simm.s32 $0x1;
	[dreg:$0x1e] =	wrdreg s24  }
0x25: {  	s25 =	sshrl.u32 s16, $0x3;
	[smem:$0x7FD] =	sst s26;
	s26 =	simm.s32 $0x2  }
0x26: {  	s3 =	simm.s32 $0xC80;
	s7 =	simm.s32 $0xD00;
	s16 =	simm.s32 $0xE00  }
0x27: {  	s23 =	simm.s32 $0x0;
	[dreg:$0x18] =	wrdreg s20;
	s22 =	sadd.s32 s17, s0  }
0x28: {  	s0 =	sadd.s32 s6, s0;
	[dreg:$0x1f] =	wrdreg s25;
	s6 =	simm.s32 $0x580  }
0x29: {  	s17 =	simm.s32 $0x700;
	s20 =	simm.s32 $0xF00;
	[dreg:$0x1b] =	wrdreg s22  }
0x2a: {  	v0 =	vimm.f32 $0.0e+00;
	[dreg:$0x1c] =	wrdreg s0;
	s0 =	simm.s32 $0x500;
	s22 =	simm.s32 $0xF80  }
.LBB2_1:
0x2b: {  	s24 =	simm.s32 $0x0;
	s25 =	simm.s32 $0x200  }
.LBB2_2:
0x2c: {  	p0 =	sne.s32 s25, $0xFE00;
	[tilespmem:s24+$0x1070] =	vst v0  }
0x2d: {  	[tilespmem:s24+$0x1000] =	vst v0  }
0x2e: {  	[tilespmem:s24+$0x1010] =	vst v0  }
.Ltmp0:
0x2f: {  	[tilespmem:s24+$0x1020] =	vst v0;
	(pc) =	sbr.rel @p0 .LBB2_2-.Ltmp0, $4  }
0x30: {  	[tilespmem:s24+$0x1030] =	vst v0  }
0x31: {  	[tilespmem:s24+$0x1040] =	vst v0  }
0x32: {  	[tilespmem:s24+$0x1050] =	vst v0  }
0x33: {  	[tilespmem:s24+$0x1060] =	vst v0;
	s24 =	sshra.s32 s25, $0x2;
	s25 =	sadd.s32 $0x200, s25  }
0x34: {  	[tilespmem:s24+$0x1070] =	vst v0  }
0x35: {  	[tilespmem:s24+$0x1000] =	vst v0  }
0x36: {  	[tilespmem:s24+$0x1010] =	vst v0  }
0x37: {  	[tilespmem:s24+$0x1020] =	vst v0  }
0x38: {  	[tilespmem:s24+$0x1030] =	vst v0  }
0x39: {  	[tilespmem:s24+$0x1040] =	vst v0  }
0x3a: {  	[smem:$0x7FC] =	sst s23;
	[tilespmem:s24+$0x1050] =	vst v0  }
0x3b: {  	[tilespmem:s24+$0x1060] =	vst v0;
	s5 =	rddreg [dreg:$0x12]  }
0x3c: {  	[spmem:s5] =	stream.linear.scatter [tilespmem:s11], [sflag:$0x3], $0x4000, $0x38;
	[tilespmem:$0x1D000] =	vst v63  }
0x3d: {  	_ =	swait.ge [sflag:s12], $0x4000  }
0x3e: {  	[sflag:s12] =	ssyncset.done $0x0  }
0x3f: {  	s23 =	rddreg [dreg:$0x14];
	[sflag:s12] =	ssyncadd.s32 $0xFFFFC000  }
0x40: {  	[spmem:s23] =	stream.linear.scatter [tilespmem:s11], [sflag:$0x3], $0x4000, $0x38;
	[tilespmem:$0x1D000] =	vst v63  }
0x41: {  	_ =	swait.ge [sflag:s12], $0x4000  }
0x42: {  	[sflag:s12] =	ssyncset.done $0x0  }
0x43: {  	s24 =	rddreg [dreg:$0x15];
	[sflag:s12] =	ssyncadd.s32 $0xFFFFC000  }
0x44: {  	[spmem:s24] =	stream.linear.scatter [tilespmem:s11], [sflag:$0x3], $0x4000, $0x38;
	[tilespmem:$0x1D000] =	vst v63  }
0x45: {  	_ =	swait.ge [sflag:s12], $0x4000  }
0x46: {  	[sflag:s12] =	ssyncset.done $0x0  }
0x47: {  	s25 =	rddreg [dreg:$0x16];
	[sflag:s12] =	ssyncadd.s32 $0xFFFFC000  }
0x48: {  	[spmem:s25] =	stream.linear.scatter [tilespmem:s11], [sflag:$0x3], $0x4000, $0x38;
	[tilespmem:$0x1D000] =	vst v63  }
0x49: {  	_ =	swait.ge [sflag:s12], $0x4000  }
0x4a: {  	[sflag:s12] =	ssyncset.done $0x0  }
0x4b: {  	s23 =	rddreg [dreg:$0x17];
	[sflag:s12] =	ssyncadd.s32 $0xFFFFC000  }
0x4c: {  	[spmem:s23] =	stream.linear.scatter [tilespmem:s11], [sflag:$0x3], $0x4000, $0x38;
	[tilespmem:$0x1D000] =	vst v63  }
0x4d: {  	_ =	swait.ge [sflag:s12], $0x4000  }
0x4e: {  	[sflag:s12] =	ssyncset.done $0x0  }
0x4f: {  	[sflag:s12] =	ssyncadd.s32 $0xFFFFC000  }
0x50: {  	[bflag:$0x0] =	sbarrier.arrive $0xFFFF  }
0x51: {  	s24 =	rddreg [dreg:$0x5]  }
0x52: {  	s5 =	sadd.s32 $0x0, s24  }
0x53: {  	[tilespmem:s4], [sflag:$0x3] =	stream.linear.gather [hbm4b:s5+s4], $0x800, $0x38;
	[tilespmem:$0x1D000] =	vst v63  }
0x54: {  	_ =	swait.ge [sflag:s12], $0x800  }
0x55: {  	s25 =	rddreg [dreg:$0x4];
	[sflag:s12] =	ssyncset.done $0x0  }
0x56: {  	[sflag:s12] =	ssyncadd.s32 $0xFFFFF800;
	s5 =	sadd.s32 $0x0, s25  }
0x57: {  	[tilespmem:s13], [sflag:$0x3] =	stream.linear.gather [hbm4b:s5+s4], $0x800, $0x38;
	[tilespmem:$0x1D000] =	vst v63  }
0x58: {  	_ =	swait.ge [sflag:s12], $0x800  }
0x59: {  	[sflag:s12] =	ssyncset.done $0x0  }
0x5a: {  	[sflag:s12] =	ssyncadd.s32 $0xFFFFF800  }
0x5b: {  	[tilespmem:s11], [sflag:$0x1] =	stream.indirect.gather [hbm4b:s1+s14], $0x80, s4, s14, $0xb8;
	[tilespmem:$0x1D000] =	vst v63  }
0x5c: {  	_ = 	snop  }
0x5d: {  	[tilespmem:s15], [sflag:$0x2] =	stream.indirect.gather [hbm4b:s1+s14], $0x80, s14, s14, $0xb8;
	[tilespmem:$0x1D000] =	vst v63  }
0x5e: {  	_ =	swait.ge [sflag:s21], $0x4000  }
0x5f: {  	[sflag:s21] =	ssyncset.done $0x0  }
0x60: {  	[sflag:s21] =	ssyncadd.s32 $0xFFFFC000  }
0x61: {  	[spmem:s2] =	stream.indirect.scatter.add.f32 [tilespmem:s11], [sflag:$0x3], $0x80, s13, s14, $0xb8;
	[tilespmem:$0x1D000] =	vst v63  }
0x62: {  	_ =	swait.ge [sflag:s12], $0x4000  }
0x63: {  	[sflag:s12] =	ssyncset.done $0x0  }
0x64: {  	s23 =	rddreg [dreg:$0x6];
	[sflag:s12] =	ssyncadd.s32 $0xFFFFC000  }
0x65: {  	[tilespmem:s11], [sflag:$0x1] =	stream.indirect.gather [hbm4b:s1+s14], $0x80, s23, s14, $0xb8;
	[tilespmem:$0x1D000] =	vst v63  }
0x66: {  	_ =	swait.ge [sflag:s26], $0x4000  }
0x67: {  	[sflag:s26] =	ssyncset.done $0x0  }
0x68: {  	s24 =	rddreg [dreg:$0x7];
	[sflag:s26] =	ssyncadd.s32 $0xFFFFC000  }
0x69: {  	[spmem:s2] =	stream.indirect.scatter.add.f32 [tilespmem:s15], [sflag:$0x3], $0x80, s24, s14, $0xb8;
	[tilespmem:$0x1D000] =	vst v63  }
0x6a: {  	_ =	swait.ge [sflag:s12], $0x4000  }
0x6b: {  	[sflag:s12] =	ssyncset.done $0x0  }
0x6c: {  	s25 =	rddreg [dreg:$0x8];
	[sflag:s12] =	ssyncadd.s32 $0xFFFFC000  }
0x6d: {  	[tilespmem:s15], [sflag:$0x2] =	stream.indirect.gather [hbm4b:s1+s14], $0x80, s25, s14, $0xb8;
	[tilespmem:$0x1D000] =	vst v63  }
0x6e: {  	_ =	swait.ge [sflag:s21], $0x4000  }
0x6f: {  	[sflag:s21] =	ssyncset.done $0x0  }
0x70: {  	s23 =	rddreg [dreg:$0x9];
	[sflag:s21] =	ssyncadd.s32 $0xFFFFC000  }
0x71: {  	[spmem:s2] =	stream.indirect.scatter.add.f32 [tilespmem:s11], [sflag:$0x3], $0x80, s23, s14, $0xb8;
	[tilespmem:$0x1D000] =	vst v63  }
0x72: {  	_ =	swait.ge [sflag:s12], $0x4000  }
0x73: {  	[sflag:s12] =	ssyncset.done $0x0  }
0x74: {  	s24 =	rddreg [dreg:$0xa];
	[sflag:s12] =	ssyncadd.s32 $0xFFFFC000  }
0x75: {  	[tilespmem:s11], [sflag:$0x1] =	stream.indirect.gather [hbm4b:s1+s14], $0x80, s24, s14, $0xb8;
	[tilespmem:$0x1D000] =	vst v63  }
0x76: {  	_ =	swait.ge [sflag:s26], $0x4000  }
0x77: {  	[sflag:s26] =	ssyncset.done $0x0  }
0x78: {  	s25 =	rddreg [dreg:$0xb];
	[sflag:s26] =	ssyncadd.s32 $0xFFFFC000  }
0x79: {  	[spmem:s2] =	stream.indirect.scatter.add.f32 [tilespmem:s15], [sflag:$0x3], $0x80, s25, s14, $0xb8;
	[tilespmem:$0x1D000] =	vst v63  }
0x7a: {  	_ =	swait.ge [sflag:s12], $0x4000  }
0x7b: {  	[sflag:s12] =	ssyncset.done $0x0  }
0x7c: {  	s23 =	rddreg [dreg:$0xc];
	[sflag:s12] =	ssyncadd.s32 $0xFFFFC000  }
0x7d: {  	[tilespmem:s15], [sflag:$0x2] =	stream.indirect.gather [hbm4b:s1+s14], $0x80, s23, s14, $0xb8;
	[tilespmem:$0x1D000] =	vst v63  }
0x7e: {  	_ =	swait.ge [sflag:s21], $0x4000  }
0x7f: {  	[sflag:s21] =	ssyncset.done $0x0  }
0x80: {  	s24 =	rddreg [dreg:$0xd];
	[sflag:s21] =	ssyncadd.s32 $0xFFFFC000  }
0x81: {  	[spmem:s2] =	stream.indirect.scatter.add.f32 [tilespmem:s11], [sflag:$0x3], $0x80, s24, s14, $0xb8;
	[tilespmem:$0x1D000] =	vst v63  }
0x82: {  	_ =	swait.ge [sflag:s12], $0x4000  }
0x83: {  	[sflag:s12] =	ssyncset.done $0x0  }
0x84: {  	s25 =	rddreg [dreg:$0xe];
	[sflag:s12] =	ssyncadd.s32 $0xFFFFC000  }
0x85: {  	[tilespmem:s11], [sflag:$0x1] =	stream.indirect.gather [hbm4b:s1+s14], $0x80, s25, s14, $0xb8;
	[tilespmem:$0x1D000] =	vst v63  }
0x86: {  	_ =	swait.ge [sflag:s26], $0x4000  }
0x87: {  	[sflag:s26] =	ssyncset.done $0x0  }
0x88: {  	s23 =	rddreg [dreg:$0xf];
	[sflag:s26] =	ssyncadd.s32 $0xFFFFC000  }
0x89: {  	[spmem:s2] =	stream.indirect.scatter.add.f32 [tilespmem:s15], [sflag:$0x3], $0x80, s23, s14, $0xb8;
	[tilespmem:$0x1D000] =	vst v63  }
0x8a: {  	_ =	swait.ge [sflag:s12], $0x4000  }
0x8b: {  	[sflag:s12] =	ssyncset.done $0x0  }
0x8c: {  	s24 =	rddreg [dreg:$0x10];
	[sflag:s12] =	ssyncadd.s32 $0xFFFFC000  }
0x8d: {  	[tilespmem:s15], [sflag:$0x2] =	stream.indirect.gather [hbm4b:s1+s14], $0x80, s24, s14, $0xb8;
	[tilespmem:$0x1D000] =	vst v63  }
0x8e: {  	_ =	swait.ge [sflag:s21], $0x4000  }
0x8f: {  	[sflag:s21] =	ssyncset.done $0x0  }
0x90: {  	s25 =	rddreg [dreg:$0x11];
	[sflag:s21] =	ssyncadd.s32 $0xFFFFC000  }
0x91: {  	[spmem:s2] =	stream.indirect.scatter.add.f32 [tilespmem:s11], [sflag:$0x3], $0x80, s25, s14, $0xb8;
	[tilespmem:$0x1D000] =	vst v63  }
0x92: {  	_ =	swait.ge [sflag:s12], $0x4000  }
0x93: {  	[sflag:s12] =	ssyncset.done $0x0  }
0x94: {  	[sflag:s12] =	ssyncadd.s32 $0xFFFFC000  }
0x95: {  	[tilespmem:s11], [sflag:$0x1] =	stream.indirect.gather [hbm4b:s1+s14], $0x80, s28, s14, $0xb8;
	[tilespmem:$0x1D000] =	vst v63  }
0x96: {  	_ =	swait.ge [sflag:s26], $0x4000  }
0x97: {  	[sflag:s26] =	ssyncset.done $0x0  }
0x98: {  	[sflag:s26] =	ssyncadd.s32 $0xFFFFC000  }
0x99: {  	[spmem:s2] =	stream.indirect.scatter.add.f32 [tilespmem:s15], [sflag:$0x3], $0x80, s29, s14, $0xb8;
	[tilespmem:$0x1D000] =	vst v63  }
0x9a: {  	_ =	swait.ge [sflag:s12], $0x4000  }
0x9b: {  	[sflag:s12] =	ssyncset.done $0x0  }
0x9c: {  	[sflag:s12] =	ssyncadd.s32 $0xFFFFC000  }
0x9d: {  	[tilespmem:s15], [sflag:$0x2] =	stream.indirect.gather [hbm4b:s1+s14], $0x80, s30, s14, $0xb8;
	[tilespmem:$0x1D000] =	vst v63  }
0x9e: {  	_ =	swait.ge [sflag:s21], $0x4000  }
0x9f: {  	[sflag:s21] =	ssyncset.done $0x0  }
0xa0: {  	[sflag:s21] =	ssyncadd.s32 $0xFFFFC000  }
0xa1: {  	[spmem:s2] =	stream.indirect.scatter.add.f32 [tilespmem:s11], [sflag:$0x3], $0x80, s31, s14, $0xb8;
	[tilespmem:$0x1D000] =	vst v63  }
0xa2: {  	_ =	swait.ge [sflag:s12], $0x4000  }
0xa3: {  	[sflag:s12] =	ssyncset.done $0x0  }
0xa4: {  	[sflag:s12] =	ssyncadd.s32 $0xFFFFC000  }
0xa5: {  	[tilespmem:s11], [sflag:$0x1] =	stream.indirect.gather [hbm4b:s1+s14], $0x80, s0, s14, $0xb8;
	[tilespmem:$0x1D000] =	vst v63  }
0xa6: {  	_ =	swait.ge [sflag:s26], $0x4000  }
0xa7: {  	[sflag:s26] =	ssyncset.done $0x0  }
0xa8: {  	[sflag:s26] =	ssyncadd.s32 $0xFFFFC000  }
0xa9: {  	[spmem:s2] =	stream.indirect.scatter.add.f32 [tilespmem:s15], [sflag:$0x3], $0x80, s3, s14, $0xb8;
	[tilespmem:$0x1D000] =	vst v63  }
0xaa: {  	_ =	swait.ge [sflag:s12], $0x4000  }
0xab: {  	[sflag:s12] =	ssyncset.done $0x0  }
0xac: {  	[sflag:s12] =	ssyncadd.s32 $0xFFFFC000  }
0xad: {  	[tilespmem:s15], [sflag:$0x2] =	stream.indirect.gather [hbm4b:s1+s14], $0x80, s6, s14, $0xb8;
	[tilespmem:$0x1D000] =	vst v63  }
0xae: {  	_ =	swait.ge [sflag:s21], $0x4000  }
0xaf: {  	[sflag:s21] =	ssyncset.done $0x0  }
0xb0: {  	[sflag:s21] =	ssyncadd.s32 $0xFFFFC000  }
0xb1: {  	[spmem:s2] =	stream.indirect.scatter.add.f32 [tilespmem:s11], [sflag:$0x3], $0x80, s7, s14, $0xb8;
	[tilespmem:$0x1D000] =	vst v63  }
0xb2: {  	_ =	swait.ge [sflag:s12], $0x4000  }
0xb3: {  	[sflag:s12] =	ssyncset.done $0x0  }
0xb4: {  	[sflag:s12] =	ssyncadd.s32 $0xFFFFC000  }
0xb5: {  	[tilespmem:s11], [sflag:$0x1] =	stream.indirect.gather [hbm4b:s1+s14], $0x80, s8, s14, $0xb8;
	[tilespmem:$0x1D000] =	vst v63  }
0xb6: {  	_ =	swait.ge [sflag:s26], $0x4000  }
0xb7: {  	[sflag:s26] =	ssyncset.done $0x0  }
0xb8: {  	[sflag:s26] =	ssyncadd.s32 $0xFFFFC000  }
0xb9: {  	[spmem:s2] =	stream.indirect.scatter.add.f32 [tilespmem:s15], [sflag:$0x3], $0x80, s9, s14, $0xb8;
	[tilespmem:$0x1D000] =	vst v63  }
0xba: {  	_ =	swait.ge [sflag:s12], $0x4000  }
0xbb: {  	[sflag:s12] =	ssyncset.done $0x0  }
0xbc: {  	[sflag:s12] =	ssyncadd.s32 $0xFFFFC000  }
0xbd: {  	[tilespmem:s15], [sflag:$0x2] =	stream.indirect.gather [hbm4b:s1+s14], $0x80, s10, s14, $0xb8;
	[tilespmem:$0x1D000] =	vst v63  }
0xbe: {  	_ =	swait.ge [sflag:s21], $0x4000  }
0xbf: {  	[sflag:s21] =	ssyncset.done $0x0  }
0xc0: {  	[sflag:s21] =	ssyncadd.s32 $0xFFFFC000  }
0xc1: {  	[spmem:s2] =	stream.indirect.scatter.add.f32 [tilespmem:s11], [sflag:$0x3], $0x80, s16, s14, $0xb8;
	[tilespmem:$0x1D000] =	vst v63  }
0xc2: {  	_ =	swait.ge [sflag:s12], $0x4000  }
0xc3: {  	[sflag:s12] =	ssyncset.done $0x0  }
0xc4: {  	[sflag:s12] =	ssyncadd.s32 $0xFFFFC000  }
0xc5: {  	[tilespmem:s11], [sflag:$0x1] =	stream.indirect.gather [hbm4b:s1+s14], $0x80, s17, s14, $0xb8;
	[tilespmem:$0x1D000] =	vst v63  }
0xc6: {  	_ =	swait.ge [sflag:s26], $0x4000  }
0xc7: {  	[sflag:s26] =	ssyncset.done $0x0  }
0xc8: {  	[sflag:s26] =	ssyncadd.s32 $0xFFFFC000  }
0xc9: {  	[spmem:s2] =	stream.indirect.scatter.add.f32 [tilespmem:s15], [sflag:$0x3], $0x80, s18, s14, $0xb8;
	[tilespmem:$0x1D000] =	vst v63  }
0xca: {  	_ =	swait.ge [sflag:s12], $0x4000  }
0xcb: {  	[sflag:s12] =	ssyncset.done $0x0  }
0xcc: {  	[sflag:s12] =	ssyncadd.s32 $0xFFFFC000  }
0xcd: {  	[tilespmem:s15], [sflag:$0x2] =	stream.indirect.gather [hbm4b:s1+s14], $0x80, s19, s14, $0xb8;
	[tilespmem:$0x1D000] =	vst v63  }
0xce: {  	_ =	swait.ge [sflag:s21], $0x4000  }
0xcf: {  	[sflag:s21] =	ssyncset.done $0x0  }
0xd0: {  	[sflag:s21] =	ssyncadd.s32 $0xFFFFC000  }
0xd1: {  	[spmem:s2] =	stream.indirect.scatter.add.f32 [tilespmem:s11], [sflag:$0x3], $0x80, s20, s14, $0xb8;
	[tilespmem:$0x1D000] =	vst v63  }
0xd2: {  	_ =	swait.ge [sflag:s12], $0x4000  }
0xd3: {  	[sflag:s12] =	ssyncset.done $0x0  }
0xd4: {  	[sflag:s12] =	ssyncadd.s32 $0xFFFFC000  }
0xd5: {  	_ =	swait.ge [sflag:s26], $0x4000  }
0xd6: {  	[sflag:s26] =	ssyncset.done $0x0  }
0xd7: {  	[sflag:s26] =	ssyncadd.s32 $0xFFFFC000  }
0xd8: {  	[spmem:s2] =	stream.indirect.scatter.add.f32 [tilespmem:s15], [sflag:$0x3], $0x80, s22, s14, $0xb8;
	[tilespmem:$0x1D000] =	vst v63  }
0xd9: {  	s24 =	simm.s32 $0x100;
	_ =	swait.ge [sflag:s12], $0x4000  }
0xda: {  	s25 =	simm.s32 $0x200;
	s5 =	rddreg [dreg:$0x5];
	[sflag:s12] =	ssyncset.done $0x0  }
.LBB2_4:
0xdb: {  	[sflag:s12] =	ssyncadd.s32 $0xFFFFC000;
	s5 =	sadd.s32 s24, s5  }
0xdc: {  	[tilespmem:s4], [sflag:$0x3] =	stream.linear.gather [hbm4b:s5+s4], $0x800, $0x38;
	[tilespmem:$0x1D000] =	vst v63  }
0xdd: {  	_ =	swait.ge [sflag:s12], $0x800  }
0xde: {  	s5 =	rddreg [dreg:$0x4];
	[sflag:s12] =	ssyncset.done $0x0  }
0xdf: {  	[sflag:s12] =	ssyncadd.s32 $0xFFFFF800;
	s5 =	sadd.s32 s24, s5  }
0xe0: {  	[tilespmem:s13], [sflag:$0x3] =	stream.linear.gather [hbm4b:s5+s4], $0x800, $0x38;
	[tilespmem:$0x1D000] =	vst v63  }
0xe1: {  	_ =	swait.ge [sflag:s12], $0x800  }
0xe2: {  	[sflag:s12] =	ssyncset.done $0x0  }
0xe3: {  	[sflag:s12] =	ssyncadd.s32 $0xFFFFF800  }
0xe4: {  	[tilespmem:s11], [sflag:$0x1] =	stream.indirect.gather [hbm4b:s1+s14], $0x80, s4, s14, $0xb8;
	[tilespmem:$0x1D000] =	vst v63  }
0xe5: {  	_ = 	snop  }
0xe6: {  	[tilespmem:s15], [sflag:$0x2] =	stream.indirect.gather [hbm4b:s1+s14], $0x80, s14, s14, $0xb8;
	[tilespmem:$0x1D000] =	vst v63  }
0xe7: {  	_ =	swait.ge [sflag:s21], $0x4000  }
0xe8: {  	[sflag:s21] =	ssyncset.done $0x0  }
0xe9: {  	[sflag:s21] =	ssyncadd.s32 $0xFFFFC000  }
0xea: {  	[spmem:s2] =	stream.indirect.scatter.add.f32 [tilespmem:s11], [sflag:$0x3], $0x80, s13, s14, $0xb8;
	[tilespmem:$0x1D000] =	vst v63  }
0xeb: {  	_ =	swait.ge [sflag:s12], $0x4000  }
0xec: {  	s23 =	smov.u32 s25;
	[sflag:s12] =	ssyncset.done $0x0  }
0xed: {  	s24 =	smov.u32 s23;
	s23 =	rddreg [dreg:$0x6];
	[sflag:s12] =	ssyncadd.s32 $0xFFFFC000  }
0xee: {  	[tilespmem:s11], [sflag:$0x1] =	stream.indirect.gather [hbm4b:s1+s14], $0x80, s23, s14, $0xb8;
	[tilespmem:$0x1D000] =	vst v63  }
0xef: {  	_ =	swait.ge [sflag:s26], $0x4000  }
0xf0: {  	[sflag:s26] =	ssyncset.done $0x0  }
0xf1: {  	s23 =	rddreg [dreg:$0x7];
	[sflag:s26] =	ssyncadd.s32 $0xFFFFC000  }
0xf2: {  	[spmem:s2] =	stream.indirect.scatter.add.f32 [tilespmem:s15], [sflag:$0x3], $0x80, s23, s14, $0xb8;
	[tilespmem:$0x1D000] =	vst v63  }
0xf3: {  	_ =	swait.ge [sflag:s12], $0x4000  }
0xf4: {  	[sflag:s12] =	ssyncset.done $0x0  }
0xf5: {  	s23 =	rddreg [dreg:$0x8];
	[sflag:s12] =	ssyncadd.s32 $0xFFFFC000  }
0xf6: {  	[tilespmem:s15], [sflag:$0x2] =	stream.indirect.gather [hbm4b:s1+s14], $0x80, s23, s14, $0xb8;
	[tilespmem:$0x1D000] =	vst v63  }
0xf7: {  	_ =	swait.ge [sflag:s21], $0x4000  }
0xf8: {  	[sflag:s21] =	ssyncset.done $0x0  }
0xf9: {  	s23 =	rddreg [dreg:$0x9];
	[sflag:s21] =	ssyncadd.s32 $0xFFFFC000  }
0xfa: {  	[spmem:s2] =	stream.indirect.scatter.add.f32 [tilespmem:s11], [sflag:$0x3], $0x80, s23, s14, $0xb8;
	[tilespmem:$0x1D000] =	vst v63  }
0xfb: {  	_ =	swait.ge [sflag:s12], $0x4000  }
0xfc: {  	[sflag:s12] =	ssyncset.done $0x0  }
0xfd: {  	s23 =	rddreg [dreg:$0xa];
	[sflag:s12] =	ssyncadd.s32 $0xFFFFC000  }
0xfe: {  	[tilespmem:s11], [sflag:$0x1] =	stream.indirect.gather [hbm4b:s1+s14], $0x80, s23, s14, $0xb8;
	[tilespmem:$0x1D000] =	vst v63  }
0xff: {  	_ =	swait.ge [sflag:s26], $0x4000  }
0x100: {  	[sflag:s26] =	ssyncset.done $0x0  }
0x101: {  	s23 =	rddreg [dreg:$0xb];
	[sflag:s26] =	ssyncadd.s32 $0xFFFFC000  }
0x102: {  	[spmem:s2] =	stream.indirect.scatter.add.f32 [tilespmem:s15], [sflag:$0x3], $0x80, s23, s14, $0xb8;
	[tilespmem:$0x1D000] =	vst v63  }
0x103: {  	_ =	swait.ge [sflag:s12], $0x4000  }
0x104: {  	[sflag:s12] =	ssyncset.done $0x0  }
0x105: {  	s23 =	rddreg [dreg:$0xc];
	[sflag:s12] =	ssyncadd.s32 $0xFFFFC000  }
0x106: {  	[tilespmem:s15], [sflag:$0x2] =	stream.indirect.gather [hbm4b:s1+s14], $0x80, s23, s14, $0xb8;
	[tilespmem:$0x1D000] =	vst v63  }
0x107: {  	_ =	swait.ge [sflag:s21], $0x4000  }
0x108: {  	[sflag:s21] =	ssyncset.done $0x0  }
0x109: {  	s23 =	rddreg [dreg:$0xd];
	[sflag:s21] =	ssyncadd.s32 $0xFFFFC000  }
0x10a: {  	[spmem:s2] =	stream.indirect.scatter.add.f32 [tilespmem:s11], [sflag:$0x3], $0x80, s23, s14, $0xb8;
	[tilespmem:$0x1D000] =	vst v63  }
0x10b: {  	_ =	swait.ge [sflag:s12], $0x4000  }
0x10c: {  	[sflag:s12] =	ssyncset.done $0x0  }
0x10d: {  	s23 =	rddreg [dreg:$0xe];
	[sflag:s12] =	ssyncadd.s32 $0xFFFFC000  }
0x10e: {  	[tilespmem:s11], [sflag:$0x1] =	stream.indirect.gather [hbm4b:s1+s14], $0x80, s23, s14, $0xb8;
	[tilespmem:$0x1D000] =	vst v63  }
0x10f: {  	_ =	swait.ge [sflag:s26], $0x4000  }
0x110: {  	[sflag:s26] =	ssyncset.done $0x0  }
0x111: {  	s23 =	rddreg [dreg:$0xf];
	[sflag:s26] =	ssyncadd.s32 $0xFFFFC000  }
0x112: {  	[spmem:s2] =	stream.indirect.scatter.add.f32 [tilespmem:s15], [sflag:$0x3], $0x80, s23, s14, $0xb8;
	[tilespmem:$0x1D000] =	vst v63  }
0x113: {  	_ =	swait.ge [sflag:s12], $0x4000  }
0x114: {  	[sflag:s12] =	ssyncset.done $0x0  }
0x115: {  	s23 =	rddreg [dreg:$0x10];
	[sflag:s12] =	ssyncadd.s32 $0xFFFFC000  }
0x116: {  	[tilespmem:s15], [sflag:$0x2] =	stream.indirect.gather [hbm4b:s1+s14], $0x80, s23, s14, $0xb8;
	[tilespmem:$0x1D000] =	vst v63  }
0x117: {  	_ =	swait.ge [sflag:s21], $0x4000  }
0x118: {  	[sflag:s21] =	ssyncset.done $0x0  }
0x119: {  	s23 =	rddreg [dreg:$0x11];
	[sflag:s21] =	ssyncadd.s32 $0xFFFFC000  }
0x11a: {  	[spmem:s2] =	stream.indirect.scatter.add.f32 [tilespmem:s11], [sflag:$0x3], $0x80, s23, s14, $0xb8;
	[tilespmem:$0x1D000] =	vst v63  }
0x11b: {  	_ =	swait.ge [sflag:s12], $0x4000  }
0x11c: {  	[sflag:s12] =	ssyncset.done $0x0  }
0x11d: {  	[sflag:s12] =	ssyncadd.s32 $0xFFFFC000  }
0x11e: {  	[tilespmem:s11], [sflag:$0x1] =	stream.indirect.gather [hbm4b:s1+s14], $0x80, s28, s14, $0xb8;
	[tilespmem:$0x1D000] =	vst v63  }
0x11f: {  	_ =	swait.ge [sflag:s26], $0x4000  }
0x120: {  	[sflag:s26] =	ssyncset.done $0x0  }
0x121: {  	[sflag:s26] =	ssyncadd.s32 $0xFFFFC000  }
0x122: {  	[spmem:s2] =	stream.indirect.scatter.add.f32 [tilespmem:s15], [sflag:$0x3], $0x80, s29, s14, $0xb8;
	[tilespmem:$0x1D000] =	vst v63  }
0x123: {  	_ =	swait.ge [sflag:s12], $0x4000  }
0x124: {  	[sflag:s12] =	ssyncset.done $0x0  }
0x125: {  	[sflag:s12] =	ssyncadd.s32 $0xFFFFC000  }
0x126: {  	[tilespmem:s15], [sflag:$0x2] =	stream.indirect.gather [hbm4b:s1+s14], $0x80, s30, s14, $0xb8;
	[tilespmem:$0x1D000] =	vst v63  }
0x127: {  	_ =	swait.ge [sflag:s21], $0x4000  }
0x128: {  	[sflag:s21] =	ssyncset.done $0x0  }
0x129: {  	[sflag:s21] =	ssyncadd.s32 $0xFFFFC000  }
0x12a: {  	[spmem:s2] =	stream.indirect.scatter.add.f32 [tilespmem:s11], [sflag:$0x3], $0x80, s31, s14, $0xb8;
	[tilespmem:$0x1D000] =	vst v63  }
0x12b: {  	_ =	swait.ge [sflag:s12], $0x4000  }
0x12c: {  	[sflag:s12] =	ssyncset.done $0x0  }
0x12d: {  	[sflag:s12] =	ssyncadd.s32 $0xFFFFC000  }
0x12e: {  	[tilespmem:s11], [sflag:$0x1] =	stream.indirect.gather [hbm4b:s1+s14], $0x80, s0, s14, $0xb8;
	[tilespmem:$0x1D000] =	vst v63  }
0x12f: {  	_ =	swait.ge [sflag:s26], $0x4000  }
0x130: {  	[sflag:s26] =	ssyncset.done $0x0  }
0x131: {  	[sflag:s26] =	ssyncadd.s32 $0xFFFFC000  }
0x132: {  	[spmem:s2] =	stream.indirect.scatter.add.f32 [tilespmem:s15], [sflag:$0x3], $0x80, s3, s14, $0xb8;
	[tilespmem:$0x1D000] =	vst v63  }
0x133: {  	_ =	swait.ge [sflag:s12], $0x4000  }
0x134: {  	[sflag:s12] =	ssyncset.done $0x0  }
0x135: {  	[sflag:s12] =	ssyncadd.s32 $0xFFFFC000  }
0x136: {  	[tilespmem:s15], [sflag:$0x2] =	stream.indirect.gather [hbm4b:s1+s14], $0x80, s6, s14, $0xb8;
	[tilespmem:$0x1D000] =	vst v63  }
0x137: {  	_ =	swait.ge [sflag:s21], $0x4000  }
0x138: {  	[sflag:s21] =	ssyncset.done $0x0  }
0x139: {  	[sflag:s21] =	ssyncadd.s32 $0xFFFFC000  }
0x13a: {  	[spmem:s2] =	stream.indirect.scatter.add.f32 [tilespmem:s11], [sflag:$0x3], $0x80, s7, s14, $0xb8;
	[tilespmem:$0x1D000] =	vst v63  }
0x13b: {  	_ =	swait.ge [sflag:s12], $0x4000  }
0x13c: {  	[sflag:s12] =	ssyncset.done $0x0  }
0x13d: {  	[sflag:s12] =	ssyncadd.s32 $0xFFFFC000  }
0x13e: {  	[tilespmem:s11], [sflag:$0x1] =	stream.indirect.gather [hbm4b:s1+s14], $0x80, s8, s14, $0xb8;
	[tilespmem:$0x1D000] =	vst v63  }
0x13f: {  	_ =	swait.ge [sflag:s26], $0x4000  }
0x140: {  	[sflag:s26] =	ssyncset.done $0x0  }
0x141: {  	[sflag:s26] =	ssyncadd.s32 $0xFFFFC000  }
0x142: {  	[spmem:s2] =	stream.indirect.scatter.add.f32 [tilespmem:s15], [sflag:$0x3], $0x80, s9, s14, $0xb8;
	[tilespmem:$0x1D000] =	vst v63  }
0x143: {  	_ =	swait.ge [sflag:s12], $0x4000  }
0x144: {  	[sflag:s12] =	ssyncset.done $0x0  }
0x145: {  	[sflag:s12] =	ssyncadd.s32 $0xFFFFC000  }
0x146: {  	[tilespmem:s15], [sflag:$0x2] =	stream.indirect.gather [hbm4b:s1+s14], $0x80, s10, s14, $0xb8;
	[tilespmem:$0x1D000] =	vst v63  }
0x147: {  	_ =	swait.ge [sflag:s21], $0x4000  }
0x148: {  	[sflag:s21] =	ssyncset.done $0x0  }
0x149: {  	[sflag:s21] =	ssyncadd.s32 $0xFFFFC000  }
0x14a: {  	[spmem:s2] =	stream.indirect.scatter.add.f32 [tilespmem:s11], [sflag:$0x3], $0x80, s16, s14, $0xb8;
	[tilespmem:$0x1D000] =	vst v63  }
0x14b: {  	_ =	swait.ge [sflag:s12], $0x4000  }
0x14c: {  	[sflag:s12] =	ssyncset.done $0x0  }
0x14d: {  	[sflag:s12] =	ssyncadd.s32 $0xFFFFC000  }
0x14e: {  	[tilespmem:s11], [sflag:$0x1] =	stream.indirect.gather [hbm4b:s1+s14], $0x80, s17, s14, $0xb8;
	[tilespmem:$0x1D000] =	vst v63  }
0x14f: {  	_ =	swait.ge [sflag:s26], $0x4000  }
0x150: {  	[sflag:s26] =	ssyncset.done $0x0  }
0x151: {  	[sflag:s26] =	ssyncadd.s32 $0xFFFFC000  }
0x152: {  	[spmem:s2] =	stream.indirect.scatter.add.f32 [tilespmem:s15], [sflag:$0x3], $0x80, s18, s14, $0xb8;
	[tilespmem:$0x1D000] =	vst v63  }
0x153: {  	_ =	swait.ge [sflag:s12], $0x4000  }
0x154: {  	[sflag:s12] =	ssyncset.done $0x0  }
0x155: {  	[sflag:s12] =	ssyncadd.s32 $0xFFFFC000  }
0x156: {  	[tilespmem:s15], [sflag:$0x2] =	stream.indirect.gather [hbm4b:s1+s14], $0x80, s19, s14, $0xb8;
	[tilespmem:$0x1D000] =	vst v63  }
0x157: {  	_ =	swait.ge [sflag:s21], $0x4000  }
0x158: {  	[sflag:s21] =	ssyncset.done $0x0  }
0x159: {  	[sflag:s21] =	ssyncadd.s32 $0xFFFFC000  }
0x15a: {  	[spmem:s2] =	stream.indirect.scatter.add.f32 [tilespmem:s11], [sflag:$0x3], $0x80, s20, s14, $0xb8;
	[tilespmem:$0x1D000] =	vst v63  }
0x15b: {  	_ =	swait.ge [sflag:s12], $0x4000  }
0x15c: {  	[sflag:s12] =	ssyncset.done $0x0  }
0x15d: {  	[sflag:s12] =	ssyncadd.s32 $0xFFFFC000  }
0x15e: {  	p0 =	sne.s32 s25, $0x400;
	_ =	swait.ge [sflag:s26], $0x4000  }
.Ltmp1:
0x15f: {  	[sflag:s26] =	ssyncset.done $0x0;
	(pc) =	sbr.rel @p0 .LBB2_4-.Ltmp1, $4  }
0x160: {  	[sflag:s26] =	ssyncadd.s32 $0xFFFFC000  }
0x161: {  	[spmem:s2] =	stream.indirect.scatter.add.f32 [tilespmem:s15], [sflag:$0x3], $0x80, s22, s14, $0xb8;
	[tilespmem:$0x1D000] =	vst v63  }
0x162: {  	_ =	swait.ge [sflag:s12], $0x4000  }
0x163: {  	s25 =	sadd.s32 $0x100, s25;
	s5 =	rddreg [dreg:$0x5];
	[sflag:s12] =	ssyncset.done $0x0  }
0x164: {  	[sflag:s12] =	ssyncadd.s32 $0xFFFFC000;
	s5 =	sadd.s32 s24, s5  }
0x165: {  	[tilespmem:s4], [sflag:$0x3] =	stream.linear.gather [hbm4b:s5+s4], $0x800, $0x38;
	[tilespmem:$0x1D000] =	vst v63  }
0x166: {  	_ =	swait.ge [sflag:s12], $0x800  }
0x167: {  	s23 =	rddreg [dreg:$0x4];
	[sflag:s12] =	ssyncset.done $0x0  }
0x168: {  	[sflag:s12] =	ssyncadd.s32 $0xFFFFF800;
	s5 =	sadd.s32 s24, s23  }
0x169: {  	[tilespmem:s13], [sflag:$0x3] =	stream.linear.gather [hbm4b:s5+s4], $0x800, $0x38;
	[tilespmem:$0x1D000] =	vst v63  }
0x16a: {  	_ =	swait.ge [sflag:s12], $0x800  }
0x16b: {  	[sflag:s12] =	ssyncset.done $0x0  }
0x16c: {  	[sflag:s12] =	ssyncadd.s32 $0xFFFFF800  }
0x16d: {  	[tilespmem:s11], [sflag:$0x1] =	stream.indirect.gather [hbm4b:s1+s14], $0x80, s4, s14, $0xb8;
	[tilespmem:$0x1D000] =	vst v63  }
0x16e: {  	_ = 	snop  }
0x16f: {  	[tilespmem:s15], [sflag:$0x2] =	stream.indirect.gather [hbm4b:s1+s14], $0x80, s14, s14, $0xb8;
	[tilespmem:$0x1D000] =	vst v63  }
0x170: {  	_ =	swait.ge [sflag:s21], $0x4000  }
0x171: {  	[sflag:s21] =	ssyncset.done $0x0  }
0x172: {  	[sflag:s21] =	ssyncadd.s32 $0xFFFFC000  }
0x173: {  	[spmem:s2] =	stream.indirect.scatter.add.f32 [tilespmem:s11], [sflag:$0x3], $0x80, s13, s14, $0xb8;
	[tilespmem:$0x1D000] =	vst v63  }
0x174: {  	_ =	swait.ge [sflag:s12], $0x4000  }
0x175: {  	[sflag:s12] =	ssyncset.done $0x0  }
0x176: {  	s24 =	rddreg [dreg:$0x6];
	[sflag:s12] =	ssyncadd.s32 $0xFFFFC000  }
0x177: {  	[tilespmem:s11], [sflag:$0x1] =	stream.indirect.gather [hbm4b:s1+s14], $0x80, s24, s14, $0xb8;
	[tilespmem:$0x1D000] =	vst v63  }
0x178: {  	_ =	swait.ge [sflag:s26], $0x4000  }
0x179: {  	[sflag:s26] =	ssyncset.done $0x0  }
0x17a: {  	s25 =	rddreg [dreg:$0x7];
	[sflag:s26] =	ssyncadd.s32 $0xFFFFC000  }
0x17b: {  	[spmem:s2] =	stream.indirect.scatter.add.f32 [tilespmem:s15], [sflag:$0x3], $0x80, s25, s14, $0xb8;
	[tilespmem:$0x1D000] =	vst v63  }
0x17c: {  	_ =	swait.ge [sflag:s12], $0x4000  }
0x17d: {  	[sflag:s12] =	ssyncset.done $0x0  }
0x17e: {  	s23 =	rddreg [dreg:$0x8];
	[sflag:s12] =	ssyncadd.s32 $0xFFFFC000  }
0x17f: {  	[tilespmem:s15], [sflag:$0x2] =	stream.indirect.gather [hbm4b:s1+s14], $0x80, s23, s14, $0xb8;
	[tilespmem:$0x1D000] =	vst v63  }
0x180: {  	_ =	swait.ge [sflag:s21], $0x4000  }
0x181: {  	[sflag:s21] =	ssyncset.done $0x0  }
0x182: {  	s24 =	rddreg [dreg:$0x9];
	[sflag:s21] =	ssyncadd.s32 $0xFFFFC000  }
0x183: {  	[spmem:s2] =	stream.indirect.scatter.add.f32 [tilespmem:s11], [sflag:$0x3], $0x80, s24, s14, $0xb8;
	[tilespmem:$0x1D000] =	vst v63  }
0x184: {  	_ =	swait.ge [sflag:s12], $0x4000  }
0x185: {  	[sflag:s12] =	ssyncset.done $0x0  }
0x186: {  	s25 =	rddreg [dreg:$0xa];
	[sflag:s12] =	ssyncadd.s32 $0xFFFFC000  }
0x187: {  	[tilespmem:s11], [sflag:$0x1] =	stream.indirect.gather [hbm4b:s1+s14], $0x80, s25, s14, $0xb8;
	[tilespmem:$0x1D000] =	vst v63  }
0x188: {  	_ =	swait.ge [sflag:s26], $0x4000  }
0x189: {  	[sflag:s26] =	ssyncset.done $0x0  }
0x18a: {  	s23 =	rddreg [dreg:$0xb];
	[sflag:s26] =	ssyncadd.s32 $0xFFFFC000  }
0x18b: {  	[spmem:s2] =	stream.indirect.scatter.add.f32 [tilespmem:s15], [sflag:$0x3], $0x80, s23, s14, $0xb8;
	[tilespmem:$0x1D000] =	vst v63  }
0x18c: {  	_ =	swait.ge [sflag:s12], $0x4000  }
0x18d: {  	[sflag:s12] =	ssyncset.done $0x0  }
0x18e: {  	s24 =	rddreg [dreg:$0xc];
	[sflag:s12] =	ssyncadd.s32 $0xFFFFC000  }
0x18f: {  	[tilespmem:s15], [sflag:$0x2] =	stream.indirect.gather [hbm4b:s1+s14], $0x80, s24, s14, $0xb8;
	[tilespmem:$0x1D000] =	vst v63  }
0x190: {  	_ =	swait.ge [sflag:s21], $0x4000  }
0x191: {  	[sflag:s21] =	ssyncset.done $0x0  }
0x192: {  	s25 =	rddreg [dreg:$0xd];
	[sflag:s21] =	ssyncadd.s32 $0xFFFFC000  }
0x193: {  	[spmem:s2] =	stream.indirect.scatter.add.f32 [tilespmem:s11], [sflag:$0x3], $0x80, s25, s14, $0xb8;
	[tilespmem:$0x1D000] =	vst v63  }
0x194: {  	_ =	swait.ge [sflag:s12], $0x4000  }
0x195: {  	[sflag:s12] =	ssyncset.done $0x0  }
0x196: {  	s23 =	rddreg [dreg:$0xe];
	[sflag:s12] =	ssyncadd.s32 $0xFFFFC000  }
0x197: {  	[tilespmem:s11], [sflag:$0x1] =	stream.indirect.gather [hbm4b:s1+s14], $0x80, s23, s14, $0xb8;
	[tilespmem:$0x1D000] =	vst v63  }
0x198: {  	_ =	swait.ge [sflag:s26], $0x4000  }
0x199: {  	[sflag:s26] =	ssyncset.done $0x0  }
0x19a: {  	s24 =	rddreg [dreg:$0xf];
	[sflag:s26] =	ssyncadd.s32 $0xFFFFC000  }
0x19b: {  	[spmem:s2] =	stream.indirect.scatter.add.f32 [tilespmem:s15], [sflag:$0x3], $0x80, s24, s14, $0xb8;
	[tilespmem:$0x1D000] =	vst v63  }
0x19c: {  	_ =	swait.ge [sflag:s12], $0x4000  }
0x19d: {  	[sflag:s12] =	ssyncset.done $0x0  }
0x19e: {  	s25 =	rddreg [dreg:$0x10];
	[sflag:s12] =	ssyncadd.s32 $0xFFFFC000  }
0x19f: {  	[tilespmem:s15], [sflag:$0x2] =	stream.indirect.gather [hbm4b:s1+s14], $0x80, s25, s14, $0xb8;
	[tilespmem:$0x1D000] =	vst v63  }
0x1a0: {  	_ =	swait.ge [sflag:s21], $0x4000  }
0x1a1: {  	[sflag:s21] =	ssyncset.done $0x0  }
0x1a2: {  	s23 =	rddreg [dreg:$0x11];
	[sflag:s21] =	ssyncadd.s32 $0xFFFFC000  }
0x1a3: {  	[spmem:s2] =	stream.indirect.scatter.add.f32 [tilespmem:s11], [sflag:$0x3], $0x80, s23, s14, $0xb8;
	[tilespmem:$0x1D000] =	vst v63  }
0x1a4: {  	_ =	swait.ge [sflag:s12], $0x4000  }
0x1a5: {  	[sflag:s12] =	ssyncset.done $0x0  }
0x1a6: {  	[sflag:s12] =	ssyncadd.s32 $0xFFFFC000  }
0x1a7: {  	[tilespmem:s11], [sflag:$0x1] =	stream.indirect.gather [hbm4b:s1+s14], $0x80, s28, s14, $0xb8;
	[tilespmem:$0x1D000] =	vst v63  }
0x1a8: {  	_ =	swait.ge [sflag:s26], $0x4000  }
0x1a9: {  	[sflag:s26] =	ssyncset.done $0x0  }
0x1aa: {  	[sflag:s26] =	ssyncadd.s32 $0xFFFFC000  }
0x1ab: {  	[spmem:s2] =	stream.indirect.scatter.add.f32 [tilespmem:s15], [sflag:$0x3], $0x80, s29, s14, $0xb8;
	[tilespmem:$0x1D000] =	vst v63  }
0x1ac: {  	_ =	swait.ge [sflag:s12], $0x4000  }
0x1ad: {  	[sflag:s12] =	ssyncset.done $0x0  }
0x1ae: {  	[sflag:s12] =	ssyncadd.s32 $0xFFFFC000  }
0x1af: {  	[tilespmem:s15], [sflag:$0x2] =	stream.indirect.gather [hbm4b:s1+s14], $0x80, s30, s14, $0xb8;
	[tilespmem:$0x1D000] =	vst v63  }
0x1b0: {  	_ =	swait.ge [sflag:s21], $0x4000  }
0x1b1: {  	[sflag:s21] =	ssyncset.done $0x0  }
0x1b2: {  	[sflag:s21] =	ssyncadd.s32 $0xFFFFC000  }
0x1b3: {  	[spmem:s2] =	stream.indirect.scatter.add.f32 [tilespmem:s11], [sflag:$0x3], $0x80, s31, s14, $0xb8;
	[tilespmem:$0x1D000] =	vst v63  }
0x1b4: {  	_ =	swait.ge [sflag:s12], $0x4000  }
0x1b5: {  	[sflag:s12] =	ssyncset.done $0x0  }
0x1b6: {  	[sflag:s12] =	ssyncadd.s32 $0xFFFFC000  }
0x1b7: {  	[tilespmem:s11], [sflag:$0x1] =	stream.indirect.gather [hbm4b:s1+s14], $0x80, s0, s14, $0xb8;
	[tilespmem:$0x1D000] =	vst v63  }
0x1b8: {  	_ =	swait.ge [sflag:s26], $0x4000  }
0x1b9: {  	[sflag:s26] =	ssyncset.done $0x0  }
0x1ba: {  	[sflag:s26] =	ssyncadd.s32 $0xFFFFC000  }
0x1bb: {  	[spmem:s2] =	stream.indirect.scatter.add.f32 [tilespmem:s15], [sflag:$0x3], $0x80, s3, s14, $0xb8;
	[tilespmem:$0x1D000] =	vst v63  }
0x1bc: {  	_ =	swait.ge [sflag:s12], $0x4000  }
0x1bd: {  	[sflag:s12] =	ssyncset.done $0x0  }
0x1be: {  	[sflag:s12] =	ssyncadd.s32 $0xFFFFC000  }
0x1bf: {  	[tilespmem:s15], [sflag:$0x2] =	stream.indirect.gather [hbm4b:s1+s14], $0x80, s6, s14, $0xb8;
	[tilespmem:$0x1D000] =	vst v63  }
0x1c0: {  	_ =	swait.ge [sflag:s21], $0x4000  }
0x1c1: {  	[sflag:s21] =	ssyncset.done $0x0  }
0x1c2: {  	[sflag:s21] =	ssyncadd.s32 $0xFFFFC000  }
0x1c3: {  	[spmem:s2] =	stream.indirect.scatter.add.f32 [tilespmem:s11], [sflag:$0x3], $0x80, s7, s14, $0xb8;
	[tilespmem:$0x1D000] =	vst v63  }
0x1c4: {  	_ =	swait.ge [sflag:s12], $0x4000  }
0x1c5: {  	[sflag:s12] =	ssyncset.done $0x0  }
0x1c6: {  	[sflag:s12] =	ssyncadd.s32 $0xFFFFC000  }
0x1c7: {  	[tilespmem:s11], [sflag:$0x1] =	stream.indirect.gather [hbm4b:s1+s14], $0x80, s8, s14, $0xb8;
	[tilespmem:$0x1D000] =	vst v63  }
0x1c8: {  	_ =	swait.ge [sflag:s26], $0x4000  }
0x1c9: {  	[sflag:s26] =	ssyncset.done $0x0  }
0x1ca: {  	[sflag:s26] =	ssyncadd.s32 $0xFFFFC000  }
0x1cb: {  	[spmem:s2] =	stream.indirect.scatter.add.f32 [tilespmem:s15], [sflag:$0x3], $0x80, s9, s14, $0xb8;
	[tilespmem:$0x1D000] =	vst v63  }
0x1cc: {  	_ =	swait.ge [sflag:s12], $0x4000  }
0x1cd: {  	[sflag:s12] =	ssyncset.done $0x0  }
0x1ce: {  	[sflag:s12] =	ssyncadd.s32 $0xFFFFC000  }
0x1cf: {  	[tilespmem:s15], [sflag:$0x2] =	stream.indirect.gather [hbm4b:s1+s14], $0x80, s10, s14, $0xb8;
	[tilespmem:$0x1D000] =	vst v63  }
0x1d0: {  	_ =	swait.ge [sflag:s21], $0x4000  }
0x1d1: {  	[sflag:s21] =	ssyncset.done $0x0  }
0x1d2: {  	[sflag:s21] =	ssyncadd.s32 $0xFFFFC000  }
0x1d3: {  	[spmem:s2] =	stream.indirect.scatter.add.f32 [tilespmem:s11], [sflag:$0x3], $0x80, s16, s14, $0xb8;
	[tilespmem:$0x1D000] =	vst v63  }
0x1d4: {  	_ =	swait.ge [sflag:s12], $0x4000  }
0x1d5: {  	[sflag:s12] =	ssyncset.done $0x0  }
0x1d6: {  	[sflag:s12] =	ssyncadd.s32 $0xFFFFC000  }
0x1d7: {  	[tilespmem:s11], [sflag:$0x1] =	stream.indirect.gather [hbm4b:s1+s14], $0x80, s17, s14, $0xb8;
	[tilespmem:$0x1D000] =	vst v63  }
0x1d8: {  	_ =	swait.ge [sflag:s26], $0x4000  }
0x1d9: {  	[sflag:s26] =	ssyncset.done $0x0  }
0x1da: {  	[sflag:s26] =	ssyncadd.s32 $0xFFFFC000  }
0x1db: {  	[spmem:s2] =	stream.indirect.scatter.add.f32 [tilespmem:s15], [sflag:$0x3], $0x80, s18, s14, $0xb8;
	[tilespmem:$0x1D000] =	vst v63  }
0x1dc: {  	_ =	swait.ge [sflag:s12], $0x4000  }
0x1dd: {  	[sflag:s12] =	ssyncset.done $0x0  }
0x1de: {  	[sflag:s12] =	ssyncadd.s32 $0xFFFFC000  }
0x1df: {  	[tilespmem:s15], [sflag:$0x2] =	stream.indirect.gather [hbm4b:s1+s14], $0x80, s19, s14, $0xb8;
	[tilespmem:$0x1D000] =	vst v63  }
0x1e0: {  	_ =	swait.ge [sflag:s21], $0x4000  }
0x1e1: {  	[sflag:s21] =	ssyncset.done $0x0  }
0x1e2: {  	[sflag:s21] =	ssyncadd.s32 $0xFFFFC000  }
0x1e3: {  	[spmem:s2] =	stream.indirect.scatter.add.f32 [tilespmem:s11], [sflag:$0x3], $0x80, s20, s14, $0xb8;
	[tilespmem:$0x1D000] =	vst v63  }
0x1e4: {  	_ =	swait.ge [sflag:s12], $0x4000  }
0x1e5: {  	[sflag:s12] =	ssyncset.done $0x0  }
0x1e6: {  	[sflag:s12] =	ssyncadd.s32 $0xFFFFC000  }
0x1e7: {  	_ =	swait.ge [sflag:s26], $0x4000  }
0x1e8: {  	[sflag:s26] =	ssyncset.done $0x0  }
0x1e9: {  	[sflag:s26] =	ssyncadd.s32 $0xFFFFC000  }
0x1ea: {  	[spmem:s2] =	stream.indirect.scatter.add.f32 [tilespmem:s15], [sflag:$0x3], $0x80, s22, s14, $0xb8;
	[tilespmem:$0x1D000] =	vst v63  }
0x1eb: {  	_ =	swait.ge [sflag:s12], $0x4000  }
0x1ec: {  	[sflag:s12] =	ssyncset.done $0x0  }
0x1ed: {  	[sflag:s12] =	ssyncadd.s32 $0xFFFFC000  }
0x1ee: {  	s24 =	stileid.u32;
	[bflag:$0x0] =	sbarrier.arrive $0xFFFF  }
0x1ef: {  	s5 =	sshll.u32 s24, $0x6;
	s23 =	rddreg [dreg:$0x12]  }
0x1f0: {  	s5 =	sor.u32 $0x1C03, s5;
	s25 =	rddreg [dreg:$0x18];
	s23 =	sshrl.u32 s23, $0x3  }
0x1f1: {  	[hbm:s25], [sflag:s5] =	dma.local [spmem:s23], $0x800  }
0x1f2: {  	_ =	swait.ge [sflag:s12], $0x800  }
0x1f3: {  	[sflag:s12] =	ssyncset.done $0x0;
	s24 =	rddreg [dreg:$0x19]  }
0x1f4: {  	s25 =	rddreg [dreg:$0x1d];
	[sflag:s12] =	ssyncadd.s32 $0xFFFFF800  }
0x1f5: {  	[hbm:s24], [sflag:s5] =	dma.local [spmem:s25], $0x800  }
0x1f6: {  	_ =	swait.ge [sflag:s12], $0x800  }
0x1f7: {  	[sflag:s12] =	ssyncset.done $0x0;
	s24 =	rddreg [dreg:$0x1a]  }
0x1f8: {  	s25 =	rddreg [dreg:$0x1e];
	[sflag:s12] =	ssyncadd.s32 $0xFFFFF800  }
0x1f9: {  	[hbm:s24], [sflag:s5] =	dma.local [spmem:s25], $0x800  }
0x1fa: {  	_ =	swait.ge [sflag:s12], $0x800  }
0x1fb: {  	[sflag:s12] =	ssyncset.done $0x0;
	s24 =	rddreg [dreg:$0x1b]  }
0x1fc: {  	s25 =	rddreg [dreg:$0x1f];
	[sflag:s12] =	ssyncadd.s32 $0xFFFFF800  }
0x1fd: {  	[hbm:s24], [sflag:s5] =	dma.local [spmem:s25], $0x800  }
0x1fe: {  	_ =	swait.ge [sflag:s12], $0x800  }
0x1ff: {  	s25 =	sld [smem:$0x7FD]  }
0x200: {  	[sflag:s12] =	ssyncset.done $0x0  }
0x201: {  	s24 =	rddreg [dreg:$0x1c];
	[sflag:s12] =	ssyncadd.s32 $0xFFFFF800  }
0x202: {  	[hbm:s24], [sflag:s5] =	dma.local [spmem:s25], $0x800  }
0x203: {  	_ =	swait.ge [sflag:s12], $0x800  }
0x204: {  	s24 =	sld [smem:$0x7FC];
	_ =	sdelay $0x2  }
0x205: {  	s25 =	rddreg [dreg:$0x13];
	s23 =	sadd.s32 $0x1, s24  }
0x206: {  	p0 =	sne.s32 s23, s25  }
.Ltmp2:
0x207: {  	_ = 	snop;
	(pc) =	sbr.rel @p0 .LBB2_1-.Ltmp2, $3  }
0x208: {  	_ =	sdelay $0x1  }
0x209: {  	[sflag:s12] =	ssyncset.done $0x0  }
0x20a: {  	[sflag:s12] =	ssyncadd.s32 $0xFFFFF800  }
0x20b: {  	_ =	sfence.sel $0x180000  }
0x20c: {  	[bflag:$0x0] =	sbarrier.arrive $0xFFFF  }
0x20d: {  	_ =	strace $0x9000004A  }
0x20e: {  	s0 =	stileid.u32;
	[bflag:$0x2] =	sbarrier.arrive $0xFFFF  }
0x20f: {  	p0 =	sne.s32 s0, $0x0;
	s0 =	rddreg [dreg:$0x3]  }
0x210: {  	s0 =	sadd.s32 @!p0 $0x100000, s0  }
0x211: {  	[sflag:s0] =	ssyncadd.tile.s32 @!p0 $0x1;
	_ =	shalt  }
.Lfunc_end2:
_tile_overlayer_lowered:
.L_overlay_start_2:
0x212: {  	(tag) =	ssettag $0x2  }
0x213: {  	s0 =	rddreg [dreg:$0x0];
	s2 =	stileid.u32  }
0x214: {  	s1 =	rddreg [dreg:$0x1];
	p0 =	sne.s32 s2, $0x0  }
0x215: {  	s3 =	rddreg [dreg:$0x2];
	[bflag:$0x3] =	sbarrier.arrive $0xFFFF;
	s2 =	simm.s32 @!p0 $0x1C03  }
0x216: {  	[timem:s3], [sflag:s2] =	dma.local @!p0 [hbm:s0], s1  }
0x217: {  	s0 =	simm.s32 @!p0 $0x3  }
0x218: {  	_ =	swait.ge @!p0 [sflag:s0], s1  }
0x219: {  	s1 =	ssub.s32 @!p0 $0x0, s1;
	[sflag:s0] =	ssyncset.done @!p0 $0x0  }
0x21a: {  	[sflag:s0] =	ssyncadd.s32 @!p0 s1  }
0x21b: {  	[bflag:$0x3] =	sbarrier.arrive $0xFFFF  }
0x21c: {  	_ =	shalt  }

// kernel: kernel.16.cloned.1.call-start
scs
__scs_entry_jumppad:
0x0: {  	(pc) =	sbr.rel $0x88, $3  }
0x1: {  	(tag) =	ssettag $0x0;
	lr =	simm.s32 $0x1  }
0x2: {  	[smem:$0x3F97] =	sst lr;
	_ =	strace $0xD0000000  }
0x3: {  	_ = 	snop  }
0x4: {  	_ = 	snop  }
0x5: {  	_ = 	snop  }
0x6: {  	_ = 	snop  }
0x7: {  	_ = 	snop  }
__scs_overlays_trampoline_lowered:
0x8: {  	[smem:$0x3FA6] =	sst s0  }
0x9: {  	[smem:$0x3FA7] =	sst s1  }
0xa: {  	[smem:$0x3FA8] =	sst s2  }
0xb: {  	[smem:$0x3FA9] =	sst s3  }
0xc: {  	[smem:$0x3FAA] =	sst s4  }
0xd: {  	[smem:$0x3FAB] =	sst s5  }
0xe: {  	[smem:$0x3FAC] =	sst s6  }
0xf: {  	[smem:$0x3FAD] =	sst s7  }
0x10: {  	[smem:$0x3FAE] =	sst s8  }
0x11: {  	[smem:$0x3FAF] =	sst s9;
	s0 =	simm.s32 @!p0 $0x0  }
0x12: {  	s1 =	sld [smem:$0x3F95];
	s0 =	simm.s32 @p0 $0x1  }
0x13: {  	[smem:$0x3FB0] =	sst s0;
	s0 =	simm.s32 @!p1 $0x0  }
0x14: {  	s2 =	sld [smem:$0x3F94];
	s0 =	simm.s32 @p1 $0x1  }
0x15: {  	[smem:$0x3FB1] =	sst s0;
	s0 =	simm.s32 @!p2 $0x0  }
0x16: {  	s3 =	sld [smem:$0x3FDB];
	s0 =	simm.s32 @p2 $0x1  }
0x17: {  	s4 =	simm.s32 $0x1BF5;
	[smem:$0x3FB3] =	sst s0  }
0x18: {  	s0 =	sld [smem:$0x3F96];
	_ =	swait.ge [sflag:s4], $0x0  }
0x19: {  	s7 =	sld [smem:$0x3F97]  }
0x1a: {  	s8 =	sadd.s32 $0xFFFFE003, lr  }
0x1b: {  	s9 =	sadd.s32 $0xFFFFFEF7, lr;
	s5 =	simm.s32 $0xFFFFFFFF;
	p2 =	slt.u32 s8, $0xFFFFF086  }
0x1c: {  	p1 =	slt.u32 s9, $0xF7A;
	s5 =	simm.s32 @!p2 $0x0  }
0x1d: {  	s5 =	simm.s32 @p1 $0x1;
	p0 =	seq.s32 s7, s2  }
0x1e: {  	s7 =	smul.u32 @!p0 $0xF7A, s2;
	p2 =	seq.s32 @!p0 s5, $0x0  }
0x1f: {  	s9 =	smul.u32 $0xF7A, s1;
	s8 =	simm.s32 @!p0 $0x1BF5;
	p2 =	por !p2, p0  }
0x20: {  	[sflag:s8] =	ssyncset.s32 @!p0 $0xFFFFF086;
	s6 =	sadd.s32 @!p0 s3, s7;
	s7 =	simm.s32 @!p0 $0x108  }
0x21: {  	s3 =	sadd.s32 s3, s9;
	s6 =	sadd.s32 @!p0 $0x88, s6;
	s7 =	simm.s32 @p2 $0x1082  }
0x22: {  	[simem:s7], [sflag:s8] =	dma.local @!p0 [hbm:s6], $0xF7A  }
0x23: {  	s9 =	sor.u32 $0xD0000000, s2;
	s6 =	simm.s32 $0x108;
	_ =	swait.ge @!p0 [sflag:s8], $0x0  }
0x24: {  	s3 =	sadd.s32 $0x88, s3;
	s6 =	simm.s32 @!p1 $0x1082;
	[sflag:s4] =	ssyncset.s32 $0xFFFFF086  }
0x25: {  	[simem:s6], [sflag:s4] =	dma.local [hbm:s3], $0xF7A  }
0x26: {  	[smem:$0x3F97] =	sst s1;
	(tag) =	ssettag s2;
	_ =	strace s9  }
0x27: {  	s1 =	sld [smem:$0x3FA7]  }
0x28: {  	s2 =	sld [smem:$0x3FA8]  }
0x29: {  	s4 =	sld [smem:$0x3FAA]  }
0x2a: {  	p0 =	seq.s32 s5, $0x0;
	s5 =	sld [smem:$0x3FAB]  }
0x2b: {  	s6 =	sld [smem:$0x3FAC]  }
0x2c: {  	s7 =	sld [smem:$0x3FAD]  }
0x2d: {  	s3 =	simm.s32 $0x108;
	s8 =	sld [smem:$0x3FAE]  }
0x2e: {  	s3 =	simm.s32 @!p0 $0x1082;
	s9 =	sld [smem:$0x3FAF]  }
0x2f: {  	lr =	sadd.s32 s0, s3;
	s0 =	sld [smem:$0x3FA6]  }
0x30: {  	s3 =	sld [smem:$0x3FA9]  }
0x31: {  	[smem:$0x3FB2] =	sst s10  }
0x32: {  	s10 =	sld [smem:$0x3FB0];
	_ =	sdelay $0x3  }
0x33: {  	p0 =	seq.s32 s10, $0x1;
	s10 =	sld [smem:$0x3FB2];
	_ =	sdelay $0x3  }
0x34: {  	[smem:$0x3FB2] =	sst s10  }
0x35: {  	s10 =	sld [smem:$0x3FB1];
	_ =	sdelay $0x3  }
0x36: {  	p1 =	seq.s32 s10, $0x1;
	s10 =	sld [smem:$0x3FB2];
	_ =	sdelay $0x3  }
0x37: {  	[smem:$0x3FB2] =	sst s10  }
0x38: {  	s10 =	sld [smem:$0x3FB3]  }
0x39: {  	_ = 	snop;
	(pc) =	sbr.ind lr, $3  }
0x3a: {  	_ = 	snop  }
0x3b: {  	_ = 	snop  }
0x3c: {  	p2 =	seq.s32 s10, $0x1;
	s10 =	sld [smem:$0x3FB2]  }
0x3d: {  	_ =	shalt  }
0x3e: {  	_ =	shalt  }
0x3f: {  	_ =	shalt  }
0x40: {  	_ =	shalt  }
0x41: {  	_ =	shalt  }
0x42: {  	_ =	shalt  }
0x43: {  	_ =	shalt  }
0x44: {  	_ =	shalt  }
0x45: {  	_ =	shalt  }
0x46: {  	_ =	shalt  }
0x47: {  	_ =	shalt  }
0x48: {  	_ =	shalt  }
0x49: {  	_ =	shalt  }
0x4a: {  	_ =	shalt  }
0x4b: {  	_ =	shalt  }
0x4c: {  	_ =	shalt  }
0x4d: {  	_ =	shalt  }
0x4e: {  	_ =	shalt  }
0x4f: {  	_ =	shalt  }
0x50: {  	_ =	shalt  }
0x51: {  	_ =	shalt  }
0x52: {  	_ =	shalt  }
0x53: {  	_ =	shalt  }
0x54: {  	_ =	shalt  }
0x55: {  	_ =	shalt  }
0x56: {  	_ =	shalt  }
0x57: {  	_ =	shalt  }
0x58: {  	_ =	shalt  }
0x59: {  	_ =	shalt  }
0x5a: {  	_ =	shalt  }
0x5b: {  	_ =	shalt  }
0x5c: {  	_ =	shalt  }
0x5d: {  	_ =	shalt  }
0x5e: {  	_ =	shalt  }
0x5f: {  	_ =	shalt  }
0x60: {  	_ =	shalt  }
0x61: {  	_ =	shalt  }
0x62: {  	_ =	shalt  }
0x63: {  	_ =	shalt  }
0x64: {  	_ =	shalt  }
0x65: {  	_ =	shalt  }
0x66: {  	_ =	shalt  }
0x67: {  	_ =	shalt  }
0x68: {  	_ =	shalt  }
0x69: {  	_ =	shalt  }
0x6a: {  	_ =	shalt  }
0x6b: {  	_ =	shalt  }
0x6c: {  	_ =	shalt  }
0x6d: {  	_ =	shalt  }
0x6e: {  	_ =	shalt  }
0x6f: {  	_ =	shalt  }
0x70: {  	_ =	shalt  }
0x71: {  	_ =	shalt  }
0x72: {  	_ =	shalt  }
0x73: {  	_ =	shalt  }
0x74: {  	_ =	shalt  }
0x75: {  	_ =	shalt  }
0x76: {  	_ =	shalt  }
0x77: {  	_ =	shalt  }
0x78: {  	_ =	shalt  }
0x79: {  	_ =	shalt  }
0x7a: {  	_ =	shalt  }
0x7b: {  	_ =	shalt  }
0x7c: {  	_ =	shalt  }
0x7d: {  	_ =	shalt  }
0x7e: {  	_ =	shalt  }
0x7f: {  	_ =	shalt  }
0x80: {  	_ =	shalt  }
0x81: {  	_ =	shalt  }
0x82: {  	_ =	shalt  }
0x83: {  	_ =	shalt  }
0x84: {  	_ =	shalt  }
0x85: {  	_ =	shalt  }
0x86: {  	_ =	shalt  }
0x87: {  	_ =	shalt  }
.Lfunc_end0:
.L_simem_size_0:
called_computation.2_lowered:
.L_overlay_start_0:
0x88: {  	s2 =	sld [smem:$0x3FD9]  }
0x89: {  	s3 =	sld [smem:$0x3FFE];
	_ =	sdelay $0x1  }
0x8a: {  	s1 =	srdreg.scid  }
0x8b: {  	s0 =	sand.u32 $0x1, s1  }
0x8c: {  	s17 =	sshll.u32 s0, $0xA;
	s2 =	sadd.s32 s3, s2  }
0x8d: {  	s2 =	sadd.s32 s2, s17  }
0x8e: {  	[smem:$0x3FBE] =	sst s2  }
0x8f: {  	_ = 	snop  }
0x90: {  	s2 =	sld [smem:$0x3FD0];
	(tm) =	ssettm $0x1  }
0x91: {  	s18 =	sld [smem:$0x3FFB];
	_ =	sdelay $0x3  }
0x92: {  	_ =	strace s18  }
0x93: {  	s3 =	sld [smem:$0x3FFC];
	_ =	sdelay $0x3  }
0x94: {  	_ =	strace s3  }
0x95: {  	s3 =	sld [smem:$0x3FFD];
	_ =	sdelay $0x3  }
0x96: {  	_ =	strace s3  }
0x97: {  	_ =	strace $0x8FFFFFFF  }
0x98: {  	s19 =	sld [smem:$0x3FDB];
	_ =	sdelay $0x1  }
0x99: {  	s4 =	simm.s32 $_scs_section_size  }
0x9a: {  	s5 =	simm.s32 $_size__tile_overlayer_lowered;
	s6 =	simm.s32 $_tile_overlayer_lowered  }
0x9b: {  	s22 =	simm.s32 $0x1BFF;
	s21 =	sshll.u32 s6, $0x1;
	s3 =	sadd.s32 s4, s19  }
0x9c: {  	s7 =	simm.s32 $0x0;
	s20 =	sshll.u32 s5, $0x1;
	s5 =	sadd.s32 s21, s3  }
0x9d: {  	[timem:s7], [sflag:s22] =	dma.local [hbm:s5], s20  }
0x9e: {  	_ =	swait.ge [sflag:s22], s20  }
0x9f: {  	s4 =	ssub.s32 $0x0, s20;
	[sflag:s22] =	ssyncset.done $0x0  }
0xa0: {  	[sflag:s22] =	ssyncadd.s32 s4;
	_ =	sdelay $0x1  }
0xa1: {  	s23 =	simm.s32 $0x1B8B  }
0xa2: {  	_ =	swait.ge [sflag:s23], $0x1  }
0xa3: {  	[sflag:s23] =	ssyncset.done $0x0  }
0xa4: {  	s25 =	simm.s32 $0x1B8E;
	s24 =	sld [smem:$0x3FFE];
	[sflag:s23] =	ssyncadd.s32 $0xFFFFFFFF  }
0xa5: {  	s26 =	simm.s32 $execute0_lowered;
	[smem:$0x3FD2] =	sst s25  }
0xa6: {  	s5 =	sshll.u32 s26, $0x1;
	_ =	strace $0x8000004C;
	[dreg:$0x1] =	wrdreg $0xFFFFFFFF  }
0xa7: {  	s28 =	simm.s32 $_size_execute0_lowered;
	s3 =	sadd.s32 s3, s5;
	[dreg:$0x0] =	wrdreg $0x0  }
0xa8: {  	s5 =	sshll.u32 s28, $0x1;
	[dreg:$0x2] =	wrdreg s3  }
0xa9: {  	[dreg:$0x3] =	wrdreg s5  }
0xaa: {  	[dreg:$0x4] =	wrdreg $0xC0  }
0xab: {  	_ =	task [dreg:s7], $0x5FFFF  }
0xac: {  	[dreg:$0x1] =	wrdreg $0xFFFFFFFF  }
0xad: {  	[dreg:$0x0] =	wrdreg $0x60  }
0xae: {  	[dreg:$0x2] =	wrdreg s2  }
0xaf: {  	[dreg:$0x3] =	wrdreg s24  }
0xb0: {  	[dreg:$0x4] =	wrdreg $0x90000  }
0xb1: {  	[dreg:$0x5] =	wrdreg $0x9  }
0xb2: {  	_ =	task.clear_ibuf [dreg:s7], $0x6FFFF;
	_ =	strace $0x9000004C  }
0xb3: {  	s29 =	simm.s32 $0x9;
	_ =	strace $0x8000004E  }
0xb4: {  	_ =	swait.ge [sflag:s29], $0x1  }
0xb5: {  	[sflag:s29] =	ssyncadd.s32 $0xFFFFFFFF  }
0xb6: {  	_ =	strace $0x9000004E  }
0xb7: {  	_ =	sfence  }
0xb8: {  	s30 =	sld [smem:$0x0];
	_ =	sdelay $0x2  }
0xb9: {  	s31 =	sshll.u32 s1, $0xD;
	s1 =	sshrl.u32 s1, $0x2  }
0xba: {  	s3 =	sand.u32 $0x4000, s31;
	s1 =	sadd.s32 s1, s30  }
0xbb: {  	s0 =	sor.u32 s3, s0;
	s1 =	sshll.u32 s1, $0x11  }
0xbc: {  	s0 =	sor.u32 s1, s0  }
0xbd: {  	s0 =	sadd.s32 $0x8F2B, s0  }
0xbe: {  	[sflag:s0] =	ssyncadd.remote.s32 $0x1  }
0xbf: {  	_ =	sfence.sel $0xFFFF  }
0xc0: {  	[dreg:$0x0] =	wrdreg $0xFFFFFFFF;
	(pc) =	sbr.abs _section_cstart, $3  }
0xc1: {  	[dreg:$0x1] =	wrdreg $0xFFFFFFFF  }
0xc2: {  	_ =	task.clear_ibuf [dreg:s7], $0x2FFFF;
	_ =	strace $0x9FFFFFFF  }
0xc3: {  	(tm) =	ssettm $0x7FFFFFFF  }
tec
execute0_lowered:
.L_overlay_start_1:
0x0: {  	(tag) =	ssettag $0x1  }
0x1: {  	s1 =	rddreg [dreg:$0x0]  }
0x2: {  	s0 =	rddreg [dreg:$0x1]  }
0x3: {  	s3 =	srdreg.scid;
	s2 =	rddreg [dreg:$0x2];
	s4 =	simm.s32 $0x0  }
0x4: {  	s8 =	stileid.u32;
	s18 =	simm.s32 $0x100;
	s19 =	simm.s32 $0x880  }
0x5: {  	s21 =	simm.s32 $0x180;
	s22 =	simm.s32 $0x900;
	s23 =	simm.s32 $0x200  }
0x6: {  	s24 =	simm.s32 $0x980;
	s28 =	simm.s32 $0x400;
	[smem:$0x7FF] =	sst s4  }
0x7: {  	s29 =	simm.s32 $0xB80;
	_ =	strace $0x8000004D;
	[dreg:$0x6] =	wrdreg s18  }
0x8: {  	s30 =	simm.s32 $0x480;
	s7 =	smul.u32 $0x50000, s8;
	[dreg:$0x7] =	wrdreg s19  }
0x9: {  	s3 =	sand.u32 $0x1, s3;
	s26 =	smul.u32 $0x280, s8;
	[dreg:$0x8] =	wrdreg s21  }
0xa: {  	s31 =	simm.s32 $0xC00;
	s5 =	smul.u32 $0x5000, s3;
	[dreg:$0x9] =	wrdreg s22  }
0xb: {  	s6 =	smul.u32 $0x28000, s3;
	s3 =	ssub.s32 $0x2, s3;
	[dreg:$0xa] =	wrdreg s23  }
0xc: {  	[dreg:$0xb] =	wrdreg s24;
	s19 =	simm.s32 $0xB00;
	s25 =	sshrl.u32 s3, $0x1  }
0xd: {  	s7 =	sshrl.u32 s7, $0x2;
	s13 =	sadd.s32 $0x80, s26;
	s16 =	sadd.s32 $0x100, s26  }
0xe: {  	s20 =	sadd.s32 $0x180, s26;
	[dreg:$0x11] =	wrdreg s19;
	s19 =	simm.s32 $0x780  }
0xf: {  	s5 =	sadd.s32 s5, s0;
	s10 =	sadd.s32 s7, s2;
	s7 =	smul.u32 $0x2800, s8  }
0x10: {  	s0 =	sadd.s32 s6, s0;
	s3 =	ssub.s32 s3, s25;
	s8 =	smul.u32 $0x500, s8  }
0x11: {  	s15 =	sshll.u32 s13, $0x7;
	s25 =	simm.s32 $0x280;
	[dreg:$0x12] =	wrdreg s10  }
0x12: {  	s11 =	sshll.u32 s16, $0x7;
	s3 =	smax.u32 s3, $0x1;
	[dreg:$0xc] =	wrdreg s25  }
0x13: {  	s6 =	sadd.s32 $0x200, s26;
	s12 =	sadd.s32 $0x4000, s10;
	[dreg:$0x13] =	wrdreg s3  }
0x14: {  	s0 =	sadd.s32 $0x67200, s0;
	s9 =	sadd.s32 $0x8000, s10;
	[dreg:$0x14] =	wrdreg s12  }
0x15: {  	s14 =	sadd.s32 $0xC000, s10;
	s10 =	sadd.s32 $0x10000, s10;
	[dreg:$0x15] =	wrdreg s9  }
0x16: {  	s26 =	sshll.u32 s6, $0x7;
	s6 =	sshll.u32 s6, $0x4;
	[dreg:$0x16] =	wrdreg s14  }
0x17: {  	[dreg:$0x17] =	wrdreg s10;
	s9 =	sadd.s32 s15, s2;
	s5 =	sadd.s32 s8, s5  }
0x18: {  	s3 =	sshll.u32 s13, $0x4;
	s10 =	sadd.s32 s11, s2;
	s8 =	sshll.u32 s16, $0x4  }
0x19: {  	s12 =	sshll.u32 s20, $0x7;
	s18 =	sadd.s32 s26, s2;
	s13 =	simm.s32 $0x300  }
0x1a: {  	s14 =	simm.s32 $0xA80;
	s11 =	simm.s32 $0x1000;
	s15 =	simm.s32 $0x380  }
0x1b: {  	s17 =	sadd.s32 $0x3200, s5;
	s5 =	sadd.s32 $0xD200, s5;
	[dreg:$0xe] =	wrdreg s13  }
0x1c: {  	s16 =	sadd.s32 s12, s2;
	s12 =	simm.s32 $0xA00;
	[dreg:$0xf] =	wrdreg s14  }
0x1d: {  	[dreg:$0x10] =	wrdreg s15;
	s13 =	simm.s32 $0x800;
	s14 =	simm.s32 $0x80  }
0x1e: {  	s15 =	simm.s32 $0x5000;
	s3 =	sadd.s32 s3, s0;
	[dreg:$0x4] =	wrdreg s17  }
0x1f: {  	s21 =	sadd.s32 s8, s0;
	s23 =	sshrl.u32 s9, $0x3;
	[dreg:$0x5] =	wrdreg s5  }
0x20: {  	s24 =	sshrl.u32 s10, $0x3;
	s26 =	sshrl.u32 s18, $0x3;
	[dreg:$0xd] =	wrdreg s12  }
0x21: {  	s8 =	simm.s32 $0x600;
	s9 =	simm.s32 $0xD80;
	[dreg:$0x19] =	wrdreg s3  }
0x22: {  	s10 =	simm.s32 $0x680;
	s18 =	simm.s32 $0xE80;
	[dreg:$0x1a] =	wrdreg s21  }
0x23: {  	s17 =	sshll.u32 s20, $0x4;
	s12 =	simm.s32 $0x3;
	[dreg:$0x1d] =	wrdreg s23  }
0x24: {  	s20 =	sadd.s32 s7, s0;
	s21 =	simm.s32 $0x1;
	[dreg:$0x1e] =	wrdreg s24  }
0x25: {  	s25 =	sshrl.u32 s16, $0x3;
	[smem:$0x7FD] =	sst s26;
	s26 =	simm.s32 $0x2  }
0x26: {  	s3 =	simm.s32 $0xC80;
	s7 =	simm.s32 $0xD00;
	s16 =	simm.s32 $0xE00  }
0x27: {  	s23 =	simm.s32 $0x0;
	[dreg:$0x18] =	wrdreg s20;
	s22 =	sadd.s32 s17, s0  }
0x28: {  	s0 =	sadd.s32 s6, s0;
	[dreg:$0x1f] =	wrdreg s25;
	s6 =	simm.s32 $0x580  }
0x29: {  	s17 =	simm.s32 $0x700;
	s20 =	simm.s32 $0xF00;
	[dreg:$0x1b] =	wrdreg s22  }
0x2a: {  	v0 =	vimm.f32 $0.0e+00;
	[dreg:$0x1c] =	wrdreg s0;
	s0 =	simm.s32 $0x500;
	s22 =	simm.s32 $0xF80  }
.LBB2_1:
0x2b: {  	s24 =	simm.s32 $0x0;
	s25 =	simm.s32 $0x200  }
.LBB2_2:
0x2c: {  	p0 =	sne.s32 s25, $0xFE00;
	[tilespmem:s24+$0x1070] =	vst v0  }
0x2d: {  	[tilespmem:s24+$0x1000] =	vst v0  }
0x2e: {  	[tilespmem:s24+$0x1010] =	vst v0  }
.Ltmp0:
0x2f: {  	[tilespmem:s24+$0x1020] =	vst v0;
	(pc) =	sbr.rel @p0 .LBB2_2-.Ltmp0, $4  }
0x30: {  	[tilespmem:s24+$0x1030] =	vst v0  }
0x31: {  	[tilespmem:s24+$0x1040] =	vst v0  }
0x32: {  	[tilespmem:s24+$0x1050] =	vst v0  }
0x33: {  	[tilespmem:s24+$0x1060] =	vst v0;
	s24 =	sshra.s32 s25, $0x2;
	s25 =	sadd.s32 $0x200, s25  }
0x34: {  	[tilespmem:s24+$0x1070] =	vst v0  }
0x35: {  	[tilespmem:s24+$0x1000] =	vst v0  }
0x36: {  	[tilespmem:s24+$0x1010] =	vst v0  }
0x37: {  	[tilespmem:s24+$0x1020] =	vst v0  }
0x38: {  	[tilespmem:s24+$0x1030] =	vst v0  }
0x39: {  	[tilespmem:s24+$0x1040] =	vst v0  }
0x3a: {  	[smem:$0x7FC] =	sst s23;
	[tilespmem:s24+$0x1050] =	vst v0  }
0x3b: {  	[tilespmem:s24+$0x1060] =	vst v0;
	s5 =	rddreg [dreg:$0x12]  }
0x3c: {  	[spmem:s5] =	stream.linear.scatter [tilespmem:s11], [sflag:$0x3], $0x4000, $0x38;
	[tilespmem:$0x1D000] =	vst v63  }
0x3d: {  	_ =	swait.ge [sflag:s12], $0x4000  }
0x3e: {  	[sflag:s12] =	ssyncset.done $0x0  }
0x3f: {  	s23 =	rddreg [dreg:$0x14];
	[sflag:s12] =	ssyncadd.s32 $0xFFFFC000  }
0x40: {  	[spmem:s23] =	stream.linear.scatter [tilespmem:s11], [sflag:$0x3], $0x4000, $0x38;
	[tilespmem:$0x1D000] =	vst v63  }
0x41: {  	_ =	swait.ge [sflag:s12], $0x4000  }
0x42: {  	[sflag:s12] =	ssyncset.done $0x0  }
0x43: {  	s24 =	rddreg [dreg:$0x15];
	[sflag:s12] =	ssyncadd.s32 $0xFFFFC000  }
0x44: {  	[spmem:s24] =	stream.linear.scatter [tilespmem:s11], [sflag:$0x3], $0x4000, $0x38;
	[tilespmem:$0x1D000] =	vst v63  }
0x45: {  	_ =	swait.ge [sflag:s12], $0x4000  }
0x46: {  	[sflag:s12] =	ssyncset.done $0x0  }
0x47: {  	s25 =	rddreg [dreg:$0x16];
	[sflag:s12] =	ssyncadd.s32 $0xFFFFC000  }
0x48: {  	[spmem:s25] =	stream.linear.scatter [tilespmem:s11], [sflag:$0x3], $0x4000, $0x38;
	[tilespmem:$0x1D000] =	vst v63  }
0x49: {  	_ =	swait.ge [sflag:s12], $0x4000  }
0x4a: {  	[sflag:s12] =	ssyncset.done $0x0  }
0x4b: {  	s23 =	rddreg [dreg:$0x17];
	[sflag:s12] =	ssyncadd.s32 $0xFFFFC000  }
0x4c: {  	[spmem:s23] =	stream.linear.scatter [tilespmem:s11], [sflag:$0x3], $0x4000, $0x38;
	[tilespmem:$0x1D000] =	vst v63  }
0x4d: {  	_ =	swait.ge [sflag:s12], $0x4000  }
0x4e: {  	[sflag:s12] =	ssyncset.done $0x0  }
0x4f: {  	[sflag:s12] =	ssyncadd.s32 $0xFFFFC000  }
0x50: {  	[bflag:$0x0] =	sbarrier.arrive $0xFFFF  }
0x51: {  	s24 =	rddreg [dreg:$0x5]  }
0x52: {  	s5 =	sadd.s32 $0x0, s24  }
0x53: {  	[tilespmem:s4], [sflag:$0x3] =	stream.linear.gather [hbm4b:s5+s4], $0x800, $0x38;
	[tilespmem:$0x1D000] =	vst v63  }
0x54: {  	_ =	swait.ge [sflag:s12], $0x800  }
0x55: {  	s25 =	rddreg [dreg:$0x4];
	[sflag:s12] =	ssyncset.done $0x0  }
0x56: {  	[sflag:s12] =	ssyncadd.s32 $0xFFFFF800;
	s5 =	sadd.s32 $0x0, s25  }
0x57: {  	[tilespmem:s13], [sflag:$0x3] =	stream.linear.gather [hbm4b:s5+s4], $0x800, $0x38;
	[tilespmem:$0x1D000] =	vst v63  }
0x58: {  	_ =	swait.ge [sflag:s12], $0x800  }
0x59: {  	[sflag:s12] =	ssyncset.done $0x0  }
0x5a: {  	[sflag:s12] =	ssyncadd.s32 $0xFFFFF800  }
0x5b: {  	[tilespmem:s11], [sflag:$0x1] =	stream.indirect.gather [hbm4b:s1+s14], $0x80, s4, s14, $0xb8;
	[tilespmem:$0x1D000] =	vst v63  }
0x5c: {  	_ = 	snop  }
0x5d: {  	[tilespmem:s15], [sflag:$0x2] =	stream.indirect.gather [hbm4b:s1+s14], $0x80, s14, s14, $0xb8;
	[tilespmem:$0x1D000] =	vst v63  }
0x5e: {  	_ =	swait.ge [sflag:s21], $0x4000  }
0x5f: {  	[sflag:s21] =	ssyncset.done $0x0  }
0x60: {  	[sflag:s21] =	ssyncadd.s32 $0xFFFFC000  }
0x61: {  	[spmem:s2] =	stream.indirect.scatter.add.f32 [tilespmem:s11], [sflag:$0x3], $0x80, s13, s14, $0xb8;
	[tilespmem:$0x1D000] =	vst v63  }
0x62: {  	_ =	swait.ge [sflag:s12], $0x4000  }
0x63: {  	[sflag:s12] =	ssyncset.done $0x0  }
0x64: {  	s23 =	rddreg [dreg:$0x6];
	[sflag:s12] =	ssyncadd.s32 $0xFFFFC000  }
0x65: {  	[tilespmem:s11], [sflag:$0x1] =	stream.indirect.gather [hbm4b:s1+s14], $0x80, s23, s14, $0xb8;
	[tilespmem:$0x1D000] =	vst v63  }
0x66: {  	_ =	swait.ge [sflag:s26], $0x4000  }
0x67: {  	[sflag:s26] =	ssyncset.done $0x0  }
0x68: {  	s24 =	rddreg [dreg:$0x7];
	[sflag:s26] =	ssyncadd.s32 $0xFFFFC000  }
0x69: {  	[spmem:s2] =	stream.indirect.scatter.add.f32 [tilespmem:s15], [sflag:$0x3], $0x80, s24, s14, $0xb8;
	[tilespmem:$0x1D000] =	vst v63  }
0x6a: {  	_ =	swait.ge [sflag:s12], $0x4000  }
0x6b: {  	[sflag:s12] =	ssyncset.done $0x0  }
0x6c: {  	s25 =	rddreg [dreg:$0x8];
	[sflag:s12] =	ssyncadd.s32 $0xFFFFC000  }
0x6d: {  	[tilespmem:s15], [sflag:$0x2] =	stream.indirect.gather [hbm4b:s1+s14], $0x80, s25, s14, $0xb8;
	[tilespmem:$0x1D000] =	vst v63  }
0x6e: {  	_ =	swait.ge [sflag:s21], $0x4000  }
0x6f: {  	[sflag:s21] =	ssyncset.done $0x0  }
0x70: {  	s23 =	rddreg [dreg:$0x9];
	[sflag:s21] =	ssyncadd.s32 $0xFFFFC000  }
0x71: {  	[spmem:s2] =	stream.indirect.scatter.add.f32 [tilespmem:s11], [sflag:$0x3], $0x80, s23, s14, $0xb8;
	[tilespmem:$0x1D000] =	vst v63  }
0x72: {  	_ =	swait.ge [sflag:s12], $0x4000  }
0x73: {  	[sflag:s12] =	ssyncset.done $0x0  }
0x74: {  	s24 =	rddreg [dreg:$0xa];
	[sflag:s12] =	ssyncadd.s32 $0xFFFFC000  }
0x75: {  	[tilespmem:s11], [sflag:$0x1] =	stream.indirect.gather [hbm4b:s1+s14], $0x80, s24, s14, $0xb8;
	[tilespmem:$0x1D000] =	vst v63  }
0x76: {  	_ =	swait.ge [sflag:s26], $0x4000  }
0x77: {  	[sflag:s26] =	ssyncset.done $0x0  }
0x78: {  	s25 =	rddreg [dreg:$0xb];
	[sflag:s26] =	ssyncadd.s32 $0xFFFFC000  }
0x79: {  	[spmem:s2] =	stream.indirect.scatter.add.f32 [tilespmem:s15], [sflag:$0x3], $0x80, s25, s14, $0xb8;
	[tilespmem:$0x1D000] =	vst v63  }
0x7a: {  	_ =	swait.ge [sflag:s12], $0x4000  }
0x7b: {  	[sflag:s12] =	ssyncset.done $0x0  }
0x7c: {  	s23 =	rddreg [dreg:$0xc];
	[sflag:s12] =	ssyncadd.s32 $0xFFFFC000  }
0x7d: {  	[tilespmem:s15], [sflag:$0x2] =	stream.indirect.gather [hbm4b:s1+s14], $0x80, s23, s14, $0xb8;
	[tilespmem:$0x1D000] =	vst v63  }
0x7e: {  	_ =	swait.ge [sflag:s21], $0x4000  }
0x7f: {  	[sflag:s21] =	ssyncset.done $0x0  }
0x80: {  	s24 =	rddreg [dreg:$0xd];
	[sflag:s21] =	ssyncadd.s32 $0xFFFFC000  }
0x81: {  	[spmem:s2] =	stream.indirect.scatter.add.f32 [tilespmem:s11], [sflag:$0x3], $0x80, s24, s14, $0xb8;
	[tilespmem:$0x1D000] =	vst v63  }
0x82: {  	_ =	swait.ge [sflag:s12], $0x4000  }
0x83: {  	[sflag:s12] =	ssyncset.done $0x0  }
0x84: {  	s25 =	rddreg [dreg:$0xe];
	[sflag:s12] =	ssyncadd.s32 $0xFFFFC000  }
0x85: {  	[tilespmem:s11], [sflag:$0x1] =	stream.indirect.gather [hbm4b:s1+s14], $0x80, s25, s14, $0xb8;
	[tilespmem:$0x1D000] =	vst v63  }
0x86: {  	_ =	swait.ge [sflag:s26], $0x4000  }
0x87: {  	[sflag:s26] =	ssyncset.done $0x0  }
0x88: {  	s23 =	rddreg [dreg:$0xf];
	[sflag:s26] =	ssyncadd.s32 $0xFFFFC000  }
0x89: {  	[spmem:s2] =	stream.indirect.scatter.add.f32 [tilespmem:s15], [sflag:$0x3], $0x80, s23, s14, $0xb8;
	[tilespmem:$0x1D000] =	vst v63  }
0x8a: {  	_ =	swait.ge [sflag:s12], $0x4000  }
0x8b: {  	[sflag:s12] =	ssyncset.done $0x0  }
0x8c: {  	s24 =	rddreg [dreg:$0x10];
	[sflag:s12] =	ssyncadd.s32 $0xFFFFC000  }
0x8d: {  	[tilespmem:s15], [sflag:$0x2] =	stream.indirect.gather [hbm4b:s1+s14], $0x80, s24, s14, $0xb8;
	[tilespmem:$0x1D000] =	vst v63  }
0x8e: {  	_ =	swait.ge [sflag:s21], $0x4000  }
0x8f: {  	[sflag:s21] =	ssyncset.done $0x0  }
0x90: {  	s25 =	rddreg [dreg:$0x11];
	[sflag:s21] =	ssyncadd.s32 $0xFFFFC000  }
0x91: {  	[spmem:s2] =	stream.indirect.scatter.add.f32 [tilespmem:s11], [sflag:$0x3], $0x80, s25, s14, $0xb8;
	[tilespmem:$0x1D000] =	vst v63  }
0x92: {  	_ =	swait.ge [sflag:s12], $0x4000  }
0x93: {  	[sflag:s12] =	ssyncset.done $0x0  }
0x94: {  	[sflag:s12] =	ssyncadd.s32 $0xFFFFC000  }
0x95: {  	[tilespmem:s11], [sflag:$0x1] =	stream.indirect.gather [hbm4b:s1+s14], $0x80, s28, s14, $0xb8;
	[tilespmem:$0x1D000] =	vst v63  }
0x96: {  	_ =	swait.ge [sflag:s26], $0x4000  }
0x97: {  	[sflag:s26] =	ssyncset.done $0x0  }
0x98: {  	[sflag:s26] =	ssyncadd.s32 $0xFFFFC000  }
0x99: {  	[spmem:s2] =	stream.indirect.scatter.add.f32 [tilespmem:s15], [sflag:$0x3], $0x80, s29, s14, $0xb8;
	[tilespmem:$0x1D000] =	vst v63  }
0x9a: {  	_ =	swait.ge [sflag:s12], $0x4000  }
0x9b: {  	[sflag:s12] =	ssyncset.done $0x0  }
0x9c: {  	[sflag:s12] =	ssyncadd.s32 $0xFFFFC000  }
0x9d: {  	[tilespmem:s15], [sflag:$0x2] =	stream.indirect.gather [hbm4b:s1+s14], $0x80, s30, s14, $0xb8;
	[tilespmem:$0x1D000] =	vst v63  }
0x9e: {  	_ =	swait.ge [sflag:s21], $0x4000  }
0x9f: {  	[sflag:s21] =	ssyncset.done $0x0  }
0xa0: {  	[sflag:s21] =	ssyncadd.s32 $0xFFFFC000  }
0xa1: {  	[spmem:s2] =	stream.indirect.scatter.add.f32 [tilespmem:s11], [sflag:$0x3], $0x80, s31, s14, $0xb8;
	[tilespmem:$0x1D000] =	vst v63  }
0xa2: {  	_ =	swait.ge [sflag:s12], $0x4000  }
0xa3: {  	[sflag:s12] =	ssyncset.done $0x0  }
0xa4: {  	[sflag:s12] =	ssyncadd.s32 $0xFFFFC000  }
0xa5: {  	[tilespmem:s11], [sflag:$0x1] =	stream.indirect.gather [hbm4b:s1+s14], $0x80, s0, s14, $0xb8;
	[tilespmem:$0x1D000] =	vst v63  }
0xa6: {  	_ =	swait.ge [sflag:s26], $0x4000  }
0xa7: {  	[sflag:s26] =	ssyncset.done $0x0  }
0xa8: {  	[sflag:s26] =	ssyncadd.s32 $0xFFFFC000  }
0xa9: {  	[spmem:s2] =	stream.indirect.scatter.add.f32 [tilespmem:s15], [sflag:$0x3], $0x80, s3, s14, $0xb8;
	[tilespmem:$0x1D000] =	vst v63  }
0xaa: {  	_ =	swait.ge [sflag:s12], $0x4000  }
0xab: {  	[sflag:s12] =	ssyncset.done $0x0  }
0xac: {  	[sflag:s12] =	ssyncadd.s32 $0xFFFFC000  }
0xad: {  	[tilespmem:s15], [sflag:$0x2] =	stream.indirect.gather [hbm4b:s1+s14], $0x80, s6, s14, $0xb8;
	[tilespmem:$0x1D000] =	vst v63  }
0xae: {  	_ =	swait.ge [sflag:s21], $0x4000  }
0xaf: {  	[sflag:s21] =	ssyncset.done $0x0  }
0xb0: {  	[sflag:s21] =	ssyncadd.s32 $0xFFFFC000  }
0xb1: {  	[spmem:s2] =	stream.indirect.scatter.add.f32 [tilespmem:s11], [sflag:$0x3], $0x80, s7, s14, $0xb8;
	[tilespmem:$0x1D000] =	vst v63  }
0xb2: {  	_ =	swait.ge [sflag:s12], $0x4000  }
0xb3: {  	[sflag:s12] =	ssyncset.done $0x0  }
0xb4: {  	[sflag:s12] =	ssyncadd.s32 $0xFFFFC000  }
0xb5: {  	[tilespmem:s11], [sflag:$0x1] =	stream.indirect.gather [hbm4b:s1+s14], $0x80, s8, s14, $0xb8;
	[tilespmem:$0x1D000] =	vst v63  }
0xb6: {  	_ =	swait.ge [sflag:s26], $0x4000  }
0xb7: {  	[sflag:s26] =	ssyncset.done $0x0  }
0xb8: {  	[sflag:s26] =	ssyncadd.s32 $0xFFFFC000  }
0xb9: {  	[spmem:s2] =	stream.indirect.scatter.add.f32 [tilespmem:s15], [sflag:$0x3], $0x80, s9, s14, $0xb8;
	[tilespmem:$0x1D000] =	vst v63  }
0xba: {  	_ =	swait.ge [sflag:s12], $0x4000  }
0xbb: {  	[sflag:s12] =	ssyncset.done $0x0  }
0xbc: {  	[sflag:s12] =	ssyncadd.s32 $0xFFFFC000  }
0xbd: {  	[tilespmem:s15], [sflag:$0x2] =	stream.indirect.gather [hbm4b:s1+s14], $0x80, s10, s14, $0xb8;
	[tilespmem:$0x1D000] =	vst v63  }
0xbe: {  	_ =	swait.ge [sflag:s21], $0x4000  }
0xbf: {  	[sflag:s21] =	ssyncset.done $0x0  }
0xc0: {  	[sflag:s21] =	ssyncadd.s32 $0xFFFFC000  }
0xc1: {  	[spmem:s2] =	stream.indirect.scatter.add.f32 [tilespmem:s11], [sflag:$0x3], $0x80, s16, s14, $0xb8;
	[tilespmem:$0x1D000] =	vst v63  }
0xc2: {  	_ =	swait.ge [sflag:s12], $0x4000  }
0xc3: {  	[sflag:s12] =	ssyncset.done $0x0  }
0xc4: {  	[sflag:s12] =	ssyncadd.s32 $0xFFFFC000  }
0xc5: {  	[tilespmem:s11], [sflag:$0x1] =	stream.indirect.gather [hbm4b:s1+s14], $0x80, s17, s14, $0xb8;
	[tilespmem:$0x1D000] =	vst v63  }
0xc6: {  	_ =	swait.ge [sflag:s26], $0x4000  }
0xc7: {  	[sflag:s26] =	ssyncset.done $0x0  }
0xc8: {  	[sflag:s26] =	ssyncadd.s32 $0xFFFFC000  }
0xc9: {  	[spmem:s2] =	stream.indirect.scatter.add.f32 [tilespmem:s15], [sflag:$0x3], $0x80, s18, s14, $0xb8;
	[tilespmem:$0x1D000] =	vst v63  }
0xca: {  	_ =	swait.ge [sflag:s12], $0x4000  }
0xcb: {  	[sflag:s12] =	ssyncset.done $0x0  }
0xcc: {  	[sflag:s12] =	ssyncadd.s32 $0xFFFFC000  }
0xcd: {  	[tilespmem:s15], [sflag:$0x2] =	stream.indirect.gather [hbm4b:s1+s14], $0x80, s19, s14, $0xb8;
	[tilespmem:$0x1D000] =	vst v63  }
0xce: {  	_ =	swait.ge [sflag:s21], $0x4000  }
0xcf: {  	[sflag:s21] =	ssyncset.done $0x0  }
0xd0: {  	[sflag:s21] =	ssyncadd.s32 $0xFFFFC000  }
0xd1: {  	[spmem:s2] =	stream.indirect.scatter.add.f32 [tilespmem:s11], [sflag:$0x3], $0x80, s20, s14, $0xb8;
	[tilespmem:$0x1D000] =	vst v63  }
0xd2: {  	_ =	swait.ge [sflag:s12], $0x4000  }
0xd3: {  	[sflag:s12] =	ssyncset.done $0x0  }
0xd4: {  	[sflag:s12] =	ssyncadd.s32 $0xFFFFC000  }
0xd5: {  	_ =	swait.ge [sflag:s26], $0x4000  }
0xd6: {  	[sflag:s26] =	ssyncset.done $0x0  }
0xd7: {  	[sflag:s26] =	ssyncadd.s32 $0xFFFFC000  }
0xd8: {  	[spmem:s2] =	stream.indirect.scatter.add.f32 [tilespmem:s15], [sflag:$0x3], $0x80, s22, s14, $0xb8;
	[tilespmem:$0x1D000] =	vst v63  }
0xd9: {  	s24 =	simm.s32 $0x100;
	_ =	swait.ge [sflag:s12], $0x4000  }
0xda: {  	s25 =	simm.s32 $0x200;
	s5 =	rddreg [dreg:$0x5];
	[sflag:s12] =	ssyncset.done $0x0  }
.LBB2_4:
0xdb: {  	[sflag:s12] =	ssyncadd.s32 $0xFFFFC000;
	s5 =	sadd.s32 s24, s5  }
0xdc: {  	[tilespmem:s4], [sflag:$0x3] =	stream.linear.gather [hbm4b:s5+s4], $0x800, $0x38;
	[tilespmem:$0x1D000] =	vst v63  }
0xdd: {  	_ =	swait.ge [sflag:s12], $0x800  }
0xde: {  	s5 =	rddreg [dreg:$0x4];
	[sflag:s12] =	ssyncset.done $0x0  }
0xdf: {  	[sflag:s12] =	ssyncadd.s32 $0xFFFFF800;
	s5 =	sadd.s32 s24, s5  }
0xe0: {  	[tilespmem:s13], [sflag:$0x3] =	stream.linear.gather [hbm4b:s5+s4], $0x800, $0x38;
	[tilespmem:$0x1D000] =	vst v63  }
0xe1: {  	_ =	swait.ge [sflag:s12], $0x800  }
0xe2: {  	[sflag:s12] =	ssyncset.done $0x0  }
0xe3: {  	[sflag:s12] =	ssyncadd.s32 $0xFFFFF800  }
0xe4: {  	[tilespmem:s11], [sflag:$0x1] =	stream.indirect.gather [hbm4b:s1+s14], $0x80, s4, s14, $0xb8;
	[tilespmem:$0x1D000] =	vst v63  }
0xe5: {  	_ = 	snop  }
0xe6: {  	[tilespmem:s15], [sflag:$0x2] =	stream.indirect.gather [hbm4b:s1+s14], $0x80, s14, s14, $0xb8;
	[tilespmem:$0x1D000] =	vst v63  }
0xe7: {  	_ =	swait.ge [sflag:s21], $0x4000  }
0xe8: {  	[sflag:s21] =	ssyncset.done $0x0  }
0xe9: {  	[sflag:s21] =	ssyncadd.s32 $0xFFFFC000  }
0xea: {  	[spmem:s2] =	stream.indirect.scatter.add.f32 [tilespmem:s11], [sflag:$0x3], $0x80, s13, s14, $0xb8;
	[tilespmem:$0x1D000] =	vst v63  }
0xeb: {  	_ =	swait.ge [sflag:s12], $0x4000  }
0xec: {  	s23 =	smov.u32 s25;
	[sflag:s12] =	ssyncset.done $0x0  }
0xed: {  	s24 =	smov.u32 s23;
	s23 =	rddreg [dreg:$0x6];
	[sflag:s12] =	ssyncadd.s32 $0xFFFFC000  }
0xee: {  	[tilespmem:s11], [sflag:$0x1] =	stream.indirect.gather [hbm4b:s1+s14], $0x80, s23, s14, $0xb8;
	[tilespmem:$0x1D000] =	vst v63  }
0xef: {  	_ =	swait.ge [sflag:s26], $0x4000  }
0xf0: {  	[sflag:s26] =	ssyncset.done $0x0  }
0xf1: {  	s23 =	rddreg [dreg:$0x7];
	[sflag:s26] =	ssyncadd.s32 $0xFFFFC000  }
0xf2: {  	[spmem:s2] =	stream.indirect.scatter.add.f32 [tilespmem:s15], [sflag:$0x3], $0x80, s23, s14, $0xb8;
	[tilespmem:$0x1D000] =	vst v63  }
0xf3: {  	_ =	swait.ge [sflag:s12], $0x4000  }
0xf4: {  	[sflag:s12] =	ssyncset.done $0x0  }
0xf5: {  	s23 =	rddreg [dreg:$0x8];
	[sflag:s12] =	ssyncadd.s32 $0xFFFFC000  }
0xf6: {  	[tilespmem:s15], [sflag:$0x2] =	stream.indirect.gather [hbm4b:s1+s14], $0x80, s23, s14, $0xb8;
	[tilespmem:$0x1D000] =	vst v63  }
0xf7: {  	_ =	swait.ge [sflag:s21], $0x4000  }
0xf8: {  	[sflag:s21] =	ssyncset.done $0x0  }
0xf9: {  	s23 =	rddreg [dreg:$0x9];
	[sflag:s21] =	ssyncadd.s32 $0xFFFFC000  }
0xfa: {  	[spmem:s2] =	stream.indirect.scatter.add.f32 [tilespmem:s11], [sflag:$0x3], $0x80, s23, s14, $0xb8;
	[tilespmem:$0x1D000] =	vst v63  }
0xfb: {  	_ =	swait.ge [sflag:s12], $0x4000  }
0xfc: {  	[sflag:s12] =	ssyncset.done $0x0  }
0xfd: {  	s23 =	rddreg [dreg:$0xa];
	[sflag:s12] =	ssyncadd.s32 $0xFFFFC000  }
0xfe: {  	[tilespmem:s11], [sflag:$0x1] =	stream.indirect.gather [hbm4b:s1+s14], $0x80, s23, s14, $0xb8;
	[tilespmem:$0x1D000] =	vst v63  }
0xff: {  	_ =	swait.ge [sflag:s26], $0x4000  }
0x100: {  	[sflag:s26] =	ssyncset.done $0x0  }
0x101: {  	s23 =	rddreg [dreg:$0xb];
	[sflag:s26] =	ssyncadd.s32 $0xFFFFC000  }
0x102: {  	[spmem:s2] =	stream.indirect.scatter.add.f32 [tilespmem:s15], [sflag:$0x3], $0x80, s23, s14, $0xb8;
	[tilespmem:$0x1D000] =	vst v63  }
0x103: {  	_ =	swait.ge [sflag:s12], $0x4000  }
0x104: {  	[sflag:s12] =	ssyncset.done $0x0  }
0x105: {  	s23 =	rddreg [dreg:$0xc];
	[sflag:s12] =	ssyncadd.s32 $0xFFFFC000  }
0x106: {  	[tilespmem:s15], [sflag:$0x2] =	stream.indirect.gather [hbm4b:s1+s14], $0x80, s23, s14, $0xb8;
	[tilespmem:$0x1D000] =	vst v63  }
0x107: {  	_ =	swait.ge [sflag:s21], $0x4000  }
0x108: {  	[sflag:s21] =	ssyncset.done $0x0  }
0x109: {  	s23 =	rddreg [dreg:$0xd];
	[sflag:s21] =	ssyncadd.s32 $0xFFFFC000  }
0x10a: {  	[spmem:s2] =	stream.indirect.scatter.add.f32 [tilespmem:s11], [sflag:$0x3], $0x80, s23, s14, $0xb8;
	[tilespmem:$0x1D000] =	vst v63  }
0x10b: {  	_ =	swait.ge [sflag:s12], $0x4000  }
0x10c: {  	[sflag:s12] =	ssyncset.done $0x0  }
0x10d: {  	s23 =	rddreg [dreg:$0xe];
	[sflag:s12] =	ssyncadd.s32 $0xFFFFC000  }
0x10e: {  	[tilespmem:s11], [sflag:$0x1] =	stream.indirect.gather [hbm4b:s1+s14], $0x80, s23, s14, $0xb8;
	[tilespmem:$0x1D000] =	vst v63  }
0x10f: {  	_ =	swait.ge [sflag:s26], $0x4000  }
0x110: {  	[sflag:s26] =	ssyncset.done $0x0  }
0x111: {  	s23 =	rddreg [dreg:$0xf];
	[sflag:s26] =	ssyncadd.s32 $0xFFFFC000  }
0x112: {  	[spmem:s2] =	stream.indirect.scatter.add.f32 [tilespmem:s15], [sflag:$0x3], $0x80, s23, s14, $0xb8;
	[tilespmem:$0x1D000] =	vst v63  }
0x113: {  	_ =	swait.ge [sflag:s12], $0x4000  }
0x114: {  	[sflag:s12] =	ssyncset.done $0x0  }
0x115: {  	s23 =	rddreg [dreg:$0x10];
	[sflag:s12] =	ssyncadd.s32 $0xFFFFC000  }
0x116: {  	[tilespmem:s15], [sflag:$0x2] =	stream.indirect.gather [hbm4b:s1+s14], $0x80, s23, s14, $0xb8;
	[tilespmem:$0x1D000] =	vst v63  }
0x117: {  	_ =	swait.ge [sflag:s21], $0x4000  }
0x118: {  	[sflag:s21] =	ssyncset.done $0x0  }
0x119: {  	s23 =	rddreg [dreg:$0x11];
	[sflag:s21] =	ssyncadd.s32 $0xFFFFC000  }
0x11a: {  	[spmem:s2] =	stream.indirect.scatter.add.f32 [tilespmem:s11], [sflag:$0x3], $0x80, s23, s14, $0xb8;
	[tilespmem:$0x1D000] =	vst v63  }
0x11b: {  	_ =	swait.ge [sflag:s12], $0x4000  }
0x11c: {  	[sflag:s12] =	ssyncset.done $0x0  }
0x11d: {  	[sflag:s12] =	ssyncadd.s32 $0xFFFFC000  }
0x11e: {  	[tilespmem:s11], [sflag:$0x1] =	stream.indirect.gather [hbm4b:s1+s14], $0x80, s28, s14, $0xb8;
	[tilespmem:$0x1D000] =	vst v63  }
0x11f: {  	_ =	swait.ge [sflag:s26], $0x4000  }
0x120: {  	[sflag:s26] =	ssyncset.done $0x0  }
0x121: {  	[sflag:s26] =	ssyncadd.s32 $0xFFFFC000  }
0x122: {  	[spmem:s2] =	stream.indirect.scatter.add.f32 [tilespmem:s15], [sflag:$0x3], $0x80, s29, s14, $0xb8;
	[tilespmem:$0x1D000] =	vst v63  }
0x123: {  	_ =	swait.ge [sflag:s12], $0x4000  }
0x124: {  	[sflag:s12] =	ssyncset.done $0x0  }
0x125: {  	[sflag:s12] =	ssyncadd.s32 $0xFFFFC000  }
0x126: {  	[tilespmem:s15], [sflag:$0x2] =	stream.indirect.gather [hbm4b:s1+s14], $0x80, s30, s14, $0xb8;
	[tilespmem:$0x1D000] =	vst v63  }
0x127: {  	_ =	swait.ge [sflag:s21], $0x4000  }
0x128: {  	[sflag:s21] =	ssyncset.done $0x0  }
0x129: {  	[sflag:s21] =	ssyncadd.s32 $0xFFFFC000  }
0x12a: {  	[spmem:s2] =	stream.indirect.scatter.add.f32 [tilespmem:s11], [sflag:$0x3], $0x80, s31, s14, $0xb8;
	[tilespmem:$0x1D000] =	vst v63  }
0x12b: {  	_ =	swait.ge [sflag:s12], $0x4000  }
0x12c: {  	[sflag:s12] =	ssyncset.done $0x0  }
0x12d: {  	[sflag:s12] =	ssyncadd.s32 $0xFFFFC000  }
0x12e: {  	[tilespmem:s11], [sflag:$0x1] =	stream.indirect.gather [hbm4b:s1+s14], $0x80, s0, s14, $0xb8;
	[tilespmem:$0x1D000] =	vst v63  }
0x12f: {  	_ =	swait.ge [sflag:s26], $0x4000  }
0x130: {  	[sflag:s26] =	ssyncset.done $0x0  }
0x131: {  	[sflag:s26] =	ssyncadd.s32 $0xFFFFC000  }
0x132: {  	[spmem:s2] =	stream.indirect.scatter.add.f32 [tilespmem:s15], [sflag:$0x3], $0x80, s3, s14, $0xb8;
	[tilespmem:$0x1D000] =	vst v63  }
0x133: {  	_ =	swait.ge [sflag:s12], $0x4000  }
0x134: {  	[sflag:s12] =	ssyncset.done $0x0  }
0x135: {  	[sflag:s12] =	ssyncadd.s32 $0xFFFFC000  }
0x136: {  	[tilespmem:s15], [sflag:$0x2] =	stream.indirect.gather [hbm4b:s1+s14], $0x80, s6, s14, $0xb8;
	[tilespmem:$0x1D000] =	vst v63  }
0x137: {  	_ =	swait.ge [sflag:s21], $0x4000  }
0x138: {  	[sflag:s21] =	ssyncset.done $0x0  }
0x139: {  	[sflag:s21] =	ssyncadd.s32 $0xFFFFC000  }
0x13a: {  	[spmem:s2] =	stream.indirect.scatter.add.f32 [tilespmem:s11], [sflag:$0x3], $0x80, s7, s14, $0xb8;
	[tilespmem:$0x1D000] =	vst v63  }
0x13b: {  	_ =	swait.ge [sflag:s12], $0x4000  }
0x13c: {  	[sflag:s12] =	ssyncset.done $0x0  }
0x13d: {  	[sflag:s12] =	ssyncadd.s32 $0xFFFFC000  }
0x13e: {  	[tilespmem:s11], [sflag:$0x1] =	stream.indirect.gather [hbm4b:s1+s14], $0x80, s8, s14, $0xb8;
	[tilespmem:$0x1D000] =	vst v63  }
0x13f: {  	_ =	swait.ge [sflag:s26], $0x4000  }
0x140: {  	[sflag:s26] =	ssyncset.done $0x0  }
0x141: {  	[sflag:s26] =	ssyncadd.s32 $0xFFFFC000  }
0x142: {  	[spmem:s2] =	stream.indirect.scatter.add.f32 [tilespmem:s15], [sflag:$0x3], $0x80, s9, s14, $0xb8;
	[tilespmem:$0x1D000] =	vst v63  }
0x143: {  	_ =	swait.ge [sflag:s12], $0x4000  }
0x144: {  	[sflag:s12] =	ssyncset.done $0x0  }
0x145: {  	[sflag:s12] =	ssyncadd.s32 $0xFFFFC000  }
0x146: {  	[tilespmem:s15], [sflag:$0x2] =	stream.indirect.gather [hbm4b:s1+s14], $0x80, s10, s14, $0xb8;
	[tilespmem:$0x1D000] =	vst v63  }
0x147: {  	_ =	swait.ge [sflag:s21], $0x4000  }
0x148: {  	[sflag:s21] =	ssyncset.done $0x0  }
0x149: {  	[sflag:s21] =	ssyncadd.s32 $0xFFFFC000  }
0x14a: {  	[spmem:s2] =	stream.indirect.scatter.add.f32 [tilespmem:s11], [sflag:$0x3], $0x80, s16, s14, $0xb8;
	[tilespmem:$0x1D000] =	vst v63  }
0x14b: {  	_ =	swait.ge [sflag:s12], $0x4000  }
0x14c: {  	[sflag:s12] =	ssyncset.done $0x0  }
0x14d: {  	[sflag:s12] =	ssyncadd.s32 $0xFFFFC000  }
0x14e: {  	[tilespmem:s11], [sflag:$0x1] =	stream.indirect.gather [hbm4b:s1+s14], $0x80, s17, s14, $0xb8;
	[tilespmem:$0x1D000] =	vst v63  }
0x14f: {  	_ =	swait.ge [sflag:s26], $0x4000  }
0x150: {  	[sflag:s26] =	ssyncset.done $0x0  }
0x151: {  	[sflag:s26] =	ssyncadd.s32 $0xFFFFC000  }
0x152: {  	[spmem:s2] =	stream.indirect.scatter.add.f32 [tilespmem:s15], [sflag:$0x3], $0x80, s18, s14, $0xb8;
	[tilespmem:$0x1D000] =	vst v63  }
0x153: {  	_ =	swait.ge [sflag:s12], $0x4000  }
0x154: {  	[sflag:s12] =	ssyncset.done $0x0  }
0x155: {  	[sflag:s12] =	ssyncadd.s32 $0xFFFFC000  }
0x156: {  	[tilespmem:s15], [sflag:$0x2] =	stream.indirect.gather [hbm4b:s1+s14], $0x80, s19, s14, $0xb8;
	[tilespmem:$0x1D000] =	vst v63  }
0x157: {  	_ =	swait.ge [sflag:s21], $0x4000  }
0x158: {  	[sflag:s21] =	ssyncset.done $0x0  }
0x159: {  	[sflag:s21] =	ssyncadd.s32 $0xFFFFC000  }
0x15a: {  	[spmem:s2] =	stream.indirect.scatter.add.f32 [tilespmem:s11], [sflag:$0x3], $0x80, s20, s14, $0xb8;
	[tilespmem:$0x1D000] =	vst v63  }
0x15b: {  	_ =	swait.ge [sflag:s12], $0x4000  }
0x15c: {  	[sflag:s12] =	ssyncset.done $0x0  }
0x15d: {  	[sflag:s12] =	ssyncadd.s32 $0xFFFFC000  }
0x15e: {  	p0 =	sne.s32 s25, $0x400;
	_ =	swait.ge [sflag:s26], $0x4000  }
.Ltmp1:
0x15f: {  	[sflag:s26] =	ssyncset.done $0x0;
	(pc) =	sbr.rel @p0 .LBB2_4-.Ltmp1, $4  }
0x160: {  	[sflag:s26] =	ssyncadd.s32 $0xFFFFC000  }
0x161: {  	[spmem:s2] =	stream.indirect.scatter.add.f32 [tilespmem:s15], [sflag:$0x3], $0x80, s22, s14, $0xb8;
	[tilespmem:$0x1D000] =	vst v63  }
0x162: {  	_ =	swait.ge [sflag:s12], $0x4000  }
0x163: {  	s25 =	sadd.s32 $0x100, s25;
	s5 =	rddreg [dreg:$0x5];
	[sflag:s12] =	ssyncset.done $0x0  }
0x164: {  	[sflag:s12] =	ssyncadd.s32 $0xFFFFC000;
	s5 =	sadd.s32 s24, s5  }
0x165: {  	[tilespmem:s4], [sflag:$0x3] =	stream.linear.gather [hbm4b:s5+s4], $0x800, $0x38;
	[tilespmem:$0x1D000] =	vst v63  }
0x166: {  	_ =	swait.ge [sflag:s12], $0x800  }
0x167: {  	s23 =	rddreg [dreg:$0x4];
	[sflag:s12] =	ssyncset.done $0x0  }
0x168: {  	[sflag:s12] =	ssyncadd.s32 $0xFFFFF800;
	s5 =	sadd.s32 s24, s23  }
0x169: {  	[tilespmem:s13], [sflag:$0x3] =	stream.linear.gather [hbm4b:s5+s4], $0x800, $0x38;
	[tilespmem:$0x1D000] =	vst v63  }
0x16a: {  	_ =	swait.ge [sflag:s12], $0x800  }
0x16b: {  	[sflag:s12] =	ssyncset.done $0x0  }
0x16c: {  	[sflag:s12] =	ssyncadd.s32 $0xFFFFF800  }
0x16d: {  	[tilespmem:s11], [sflag:$0x1] =	stream.indirect.gather [hbm4b:s1+s14], $0x80, s4, s14, $0xb8;
	[tilespmem:$0x1D000] =	vst v63  }
0x16e: {  	_ = 	snop  }
0x16f: {  	[tilespmem:s15], [sflag:$0x2] =	stream.indirect.gather [hbm4b:s1+s14], $0x80, s14, s14, $0xb8;
	[tilespmem:$0x1D000] =	vst v63  }
0x170: {  	_ =	swait.ge [sflag:s21], $0x4000  }
0x171: {  	[sflag:s21] =	ssyncset.done $0x0  }
0x172: {  	[sflag:s21] =	ssyncadd.s32 $0xFFFFC000  }
0x173: {  	[spmem:s2] =	stream.indirect.scatter.add.f32 [tilespmem:s11], [sflag:$0x3], $0x80, s13, s14, $0xb8;
	[tilespmem:$0x1D000] =	vst v63  }
0x174: {  	_ =	swait.ge [sflag:s12], $0x4000  }
0x175: {  	[sflag:s12] =	ssyncset.done $0x0  }
0x176: {  	s24 =	rddreg [dreg:$0x6];
	[sflag:s12] =	ssyncadd.s32 $0xFFFFC000  }
0x177: {  	[tilespmem:s11], [sflag:$0x1] =	stream.indirect.gather [hbm4b:s1+s14], $0x80, s24, s14, $0xb8;
	[tilespmem:$0x1D000] =	vst v63  }
0x178: {  	_ =	swait.ge [sflag:s26], $0x4000  }
0x179: {  	[sflag:s26] =	ssyncset.done $0x0  }
0x17a: {  	s25 =	rddreg [dreg:$0x7];
	[sflag:s26] =	ssyncadd.s32 $0xFFFFC000  }
0x17b: {  	[spmem:s2] =	stream.indirect.scatter.add.f32 [tilespmem:s15], [sflag:$0x3], $0x80, s25, s14, $0xb8;
	[tilespmem:$0x1D000] =	vst v63  }
0x17c: {  	_ =	swait.ge [sflag:s12], $0x4000  }
0x17d: {  	[sflag:s12] =	ssyncset.done $0x0  }
0x17e: {  	s23 =	rddreg [dreg:$0x8];
	[sflag:s12] =	ssyncadd.s32 $0xFFFFC000  }
0x17f: {  	[tilespmem:s15], [sflag:$0x2] =	stream.indirect.gather [hbm4b:s1+s14], $0x80, s23, s14, $0xb8;
	[tilespmem:$0x1D000] =	vst v63  }
0x180: {  	_ =	swait.ge [sflag:s21], $0x4000  }
0x181: {  	[sflag:s21] =	ssyncset.done $0x0  }
0x182: {  	s24 =	rddreg [dreg:$0x9];
	[sflag:s21] =	ssyncadd.s32 $0xFFFFC000  }
0x183: {  	[spmem:s2] =	stream.indirect.scatter.add.f32 [tilespmem:s11], [sflag:$0x3], $0x80, s24, s14, $0xb8;
	[tilespmem:$0x1D000] =	vst v63  }
0x184: {  	_ =	swait.ge [sflag:s12], $0x4000  }
0x185: {  	[sflag:s12] =	ssyncset.done $0x0  }
0x186: {  	s25 =	rddreg [dreg:$0xa];
	[sflag:s12] =	ssyncadd.s32 $0xFFFFC000  }
0x187: {  	[tilespmem:s11], [sflag:$0x1] =	stream.indirect.gather [hbm4b:s1+s14], $0x80, s25, s14, $0xb8;
	[tilespmem:$0x1D000] =	vst v63  }
0x188: {  	_ =	swait.ge [sflag:s26], $0x4000  }
0x189: {  	[sflag:s26] =	ssyncset.done $0x0  }
0x18a: {  	s23 =	rddreg [dreg:$0xb];
	[sflag:s26] =	ssyncadd.s32 $0xFFFFC000  }
0x18b: {  	[spmem:s2] =	stream.indirect.scatter.add.f32 [tilespmem:s15], [sflag:$0x3], $0x80, s23, s14, $0xb8;
	[tilespmem:$0x1D000] =	vst v63  }
0x18c: {  	_ =	swait.ge [sflag:s12], $0x4000  }
0x18d: {  	[sflag:s12] =	ssyncset.done $0x0  }
0x18e: {  	s24 =	rddreg [dreg:$0xc];
	[sflag:s12] =	ssyncadd.s32 $0xFFFFC000  }
0x18f: {  	[tilespmem:s15], [sflag:$0x2] =	stream.indirect.gather [hbm4b:s1+s14], $0x80, s24, s14, $0xb8;
	[tilespmem:$0x1D000] =	vst v63  }
0x190: {  	_ =	swait.ge [sflag:s21], $0x4000  }
0x191: {  	[sflag:s21] =	ssyncset.done $0x0  }
0x192: {  	s25 =	rddreg [dreg:$0xd];
	[sflag:s21] =	ssyncadd.s32 $0xFFFFC000  }
0x193: {  	[spmem:s2] =	stream.indirect.scatter.add.f32 [tilespmem:s11], [sflag:$0x3], $0x80, s25, s14, $0xb8;
	[tilespmem:$0x1D000] =	vst v63  }
0x194: {  	_ =	swait.ge [sflag:s12], $0x4000  }
0x195: {  	[sflag:s12] =	ssyncset.done $0x0  }
0x196: {  	s23 =	rddreg [dreg:$0xe];
	[sflag:s12] =	ssyncadd.s32 $0xFFFFC000  }
0x197: {  	[tilespmem:s11], [sflag:$0x1] =	stream.indirect.gather [hbm4b:s1+s14], $0x80, s23, s14, $0xb8;
	[tilespmem:$0x1D000] =	vst v63  }
0x198: {  	_ =	swait.ge [sflag:s26], $0x4000  }
0x199: {  	[sflag:s26] =	ssyncset.done $0x0  }
0x19a: {  	s24 =	rddreg [dreg:$0xf];
	[sflag:s26] =	ssyncadd.s32 $0xFFFFC000  }
0x19b: {  	[spmem:s2] =	stream.indirect.scatter.add.f32 [tilespmem:s15], [sflag:$0x3], $0x80, s24, s14, $0xb8;
	[tilespmem:$0x1D000] =	vst v63  }
0x19c: {  	_ =	swait.ge [sflag:s12], $0x4000  }
0x19d: {  	[sflag:s12] =	ssyncset.done $0x0  }
0x19e: {  	s25 =	rddreg [dreg:$0x10];
	[sflag:s12] =	ssyncadd.s32 $0xFFFFC000  }
0x19f: {  	[tilespmem:s15], [sflag:$0x2] =	stream.indirect.gather [hbm4b:s1+s14], $0x80, s25, s14, $0xb8;
	[tilespmem:$0x1D000] =	vst v63  }
0x1a0: {  	_ =	swait.ge [sflag:s21], $0x4000  }
0x1a1: {  	[sflag:s21] =	ssyncset.done $0x0  }
0x1a2: {  	s23 =	rddreg [dreg:$0x11];
	[sflag:s21] =	ssyncadd.s32 $0xFFFFC000  }
0x1a3: {  	[spmem:s2] =	stream.indirect.scatter.add.f32 [tilespmem:s11], [sflag:$0x3], $0x80, s23, s14, $0xb8;
	[tilespmem:$0x1D000] =	vst v63  }
0x1a4: {  	_ =	swait.ge [sflag:s12], $0x4000  }
0x1a5: {  	[sflag:s12] =	ssyncset.done $0x0  }
0x1a6: {  	[sflag:s12] =	ssyncadd.s32 $0xFFFFC000  }
0x1a7: {  	[tilespmem:s11], [sflag:$0x1] =	stream.indirect.gather [hbm4b:s1+s14], $0x80, s28, s14, $0xb8;
	[tilespmem:$0x1D000] =	vst v63  }
0x1a8: {  	_ =	swait.ge [sflag:s26], $0x4000  }
0x1a9: {  	[sflag:s26] =	ssyncset.done $0x0  }
0x1aa: {  	[sflag:s26] =	ssyncadd.s32 $0xFFFFC000  }
0x1ab: {  	[spmem:s2] =	stream.indirect.scatter.add.f32 [tilespmem:s15], [sflag:$0x3], $0x80, s29, s14, $0xb8;
	[tilespmem:$0x1D000] =	vst v63  }
0x1ac: {  	_ =	swait.ge [sflag:s12], $0x4000  }
0x1ad: {  	[sflag:s12] =	ssyncset.done $0x0  }
0x1ae: {  	[sflag:s12] =	ssyncadd.s32 $0xFFFFC000  }
0x1af: {  	[tilespmem:s15], [sflag:$0x2] =	stream.indirect.gather [hbm4b:s1+s14], $0x80, s30, s14, $0xb8;
	[tilespmem:$0x1D000] =	vst v63  }
0x1b0: {  	_ =	swait.ge [sflag:s21], $0x4000  }
0x1b1: {  	[sflag:s21] =	ssyncset.done $0x0  }
0x1b2: {  	[sflag:s21] =	ssyncadd.s32 $0xFFFFC000  }
0x1b3: {  	[spmem:s2] =	stream.indirect.scatter.add.f32 [tilespmem:s11], [sflag:$0x3], $0x80, s31, s14, $0xb8;
	[tilespmem:$0x1D000] =	vst v63  }
0x1b4: {  	_ =	swait.ge [sflag:s12], $0x4000  }
0x1b5: {  	[sflag:s12] =	ssyncset.done $0x0  }
0x1b6: {  	[sflag:s12] =	ssyncadd.s32 $0xFFFFC000  }
0x1b7: {  	[tilespmem:s11], [sflag:$0x1] =	stream.indirect.gather [hbm4b:s1+s14], $0x80, s0, s14, $0xb8;
	[tilespmem:$0x1D000] =	vst v63  }
0x1b8: {  	_ =	swait.ge [sflag:s26], $0x4000  }
0x1b9: {  	[sflag:s26] =	ssyncset.done $0x0  }
0x1ba: {  	[sflag:s26] =	ssyncadd.s32 $0xFFFFC000  }
0x1bb: {  	[spmem:s2] =	stream.indirect.scatter.add.f32 [tilespmem:s15], [sflag:$0x3], $0x80, s3, s14, $0xb8;
	[tilespmem:$0x1D000] =	vst v63  }
0x1bc: {  	_ =	swait.ge [sflag:s12], $0x4000  }
0x1bd: {  	[sflag:s12] =	ssyncset.done $0x0  }
0x1be: {  	[sflag:s12] =	ssyncadd.s32 $0xFFFFC000  }
0x1bf: {  	[tilespmem:s15], [sflag:$0x2] =	stream.indirect.gather [hbm4b:s1+s14], $0x80, s6, s14, $0xb8;
	[tilespmem:$0x1D000] =	vst v63  }
0x1c0: {  	_ =	swait.ge [sflag:s21], $0x4000  }
0x1c1: {  	[sflag:s21] =	ssyncset.done $0x0  }
0x1c2: {  	[sflag:s21] =	ssyncadd.s32 $0xFFFFC000  }
0x1c3: {  	[spmem:s2] =	stream.indirect.scatter.add.f32 [tilespmem:s11], [sflag:$0x3], $0x80, s7, s14, $0xb8;
	[tilespmem:$0x1D000] =	vst v63  }
0x1c4: {  	_ =	swait.ge [sflag:s12], $0x4000  }
0x1c5: {  	[sflag:s12] =	ssyncset.done $0x0  }
0x1c6: {  	[sflag:s12] =	ssyncadd.s32 $0xFFFFC000  }
0x1c7: {  	[tilespmem:s11], [sflag:$0x1] =	stream.indirect.gather [hbm4b:s1+s14], $0x80, s8, s14, $0xb8;
	[tilespmem:$0x1D000] =	vst v63  }
0x1c8: {  	_ =	swait.ge [sflag:s26], $0x4000  }
0x1c9: {  	[sflag:s26] =	ssyncset.done $0x0  }
0x1ca: {  	[sflag:s26] =	ssyncadd.s32 $0xFFFFC000  }
0x1cb: {  	[spmem:s2] =	stream.indirect.scatter.add.f32 [tilespmem:s15], [sflag:$0x3], $0x80, s9, s14, $0xb8;
	[tilespmem:$0x1D000] =	vst v63  }
0x1cc: {  	_ =	swait.ge [sflag:s12], $0x4000  }
0x1cd: {  	[sflag:s12] =	ssyncset.done $0x0  }
0x1ce: {  	[sflag:s12] =	ssyncadd.s32 $0xFFFFC000  }
0x1cf: {  	[tilespmem:s15], [sflag:$0x2] =	stream.indirect.gather [hbm4b:s1+s14], $0x80, s10, s14, $0xb8;
	[tilespmem:$0x1D000] =	vst v63  }
0x1d0: {  	_ =	swait.ge [sflag:s21], $0x4000  }
0x1d1: {  	[sflag:s21] =	ssyncset.done $0x0  }
0x1d2: {  	[sflag:s21] =	ssyncadd.s32 $0xFFFFC000  }
0x1d3: {  	[spmem:s2] =	stream.indirect.scatter.add.f32 [tilespmem:s11], [sflag:$0x3], $0x80, s16, s14, $0xb8;
	[tilespmem:$0x1D000] =	vst v63  }
0x1d4: {  	_ =	swait.ge [sflag:s12], $0x4000  }
0x1d5: {  	[sflag:s12] =	ssyncset.done $0x0  }
0x1d6: {  	[sflag:s12] =	ssyncadd.s32 $0xFFFFC000  }
0x1d7: {  	[tilespmem:s11], [sflag:$0x1] =	stream.indirect.gather [hbm4b:s1+s14], $0x80, s17, s14, $0xb8;
	[tilespmem:$0x1D000] =	vst v63  }
0x1d8: {  	_ =	swait.ge [sflag:s26], $0x4000  }
0x1d9: {  	[sflag:s26] =	ssyncset.done $0x0  }
0x1da: {  	[sflag:s26] =	ssyncadd.s32 $0xFFFFC000  }
0x1db: {  	[spmem:s2] =	stream.indirect.scatter.add.f32 [tilespmem:s15], [sflag:$0x3], $0x80, s18, s14, $0xb8;
	[tilespmem:$0x1D000] =	vst v63  }
0x1dc: {  	_ =	swait.ge [sflag:s12], $0x4000  }
0x1dd: {  	[sflag:s12] =	ssyncset.done $0x0  }
0x1de: {  	[sflag:s12] =	ssyncadd.s32 $0xFFFFC000  }
0x1df: {  	[tilespmem:s15], [sflag:$0x2] =	stream.indirect.gather [hbm4b:s1+s14], $0x80, s19, s14, $0xb8;
	[tilespmem:$0x1D000] =	vst v63  }
0x1e0: {  	_ =	swait.ge [sflag:s21], $0x4000  }
0x1e1: {  	[sflag:s21] =	ssyncset.done $0x0  }
0x1e2: {  	[sflag:s21] =	ssyncadd.s32 $0xFFFFC000  }
0x1e3: {  	[spmem:s2] =	stream.indirect.scatter.add.f32 [tilespmem:s11], [sflag:$0x3], $0x80, s20, s14, $0xb8;
	[tilespmem:$0x1D000] =	vst v63  }
0x1e4: {  	_ =	swait.ge [sflag:s12], $0x4000  }
0x1e5: {  	[sflag:s12] =	ssyncset.done $0x0  }
0x1e6: {  	[sflag:s12] =	ssyncadd.s32 $0xFFFFC000  }
0x1e7: {  	_ =	swait.ge [sflag:s26], $0x4000  }
0x1e8: {  	[sflag:s26] =	ssyncset.done $0x0  }
0x1e9: {  	[sflag:s26] =	ssyncadd.s32 $0xFFFFC000  }
0x1ea: {  	[spmem:s2] =	stream.indirect.scatter.add.f32 [tilespmem:s15], [sflag:$0x3], $0x80, s22, s14, $0xb8;
	[tilespmem:$0x1D000] =	vst v63  }
0x1eb: {  	_ =	swait.ge [sflag:s12], $0x4000  }
0x1ec: {  	[sflag:s12] =	ssyncset.done $0x0  }
0x1ed: {  	[sflag:s12] =	ssyncadd.s32 $0xFFFFC000  }
0x1ee: {  	s24 =	stileid.u32;
	[bflag:$0x0] =	sbarrier.arrive $0xFFFF  }
0x1ef: {  	s5 =	sshll.u32 s24, $0x6;
	s23 =	rddreg [dreg:$0x12]  }
0x1f0: {  	s5 =	sor.u32 $0x1C03, s5;
	s25 =	rddreg [dreg:$0x18];
	s23 =	sshrl.u32 s23, $0x3  }
0x1f1: {  	[hbm:s25], [sflag:s5] =	dma.local [spmem:s23], $0x800  }
0x1f2: {  	_ =	swait.ge [sflag:s12], $0x800  }
0x1f3: {  	[sflag:s12] =	ssyncset.done $0x0;
	s24 =	rddreg [dreg:$0x19]  }
0x1f4: {  	s25 =	rddreg [dreg:$0x1d];
	[sflag:s12] =	ssyncadd.s32 $0xFFFFF800  }
0x1f5: {  	[hbm:s24], [sflag:s5] =	dma.local [spmem:s25], $0x800  }
0x1f6: {  	_ =	swait.ge [sflag:s12], $0x800  }
0x1f7: {  	[sflag:s12] =	ssyncset.done $0x0;
	s24 =	rddreg [dreg:$0x1a]  }
0x1f8: {  	s25 =	rddreg [dreg:$0x1e];
	[sflag:s12] =	ssyncadd.s32 $0xFFFFF800  }
0x1f9: {  	[hbm:s24], [sflag:s5] =	dma.local [spmem:s25], $0x800  }
0x1fa: {  	_ =	swait.ge [sflag:s12], $0x800  }
0x1fb: {  	[sflag:s12] =	ssyncset.done $0x0;
	s24 =	rddreg [dreg:$0x1b]  }
0x1fc: {  	s25 =	rddreg [dreg:$0x1f];
	[sflag:s12] =	ssyncadd.s32 $0xFFFFF800  }
0x1fd: {  	[hbm:s24], [sflag:s5] =	dma.local [spmem:s25], $0x800  }
0x1fe: {  	_ =	swait.ge [sflag:s12], $0x800  }
0x1ff: {  	s25 =	sld [smem:$0x7FD]  }
0x200: {  	[sflag:s12] =	ssyncset.done $0x0  }
0x201: {  	s24 =	rddreg [dreg:$0x1c];
	[sflag:s12] =	ssyncadd.s32 $0xFFFFF800  }
0x202: {  	[hbm:s24], [sflag:s5] =	dma.local [spmem:s25], $0x800  }
0x203: {  	_ =	swait.ge [sflag:s12], $0x800  }
0x204: {  	s24 =	sld [smem:$0x7FC];
	_ =	sdelay $0x2  }
0x205: {  	s25 =	rddreg [dreg:$0x13];
	s23 =	sadd.s32 $0x1, s24  }
0x206: {  	p0 =	sne.s32 s23, s25  }
.Ltmp2:
0x207: {  	_ = 	snop;
	(pc) =	sbr.rel @p0 .LBB2_1-.Ltmp2, $3  }
0x208: {  	_ =	sdelay $0x1  }
0x209: {  	[sflag:s12] =	ssyncset.done $0x0  }
0x20a: {  	[sflag:s12] =	ssyncadd.s32 $0xFFFFF800  }
0x20b: {  	_ =	sfence.sel $0x180000  }
0x20c: {  	[bflag:$0x0] =	sbarrier.arrive $0xFFFF  }
0x20d: {  	_ =	strace $0x9000004D  }
0x20e: {  	s0 =	stileid.u32;
	[bflag:$0x2] =	sbarrier.arrive $0xFFFF  }
0x20f: {  	p0 =	sne.s32 s0, $0x0;
	s0 =	rddreg [dreg:$0x3]  }
0x210: {  	s0 =	sadd.s32 @!p0 $0x100000, s0  }
0x211: {  	[sflag:s0] =	ssyncadd.tile.s32 @!p0 $0x1;
	_ =	shalt  }
.Lfunc_end2:
_tile_overlayer_lowered:
.L_overlay_start_2:
0x212: {  	(tag) =	ssettag $0x2  }
0x213: {  	s0 =	rddreg [dreg:$0x0];
	s2 =	stileid.u32  }
0x214: {  	s1 =	rddreg [dreg:$0x1];
	p0 =	sne.s32 s2, $0x0  }
0x215: {  	s3 =	rddreg [dreg:$0x2];
	[bflag:$0x3] =	sbarrier.arrive $0xFFFF;
	s2 =	simm.s32 @!p0 $0x1C03  }
0x216: {  	[timem:s3], [sflag:s2] =	dma.local @!p0 [hbm:s0], s1  }
0x217: {  	s0 =	simm.s32 @!p0 $0x3  }
0x218: {  	_ =	swait.ge @!p0 [sflag:s0], s1  }
0x219: {  	s1 =	ssub.s32 @!p0 $0x0, s1;
	[sflag:s0] =	ssyncset.done @!p0 $0x0  }
0x21a: {  	[sflag:s0] =	ssyncadd.s32 @!p0 s1  }
0x21b: {  	[bflag:$0x3] =	sbarrier.arrive $0xFFFF  }
0x21c: {  	_ =	shalt  }

</sc_bundles>
